<compile_context>
chip_gen: v7x
topology: tpu7x:2x2x1
jax: 0.10.2.dev20260603
libtpu: 0.0.44.dev20260713+nightly
codegen_flags: <defaults>
</compile_context>

<pallas_src>
import math
import numpy as np
import jax
import jax.numpy as jnp
from jax import lax
from jax.experimental import pallas as pl
from jax.experimental.pallas import tpu as pltpu
from jax.experimental.pallas import tpu_sc as plsc

H = 128
W = 128
THETA_RES = 2.0
RHO_RES = 2.0
NUMANGLE = int(math.ceil(180.0 / THETA_RES))
_D = math.sqrt((H - 1) ** 2 + (W - 1) ** 2)
NUMRHO = int(math.ceil(2.0 * _D / RHO_RES) + 1)
NRPAD = 184

HW = H * W
NC = 256

SC_A = 16
TC_A = NUMANGLE - SC_A

NLANE = 16
NGRP = SC_A // NLANE
NTILE = 32
CPT = NC // NTILE
P = 512
NCHUNK = HW // P
ACOL = SC_A * NRPAD
ACC_WORDS = CPT * ACOL

KC = 2048
NKC = HW // KC
NRW = 128


def _rho_index_table() -> np.ndarray:
    thetas = np.arange(NUMANGLE, dtype=np.float64) * (np.pi / NUMANGLE)
    cos_t = np.cos(thetas)
    sin_t = np.sin(thetas)
    ys, xs = np.meshgrid(np.arange(H), np.arange(W), indexing="ij")
    xc = (xs - W // 2).reshape(-1).astype(np.float64)
    yc = (ys - H // 2).reshape(-1).astype(np.float64)
    rho = cos_t[:, None] * xc[None, :] + sin_t[:, None] * yc[None, :]
    ridx = np.round(rho / RHO_RES).astype(np.int32) + NUMRHO // 2
    return np.clip(ridx, 0, NUMRHO - 1)


_RIDX = _rho_index_table()
_RIDXT_SC = np.ascontiguousarray(_RIDX[TC_A:, :].T).reshape(-1)
_C_A = np.clip(_RIDX[:TC_A].min(axis=1), 0, NUMRHO - NRW)
_RIDX_TC = np.ascontiguousarray(
    (_RIDX[:TC_A] - _C_A[:, None])).reshape(TC_A, NKC, 1, KC)
_EXPAND = np.zeros((TC_A, NRPAD, NRW), np.float32)
for _a in range(TC_A):
    _EXPAND[_a, _C_A[_a]:_C_A[_a] + NRW, :] = np.eye(NRW, dtype=np.float32)


def _dht_sc_body(data_hbm, ridxt_hbm, out_hbm,
                 idx_v0, idx_v1, dat_v0, dat_v1, acc_v, sem0, sem1):
    cid = lax.axis_index("c")
    sid = lax.axis_index("s")
    wid = sid * 2 + cid
    c0 = wid * CPT
    lane = lax.broadcasted_iota(jnp.int32, (NLANE,), 0)
    base_g = [(g * NLANE + lane) * NRPAD for g in range(NGRP)]
    coff = [jnp.full((NLANE,), c * ACOL, jnp.int32) for c in range(CPT)]
    idx_b = (idx_v0, idx_v1)
    dat_b = (dat_v0, dat_v1)
    sem_b = (sem0, sem1)

    def start_chunk(t, b):
        k = lax.rem(wid + t, NCHUNK)
        pix0 = k * P
        pltpu.async_copy(ridxt_hbm.at[pl.ds(pix0 * SC_A, P * SC_A)],
                         idx_b[b], sem_b[b])
        for c in range(CPT):
            pltpu.async_copy(data_hbm.at[pl.ds((c0 + c) * HW + pix0, P)],
                             dat_b[b].at[pl.ds(c * P, P)], sem_b[b])

    def wait_chunk(b):
        pltpu.make_async_copy(ridxt_hbm.at[pl.ds(0, P * SC_A)],
                              idx_b[b], sem_b[b]).wait()
        for c in range(CPT):
            pltpu.make_async_copy(data_hbm.at[pl.ds(0, P)],
                                  dat_b[b].at[pl.ds(c * P, P)],
                                  sem_b[b]).wait()

    def compute_chunk(b):
        idx_v = idx_b[b]
        dat_v = dat_b[b]

        def pix_body(ib, c2):
            i0 = ib * NLANE
            dvs = [dat_v[pl.ds(c * P + i0, NLANE)] for c in range(CPT)]
            rs = [idx_v[pl.ds(i0 * SC_A + g * NLANE, NLANE)]
                  for g in range(NGRP)]
            for l in range(NLANE):
                rs_cur = rs
                if l + 1 < NLANE:
                    rs = [idx_v[pl.ds((i0 + l + 1) * SC_A + g * NLANE,
                                      NLANE)] for g in range(NGRP)]
                xs = [jnp.full((NLANE,), dvs[c][l], jnp.float32)
                      for c in range(CPT)]
                for g in range(NGRP):
                    addr = base_g[g] + rs_cur[g]
                    for c in range(CPT):
                        plsc.addupdate_scatter(acc_v, [addr + coff[c]], xs[c])
            return c2
        lax.fori_loop(0, P // NLANE, pix_body, 0)

    def zero_body(j, carry):
        acc_v[pl.ds(j * NLANE, NLANE)] = jnp.zeros((NLANE,), jnp.float32)
        return carry
    lax.fori_loop(0, ACC_WORDS // NLANE, zero_body, 0)

    start_chunk(0, 0)
    start_chunk(1, 1)

    def chunk_body(tt, carry):
        for b in range(2):
            wait_chunk(b)
            compute_chunk(b)
            start_chunk(tt * 2 + b + 2, b)
        return carry
    lax.fori_loop(0, NCHUNK // 2, chunk_body, 0)
    wait_chunk(0)
    wait_chunk(1)

    for c in range(CPT):
        pltpu.sync_copy(acc_v.at[pl.ds(c * ACOL, ACOL)],
                        out_hbm.at[pl.ds((c0 + c) * ACOL, ACOL)])


def _dht_sc(data, ridxt):
    mesh = plsc.VectorSubcoreMesh(core_axis_name="c", subcore_axis_name="s")
    return pl.kernel(
        _dht_sc_body,
        mesh=mesh,
        out_type=jax.ShapeDtypeStruct((NC * ACOL,), jnp.float32),
        compiler_params=pltpu.CompilerParams(needs_layout_passes=False),
        cost_estimate=pl.CostEstimate(
            flops=400_000_000, transcendentals=0, bytes_accessed=50_000_000),
        scratch_types=[
            pltpu.VMEM((P * SC_A,), jnp.int32),
            pltpu.VMEM((P * SC_A,), jnp.int32),
            pltpu.VMEM((CPT * P,), jnp.float32),
            pltpu.VMEM((CPT * P,), jnp.float32),
            pltpu.VMEM((ACC_WORDS,), jnp.float32),
            pltpu.SemaphoreType.DMA,
            pltpu.SemaphoreType.DMA,
        ],
    )(data, ridxt)


def _dht_tc_body(ridx_ref, exp_ref, data_ref, out_ref):
    rho_iota = lax.broadcasted_iota(jnp.int32, (NRW, KC), 0)
    acc = jnp.zeros((NRW, NC), jnp.float32)
    for k in range(NKC):
        r = ridx_ref[0, k, 0, :]
        onehot = (r[None, :] == rho_iota).astype(jnp.bfloat16)
        acc += jnp.dot(onehot, data_ref[pl.ds(k * KC, KC), :],
                       preferred_element_type=jnp.float32)
    out_ref[0, :, :] = jnp.dot(exp_ref[0], acc,
                               preferred_element_type=jnp.float32)


def _dht_tc(data16, ridx_tc):
    return pl.pallas_call(
        _dht_tc_body,
        grid=(TC_A,),
        in_specs=[
            pl.BlockSpec((1, NKC, 1, KC), lambda a: (a, 0, 0, 0)),
            pl.BlockSpec((1, NRPAD, NRW), lambda a: (a, 0, 0)),
            pl.BlockSpec((HW, NC), lambda a: (0, 0)),
        ],
        out_specs=pl.BlockSpec((1, NRPAD, NC), lambda a: (a, 0, 0)),
        out_shape=jax.ShapeDtypeStruct((TC_A, NRPAD, NC), jnp.float32),
        compiler_params=pltpu.CompilerParams(
            dimension_semantics=("arbitrary",)),
    )(ridx_tc, jnp.asarray(_EXPAND), data16)


def kernel(feat):
    N, C, Hh, Ww = feat.shape
    data = feat.reshape(NC, HW)
    out_sc = _dht_sc(data.reshape(-1), jnp.asarray(_RIDXT_SC))
    out_tc = _dht_tc(data.T.astype(jnp.bfloat16), jnp.asarray(_RIDX_TC))
    sc = out_sc.reshape(NC, SC_A, NRPAD)[:, :, :NUMRHO]
    tc = jnp.transpose(out_tc[:, :NUMRHO, :], (2, 0, 1))
    out = jnp.concatenate([tc, sc], axis=1)
    return out.reshape(N, C, NUMANGLE, NUMRHO)

# --- scband reference (transcript-rebuilt; emitter-appended) ---
"""Pipeline reference for scband-dht-45002667327997 (READ-ONLY COPY).

The authoritative reference and input builder live on the scoring server;
editing this copy changes nothing except your own understanding.
"""

import jax, jax.numpy as jnp
import numpy as np
import math

H = 128
W = 128
THETA_RES = 2.0
RHO_RES = 2.0
NUMANGLE = int(math.ceil(180.0 / THETA_RES))
_D = math.sqrt((H - 1) ** 2 + (W - 1) ** 2)
NUMRHO = int(math.ceil(2.0 * _D / RHO_RES) + 1)


def _rho_indices():
    # Faithful to the C_dht CUDA kernel: image-centered coords, theta_k = k*pi/numangle,
    # rho = x*cos(theta) + y*sin(theta), quantized by rho_res and offset to center of rho axis.
    thetas = np.arange(NUMANGLE, dtype=np.float64) * (np.pi / NUMANGLE)
    cos_t = np.cos(thetas)
    sin_t = np.sin(thetas)
    ys, xs = np.meshgrid(np.arange(H), np.arange(W), indexing='ij')
    xc = (xs - W // 2).reshape(-1).astype(np.float64)
    yc = (ys - H // 2).reshape(-1).astype(np.float64)
    rho = cos_t[:, None] * xc[None, :] + sin_t[:, None] * yc[None, :]  # [A, HW]
    ridx = np.round(rho / RHO_RES).astype(np.int32) + NUMRHO // 2
    ridx = np.clip(ridx, 0, NUMRHO - 1)
    return jnp.asarray(ridx)


def setup_inputs(seed: int = 0) -> dict:
    key = jax.random.key(seed)
    feat = jax.random.normal(key, (2, 128, H, W), dtype=jnp.float32)
    return {"feat": feat}


def reference(feat):
    # feat: [N, C, H, W] -> hough accumulator [N, C, numangle, numrho]
    N, C, Hh, Ww = feat.shape
    ridx = _rho_indices()  # int32 [numangle, H*W]
    data = feat.reshape(N * C, Hh * Ww).T  # [HW, N*C]

    def per_angle(idx):
        # scatter-add all pixel features into their rho bin for this angle
        return jax.ops.segment_sum(data, idx, num_segments=NUMRHO)  # [numrho, N*C]

    acc = jax.vmap(per_angle)(ridx)  # [numangle, numrho, N*C]
    out = jnp.transpose(acc, (2, 0, 1)).reshape(N, C, NUMANGLE, NUMRHO)
    return out

if __name__ == "__main__":
    import jax
    _d = setup_inputs()
    print(jax.jit(kernel)(*tuple(_d.values())))

</pallas_src>

<mosaic_0001>
#map = affine_map<(d0, d1) -> (0)>
module attributes {stable_mosaic.version = 14 : i64} {
  func.func @_dht_sc_body(%arg0: i32, %arg1: i32, %arg2: memref<4194304xf32, #tpu.memory_space<hbm>>, %arg3: memref<262144xi32, #tpu.memory_space<hbm>>, %arg4: memref<753664xf32, #tpu.memory_space<hbm>>, %arg5: memref<8192xi32, #tpu.memory_space<vmem>>, %arg6: memref<8192xi32, #tpu.memory_space<vmem>>, %arg7: memref<4096xf32, #tpu.memory_space<vmem>>, %arg8: memref<4096xf32, #tpu.memory_space<vmem>>, %arg9: memref<23552xf32, #tpu.memory_space<vmem>>, %arg10: memref<!tpu.dma_semaphore, #tpu.memory_space<semaphore_mem>>, %arg11: memref<!tpu.dma_semaphore, #tpu.memory_space<semaphore_mem>>) attributes {dimension_semantics = [#tpu.dimension_semantics<core_parallel>, #tpu.dimension_semantics<subcore_parallel>], iteration_bounds = array<i64: 2, 16>, scalar_prefetch = 0 : i64, scratch_operands = 7 : i64, tpu.core_type = #tpu.core_type<sc_vector_subcore>, window_params = [{transform_indices = #map}, {transform_indices = #map}, {transform_indices = #map}]} {
    %mul3A = arith.constant 2 : i32
    %mul3A_0 = arith.muli %arg1, %mul3A : i32
    %add3A = arith.addi %mul3A_0, %arg0 : i32
    %mul3A_1 = arith.constant 8 : i32
    %mul3A_2 = arith.muli %add3A, %mul3A_1 : i32
    %iota3A = tpu.iota {dimensions = array<i32: 0>} : vector<16xi32>
    %add3A_3 = arith.constant 0 : i32
    %add3A_4 = vector.broadcast %add3A_3 : i32 to vector<16xi32>
    %add3A_5 = arith.addi %add3A_4, %iota3A : vector<16xi32>
    %mul3A_6 = arith.constant 184 : i32
    %mul3A_7 = vector.broadcast %mul3A_6 : i32 to vector<16xi32>
    %mul3A_8 = arith.muli %add3A_5, %mul3A_7 : vector<16xi32>
    %broadcast_in_dim3A = arith.constant 0 : i32
    %broadcast_in_dim3A_9 = vector.broadcast %broadcast_in_dim3A : i32 to vector<16xi32>
    %broadcast_in_dim3A_10 = arith.constant 2944 : i32
    %broadcast_in_dim3A_11 = vector.broadcast %broadcast_in_dim3A_10 : i32 to vector<16xi32>
    %broadcast_in_dim3A_12 = arith.constant 5888 : i32
    %broadcast_in_dim3A_13 = vector.broadcast %broadcast_in_dim3A_12 : i32 to vector<16xi32>
    %broadcast_in_dim3A_14 = arith.constant 8832 : i32
    %broadcast_in_dim3A_15 = vector.broadcast %broadcast_in_dim3A_14 : i32 to vector<16xi32>
    %broadcast_in_dim3A_16 = arith.constant 11776 : i32
    %broadcast_in_dim3A_17 = vector.broadcast %broadcast_in_dim3A_16 : i32 to vector<16xi32>
    %broadcast_in_dim3A_18 = arith.constant 14720 : i32
    %broadcast_in_dim3A_19 = vector.broadcast %broadcast_in_dim3A_18 : i32 to vector<16xi32>
    %broadcast_in_dim3A_20 = arith.constant 17664 : i32
    %broadcast_in_dim3A_21 = vector.broadcast %broadcast_in_dim3A_20 : i32 to vector<16xi32>
    %broadcast_in_dim3A_22 = arith.constant 20608 : i32
    %broadcast_in_dim3A_23 = vector.broadcast %broadcast_in_dim3A_22 : i32 to vector<16xi32>
    %scan3A = arith.constant 0 : i32
    %scan3A_24 = arith.constant 0 : i32
    %scan3A_25 = arith.constant 1472 : i32
    %scan3A_26 = arith.addi %scan3A_24, %scan3A_25 : i32
    %scan3A_27 = arith.constant 1 : i32
    scf.for %scan3A_396 = %scan3A_24 to %scan3A_26 step %scan3A_27  : i32 {
      %broadcast_in_dim3A_397 = arith.constant 0.000000e+00 : f32
      %broadcast_in_dim3A_398 = vector.broadcast %broadcast_in_dim3A_397 : f32 to vector<16xf32>
      %mul3A_399 = arith.constant 16 : i32
      %mul3A_400 = arith.muli %scan3A_396, %mul3A_399 : i32
      %swap3A = arith.index_cast %mul3A_400 : i32 to index
      %swap3A_401 = tpu.vector_load %arg9[%swap3A] {strides = array<i32>} : memref<23552xf32, #tpu.memory_space<vmem>>, vector<16xf32>,
      tpu.vector_store %arg9[%swap3A], %broadcast_in_dim3A_398 {strides = array<i32>} : memref<23552xf32, #tpu.memory_space<vmem>>, vector<16xf32>,
    }
    %scan3A_28 = arith.constant 1472 : i32
    %add3A_29 = arith.constant 0 : i32
    %add3A_30 = arith.addi %add3A, %add3A_29 : i32
    %rem3A = arith.constant 32 : i32
    %rem3A_31 = arith.remsi %add3A_30, %rem3A : i32
    %mul3A_32 = arith.constant 512 : i32
    %mul3A_33 = arith.muli %rem3A_31, %mul3A_32 : i32
    %mul3A_34 = arith.constant 16 : i32
    %mul3A_35 = arith.muli %mul3A_33, %mul3A_34 : i32
    %dma_start3A = tpu.memref_slice %arg3[%mul3A_35] : memref<262144xi32, #tpu.memory_space<hbm>> -> memref<8192xi32, #tpu.memory_space<hbm>>
    %dma_start3A_36 = tpu.memref_slice %arg3[%mul3A_35] : memref<262144xi32, #tpu.memory_space<hbm>> -> memref<8192xi32, #tpu.memory_space<hbm>>
    tpu.enqueue_dma source(%dma_start3A_36 : memref<8192xi32, #tpu.memory_space<hbm>>) target(%arg5 : memref<8192xi32, #tpu.memory_space<vmem>>) target_semaphore(%arg10 : memref<!tpu.dma_semaphore, #tpu.memory_space<semaphore_mem>>)
    %add3A_37 = arith.constant 0 : i32
    %add3A_38 = arith.addi %mul3A_2, %add3A_37 : i32
    %mul3A_39 = arith.constant 16384 : i32
    %mul3A_40 = arith.muli %add3A_38, %mul3A_39 : i32
    %add3A_41 = arith.addi %mul3A_40, %mul3A_33 : i32
    %dma_start3A_42 = arith.constant 0 : i32
    %dma_start3A_43 = tpu.memref_slice %arg7[%dma_start3A_42] : memref<4096xf32, #tpu.memory_space<vmem>> -> memref<512xf32, #tpu.memory_space<vmem>>
    %dma_start3A_44 = tpu.memref_slice %arg2[%add3A_41] : memref<4194304xf32, #tpu.memory_space<hbm>> -> memref<512xf32, #tpu.memory_space<hbm>>
    %dma_start3A_45 = arith.constant 0 : i32
    %dma_start3A_46 = tpu.memref_slice %arg7[%dma_start3A_45] : memref<4096xf32, #tpu.memory_space<vmem>> -> memref<512xf32, #tpu.memory_space<vmem>>
    %dma_start3A_47 = tpu.memref_slice %arg2[%add3A_41] : memref<4194304xf32, #tpu.memory_space<hbm>> -> memref<512xf32, #tpu.memory_space<hbm>>
    tpu.enqueue_dma source(%dma_start3A_47 : memref<512xf32, #tpu.memory_space<hbm>>) target(%dma_start3A_46 : memref<512xf32, #tpu.memory_space<vmem>>) target_semaphore(%arg10 : memref<!tpu.dma_semaphore, #tpu.memory_space<semaphore_mem>>)
    %add3A_48 = arith.constant 1 : i32
    %add3A_49 = arith.addi %mul3A_2, %add3A_48 : i32
    %mul3A_50 = arith.constant 16384 : i32
    %mul3A_51 = arith.muli %add3A_49, %mul3A_50 : i32
    %add3A_52 = arith.addi %mul3A_51, %mul3A_33 : i32
    %dma_start3A_53 = arith.constant 512 : i32
    %dma_start3A_54 = tpu.memref_slice %arg7[%dma_start3A_53] : memref<4096xf32, #tpu.memory_space<vmem>> -> memref<512xf32, #tpu.memory_space<vmem>>
    %dma_start3A_55 = tpu.memref_slice %arg2[%add3A_52] : memref<4194304xf32, #tpu.memory_space<hbm>> -> memref<512xf32, #tpu.memory_space<hbm>>
    %dma_start3A_56 = arith.constant 512 : i32
    %dma_start3A_57 = tpu.memref_slice %arg7[%dma_start3A_56] : memref<4096xf32, #tpu.memory_space<vmem>> -> memref<512xf32, #tpu.memory_space<vmem>>
    %dma_start3A_58 = tpu.memref_slice %arg2[%add3A_52] : memref<4194304xf32, #tpu.memory_space<hbm>> -> memref<512xf32, #tpu.memory_space<hbm>>
    tpu.enqueue_dma source(%dma_start3A_58 : memref<512xf32, #tpu.memory_space<hbm>>) target(%dma_start3A_57 : memref<512xf32, #tpu.memory_space<vmem>>) target_semaphore(%arg10 : memref<!tpu.dma_semaphore, #tpu.memory_space<semaphore_mem>>)
    %add3A_59 = arith.constant 2 : i32
    %add3A_60 = arith.addi %mul3A_2, %add3A_59 : i32
    %mul3A_61 = arith.constant 16384 : i32
    %mul3A_62 = arith.muli %add3A_60, %mul3A_61 : i32
    %add3A_63 = arith.addi %mul3A_62, %mul3A_33 : i32
    %dma_start3A_64 = arith.constant 1024 : i32
    %dma_start3A_65 = tpu.memref_slice %arg7[%dma_start3A_64] : memref<4096xf32, #tpu.memory_space<vmem>> -> memref<512xf32, #tpu.memory_space<vmem>>
    %dma_start3A_66 = tpu.memref_slice %arg2[%add3A_63] : memref<4194304xf32, #tpu.memory_space<hbm>> -> memref<512xf32, #tpu.memory_space<hbm>>
    %dma_start3A_67 = arith.constant 1024 : i32
    %dma_start3A_68 = tpu.memref_slice %arg7[%dma_start3A_67] : memref<4096xf32, #tpu.memory_space<vmem>> -> memref<512xf32, #tpu.memory_space<vmem>>
    %dma_start3A_69 = tpu.memref_slice %arg2[%add3A_63] : memref<4194304xf32, #tpu.memory_space<hbm>> -> memref<512xf32, #tpu.memory_space<hbm>>
    tpu.enqueue_dma source(%dma_start3A_69 : memref<512xf32, #tpu.memory_space<hbm>>) target(%dma_start3A_68 : memref<512xf32, #tpu.memory_space<vmem>>) target_semaphore(%arg10 : memref<!tpu.dma_semaphore, #tpu.memory_space<semaphore_mem>>)
    %add3A_70 = arith.constant 3 : i32
    %add3A_71 = arith.addi %mul3A_2, %add3A_70 : i32
    %mul3A_72 = arith.constant 16384 : i32
    %mul3A_73 = arith.muli %add3A_71, %mul3A_72 : i32
    %add3A_74 = arith.addi %mul3A_73, %mul3A_33 : i32
    %dma_start3A_75 = arith.constant 1536 : i32
    %dma_start3A_76 = tpu.memref_slice %arg7[%dma_start3A_75] : memref<4096xf32, #tpu.memory_space<vmem>> -> memref<512xf32, #tpu.memory_space<vmem>>
    %dma_start3A_77 = tpu.memref_slice %arg2[%add3A_74] : memref<4194304xf32, #tpu.memory_space<hbm>> -> memref<512xf32, #tpu.memory_space<hbm>>
    %dma_start3A_78 = arith.constant 1536 : i32
    %dma_start3A_79 = tpu.memref_slice %arg7[%dma_start3A_78] : memref<4096xf32, #tpu.memory_space<vmem>> -> memref<512xf32, #tpu.memory_space<vmem>>
    %dma_start3A_80 = tpu.memref_slice %arg2[%add3A_74] : memref<4194304xf32, #tpu.memory_space<hbm>> -> memref<512xf32, #tpu.memory_space<hbm>>
    tpu.enqueue_dma source(%dma_start3A_80 : memref<512xf32, #tpu.memory_space<hbm>>) target(%dma_start3A_79 : memref<512xf32, #tpu.memory_space<vmem>>) target_semaphore(%arg10 : memref<!tpu.dma_semaphore, #tpu.memory_space<semaphore_mem>>)
    %add3A_81 = arith.constant 4 : i32
    %add3A_82 = arith.addi %mul3A_2, %add3A_81 : i32
    %mul3A_83 = arith.constant 16384 : i32
    %mul3A_84 = arith.muli %add3A_82, %mul3A_83 : i32
    %add3A_85 = arith.addi %mul3A_84, %mul3A_33 : i32
    %dma_start3A_86 = arith.constant 2048 : i32
    %dma_start3A_87 = tpu.memref_slice %arg7[%dma_start3A_86] : memref<4096xf32, #tpu.memory_space<vmem>> -> memref<512xf32, #tpu.memory_space<vmem>>
    %dma_start3A_88 = tpu.memref_slice %arg2[%add3A_85] : memref<4194304xf32, #tpu.memory_space<hbm>> -> memref<512xf32, #tpu.memory_space<hbm>>
    %dma_start3A_89 = arith.constant 2048 : i32
    %dma_start3A_90 = tpu.memref_slice %arg7[%dma_start3A_89] : memref<4096xf32, #tpu.memory_space<vmem>> -> memref<512xf32, #tpu.memory_space<vmem>>
    %dma_start3A_91 = tpu.memref_slice %arg2[%add3A_85] : memref<4194304xf32, #tpu.memory_space<hbm>> -> memref<512xf32, #tpu.memory_space<hbm>>
    tpu.enqueue_dma source(%dma_start3A_91 : memref<512xf32, #tpu.memory_space<hbm>>) target(%dma_start3A_90 : memref<512xf32, #tpu.memory_space<vmem>>) target_semaphore(%arg10 : memref<!tpu.dma_semaphore, #tpu.memory_space<semaphore_mem>>)
    %add3A_92 = arith.constant 5 : i32
    %add3A_93 = arith.addi %mul3A_2, %add3A_92 : i32
    %mul3A_94 = arith.constant 16384 : i32
    %mul3A_95 = arith.muli %add3A_93, %mul3A_94 : i32
    %add3A_96 = arith.addi %mul3A_95, %mul3A_33 : i32
    %dma_start3A_97 = arith.constant 2560 : i32
    %dma_start3A_98 = tpu.memref_slice %arg7[%dma_start3A_97] : memref<4096xf32, #tpu.memory_space<vmem>> -> memref<512xf32, #tpu.memory_space<vmem>>
    %dma_start3A_99 = tpu.memref_slice %arg2[%add3A_96] : memref<4194304xf32, #tpu.memory_space<hbm>> -> memref<512xf32, #tpu.memory_space<hbm>>
    %dma_start3A_100 = arith.constant 2560 : i32
    %dma_start3A_101 = tpu.memref_slice %arg7[%dma_start3A_100] : memref<4096xf32, #tpu.memory_space<vmem>> -> memref<512xf32, #tpu.memory_space<vmem>>
    %dma_start3A_102 = tpu.memref_slice %arg2[%add3A_96] : memref<4194304xf32, #tpu.memory_space<hbm>> -> memref<512xf32, #tpu.memory_space<hbm>>
    tpu.enqueue_dma source(%dma_start3A_102 : memref<512xf32, #tpu.memory_space<hbm>>) target(%dma_start3A_101 : memref<512xf32, #tpu.memory_space<vmem>>) target_semaphore(%arg10 : memref<!tpu.dma_semaphore, #tpu.memory_space<semaphore_mem>>)
    %add3A_103 = arith.constant 6 : i32
    %add3A_104 = arith.addi %mul3A_2, %add3A_103 : i32
    %mul3A_105 = arith.constant 16384 : i32
    %mul3A_106 = arith.muli %add3A_104, %mul3A_105 : i32
    %add3A_107 = arith.addi %mul3A_106, %mul3A_33 : i32
    %dma_start3A_108 = arith.constant 3072 : i32
    %dma_start3A_109 = tpu.memref_slice %arg7[%dma_start3A_108] : memref<4096xf32, #tpu.memory_space<vmem>> -> memref<512xf32, #tpu.memory_space<vmem>>
    %dma_start3A_110 = tpu.memref_slice %arg2[%add3A_107] : memref<4194304xf32, #tpu.memory_space<hbm>> -> memref<512xf32, #tpu.memory_space<hbm>>
    %dma_start3A_111 = arith.constant 3072 : i32
    %dma_start3A_112 = tpu.memref_slice %arg7[%dma_start3A_111] : memref<4096xf32, #tpu.memory_space<vmem>> -> memref<512xf32, #tpu.memory_space<vmem>>
    %dma_start3A_113 = tpu.memref_slice %arg2[%add3A_107] : memref<4194304xf32, #tpu.memory_space<hbm>> -> memref<512xf32, #tpu.memory_space<hbm>>
    tpu.enqueue_dma source(%dma_start3A_113 : memref<512xf32, #tpu.memory_space<hbm>>) target(%dma_start3A_112 : memref<512xf32, #tpu.memory_space<vmem>>) target_semaphore(%arg10 : memref<!tpu.dma_semaphore, #tpu.memory_space<semaphore_mem>>)
    %add3A_114 = arith.constant 7 : i32
    %add3A_115 = arith.addi %mul3A_2, %add3A_114 : i32
    %mul3A_116 = arith.constant 16384 : i32
    %mul3A_117 = arith.muli %add3A_115, %mul3A_116 : i32
    %add3A_118 = arith.addi %mul3A_117, %mul3A_33 : i32
    %dma_start3A_119 = arith.constant 3584 : i32
    %dma_start3A_120 = tpu.memref_slice %arg7[%dma_start3A_119] : memref<4096xf32, #tpu.memory_space<vmem>> -> memref<512xf32, #tpu.memory_space<vmem>>
    %dma_start3A_121 = tpu.memref_slice %arg2[%add3A_118] : memref<4194304xf32, #tpu.memory_space<hbm>> -> memref<512xf32, #tpu.memory_space<hbm>>
    %dma_start3A_122 = arith.constant 3584 : i32
    %dma_start3A_123 = tpu.memref_slice %arg7[%dma_start3A_122] : memref<4096xf32, #tpu.memory_space<vmem>> -> memref<512xf32, #tpu.memory_space<vmem>>
    %dma_start3A_124 = tpu.memref_slice %arg2[%add3A_118] : memref<4194304xf32, #tpu.memory_space<hbm>> -> memref<512xf32, #tpu.memory_space<hbm>>
    tpu.enqueue_dma source(%dma_start3A_124 : memref<512xf32, #tpu.memory_space<hbm>>) target(%dma_start3A_123 : memref<512xf32, #tpu.memory_space<vmem>>) target_semaphore(%arg10 : memref<!tpu.dma_semaphore, #tpu.memory_space<semaphore_mem>>)
    %add3A_125 = arith.constant 1 : i32
    %add3A_126 = arith.addi %add3A, %add3A_125 : i32
    %rem3A_127 = arith.constant 32 : i32
    %rem3A_128 = arith.remsi %add3A_126, %rem3A_127 : i32
    %mul3A_129 = arith.constant 512 : i32
    %mul3A_130 = arith.muli %rem3A_128, %mul3A_129 : i32
    %mul3A_131 = arith.constant 16 : i32
    %mul3A_132 = arith.muli %mul3A_130, %mul3A_131 : i32
    %dma_start3A_133 = tpu.memref_slice %arg3[%mul3A_132] : memref<262144xi32, #tpu.memory_space<hbm>> -> memref<8192xi32, #tpu.memory_space<hbm>>
    %dma_start3A_134 = tpu.memref_slice %arg3[%mul3A_132] : memref<262144xi32, #tpu.memory_space<hbm>> -> memref<8192xi32, #tpu.memory_space<hbm>>
    tpu.enqueue_dma source(%dma_start3A_134 : memref<8192xi32, #tpu.memory_space<hbm>>) target(%arg6 : memref<8192xi32, #tpu.memory_space<vmem>>) target_semaphore(%arg11 : memref<!tpu.dma_semaphore, #tpu.memory_space<semaphore_mem>>)
    %add3A_135 = arith.constant 0 : i32
    %add3A_136 = arith.addi %mul3A_2, %add3A_135 : i32
    %mul3A_137 = arith.constant 16384 : i32
    %mul3A_138 = arith.muli %add3A_136, %mul3A_137 : i32
    %add3A_139 = arith.addi %mul3A_138, %mul3A_130 : i32
    %dma_start3A_140 = arith.constant 0 : i32
    %dma_start3A_141 = tpu.memref_slice %arg8[%dma_start3A_140] : memref<4096xf32, #tpu.memory_space<vmem>> -> memref<512xf32, #tpu.memory_space<vmem>>
    %dma_start3A_142 = tpu.memref_slice %arg2[%add3A_139] : memref<4194304xf32, #tpu.memory_space<hbm>> -> memref<512xf32, #tpu.memory_space<hbm>>
    %dma_start3A_143 = arith.constant 0 : i32
    %dma_start3A_144 = tpu.memref_slice %arg8[%dma_start3A_143] : memref<4096xf32, #tpu.memory_space<vmem>> -> memref<512xf32, #tpu.memory_space<vmem>>
    %dma_start3A_145 = tpu.memref_slice %arg2[%add3A_139] : memref<4194304xf32, #tpu.memory_space<hbm>> -> memref<512xf32, #tpu.memory_space<hbm>>
    tpu.enqueue_dma source(%dma_start3A_145 : memref<512xf32, #tpu.memory_space<hbm>>) target(%dma_start3A_144 : memref<512xf32, #tpu.memory_space<vmem>>) target_semaphore(%arg11 : memref<!tpu.dma_semaphore, #tpu.memory_space<semaphore_mem>>)
    %add3A_146 = arith.constant 1 : i32
    %add3A_147 = arith.addi %mul3A_2, %add3A_146 : i32
    %mul3A_148 = arith.constant 16384 : i32
    %mul3A_149 = arith.muli %add3A_147, %mul3A_148 : i32
    %add3A_150 = arith.addi %mul3A_149, %mul3A_130 : i32
    %dma_start3A_151 = arith.constant 512 : i32
    %dma_start3A_152 = tpu.memref_slice %arg8[%dma_start3A_151] : memref<4096xf32, #tpu.memory_space<vmem>> -> memref<512xf32, #tpu.memory_space<vmem>>
    %dma_start3A_153 = tpu.memref_slice %arg2[%add3A_150] : memref<4194304xf32, #tpu.memory_space<hbm>> -> memref<512xf32, #tpu.memory_space<hbm>>
    %dma_start3A_154 = arith.constant 512 : i32
    %dma_start3A_155 = tpu.memref_slice %arg8[%dma_start3A_154] : memref<4096xf32, #tpu.memory_space<vmem>> -> memref<512xf32, #tpu.memory_space<vmem>>
    %dma_start3A_156 = tpu.memref_slice %arg2[%add3A_150] : memref<4194304xf32, #tpu.memory_space<hbm>> -> memref<512xf32, #tpu.memory_space<hbm>>
    tpu.enqueue_dma source(%dma_start3A_156 : memref<512xf32, #tpu.memory_space<hbm>>) target(%dma_start3A_155 : memref<512xf32, #tpu.memory_space<vmem>>) target_semaphore(%arg11 : memref<!tpu.dma_semaphore, #tpu.memory_space<semaphore_mem>>)
    %add3A_157 = arith.constant 2 : i32
    %add3A_158 = arith.addi %mul3A_2, %add3A_157 : i32
    %mul3A_159 = arith.constant 16384 : i32
    %mul3A_160 = arith.muli %add3A_158, %mul3A_159 : i32
    %add3A_161 = arith.addi %mul3A_160, %mul3A_130 : i32
    %dma_start3A_162 = arith.constant 1024 : i32
    %dma_start3A_163 = tpu.memref_slice %arg8[%dma_start3A_162] : memref<4096xf32, #tpu.memory_space<vmem>> -> memref<512xf32, #tpu.memory_space<vmem>>
    %dma_start3A_164 = tpu.memref_slice %arg2[%add3A_161] : memref<4194304xf32, #tpu.memory_space<hbm>> -> memref<512xf32, #tpu.memory_space<hbm>>
    %dma_start3A_165 = arith.constant 1024 : i32
    %dma_start3A_166 = tpu.memref_slice %arg8[%dma_start3A_165] : memref<4096xf32, #tpu.memory_space<vmem>> -> memref<512xf32, #tpu.memory_space<vmem>>
    %dma_start3A_167 = tpu.memref_slice %arg2[%add3A_161] : memref<4194304xf32, #tpu.memory_space<hbm>> -> memref<512xf32, #tpu.memory_space<hbm>>
    tpu.enqueue_dma source(%dma_start3A_167 : memref<512xf32, #tpu.memory_space<hbm>>) target(%dma_start3A_166 : memref<512xf32, #tpu.memory_space<vmem>>) target_semaphore(%arg11 : memref<!tpu.dma_semaphore, #tpu.memory_space<semaphore_mem>>)
    %add3A_168 = arith.constant 3 : i32
    %add3A_169 = arith.addi %mul3A_2, %add3A_168 : i32
    %mul3A_170 = arith.constant 16384 : i32
    %mul3A_171 = arith.muli %add3A_169, %mul3A_170 : i32
    %add3A_172 = arith.addi %mul3A_171, %mul3A_130 : i32
    %dma_start3A_173 = arith.constant 1536 : i32
    %dma_start3A_174 = tpu.memref_slice %arg8[%dma_start3A_173] : memref<4096xf32, #tpu.memory_space<vmem>> -> memref<512xf32, #tpu.memory_space<vmem>>
    %dma_start3A_175 = tpu.memref_slice %arg2[%add3A_172] : memref<4194304xf32, #tpu.memory_space<hbm>> -> memref<512xf32, #tpu.memory_space<hbm>>
    %dma_start3A_176 = arith.constant 1536 : i32
    %dma_start3A_177 = tpu.memref_slice %arg8[%dma_start3A_176] : memref<4096xf32, #tpu.memory_space<vmem>> -> memref<512xf32, #tpu.memory_space<vmem>>
    %dma_start3A_178 = tpu.memref_slice %arg2[%add3A_172] : memref<4194304xf32, #tpu.memory_space<hbm>> -> memref<512xf32, #tpu.memory_space<hbm>>
    tpu.enqueue_dma source(%dma_start3A_178 : memref<512xf32, #tpu.memory_space<hbm>>) target(%dma_start3A_177 : memref<512xf32, #tpu.memory_space<vmem>>) target_semaphore(%arg11 : memref<!tpu.dma_semaphore, #tpu.memory_space<semaphore_mem>>)
    %add3A_179 = arith.constant 4 : i32
    %add3A_180 = arith.addi %mul3A_2, %add3A_179 : i32
    %mul3A_181 = arith.constant 16384 : i32
    %mul3A_182 = arith.muli %add3A_180, %mul3A_181 : i32
    %add3A_183 = arith.addi %mul3A_182, %mul3A_130 : i32
    %dma_start3A_184 = arith.constant 2048 : i32
    %dma_start3A_185 = tpu.memref_slice %arg8[%dma_start3A_184] : memref<4096xf32, #tpu.memory_space<vmem>> -> memref<512xf32, #tpu.memory_space<vmem>>
    %dma_start3A_186 = tpu.memref_slice %arg2[%add3A_183] : memref<4194304xf32, #tpu.memory_space<hbm>> -> memref<512xf32, #tpu.memory_space<hbm>>
    %dma_start3A_187 = arith.constant 2048 : i32
    %dma_start3A_188 = tpu.memref_slice %arg8[%dma_start3A_187] : memref<4096xf32, #tpu.memory_space<vmem>> -> memref<512xf32, #tpu.memory_space<vmem>>
    %dma_start3A_189 = tpu.memref_slice %arg2[%add3A_183] : memref<4194304xf32, #tpu.memory_space<hbm>> -> memref<512xf32, #tpu.memory_space<hbm>>
    tpu.enqueue_dma source(%dma_start3A_189 : memref<512xf32, #tpu.memory_space<hbm>>) target(%dma_start3A_188 : memref<512xf32, #tpu.memory_space<vmem>>) target_semaphore(%arg11 : memref<!tpu.dma_semaphore, #tpu.memory_space<semaphore_mem>>)
    %add3A_190 = arith.constant 5 : i32
    %add3A_191 = arith.addi %mul3A_2, %add3A_190 : i32
    %mul3A_192 = arith.constant 16384 : i32
    %mul3A_193 = arith.muli %add3A_191, %mul3A_192 : i32
    %add3A_194 = arith.addi %mul3A_193, %mul3A_130 : i32
    %dma_start3A_195 = arith.constant 2560 : i32
    %dma_start3A_196 = tpu.memref_slice %arg8[%dma_start3A_195] : memref<4096xf32, #tpu.memory_space<vmem>> -> memref<512xf32, #tpu.memory_space<vmem>>
    %dma_start3A_197 = tpu.memref_slice %arg2[%add3A_194] : memref<4194304xf32, #tpu.memory_space<hbm>> -> memref<512xf32, #tpu.memory_space<hbm>>
    %dma_start3A_198 = arith.constant 2560 : i32
    %dma_start3A_199 = tpu.memref_slice %arg8[%dma_start3A_198] : memref<4096xf32, #tpu.memory_space<vmem>> -> memref<512xf32, #tpu.memory_space<vmem>>
    %dma_start3A_200 = tpu.memref_slice %arg2[%add3A_194] : memref<4194304xf32, #tpu.memory_space<hbm>> -> memref<512xf32, #tpu.memory_space<hbm>>
    tpu.enqueue_dma source(%dma_start3A_200 : memref<512xf32, #tpu.memory_space<hbm>>) target(%dma_start3A_199 : memref<512xf32, #tpu.memory_space<vmem>>) target_semaphore(%arg11 : memref<!tpu.dma_semaphore, #tpu.memory_space<semaphore_mem>>)
    %add3A_201 = arith.constant 6 : i32
    %add3A_202 = arith.addi %mul3A_2, %add3A_201 : i32
    %mul3A_203 = arith.constant 16384 : i32
    %mul3A_204 = arith.muli %add3A_202, %mul3A_203 : i32
    %add3A_205 = arith.addi %mul3A_204, %mul3A_130 : i32
    %dma_start3A_206 = arith.constant 3072 : i32
    %dma_start3A_207 = tpu.memref_slice %arg8[%dma_start3A_206] : memref<4096xf32, #tpu.memory_space<vmem>> -> memref<512xf32, #tpu.memory_space<vmem>>
    %dma_start3A_208 = tpu.memref_slice %arg2[%add3A_205] : memref<4194304xf32, #tpu.memory_space<hbm>> -> memref<512xf32, #tpu.memory_space<hbm>>
    %dma_start3A_209 = arith.constant 3072 : i32
    %dma_start3A_210 = tpu.memref_slice %arg8[%dma_start3A_209] : memref<4096xf32, #tpu.memory_space<vmem>> -> memref<512xf32, #tpu.memory_space<vmem>>
    %dma_start3A_211 = tpu.memref_slice %arg2[%add3A_205] : memref<4194304xf32, #tpu.memory_space<hbm>> -> memref<512xf32, #tpu.memory_space<hbm>>
    tpu.enqueue_dma source(%dma_start3A_211 : memref<512xf32, #tpu.memory_space<hbm>>) target(%dma_start3A_210 : memref<512xf32, #tpu.memory_space<vmem>>) target_semaphore(%arg11 : memref<!tpu.dma_semaphore, #tpu.memory_space<semaphore_mem>>)
    %add3A_212 = arith.constant 7 : i32
    %add3A_213 = arith.addi %mul3A_2, %add3A_212 : i32
    %mul3A_214 = arith.constant 16384 : i32
    %mul3A_215 = arith.muli %add3A_213, %mul3A_214 : i32
    %add3A_216 = arith.addi %mul3A_215, %mul3A_130 : i32
    %dma_start3A_217 = arith.constant 3584 : i32
    %dma_start3A_218 = tpu.memref_slice %arg8[%dma_start3A_217] : memref<4096xf32, #tpu.memory_space<vmem>> -> memref<512xf32, #tpu.memory_space<vmem>>
    %dma_start3A_219 = tpu.memref_slice %arg2[%add3A_216] : memref<4194304xf32, #tpu.memory_space<hbm>> -> memref<512xf32, #tpu.memory_space<hbm>>
    %dma_start3A_220 = arith.constant 3584 : i32
    %dma_start3A_221 = tpu.memref_slice %arg8[%dma_start3A_220] : memref<4096xf32, #tpu.memory_space<vmem>> -> memref<512xf32, #tpu.memory_space<vmem>>
    %dma_start3A_222 = tpu.memref_slice %arg2[%add3A_216] : memref<4194304xf32, #tpu.memory_space<hbm>> -> memref<512xf32, #tpu.memory_space<hbm>>
    tpu.enqueue_dma source(%dma_start3A_222 : memref<512xf32, #tpu.memory_space<hbm>>) target(%dma_start3A_221 : memref<512xf32, #tpu.memory_space<vmem>>) target_semaphore(%arg11 : memref<!tpu.dma_semaphore, #tpu.memory_space<semaphore_mem>>)
    %scan3A_223 = arith.constant 0 : i32
    %scan3A_224 = arith.constant 0 : i32
    %scan3A_225 = arith.constant 16 : i32
    %scan3A_226 = arith.addi %scan3A_224, %scan3A_225 : i32
    %scan3A_227 = arith.constant 1 : i32
    scf.for %scan3A_396 = %scan3A_224 to %scan3A_226 step %scan3A_227  : i32 {
      %dma_wait3A_397 = arith.constant 0 : i32
      %dma_wait3A_398 = tpu.memref_slice %arg3[%dma_wait3A_397] : memref<262144xi32, #tpu.memory_space<hbm>> -> memref<8192xi32, #tpu.memory_space<hbm>>
      %dma_wait3A_399 = arith.constant 0 : i32
      %dma_wait3A_400 = tpu.memref_slice %arg3[%dma_wait3A_399] : memref<262144xi32, #tpu.memory_space<hbm>> -> memref<8192xi32, #tpu.memory_space<hbm>>
      tpu.wait_dma2 semaphore(%arg10 : memref<!tpu.dma_semaphore, #tpu.memory_space<semaphore_mem>>) src(%dma_wait3A_400 : memref<8192xi32, #tpu.memory_space<hbm>>) dst(%arg5 : memref<8192xi32, #tpu.memory_space<vmem>>)
      %dma_wait3A_401 = arith.constant 0 : i32
      %dma_wait3A_402 = tpu.memref_slice %arg7[%dma_wait3A_401] : memref<4096xf32, #tpu.memory_space<vmem>> -> memref<512xf32, #tpu.memory_space<vmem>>
      %dma_wait3A_403 = arith.constant 0 : i32
      %dma_wait3A_404 = tpu.memref_slice %arg2[%dma_wait3A_403] : memref<4194304xf32, #tpu.memory_space<hbm>> -> memref<512xf32, #tpu.memory_space<hbm>>
      %dma_wait3A_405 = arith.constant 0 : i32
      %dma_wait3A_406 = tpu.memref_slice %arg7[%dma_wait3A_405] : memref<4096xf32, #tpu.memory_space<vmem>> -> memref<512xf32, #tpu.memory_space<vmem>>
      %dma_wait3A_407 = arith.constant 0 : i32
      %dma_wait3A_408 = tpu.memref_slice %arg2[%dma_wait3A_407] : memref<4194304xf32, #tpu.memory_space<hbm>> -> memref<512xf32, #tpu.memory_space<hbm>>
      tpu.wait_dma2 semaphore(%arg10 : memref<!tpu.dma_semaphore, #tpu.memory_space<semaphore_mem>>) src(%dma_wait3A_408 : memref<512xf32, #tpu.memory_space<hbm>>) dst(%dma_wait3A_406 : memref<512xf32, #tpu.memory_space<vmem>>)
      %dma_wait3A_409 = arith.constant 512 : i32
      %dma_wait3A_410 = tpu.memref_slice %arg7[%dma_wait3A_409] : memref<4096xf32, #tpu.memory_space<vmem>> -> memref<512xf32, #tpu.memory_space<vmem>>
      %dma_wait3A_411 = arith.constant 0 : i32
      %dma_wait3A_412 = tpu.memref_slice %arg2[%dma_wait3A_411] : memref<4194304xf32, #tpu.memory_space<hbm>> -> memref<512xf32, #tpu.memory_space<hbm>>
      %dma_wait3A_413 = arith.constant 512 : i32
      %dma_wait3A_414 = tpu.memref_slice %arg7[%dma_wait3A_413] : memref<4096xf32, #tpu.memory_space<vmem>> -> memref<512xf32, #tpu.memory_space<vmem>>
      %dma_wait3A_415 = arith.constant 0 : i32
      %dma_wait3A_416 = tpu.memref_slice %arg2[%dma_wait3A_415] : memref<4194304xf32, #tpu.memory_space<hbm>> -> memref<512xf32, #tpu.memory_space<hbm>>
      tpu.wait_dma2 semaphore(%arg10 : memref<!tpu.dma_semaphore, #tpu.memory_space<semaphore_mem>>) src(%dma_wait3A_416 : memref<512xf32, #tpu.memory_space<hbm>>) dst(%dma_wait3A_414 : memref<512xf32, #tpu.memory_space<vmem>>)
      %dma_wait3A_417 = arith.constant 1024 : i32
      %dma_wait3A_418 = tpu.memref_slice %arg7[%dma_wait3A_417] : memref<4096xf32, #tpu.memory_space<vmem>> -> memref<512xf32, #tpu.memory_space<vmem>>
      %dma_wait3A_419 = arith.constant 0 : i32
      %dma_wait3A_420 = tpu.memref_slice %arg2[%dma_wait3A_419] : memref<4194304xf32, #tpu.memory_space<hbm>> -> memref<512xf32, #tpu.memory_space<hbm>>
      %dma_wait3A_421 = arith.constant 1024 : i32
      %dma_wait3A_422 = tpu.memref_slice %arg7[%dma_wait3A_421] : memref<4096xf32, #tpu.memory_space<vmem>> -> memref<512xf32, #tpu.memory_space<vmem>>
      %dma_wait3A_423 = arith.constant 0 : i32
      %dma_wait3A_424 = tpu.memref_slice %arg2[%dma_wait3A_423] : memref<4194304xf32, #tpu.memory_space<hbm>> -> memref<512xf32, #tpu.memory_space<hbm>>
      tpu.wait_dma2 semaphore(%arg10 : memref<!tpu.dma_semaphore, #tpu.memory_space<semaphore_mem>>) src(%dma_wait3A_424 : memref<512xf32, #tpu.memory_space<hbm>>) dst(%dma_wait3A_422 : memref<512xf32, #tpu.memory_space<vmem>>)
      %dma_wait3A_425 = arith.constant 1536 : i32
      %dma_wait3A_426 = tpu.memref_slice %arg7[%dma_wait3A_425] : memref<4096xf32, #tpu.memory_space<vmem>> -> memref<512xf32, #tpu.memory_space<vmem>>
      %dma_wait3A_427 = arith.constant 0 : i32
      %dma_wait3A_428 = tpu.memref_slice %arg2[%dma_wait3A_427] : memref<4194304xf32, #tpu.memory_space<hbm>> -> memref<512xf32, #tpu.memory_space<hbm>>
      %dma_wait3A_429 = arith.constant 1536 : i32
      %dma_wait3A_430 = tpu.memref_slice %arg7[%dma_wait3A_429] : memref<4096xf32, #tpu.memory_space<vmem>> -> memref<512xf32, #tpu.memory_space<vmem>>
      %dma_wait3A_431 = arith.constant 0 : i32
      %dma_wait3A_432 = tpu.memref_slice %arg2[%dma_wait3A_431] : memref<4194304xf32, #tpu.memory_space<hbm>> -> memref<512xf32, #tpu.memory_space<hbm>>
      tpu.wait_dma2 semaphore(%arg10 : memref<!tpu.dma_semaphore, #tpu.memory_space<semaphore_mem>>) src(%dma_wait3A_432 : memref<512xf32, #tpu.memory_space<hbm>>) dst(%dma_wait3A_430 : memref<512xf32, #tpu.memory_space<vmem>>)
      %dma_wait3A_433 = arith.constant 2048 : i32
      %dma_wait3A_434 = tpu.memref_slice %arg7[%dma_wait3A_433] : memref<4096xf32, #tpu.memory_space<vmem>> -> memref<512xf32, #tpu.memory_space<vmem>>
      %dma_wait3A_435 = arith.constant 0 : i32
      %dma_wait3A_436 = tpu.memref_slice %arg2[%dma_wait3A_435] : memref<4194304xf32, #tpu.memory_space<hbm>> -> memref<512xf32, #tpu.memory_space<hbm>>
      %dma_wait3A_437 = arith.constant 2048 : i32
      %dma_wait3A_438 = tpu.memref_slice %arg7[%dma_wait3A_437] : memref<4096xf32, #tpu.memory_space<vmem>> -> memref<512xf32, #tpu.memory_space<vmem>>
      %dma_wait3A_439 = arith.constant 0 : i32
      %dma_wait3A_440 = tpu.memref_slice %arg2[%dma_wait3A_439] : memref<4194304xf32, #tpu.memory_space<hbm>> -> memref<512xf32, #tpu.memory_space<hbm>>
      tpu.wait_dma2 semaphore(%arg10 : memref<!tpu.dma_semaphore, #tpu.memory_space<semaphore_mem>>) src(%dma_wait3A_440 : memref<512xf32, #tpu.memory_space<hbm>>) dst(%dma_wait3A_438 : memref<512xf32, #tpu.memory_space<vmem>>)
      %dma_wait3A_441 = arith.constant 2560 : i32
      %dma_wait3A_442 = tpu.memref_slice %arg7[%dma_wait3A_441] : memref<4096xf32, #tpu.memory_space<vmem>> -> memref<512xf32, #tpu.memory_space<vmem>>
      %dma_wait3A_443 = arith.constant 0 : i32
      %dma_wait3A_444 = tpu.memref_slice %arg2[%dma_wait3A_443] : memref<4194304xf32, #tpu.memory_space<hbm>> -> memref<512xf32, #tpu.memory_space<hbm>>
      %dma_wait3A_445 = arith.constant 2560 : i32
      %dma_wait3A_446 = tpu.memref_slice %arg7[%dma_wait3A_445] : memref<4096xf32, #tpu.memory_space<vmem>> -> memref<512xf32, #tpu.memory_space<vmem>>
      %dma_wait3A_447 = arith.constant 0 : i32
      %dma_wait3A_448 = tpu.memref_slice %arg2[%dma_wait3A_447] : memref<4194304xf32, #tpu.memory_space<hbm>> -> memref<512xf32, #tpu.memory_space<hbm>>
      tpu.wait_dma2 semaphore(%arg10 : memref<!tpu.dma_semaphore, #tpu.memory_space<semaphore_mem>>) src(%dma_wait3A_448 : memref<512xf32, #tpu.memory_space<hbm>>) dst(%dma_wait3A_446 : memref<512xf32, #tpu.memory_space<vmem>>)
      %dma_wait3A_449 = arith.constant 3072 : i32
      %dma_wait3A_450 = tpu.memref_slice %arg7[%dma_wait3A_449] : memref<4096xf32, #tpu.memory_space<vmem>> -> memref<512xf32, #tpu.memory_space<vmem>>
      %dma_wait3A_451 = arith.constant 0 : i32
      %dma_wait3A_452 = tpu.memref_slice %arg2[%dma_wait3A_451] : memref<4194304xf32, #tpu.memory_space<hbm>> -> memref<512xf32, #tpu.memory_space<hbm>>
      %dma_wait3A_453 = arith.constant 3072 : i32
      %dma_wait3A_454 = tpu.memref_slice %arg7[%dma_wait3A_453] : memref<4096xf32, #tpu.memory_space<vmem>> -> memref<512xf32, #tpu.memory_space<vmem>>
      %dma_wait3A_455 = arith.constant 0 : i32
      %dma_wait3A_456 = tpu.memref_slice %arg2[%dma_wait3A_455] : memref<4194304xf32, #tpu.memory_space<hbm>> -> memref<512xf32, #tpu.memory_space<hbm>>
      tpu.wait_dma2 semaphore(%arg10 : memref<!tpu.dma_semaphore, #tpu.memory_space<semaphore_mem>>) src(%dma_wait3A_456 : memref<512xf32, #tpu.memory_space<hbm>>) dst(%dma_wait3A_454 : memref<512xf32, #tpu.memory_space<vmem>>)
      %dma_wait3A_457 = arith.constant 3584 : i32
      %dma_wait3A_458 = tpu.memref_slice %arg7[%dma_wait3A_457] : memref<4096xf32, #tpu.memory_space<vmem>> -> memref<512xf32, #tpu.memory_space<vmem>>
      %dma_wait3A_459 = arith.constant 0 : i32
      %dma_wait3A_460 = tpu.memref_slice %arg2[%dma_wait3A_459] : memref<4194304xf32, #tpu.memory_space<hbm>> -> memref<512xf32, #tpu.memory_space<hbm>>
      %dma_wait3A_461 = arith.constant 3584 : i32
      %dma_wait3A_462 = tpu.memref_slice %arg7[%dma_wait3A_461] : memref<4096xf32, #tpu.memory_space<vmem>> -> memref<512xf32, #tpu.memory_space<vmem>>
      %dma_wait3A_463 = arith.constant 0 : i32
      %dma_wait3A_464 = tpu.memref_slice %arg2[%dma_wait3A_463] : memref<4194304xf32, #tpu.memory_space<hbm>> -> memref<512xf32, #tpu.memory_space<hbm>>
      tpu.wait_dma2 semaphore(%arg10 : memref<!tpu.dma_semaphore, #tpu.memory_space<semaphore_mem>>) src(%dma_wait3A_464 : memref<512xf32, #tpu.memory_space<hbm>>) dst(%dma_wait3A_462 : memref<512xf32, #tpu.memory_space<vmem>>)
      %scan3A_465 = arith.constant 0 : i32
      %scan3A_466 = arith.constant 0 : i32
      %scan3A_467 = arith.constant 32 : i32
      %scan3A_468 = arith.addi %scan3A_466, %scan3A_467 : i32
      %scan3A_469 = arith.constant 1 : i32
      scf.for %scan3A_751 = %scan3A_466 to %scan3A_468 step %scan3A_469  : i32 {
        %mul3A_752 = arith.constant 16 : i32
        %mul3A_753 = arith.muli %scan3A_751, %mul3A_752 : i32
        %add3A_754 = arith.constant 0 : i32
        %add3A_755 = arith.addi %add3A_754, %mul3A_753 : i32
        %get3A = arith.index_cast %add3A_755 : i32 to index
        %get3A_756 = tpu.vector_load %arg7[%get3A] {strides = array<i32>} : memref<4096xf32, #tpu.memory_space<vmem>>, vector<16xf32>,
        %add3A_757 = arith.constant 512 : i32
        %add3A_758 = arith.addi %add3A_757, %mul3A_753 : i32
        %get3A_759 = arith.index_cast %add3A_758 : i32 to index
        %get3A_760 = tpu.vector_load %arg7[%get3A_759] {strides = array<i32>} : memref<4096xf32, #tpu.memory_space<vmem>>, vector<16xf32>,
        %add3A_761 = arith.constant 1024 : i32
        %add3A_762 = arith.addi %add3A_761, %mul3A_753 : i32
        %get3A_763 = arith.index_cast %add3A_762 : i32 to index
        %get3A_764 = tpu.vector_load %arg7[%get3A_763] {strides = array<i32>} : memref<4096xf32, #tpu.memory_space<vmem>>, vector<16xf32>,
        %add3A_765 = arith.constant 1536 : i32
        %add3A_766 = arith.addi %add3A_765, %mul3A_753 : i32
        %get3A_767 = arith.index_cast %add3A_766 : i32 to index
        %get3A_768 = tpu.vector_load %arg7[%get3A_767] {strides = array<i32>} : memref<4096xf32, #tpu.memory_space<vmem>>, vector<16xf32>,
        %add3A_769 = arith.constant 2048 : i32
        %add3A_770 = arith.addi %add3A_769, %mul3A_753 : i32
        %get3A_771 = arith.index_cast %add3A_770 : i32 to index
        %get3A_772 = tpu.vector_load %arg7[%get3A_771] {strides = array<i32>} : memref<4096xf32, #tpu.memory_space<vmem>>, vector<16xf32>,
        %add3A_773 = arith.constant 2560 : i32
        %add3A_774 = arith.addi %add3A_773, %mul3A_753 : i32
        %get3A_775 = arith.index_cast %add3A_774 : i32 to index
        %get3A_776 = tpu.vector_load %arg7[%get3A_775] {strides = array<i32>} : memref<4096xf32, #tpu.memory_space<vmem>>, vector<16xf32>,
        %add3A_777 = arith.constant 3072 : i32
        %add3A_778 = arith.addi %add3A_777, %mul3A_753 : i32
        %get3A_779 = arith.index_cast %add3A_778 : i32 to index
        %get3A_780 = tpu.vector_load %arg7[%get3A_779] {strides = array<i32>} : memref<4096xf32, #tpu.memory_space<vmem>>, vector<16xf32>,
        %add3A_781 = arith.constant 3584 : i32
        %add3A_782 = arith.addi %add3A_781, %mul3A_753 : i32
        %get3A_783 = arith.index_cast %add3A_782 : i32 to index
        %get3A_784 = tpu.vector_load %arg7[%get3A_783] {strides = array<i32>} : memref<4096xf32, #tpu.memory_space<vmem>>, vector<16xf32>,
        %mul3A_785 = arith.constant 16 : i32
        %mul3A_786 = arith.muli %mul3A_753, %mul3A_785 : i32
        %add3A_787 = arith.constant 0 : i32
        %add3A_788 = arith.addi %mul3A_786, %add3A_787 : i32
        %get3A_789 = arith.index_cast %add3A_788 : i32 to index
        %get3A_790 = tpu.vector_load %arg5[%get3A_789] {strides = array<i32>} : memref<8192xi32, #tpu.memory_space<vmem>>, vector<16xi32>,
        %add3A_791 = arith.constant 0 : i32
        %add3A_792 = arith.addi %mul3A_753, %add3A_791 : i32
        %add3A_793 = arith.constant 1 : i32
        %add3A_794 = arith.addi %add3A_792, %add3A_793 : i32
        %mul3A_795 = arith.constant 16 : i32
        %mul3A_796 = arith.muli %add3A_794, %mul3A_795 : i32
        %add3A_797 = arith.constant 0 : i32
        %add3A_798 = arith.addi %mul3A_796, %add3A_797 : i32
        %get3A_799 = arith.index_cast %add3A_798 : i32 to index
        %get3A_800 = tpu.vector_load %arg5[%get3A_799] {strides = array<i32>} : memref<8192xi32, #tpu.memory_space<vmem>>, vector<16xi32>,
        %slice3A = vector.extract_strided_slice %get3A_756 {offsets = [0], sizes = [1], strides = [1]} : vector<16xf32> to vector<1xf32>
        %squeeze3A = vector.extract %slice3A[0] : f32 from vector<1xf32>
        %broadcast_in_dim3A_801 = vector.broadcast %squeeze3A : f32 to vector<16xf32>
        %slice3A_802 = vector.extract_strided_slice %get3A_760 {offsets = [0], sizes = [1], strides = [1]} : vector<16xf32> to vector<1xf32>
        %squeeze3A_803 = vector.extract %slice3A_802[0] : f32 from vector<1xf32>
        %broadcast_in_dim3A_804 = vector.broadcast %squeeze3A_803 : f32 to vector<16xf32>
        %slice3A_805 = vector.extract_strided_slice %get3A_764 {offsets = [0], sizes = [1], strides = [1]} : vector<16xf32> to vector<1xf32>
        %squeeze3A_806 = vector.extract %slice3A_805[0] : f32 from vector<1xf32>
        %broadcast_in_dim3A_807 = vector.broadcast %squeeze3A_806 : f32 to vector<16xf32>
        %slice3A_808 = vector.extract_strided_slice %get3A_768 {offsets = [0], sizes = [1], strides = [1]} : vector<16xf32> to vector<1xf32>
        %squeeze3A_809 = vector.extract %slice3A_808[0] : f32 from vector<1xf32>
        %broadcast_in_dim3A_810 = vector.broadcast %squeeze3A_809 : f32 to vector<16xf32>
        %slice3A_811 = vector.extract_strided_slice %get3A_772 {offsets = [0], sizes = [1], strides = [1]} : vector<16xf32> to vector<1xf32>
        %squeeze3A_812 = vector.extract %slice3A_811[0] : f32 from vector<1xf32>
        %broadcast_in_dim3A_813 = vector.broadcast %squeeze3A_812 : f32 to vector<16xf32>
        %slice3A_814 = vector.extract_strided_slice %get3A_776 {offsets = [0], sizes = [1], strides = [1]} : vector<16xf32> to vector<1xf32>
        %squeeze3A_815 = vector.extract %slice3A_814[0] : f32 from vector<1xf32>
        %broadcast_in_dim3A_816 = vector.broadcast %squeeze3A_815 : f32 to vector<16xf32>
        %slice3A_817 = vector.extract_strided_slice %get3A_780 {offsets = [0], sizes = [1], strides = [1]} : vector<16xf32> to vector<1xf32>
        %squeeze3A_818 = vector.extract %slice3A_817[0] : f32 from vector<1xf32>
        %broadcast_in_dim3A_819 = vector.broadcast %squeeze3A_818 : f32 to vector<16xf32>
        %slice3A_820 = vector.extract_strided_slice %get3A_784 {offsets = [0], sizes = [1], strides = [1]} : vector<16xf32> to vector<1xf32>
        %squeeze3A_821 = vector.extract %slice3A_820[0] : f32 from vector<1xf32>
        %broadcast_in_dim3A_822 = vector.broadcast %squeeze3A_821 : f32 to vector<16xf32>
        %add3A_823 = arith.addi %mul3A_8, %get3A_790 : vector<16xi32>
        %add3A_824 = arith.addi %add3A_823, %broadcast_in_dim3A_9 : vector<16xi32>
        tpu.vector_store_idx %arg9[%add3A_824], %broadcast_in_dim3A_801 {add = true} : memref<23552xf32, #tpu.memory_space<vmem>>[vector<16xi32>], vector<16xf32>,
        %add3A_825 = arith.addi %add3A_823, %broadcast_in_dim3A_11 : vector<16xi32>
        tpu.vector_store_idx %arg9[%add3A_825], %broadcast_in_dim3A_804 {add = true} : memref<23552xf32, #tpu.memory_space<vmem>>[vector<16xi32>], vector<16xf32>,
        %add3A_826 = arith.addi %add3A_823, %broadcast_in_dim3A_13 : vector<16xi32>
        tpu.vector_store_idx %arg9[%add3A_826], %broadcast_in_dim3A_807 {add = true} : memref<23552xf32, #tpu.memory_space<vmem>>[vector<16xi32>], vector<16xf32>,
        %add3A_827 = arith.addi %add3A_823, %broadcast_in_dim3A_15 : vector<16xi32>
        tpu.vector_store_idx %arg9[%add3A_827], %broadcast_in_dim3A_810 {add = true} : memref<23552xf32, #tpu.memory_space<vmem>>[vector<16xi32>], vector<16xf32>,
        %add3A_828 = arith.addi %add3A_823, %broadcast_in_dim3A_17 : vector<16xi32>
        tpu.vector_store_idx %arg9[%add3A_828], %broadcast_in_dim3A_813 {add = true} : memref<23552xf32, #tpu.memory_space<vmem>>[vector<16xi32>], vector<16xf32>,
        %add3A_829 = arith.addi %add3A_823, %broadcast_in_dim3A_19 : vector<16xi32>
        tpu.vector_store_idx %arg9[%add3A_829], %broadcast_in_dim3A_816 {add = true} : memref<23552xf32, #tpu.memory_space<vmem>>[vector<16xi32>], vector<16xf32>,
        %add3A_830 = arith.addi %add3A_823, %broadcast_in_dim3A_21 : vector<16xi32>
        tpu.vector_store_idx %arg9[%add3A_830], %broadcast_in_dim3A_819 {add = true} : memref<23552xf32, #tpu.memory_space<vmem>>[vector<16xi32>], vector<16xf32>,
        %add3A_831 = arith.addi %add3A_823, %broadcast_in_dim3A_23 : vector<16xi32>
        tpu.vector_store_idx %arg9[%add3A_831], %broadcast_in_dim3A_822 {add = true} : memref<23552xf32, #tpu.memory_space<vmem>>[vector<16xi32>], vector<16xf32>,
        %add3A_832 = arith.constant 1 : i32
        %add3A_833 = arith.addi %mul3A_753, %add3A_832 : i32
        %add3A_834 = arith.constant 1 : i32
        %add3A_835 = arith.addi %add3A_833, %add3A_834 : i32
        %mul3A_836 = arith.constant 16 : i32
        %mul3A_837 = arith.muli %add3A_835, %mul3A_836 : i32
        %add3A_838 = arith.constant 0 : i32
        %add3A_839 = arith.addi %mul3A_837, %add3A_838 : i32
        %get3A_840 = arith.index_cast %add3A_839 : i32 to index
        %get3A_841 = tpu.vector_load %arg5[%get3A_840] {strides = array<i32>} : memref<8192xi32, #tpu.memory_space<vmem>>, vector<16xi32>,
        %slice3A_842 = vector.extract_strided_slice %get3A_756 {offsets = [1], sizes = [1], strides = [1]} : vector<16xf32> to vector<1xf32>
        %squeeze3A_843 = vector.extract %slice3A_842[0] : f32 from vector<1xf32>
        %broadcast_in_dim3A_844 = vector.broadcast %squeeze3A_843 : f32 to vector<16xf32>
        %slice3A_845 = vector.extract_strided_slice %get3A_760 {offsets = [1], sizes = [1], strides = [1]} : vector<16xf32> to vector<1xf32>
        %squeeze3A_846 = vector.extract %slice3A_845[0] : f32 from vector<1xf32>
        %broadcast_in_dim3A_847 = vector.broadcast %squeeze3A_846 : f32 to vector<16xf32>
        %slice3A_848 = vector.extract_strided_slice %get3A_764 {offsets = [1], sizes = [1], strides = [1]} : vector<16xf32> to vector<1xf32>
        %squeeze3A_849 = vector.extract %slice3A_848[0] : f32 from vector<1xf32>
        %broadcast_in_dim3A_850 = vector.broadcast %squeeze3A_849 : f32 to vector<16xf32>
        %slice3A_851 = vector.extract_strided_slice %get3A_768 {offsets = [1], sizes = [1], strides = [1]} : vector<16xf32> to vector<1xf32>
        %squeeze3A_852 = vector.extract %slice3A_851[0] : f32 from vector<1xf32>
        %broadcast_in_dim3A_853 = vector.broadcast %squeeze3A_852 : f32 to vector<16xf32>
        %slice3A_854 = vector.extract_strided_slice %get3A_772 {offsets = [1], sizes = [1], strides = [1]} : vector<16xf32> to vector<1xf32>
        %squeeze3A_855 = vector.extract %slice3A_854[0] : f32 from vector<1xf32>
        %broadcast_in_dim3A_856 = vector.broadcast %squeeze3A_855 : f32 to vector<16xf32>
        %slice3A_857 = vector.extract_strided_slice %get3A_776 {offsets = [1], sizes = [1], strides = [1]} : vector<16xf32> to vector<1xf32>
        %squeeze3A_858 = vector.extract %slice3A_857[0] : f32 from vector<1xf32>
        %broadcast_in_dim3A_859 = vector.broadcast %squeeze3A_858 : f32 to vector<16xf32>
        %slice3A_860 = vector.extract_strided_slice %get3A_780 {offsets = [1], sizes = [1], strides = [1]} : vector<16xf32> to vector<1xf32>
        %squeeze3A_861 = vector.extract %slice3A_860[0] : f32 from vector<1xf32>
        %broadcast_in_dim3A_862 = vector.broadcast %squeeze3A_861 : f32 to vector<16xf32>
        %slice3A_863 = vector.extract_strided_slice %get3A_784 {offsets = [1], sizes = [1], strides = [1]} : vector<16xf32> to vector<1xf32>
        %squeeze3A_864 = vector.extract %slice3A_863[0] : f32 from vector<1xf32>
        %broadcast_in_dim3A_865 = vector.broadcast %squeeze3A_864 : f32 to vector<16xf32>
        %add3A_866 = arith.addi %mul3A_8, %get3A_800 : vector<16xi32>
        %add3A_867 = arith.addi %add3A_866, %broadcast_in_dim3A_9 : vector<16xi32>
        tpu.vector_store_idx %arg9[%add3A_867], %broadcast_in_dim3A_844 {add = true} : memref<23552xf32, #tpu.memory_space<vmem>>[vector<16xi32>], vector<16xf32>,
        %add3A_868 = arith.addi %add3A_866, %broadcast_in_dim3A_11 : vector<16xi32>
        tpu.vector_store_idx %arg9[%add3A_868], %broadcast_in_dim3A_847 {add = true} : memref<23552xf32, #tpu.memory_space<vmem>>[vector<16xi32>], vector<16xf32>,
        %add3A_869 = arith.addi %add3A_866, %broadcast_in_dim3A_13 : vector<16xi32>
        tpu.vector_store_idx %arg9[%add3A_869], %broadcast_in_dim3A_850 {add = true} : memref<23552xf32, #tpu.memory_space<vmem>>[vector<16xi32>], vector<16xf32>,
        %add3A_870 = arith.addi %add3A_866, %broadcast_in_dim3A_15 : vector<16xi32>
        tpu.vector_store_idx %arg9[%add3A_870], %broadcast_in_dim3A_853 {add = true} : memref<23552xf32, #tpu.memory_space<vmem>>[vector<16xi32>], vector<16xf32>,
        %add3A_871 = arith.addi %add3A_866, %broadcast_in_dim3A_17 : vector<16xi32>
        tpu.vector_store_idx %arg9[%add3A_871], %broadcast_in_dim3A_856 {add = true} : memref<23552xf32, #tpu.memory_space<vmem>>[vector<16xi32>], vector<16xf32>,
        %add3A_872 = arith.addi %add3A_866, %broadcast_in_dim3A_19 : vector<16xi32>
        tpu.vector_store_idx %arg9[%add3A_872], %broadcast_in_dim3A_859 {add = true} : memref<23552xf32, #tpu.memory_space<vmem>>[vector<16xi32>], vector<16xf32>,
        %add3A_873 = arith.addi %add3A_866, %broadcast_in_dim3A_21 : vector<16xi32>
        tpu.vector_store_idx %arg9[%add3A_873], %broadcast_in_dim3A_862 {add = true} : memref<23552xf32, #tpu.memory_space<vmem>>[vector<16xi32>], vector<16xf32>,
        %add3A_874 = arith.addi %add3A_866, %broadcast_in_dim3A_23 : vector<16xi32>
        tpu.vector_store_idx %arg9[%add3A_874], %broadcast_in_dim3A_865 {add = true} : memref<23552xf32, #tpu.memory_space<vmem>>[vector<16xi32>], vector<16xf32>,
        %add3A_875 = arith.constant 2 : i32
        %add3A_876 = arith.addi %mul3A_753, %add3A_875 : i32
        %add3A_877 = arith.constant 1 : i32
        %add3A_878 = arith.addi %add3A_876, %add3A_877 : i32
        %mul3A_879 = arith.constant 16 : i32
        %mul3A_880 = arith.muli %add3A_878, %mul3A_879 : i32
        %add3A_881 = arith.constant 0 : i32
        %add3A_882 = arith.addi %mul3A_880, %add3A_881 : i32
        %get3A_883 = arith.index_cast %add3A_882 : i32 to index
        %get3A_884 = tpu.vector_load %arg5[%get3A_883] {strides = array<i32>} : memref<8192xi32, #tpu.memory_space<vmem>>, vector<16xi32>,
        %slice3A_885 = vector.extract_strided_slice %get3A_756 {offsets = [2], sizes = [1], strides = [1]} : vector<16xf32> to vector<1xf32>
        %squeeze3A_886 = vector.extract %slice3A_885[0] : f32 from vector<1xf32>
        %broadcast_in_dim3A_887 = vector.broadcast %squeeze3A_886 : f32 to vector<16xf32>
        %slice3A_888 = vector.extract_strided_slice %get3A_760 {offsets = [2], sizes = [1], strides = [1]} : vector<16xf32> to vector<1xf32>
        %squeeze3A_889 = vector.extract %slice3A_888[0] : f32 from vector<1xf32>
        %broadcast_in_dim3A_890 = vector.broadcast %squeeze3A_889 : f32 to vector<16xf32>
        %slice3A_891 = vector.extract_strided_slice %get3A_764 {offsets = [2], sizes = [1], strides = [1]} : vector<16xf32> to vector<1xf32>
        %squeeze3A_892 = vector.extract %slice3A_891[0] : f32 from vector<1xf32>
        %broadcast_in_dim3A_893 = vector.broadcast %squeeze3A_892 : f32 to vector<16xf32>
        %slice3A_894 = vector.extract_strided_slice %get3A_768 {offsets = [2], sizes = [1], strides = [1]} : vector<16xf32> to vector<1xf32>
        %squeeze3A_895 = vector.extract %slice3A_894[0] : f32 from vector<1xf32>
        %broadcast_in_dim3A_896 = vector.broadcast %squeeze3A_895 : f32 to vector<16xf32>
        %slice3A_897 = vector.extract_strided_slice %get3A_772 {offsets = [2], sizes = [1], strides = [1]} : vector<16xf32> to vector<1xf32>
        %squeeze3A_898 = vector.extract %slice3A_897[0] : f32 from vector<1xf32>
        %broadcast_in_dim3A_899 = vector.broadcast %squeeze3A_898 : f32 to vector<16xf32>
        %slice3A_900 = vector.extract_strided_slice %get3A_776 {offsets = [2], sizes = [1], strides = [1]} : vector<16xf32> to vector<1xf32>
        %squeeze3A_901 = vector.extract %slice3A_900[0] : f32 from vector<1xf32>
        %broadcast_in_dim3A_902 = vector.broadcast %squeeze3A_901 : f32 to vector<16xf32>
        %slice3A_903 = vector.extract_strided_slice %get3A_780 {offsets = [2], sizes = [1], strides = [1]} : vector<16xf32> to vector<1xf32>
        %squeeze3A_904 = vector.extract %slice3A_903[0] : f32 from vector<1xf32>
        %broadcast_in_dim3A_905 = vector.broadcast %squeeze3A_904 : f32 to vector<16xf32>
        %slice3A_906 = vector.extract_strided_slice %get3A_784 {offsets = [2], sizes = [1], strides = [1]} : vector<16xf32> to vector<1xf32>
        %squeeze3A_907 = vector.extract %slice3A_906[0] : f32 from vector<1xf32>
        %broadcast_in_dim3A_908 = vector.broadcast %squeeze3A_907 : f32 to vector<16xf32>
        %add3A_909 = arith.addi %mul3A_8, %get3A_841 : vector<16xi32>
        %add3A_910 = arith.addi %add3A_909, %broadcast_in_dim3A_9 : vector<16xi32>
        tpu.vector_store_idx %arg9[%add3A_910], %broadcast_in_dim3A_887 {add = true} : memref<23552xf32, #tpu.memory_space<vmem>>[vector<16xi32>], vector<16xf32>,
        %add3A_911 = arith.addi %add3A_909, %broadcast_in_dim3A_11 : vector<16xi32>
        tpu.vector_store_idx %arg9[%add3A_911], %broadcast_in_dim3A_890 {add = true} : memref<23552xf32, #tpu.memory_space<vmem>>[vector<16xi32>], vector<16xf32>,
        %add3A_912 = arith.addi %add3A_909, %broadcast_in_dim3A_13 : vector<16xi32>
        tpu.vector_store_idx %arg9[%add3A_912], %broadcast_in_dim3A_893 {add = true} : memref<23552xf32, #tpu.memory_space<vmem>>[vector<16xi32>], vector<16xf32>,
        %add3A_913 = arith.addi %add3A_909, %broadcast_in_dim3A_15 : vector<16xi32>
        tpu.vector_store_idx %arg9[%add3A_913], %broadcast_in_dim3A_896 {add = true} : memref<23552xf32, #tpu.memory_space<vmem>>[vector<16xi32>], vector<16xf32>,
        %add3A_914 = arith.addi %add3A_909, %broadcast_in_dim3A_17 : vector<16xi32>
        tpu.vector_store_idx %arg9[%add3A_914], %broadcast_in_dim3A_899 {add = true} : memref<23552xf32, #tpu.memory_space<vmem>>[vector<16xi32>], vector<16xf32>,
        %add3A_915 = arith.addi %add3A_909, %broadcast_in_dim3A_19 : vector<16xi32>
        tpu.vector_store_idx %arg9[%add3A_915], %broadcast_in_dim3A_902 {add = true} : memref<23552xf32, #tpu.memory_space<vmem>>[vector<16xi32>], vector<16xf32>,
        %add3A_916 = arith.addi %add3A_909, %broadcast_in_dim3A_21 : vector<16xi32>
        tpu.vector_store_idx %arg9[%add3A_916], %broadcast_in_dim3A_905 {add = true} : memref<23552xf32, #tpu.memory_space<vmem>>[vector<16xi32>], vector<16xf32>,
        %add3A_917 = arith.addi %add3A_909, %broadcast_in_dim3A_23 : vector<16xi32>
        tpu.vector_store_idx %arg9[%add3A_917], %broadcast_in_dim3A_908 {add = true} : memref<23552xf32, #tpu.memory_space<vmem>>[vector<16xi32>], vector<16xf32>,
        %add3A_918 = arith.constant 3 : i32
        %add3A_919 = arith.addi %mul3A_753, %add3A_918 : i32
        %add3A_920 = arith.constant 1 : i32
        %add3A_921 = arith.addi %add3A_919, %add3A_920 : i32
        %mul3A_922 = arith.constant 16 : i32
        %mul3A_923 = arith.muli %add3A_921, %mul3A_922 : i32
        %add3A_924 = arith.constant 0 : i32
        %add3A_925 = arith.addi %mul3A_923, %add3A_924 : i32
        %get3A_926 = arith.index_cast %add3A_925 : i32 to index
        %get3A_927 = tpu.vector_load %arg5[%get3A_926] {strides = array<i32>} : memref<8192xi32, #tpu.memory_space<vmem>>, vector<16xi32>,
        %slice3A_928 = vector.extract_strided_slice %get3A_756 {offsets = [3], sizes = [1], strides = [1]} : vector<16xf32> to vector<1xf32>
        %squeeze3A_929 = vector.extract %slice3A_928[0] : f32 from vector<1xf32>
        %broadcast_in_dim3A_930 = vector.broadcast %squeeze3A_929 : f32 to vector<16xf32>
        %slice3A_931 = vector.extract_strided_slice %get3A_760 {offsets = [3], sizes = [1], strides = [1]} : vector<16xf32> to vector<1xf32>
        %squeeze3A_932 = vector.extract %slice3A_931[0] : f32 from vector<1xf32>
        %broadcast_in_dim3A_933 = vector.broadcast %squeeze3A_932 : f32 to vector<16xf32>
        %slice3A_934 = vector.extract_strided_slice %get3A_764 {offsets = [3], sizes = [1], strides = [1]} : vector<16xf32> to vector<1xf32>
        %squeeze3A_935 = vector.extract %slice3A_934[0] : f32 from vector<1xf32>
        %broadcast_in_dim3A_936 = vector.broadcast %squeeze3A_935 : f32 to vector<16xf32>
        %slice3A_937 = vector.extract_strided_slice %get3A_768 {offsets = [3], sizes = [1], strides = [1]} : vector<16xf32> to vector<1xf32>
        %squeeze3A_938 = vector.extract %slice3A_937[0] : f32 from vector<1xf32>
        %broadcast_in_dim3A_939 = vector.broadcast %squeeze3A_938 : f32 to vector<16xf32>
        %slice3A_940 = vector.extract_strided_slice %get3A_772 {offsets = [3], sizes = [1], strides = [1]} : vector<16xf32> to vector<1xf32>
        %squeeze3A_941 = vector.extract %slice3A_940[0] : f32 from vector<1xf32>
        %broadcast_in_dim3A_942 = vector.broadcast %squeeze3A_941 : f32 to vector<16xf32>
        %slice3A_943 = vector.extract_strided_slice %get3A_776 {offsets = [3], sizes = [1], strides = [1]} : vector<16xf32> to vector<1xf32>
        %squeeze3A_944 = vector.extract %slice3A_943[0] : f32 from vector<1xf32>
        %broadcast_in_dim3A_945 = vector.broadcast %squeeze3A_944 : f32 to vector<16xf32>
        %slice3A_946 = vector.extract_strided_slice %get3A_780 {offsets = [3], sizes = [1], strides = [1]} : vector<16xf32> to vector<1xf32>
        %squeeze3A_947 = vector.extract %slice3A_946[0] : f32 from vector<1xf32>
        %broadcast_in_dim3A_948 = vector.broadcast %squeeze3A_947 : f32 to vector<16xf32>
        %slice3A_949 = vector.extract_strided_slice %get3A_784 {offsets = [3], sizes = [1], strides = [1]} : vector<16xf32> to vector<1xf32>
        %squeeze3A_950 = vector.extract %slice3A_949[0] : f32 from vector<1xf32>
        %broadcast_in_dim3A_951 = vector.broadcast %squeeze3A_950 : f32 to vector<16xf32>
        %add3A_952 = arith.addi %mul3A_8, %get3A_884 : vector<16xi32>
        %add3A_953 = arith.addi %add3A_952, %broadcast_in_dim3A_9 : vector<16xi32>
        tpu.vector_store_idx %arg9[%add3A_953], %broadcast_in_dim3A_930 {add = true} : memref<23552xf32, #tpu.memory_space<vmem>>[vector<16xi32>], vector<16xf32>,
        %add3A_954 = arith.addi %add3A_952, %broadcast_in_dim3A_11 : vector<16xi32>
        tpu.vector_store_idx %arg9[%add3A_954], %broadcast_in_dim3A_933 {add = true} : memref<23552xf32, #tpu.memory_space<vmem>>[vector<16xi32>], vector<16xf32>,
        %add3A_955 = arith.addi %add3A_952, %broadcast_in_dim3A_13 : vector<16xi32>
        tpu.vector_store_idx %arg9[%add3A_955], %broadcast_in_dim3A_936 {add = true} : memref<23552xf32, #tpu.memory_space<vmem>>[vector<16xi32>], vector<16xf32>,
        %add3A_956 = arith.addi %add3A_952, %broadcast_in_dim3A_15 : vector<16xi32>
        tpu.vector_store_idx %arg9[%add3A_956], %broadcast_in_dim3A_939 {add = true} : memref<23552xf32, #tpu.memory_space<vmem>>[vector<16xi32>], vector<16xf32>,
        %add3A_957 = arith.addi %add3A_952, %broadcast_in_dim3A_17 : vector<16xi32>
        tpu.vector_store_idx %arg9[%add3A_957], %broadcast_in_dim3A_942 {add = true} : memref<23552xf32, #tpu.memory_space<vmem>>[vector<16xi32>], vector<16xf32>,
        %add3A_958 = arith.addi %add3A_952, %broadcast_in_dim3A_19 : vector<16xi32>
        tpu.vector_store_idx %arg9[%add3A_958], %broadcast_in_dim3A_945 {add = true} : memref<23552xf32, #tpu.memory_space<vmem>>[vector<16xi32>], vector<16xf32>,
        %add3A_959 = arith.addi %add3A_952, %broadcast_in_dim3A_21 : vector<16xi32>
        tpu.vector_store_idx %arg9[%add3A_959], %broadcast_in_dim3A_948 {add = true} : memref<23552xf32, #tpu.memory_space<vmem>>[vector<16xi32>], vector<16xf32>,
        %add3A_960 = arith.addi %add3A_952, %broadcast_in_dim3A_23 : vector<16xi32>
        tpu.vector_store_idx %arg9[%add3A_960], %broadcast_in_dim3A_951 {add = true} : memref<23552xf32, #tpu.memory_space<vmem>>[vector<16xi32>], vector<16xf32>,
        %add3A_961 = arith.constant 4 : i32
        %add3A_962 = arith.addi %mul3A_753, %add3A_961 : i32
        %add3A_963 = arith.constant 1 : i32
        %add3A_964 = arith.addi %add3A_962, %add3A_963 : i32
        %mul3A_965 = arith.constant 16 : i32
        %mul3A_966 = arith.muli %add3A_964, %mul3A_965 : i32
        %add3A_967 = arith.constant 0 : i32
        %add3A_968 = arith.addi %mul3A_966, %add3A_967 : i32
        %get3A_969 = arith.index_cast %add3A_968 : i32 to index
        %get3A_970 = tpu.vector_load %arg5[%get3A_969] {strides = array<i32>} : memref<8192xi32, #tpu.memory_space<vmem>>, vector<16xi32>,
        %slice3A_971 = vector.extract_strided_slice %get3A_756 {offsets = [4], sizes = [1], strides = [1]} : vector<16xf32> to vector<1xf32>
        %squeeze3A_972 = vector.extract %slice3A_971[0] : f32 from vector<1xf32>
        %broadcast_in_dim3A_973 = vector.broadcast %squeeze3A_972 : f32 to vector<16xf32>
        %slice3A_974 = vector.extract_strided_slice %get3A_760 {offsets = [4], sizes = [1], strides = [1]} : vector<16xf32> to vector<1xf32>
        %squeeze3A_975 = vector.extract %slice3A_974[0] : f32 from vector<1xf32>
        %broadcast_in_dim3A_976 = vector.broadcast %squeeze3A_975 : f32 to vector<16xf32>
        %slice3A_977 = vector.extract_strided_slice %get3A_764 {offsets = [4], sizes = [1], strides = [1]} : vector<16xf32> to vector<1xf32>
        %squeeze3A_978 = vector.extract %slice3A_977[0] : f32 from vector<1xf32>
        %broadcast_in_dim3A_979 = vector.broadcast %squeeze3A_978 : f32 to vector<16xf32>
        %slice3A_980 = vector.extract_strided_slice %get3A_768 {offsets = [4], sizes = [1], strides = [1]} : vector<16xf32> to vector<1xf32>
        %squeeze3A_981 = vector.extract %slice3A_980[0] : f32 from vector<1xf32>
        %broadcast_in_dim3A_982 = vector.broadcast %squeeze3A_981 : f32 to vector<16xf32>
        %slice3A_983 = vector.extract_strided_slice %get3A_772 {offsets = [4], sizes = [1], strides = [1]} : vector<16xf32> to vector<1xf32>
        %squeeze3A_984 = vector.extract %slice3A_983[0] : f32 from vector<1xf32>
        %broadcast_in_dim3A_985 = vector.broadcast %squeeze3A_984 : f32 to vector<16xf32>
        %slice3A_986 = vector.extract_strided_slice %get3A_776 {offsets = [4], sizes = [1], strides = [1]} : vector<16xf32> to vector<1xf32>
        %squeeze3A_987 = vector.extract %slice3A_986[0] : f32 from vector<1xf32>
        %broadcast_in_dim3A_988 = vector.broadcast %squeeze3A_987 : f32 to vector<16xf32>
        %slice3A_989 = vector.extract_strided_slice %get3A_780 {offsets = [4], sizes = [1], strides = [1]} : vector<16xf32> to vector<1xf32>
        %squeeze3A_990 = vector.extract %slice3A_989[0] : f32 from vector<1xf32>
        %broadcast_in_dim3A_991 = vector.broadcast %squeeze3A_990 : f32 to vector<16xf32>
        %slice3A_992 = vector.extract_strided_slice %get3A_784 {offsets = [4], sizes = [1], strides = [1]} : vector<16xf32> to vector<1xf32>
        %squeeze3A_993 = vector.extract %slice3A_992[0] : f32 from vector<1xf32>
        %broadcast_in_dim3A_994 = vector.broadcast %squeeze3A_993 : f32 to vector<16xf32>
        %add3A_995 = arith.addi %mul3A_8, %get3A_927 : vector<16xi32>
        %add3A_996 = arith.addi %add3A_995, %broadcast_in_dim3A_9 : vector<16xi32>
        tpu.vector_store_idx %arg9[%add3A_996], %broadcast_in_dim3A_973 {add = true} : memref<23552xf32, #tpu.memory_space<vmem>>[vector<16xi32>], vector<16xf32>,
        %add3A_997 = arith.addi %add3A_995, %broadcast_in_dim3A_11 : vector<16xi32>
        tpu.vector_store_idx %arg9[%add3A_997], %broadcast_in_dim3A_976 {add = true} : memref<23552xf32, #tpu.memory_space<vmem>>[vector<16xi32>], vector<16xf32>,
        %add3A_998 = arith.addi %add3A_995, %broadcast_in_dim3A_13 : vector<16xi32>
        tpu.vector_store_idx %arg9[%add3A_998], %broadcast_in_dim3A_979 {add = true} : memref<23552xf32, #tpu.memory_space<vmem>>[vector<16xi32>], vector<16xf32>,
        %add3A_999 = arith.addi %add3A_995, %broadcast_in_dim3A_15 : vector<16xi32>
        tpu.vector_store_idx %arg9[%add3A_999], %broadcast_in_dim3A_982 {add = true} : memref<23552xf32, #tpu.memory_space<vmem>>[vector<16xi32>], vector<16xf32>,
        %add3A_1000 = arith.addi %add3A_995, %broadcast_in_dim3A_17 : vector<16xi32>
        tpu.vector_store_idx %arg9[%add3A_1000], %broadcast_in_dim3A_985 {add = true} : memref<23552xf32, #tpu.memory_space<vmem>>[vector<16xi32>], vector<16xf32>,
        %add3A_1001 = arith.addi %add3A_995, %broadcast_in_dim3A_19 : vector<16xi32>
        tpu.vector_store_idx %arg9[%add3A_1001], %broadcast_in_dim3A_988 {add = true} : memref<23552xf32, #tpu.memory_space<vmem>>[vector<16xi32>], vector<16xf32>,
        %add3A_1002 = arith.addi %add3A_995, %broadcast_in_dim3A_21 : vector<16xi32>
        tpu.vector_store_idx %arg9[%add3A_1002], %broadcast_in_dim3A_991 {add = true} : memref<23552xf32, #tpu.memory_space<vmem>>[vector<16xi32>], vector<16xf32>,
        %add3A_1003 = arith.addi %add3A_995, %broadcast_in_dim3A_23 : vector<16xi32>
        tpu.vector_store_idx %arg9[%add3A_1003], %broadcast_in_dim3A_994 {add = true} : memref<23552xf32, #tpu.memory_space<vmem>>[vector<16xi32>], vector<16xf32>,
        %add3A_1004 = arith.constant 5 : i32
        %add3A_1005 = arith.addi %mul3A_753, %add3A_1004 : i32
        %add3A_1006 = arith.constant 1 : i32
        %add3A_1007 = arith.addi %add3A_1005, %add3A_1006 : i32
        %mul3A_1008 = arith.constant 16 : i32
        %mul3A_1009 = arith.muli %add3A_1007, %mul3A_1008 : i32
        %add3A_1010 = arith.constant 0 : i32
        %add3A_1011 = arith.addi %mul3A_1009, %add3A_1010 : i32
        %get3A_1012 = arith.index_cast %add3A_1011 : i32 to index
        %get3A_1013 = tpu.vector_load %arg5[%get3A_1012] {strides = array<i32>} : memref<8192xi32, #tpu.memory_space<vmem>>, vector<16xi32>,
        %slice3A_1014 = vector.extract_strided_slice %get3A_756 {offsets = [5], sizes = [1], strides = [1]} : vector<16xf32> to vector<1xf32>
        %squeeze3A_1015 = vector.extract %slice3A_1014[0] : f32 from vector<1xf32>
        %broadcast_in_dim3A_1016 = vector.broadcast %squeeze3A_1015 : f32 to vector<16xf32>
        %slice3A_1017 = vector.extract_strided_slice %get3A_760 {offsets = [5], sizes = [1], strides = [1]} : vector<16xf32> to vector<1xf32>
        %squeeze3A_1018 = vector.extract %slice3A_1017[0] : f32 from vector<1xf32>
        %broadcast_in_dim3A_1019 = vector.broadcast %squeeze3A_1018 : f32 to vector<16xf32>
        %slice3A_1020 = vector.extract_strided_slice %get3A_764 {offsets = [5], sizes = [1], strides = [1]} : vector<16xf32> to vector<1xf32>
        %squeeze3A_1021 = vector.extract %slice3A_1020[0] : f32 from vector<1xf32>
        %broadcast_in_dim3A_1022 = vector.broadcast %squeeze3A_1021 : f32 to vector<16xf32>
        %slice3A_1023 = vector.extract_strided_slice %get3A_768 {offsets = [5], sizes = [1], strides = [1]} : vector<16xf32> to vector<1xf32>
        %squeeze3A_1024 = vector.extract %slice3A_1023[0] : f32 from vector<1xf32>
        %broadcast_in_dim3A_1025 = vector.broadcast %squeeze3A_1024 : f32 to vector<16xf32>
        %slice3A_1026 = vector.extract_strided_slice %get3A_772 {offsets = [5], sizes = [1], strides = [1]} : vector<16xf32> to vector<1xf32>
        %squeeze3A_1027 = vector.extract %slice3A_1026[0] : f32 from vector<1xf32>
        %broadcast_in_dim3A_1028 = vector.broadcast %squeeze3A_1027 : f32 to vector<16xf32>
        %slice3A_1029 = vector.extract_strided_slice %get3A_776 {offsets = [5], sizes = [1], strides = [1]} : vector<16xf32> to vector<1xf32>
        %squeeze3A_1030 = vector.extract %slice3A_1029[0] : f32 from vector<1xf32>
        %broadcast_in_dim3A_1031 = vector.broadcast %squeeze3A_1030 : f32 to vector<16xf32>
        %slice3A_1032 = vector.extract_strided_slice %get3A_780 {offsets = [5], sizes = [1], strides = [1]} : vector<16xf32> to vector<1xf32>
        %squeeze3A_1033 = vector.extract %slice3A_1032[0] : f32 from vector<1xf32>
        %broadcast_in_dim3A_1034 = vector.broadcast %squeeze3A_1033 : f32 to vector<16xf32>
        %slice3A_1035 = vector.extract_strided_slice %get3A_784 {offsets = [5], sizes = [1], strides = [1]} : vector<16xf32> to vector<1xf32>
        %squeeze3A_1036 = vector.extract %slice3A_1035[0] : f32 from vector<1xf32>
        %broadcast_in_dim3A_1037 = vector.broadcast %squeeze3A_1036 : f32 to vector<16xf32>
        %add3A_1038 = arith.addi %mul3A_8, %get3A_970 : vector<16xi32>
        %add3A_1039 = arith.addi %add3A_1038, %broadcast_in_dim3A_9 : vector<16xi32>
        tpu.vector_store_idx %arg9[%add3A_1039], %broadcast_in_dim3A_1016 {add = true} : memref<23552xf32, #tpu.memory_space<vmem>>[vector<16xi32>], vector<16xf32>,
        %add3A_1040 = arith.addi %add3A_1038, %broadcast_in_dim3A_11 : vector<16xi32>
        tpu.vector_store_idx %arg9[%add3A_1040], %broadcast_in_dim3A_1019 {add = true} : memref<23552xf32, #tpu.memory_space<vmem>>[vector<16xi32>], vector<16xf32>,
        %add3A_1041 = arith.addi %add3A_1038, %broadcast_in_dim3A_13 : vector<16xi32>
        tpu.vector_store_idx %arg9[%add3A_1041], %broadcast_in_dim3A_1022 {add = true} : memref<23552xf32, #tpu.memory_space<vmem>>[vector<16xi32>], vector<16xf32>,
        %add3A_1042 = arith.addi %add3A_1038, %broadcast_in_dim3A_15 : vector<16xi32>
        tpu.vector_store_idx %arg9[%add3A_1042], %broadcast_in_dim3A_1025 {add = true} : memref<23552xf32, #tpu.memory_space<vmem>>[vector<16xi32>], vector<16xf32>,
        %add3A_1043 = arith.addi %add3A_1038, %broadcast_in_dim3A_17 : vector<16xi32>
        tpu.vector_store_idx %arg9[%add3A_1043], %broadcast_in_dim3A_1028 {add = true} : memref<23552xf32, #tpu.memory_space<vmem>>[vector<16xi32>], vector<16xf32>,
        %add3A_1044 = arith.addi %add3A_1038, %broadcast_in_dim3A_19 : vector<16xi32>
        tpu.vector_store_idx %arg9[%add3A_1044], %broadcast_in_dim3A_1031 {add = true} : memref<23552xf32, #tpu.memory_space<vmem>>[vector<16xi32>], vector<16xf32>,
        %add3A_1045 = arith.addi %add3A_1038, %broadcast_in_dim3A_21 : vector<16xi32>
        tpu.vector_store_idx %arg9[%add3A_1045], %broadcast_in_dim3A_1034 {add = true} : memref<23552xf32, #tpu.memory_space<vmem>>[vector<16xi32>], vector<16xf32>,
        %add3A_1046 = arith.addi %add3A_1038, %broadcast_in_dim3A_23 : vector<16xi32>
        tpu.vector_store_idx %arg9[%add3A_1046], %broadcast_in_dim3A_1037 {add = true} : memref<23552xf32, #tpu.memory_space<vmem>>[vector<16xi32>], vector<16xf32>,
        %add3A_1047 = arith.constant 6 : i32
        %add3A_1048 = arith.addi %mul3A_753, %add3A_1047 : i32
        %add3A_1049 = arith.constant 1 : i32
        %add3A_1050 = arith.addi %add3A_1048, %add3A_1049 : i32
        %mul3A_1051 = arith.constant 16 : i32
        %mul3A_1052 = arith.muli %add3A_1050, %mul3A_1051 : i32
        %add3A_1053 = arith.constant 0 : i32
        %add3A_1054 = arith.addi %mul3A_1052, %add3A_1053 : i32
        %get3A_1055 = arith.index_cast %add3A_1054 : i32 to index
        %get3A_1056 = tpu.vector_load %arg5[%get3A_1055] {strides = array<i32>} : memref<8192xi32, #tpu.memory_space<vmem>>, vector<16xi32>,
        %slice3A_1057 = vector.extract_strided_slice %get3A_756 {offsets = [6], sizes = [1], strides = [1]} : vector<16xf32> to vector<1xf32>
        %squeeze3A_1058 = vector.extract %slice3A_1057[0] : f32 from vector<1xf32>
        %broadcast_in_dim3A_1059 = vector.broadcast %squeeze3A_1058 : f32 to vector<16xf32>
        %slice3A_1060 = vector.extract_strided_slice %get3A_760 {offsets = [6], sizes = [1], strides = [1]} : vector<16xf32> to vector<1xf32>
        %squeeze3A_1061 = vector.extract %slice3A_1060[0] : f32 from vector<1xf32>
        %broadcast_in_dim3A_1062 = vector.broadcast %squeeze3A_1061 : f32 to vector<16xf32>
        %slice3A_1063 = vector.extract_strided_slice %get3A_764 {offsets = [6], sizes = [1], strides = [1]} : vector<16xf32> to vector<1xf32>
        %squeeze3A_1064 = vector.extract %slice3A_1063[0] : f32 from vector<1xf32>
        %broadcast_in_dim3A_1065 = vector.broadcast %squeeze3A_1064 : f32 to vector<16xf32>
        %slice3A_1066 = vector.extract_strided_slice %get3A_768 {offsets = [6], sizes = [1], strides = [1]} : vector<16xf32> to vector<1xf32>
        %squeeze3A_1067 = vector.extract %slice3A_1066[0] : f32 from vector<1xf32>
        %broadcast_in_dim3A_1068 = vector.broadcast %squeeze3A_1067 : f32 to vector<16xf32>
        %slice3A_1069 = vector.extract_strided_slice %get3A_772 {offsets = [6], sizes = [1], strides = [1]} : vector<16xf32> to vector<1xf32>
        %squeeze3A_1070 = vector.extract %slice3A_1069[0] : f32 from vector<1xf32>
        %broadcast_in_dim3A_1071 = vector.broadcast %squeeze3A_1070 : f32 to vector<16xf32>
        %slice3A_1072 = vector.extract_strided_slice %get3A_776 {offsets = [6], sizes = [1], strides = [1]} : vector<16xf32> to vector<1xf32>
        %squeeze3A_1073 = vector.extract %slice3A_1072[0] : f32 from vector<1xf32>
        %broadcast_in_dim3A_1074 = vector.broadcast %squeeze3A_1073 : f32 to vector<16xf32>
        %slice3A_1075 = vector.extract_strided_slice %get3A_780 {offsets = [6], sizes = [1], strides = [1]} : vector<16xf32> to vector<1xf32>
        %squeeze3A_1076 = vector.extract %slice3A_1075[0] : f32 from vector<1xf32>
        %broadcast_in_dim3A_1077 = vector.broadcast %squeeze3A_1076 : f32 to vector<16xf32>
        %slice3A_1078 = vector.extract_strided_slice %get3A_784 {offsets = [6], sizes = [1], strides = [1]} : vector<16xf32> to vector<1xf32>
        %squeeze3A_1079 = vector.extract %slice3A_1078[0] : f32 from vector<1xf32>
        %broadcast_in_dim3A_1080 = vector.broadcast %squeeze3A_1079 : f32 to vector<16xf32>
        %add3A_1081 = arith.addi %mul3A_8, %get3A_1013 : vector<16xi32>
        %add3A_1082 = arith.addi %add3A_1081, %broadcast_in_dim3A_9 : vector<16xi32>
        tpu.vector_store_idx %arg9[%add3A_1082], %broadcast_in_dim3A_1059 {add = true} : memref<23552xf32, #tpu.memory_space<vmem>>[vector<16xi32>], vector<16xf32>,
        %add3A_1083 = arith.addi %add3A_1081, %broadcast_in_dim3A_11 : vector<16xi32>
        tpu.vector_store_idx %arg9[%add3A_1083], %broadcast_in_dim3A_1062 {add = true} : memref<23552xf32, #tpu.memory_space<vmem>>[vector<16xi32>], vector<16xf32>,
        %add3A_1084 = arith.addi %add3A_1081, %broadcast_in_dim3A_13 : vector<16xi32>
        tpu.vector_store_idx %arg9[%add3A_1084], %broadcast_in_dim3A_1065 {add = true} : memref<23552xf32, #tpu.memory_space<vmem>>[vector<16xi32>], vector<16xf32>,
        %add3A_1085 = arith.addi %add3A_1081, %broadcast_in_dim3A_15 : vector<16xi32>
        tpu.vector_store_idx %arg9[%add3A_1085], %broadcast_in_dim3A_1068 {add = true} : memref<23552xf32, #tpu.memory_space<vmem>>[vector<16xi32>], vector<16xf32>,
        %add3A_1086 = arith.addi %add3A_1081, %broadcast_in_dim3A_17 : vector<16xi32>
        tpu.vector_store_idx %arg9[%add3A_1086], %broadcast_in_dim3A_1071 {add = true} : memref<23552xf32, #tpu.memory_space<vmem>>[vector<16xi32>], vector<16xf32>,
        %add3A_1087 = arith.addi %add3A_1081, %broadcast_in_dim3A_19 : vector<16xi32>
        tpu.vector_store_idx %arg9[%add3A_1087], %broadcast_in_dim3A_1074 {add = true} : memref<23552xf32, #tpu.memory_space<vmem>>[vector<16xi32>], vector<16xf32>,
        %add3A_1088 = arith.addi %add3A_1081, %broadcast_in_dim3A_21 : vector<16xi32>
        tpu.vector_store_idx %arg9[%add3A_1088], %broadcast_in_dim3A_1077 {add = true} : memref<23552xf32, #tpu.memory_space<vmem>>[vector<16xi32>], vector<16xf32>,
        %add3A_1089 = arith.addi %add3A_1081, %broadcast_in_dim3A_23 : vector<16xi32>
        tpu.vector_store_idx %arg9[%add3A_1089], %broadcast_in_dim3A_1080 {add = true} : memref<23552xf32, #tpu.memory_space<vmem>>[vector<16xi32>], vector<16xf32>,
        %add3A_1090 = arith.constant 7 : i32
        %add3A_1091 = arith.addi %mul3A_753, %add3A_1090 : i32
        %add3A_1092 = arith.constant 1 : i32
        %add3A_1093 = arith.addi %add3A_1091, %add3A_1092 : i32
        %mul3A_1094 = arith.constant 16 : i32
        %mul3A_1095 = arith.muli %add3A_1093, %mul3A_1094 : i32
        %add3A_1096 = arith.constant 0 : i32
        %add3A_1097 = arith.addi %mul3A_1095, %add3A_1096 : i32
        %get3A_1098 = arith.index_cast %add3A_1097 : i32 to index
        %get3A_1099 = tpu.vector_load %arg5[%get3A_1098] {strides = array<i32>} : memref<8192xi32, #tpu.memory_space<vmem>>, vector<16xi32>,
        %slice3A_1100 = vector.extract_strided_slice %get3A_756 {offsets = [7], sizes = [1], strides = [1]} : vector<16xf32> to vector<1xf32>
        %squeeze3A_1101 = vector.extract %slice3A_1100[0] : f32 from vector<1xf32>
        %broadcast_in_dim3A_1102 = vector.broadcast %squeeze3A_1101 : f32 to vector<16xf32>
        %slice3A_1103 = vector.extract_strided_slice %get3A_760 {offsets = [7], sizes = [1], strides = [1]} : vector<16xf32> to vector<1xf32>
        %squeeze3A_1104 = vector.extract %slice3A_1103[0] : f32 from vector<1xf32>
        %broadcast_in_dim3A_1105 = vector.broadcast %squeeze3A_1104 : f32 to vector<16xf32>
        %slice3A_1106 = vector.extract_strided_slice %get3A_764 {offsets = [7], sizes = [1], strides = [1]} : vector<16xf32> to vector<1xf32>
        %squeeze3A_1107 = vector.extract %slice3A_1106[0] : f32 from vector<1xf32>
        %broadcast_in_dim3A_1108 = vector.broadcast %squeeze3A_1107 : f32 to vector<16xf32>
        %slice3A_1109 = vector.extract_strided_slice %get3A_768 {offsets = [7], sizes = [1], strides = [1]} : vector<16xf32> to vector<1xf32>
        %squeeze3A_1110 = vector.extract %slice3A_1109[0] : f32 from vector<1xf32>
        %broadcast_in_dim3A_1111 = vector.broadcast %squeeze3A_1110 : f32 to vector<16xf32>
        %slice3A_1112 = vector.extract_strided_slice %get3A_772 {offsets = [7], sizes = [1], strides = [1]} : vector<16xf32> to vector<1xf32>
        %squeeze3A_1113 = vector.extract %slice3A_1112[0] : f32 from vector<1xf32>
        %broadcast_in_dim3A_1114 = vector.broadcast %squeeze3A_1113 : f32 to vector<16xf32>
        %slice3A_1115 = vector.extract_strided_slice %get3A_776 {offsets = [7], sizes = [1], strides = [1]} : vector<16xf32> to vector<1xf32>
        %squeeze3A_1116 = vector.extract %slice3A_1115[0] : f32 from vector<1xf32>
        %broadcast_in_dim3A_1117 = vector.broadcast %squeeze3A_1116 : f32 to vector<16xf32>
        %slice3A_1118 = vector.extract_strided_slice %get3A_780 {offsets = [7], sizes = [1], strides = [1]} : vector<16xf32> to vector<1xf32>
        %squeeze3A_1119 = vector.extract %slice3A_1118[0] : f32 from vector<1xf32>
        %broadcast_in_dim3A_1120 = vector.broadcast %squeeze3A_1119 : f32 to vector<16xf32>
        %slice3A_1121 = vector.extract_strided_slice %get3A_784 {offsets = [7], sizes = [1], strides = [1]} : vector<16xf32> to vector<1xf32>
        %squeeze3A_1122 = vector.extract %slice3A_1121[0] : f32 from vector<1xf32>
        %broadcast_in_dim3A_1123 = vector.broadcast %squeeze3A_1122 : f32 to vector<16xf32>
        %add3A_1124 = arith.addi %mul3A_8, %get3A_1056 : vector<16xi32>
        %add3A_1125 = arith.addi %add3A_1124, %broadcast_in_dim3A_9 : vector<16xi32>
        tpu.vector_store_idx %arg9[%add3A_1125], %broadcast_in_dim3A_1102 {add = true} : memref<23552xf32, #tpu.memory_space<vmem>>[vector<16xi32>], vector<16xf32>,
        %add3A_1126 = arith.addi %add3A_1124, %broadcast_in_dim3A_11 : vector<16xi32>
        tpu.vector_store_idx %arg9[%add3A_1126], %broadcast_in_dim3A_1105 {add = true} : memref<23552xf32, #tpu.memory_space<vmem>>[vector<16xi32>], vector<16xf32>,
        %add3A_1127 = arith.addi %add3A_1124, %broadcast_in_dim3A_13 : vector<16xi32>
        tpu.vector_store_idx %arg9[%add3A_1127], %broadcast_in_dim3A_1108 {add = true} : memref<23552xf32, #tpu.memory_space<vmem>>[vector<16xi32>], vector<16xf32>,
        %add3A_1128 = arith.addi %add3A_1124, %broadcast_in_dim3A_15 : vector<16xi32>
        tpu.vector_store_idx %arg9[%add3A_1128], %broadcast_in_dim3A_1111 {add = true} : memref<23552xf32, #tpu.memory_space<vmem>>[vector<16xi32>], vector<16xf32>,
        %add3A_1129 = arith.addi %add3A_1124, %broadcast_in_dim3A_17 : vector<16xi32>
        tpu.vector_store_idx %arg9[%add3A_1129], %broadcast_in_dim3A_1114 {add = true} : memref<23552xf32, #tpu.memory_space<vmem>>[vector<16xi32>], vector<16xf32>,
        %add3A_1130 = arith.addi %add3A_1124, %broadcast_in_dim3A_19 : vector<16xi32>
        tpu.vector_store_idx %arg9[%add3A_1130], %broadcast_in_dim3A_1117 {add = true} : memref<23552xf32, #tpu.memory_space<vmem>>[vector<16xi32>], vector<16xf32>,
        %add3A_1131 = arith.addi %add3A_1124, %broadcast_in_dim3A_21 : vector<16xi32>
        tpu.vector_store_idx %arg9[%add3A_1131], %broadcast_in_dim3A_1120 {add = true} : memref<23552xf32, #tpu.memory_space<vmem>>[vector<16xi32>], vector<16xf32>,
        %add3A_1132 = arith.addi %add3A_1124, %broadcast_in_dim3A_23 : vector<16xi32>
        tpu.vector_store_idx %arg9[%add3A_1132], %broadcast_in_dim3A_1123 {add = true} : memref<23552xf32, #tpu.memory_space<vmem>>[vector<16xi32>], vector<16xf32>,
        %add3A_1133 = arith.constant 8 : i32
        %add3A_1134 = arith.addi %mul3A_753, %add3A_1133 : i32
        %add3A_1135 = arith.constant 1 : i32
        %add3A_1136 = arith.addi %add3A_1134, %add3A_1135 : i32
        %mul3A_1137 = arith.constant 16 : i32
        %mul3A_1138 = arith.muli %add3A_1136, %mul3A_1137 : i32
        %add3A_1139 = arith.constant 0 : i32
        %add3A_1140 = arith.addi %mul3A_1138, %add3A_1139 : i32
        %get3A_1141 = arith.index_cast %add3A_1140 : i32 to index
        %get3A_1142 = tpu.vector_load %arg5[%get3A_1141] {strides = array<i32>} : memref<8192xi32, #tpu.memory_space<vmem>>, vector<16xi32>,
        %slice3A_1143 = vector.extract_strided_slice %get3A_756 {offsets = [8], sizes = [1], strides = [1]} : vector<16xf32> to vector<1xf32>
        %squeeze3A_1144 = vector.extract %slice3A_1143[0] : f32 from vector<1xf32>
        %broadcast_in_dim3A_1145 = vector.broadcast %squeeze3A_1144 : f32 to vector<16xf32>
        %slice3A_1146 = vector.extract_strided_slice %get3A_760 {offsets = [8], sizes = [1], strides = [1]} : vector<16xf32> to vector<1xf32>
        %squeeze3A_1147 = vector.extract %slice3A_1146[0] : f32 from vector<1xf32>
        %broadcast_in_dim3A_1148 = vector.broadcast %squeeze3A_1147 : f32 to vector<16xf32>
        %slice3A_1149 = vector.extract_strided_slice %get3A_764 {offsets = [8], sizes = [1], strides = [1]} : vector<16xf32> to vector<1xf32>
        %squeeze3A_1150 = vector.extract %slice3A_1149[0] : f32 from vector<1xf32>
        %broadcast_in_dim3A_1151 = vector.broadcast %squeeze3A_1150 : f32 to vector<16xf32>
        %slice3A_1152 = vector.extract_strided_slice %get3A_768 {offsets = [8], sizes = [1], strides = [1]} : vector<16xf32> to vector<1xf32>
        %squeeze3A_1153 = vector.extract %slice3A_1152[0] : f32 from vector<1xf32>
        %broadcast_in_dim3A_1154 = vector.broadcast %squeeze3A_1153 : f32 to vector<16xf32>
        %slice3A_1155 = vector.extract_strided_slice %get3A_772 {offsets = [8], sizes = [1], strides = [1]} : vector<16xf32> to vector<1xf32>
        %squeeze3A_1156 = vector.extract %slice3A_1155[0] : f32 from vector<1xf32>
        %broadcast_in_dim3A_1157 = vector.broadcast %squeeze3A_1156 : f32 to vector<16xf32>
        %slice3A_1158 = vector.extract_strided_slice %get3A_776 {offsets = [8], sizes = [1], strides = [1]} : vector<16xf32> to vector<1xf32>
        %squeeze3A_1159 = vector.extract %slice3A_1158[0] : f32 from vector<1xf32>
        %broadcast_in_dim3A_1160 = vector.broadcast %squeeze3A_1159 : f32 to vector<16xf32>
        %slice3A_1161 = vector.extract_strided_slice %get3A_780 {offsets = [8], sizes = [1], strides = [1]} : vector<16xf32> to vector<1xf32>
        %squeeze3A_1162 = vector.extract %slice3A_1161[0] : f32 from vector<1xf32>
        %broadcast_in_dim3A_1163 = vector.broadcast %squeeze3A_1162 : f32 to vector<16xf32>
        %slice3A_1164 = vector.extract_strided_slice %get3A_784 {offsets = [8], sizes = [1], strides = [1]} : vector<16xf32> to vector<1xf32>
        %squeeze3A_1165 = vector.extract %slice3A_1164[0] : f32 from vector<1xf32>
        %broadcast_in_dim3A_1166 = vector.broadcast %squeeze3A_1165 : f32 to vector<16xf32>
        %add3A_1167 = arith.addi %mul3A_8, %get3A_1099 : vector<16xi32>
        %add3A_1168 = arith.addi %add3A_1167, %broadcast_in_dim3A_9 : vector<16xi32>
        tpu.vector_store_idx %arg9[%add3A_1168], %broadcast_in_dim3A_1145 {add = true} : memref<23552xf32, #tpu.memory_space<vmem>>[vector<16xi32>], vector<16xf32>,
        %add3A_1169 = arith.addi %add3A_1167, %broadcast_in_dim3A_11 : vector<16xi32>
        tpu.vector_store_idx %arg9[%add3A_1169], %broadcast_in_dim3A_1148 {add = true} : memref<23552xf32, #tpu.memory_space<vmem>>[vector<16xi32>], vector<16xf32>,
        %add3A_1170 = arith.addi %add3A_1167, %broadcast_in_dim3A_13 : vector<16xi32>
        tpu.vector_store_idx %arg9[%add3A_1170], %broadcast_in_dim3A_1151 {add = true} : memref<23552xf32, #tpu.memory_space<vmem>>[vector<16xi32>], vector<16xf32>,
        %add3A_1171 = arith.addi %add3A_1167, %broadcast_in_dim3A_15 : vector<16xi32>
        tpu.vector_store_idx %arg9[%add3A_1171], %broadcast_in_dim3A_1154 {add = true} : memref<23552xf32, #tpu.memory_space<vmem>>[vector<16xi32>], vector<16xf32>,
        %add3A_1172 = arith.addi %add3A_1167, %broadcast_in_dim3A_17 : vector<16xi32>
        tpu.vector_store_idx %arg9[%add3A_1172], %broadcast_in_dim3A_1157 {add = true} : memref<23552xf32, #tpu.memory_space<vmem>>[vector<16xi32>], vector<16xf32>,
        %add3A_1173 = arith.addi %add3A_1167, %broadcast_in_dim3A_19 : vector<16xi32>
        tpu.vector_store_idx %arg9[%add3A_1173], %broadcast_in_dim3A_1160 {add = true} : memref<23552xf32, #tpu.memory_space<vmem>>[vector<16xi32>], vector<16xf32>,
        %add3A_1174 = arith.addi %add3A_1167, %broadcast_in_dim3A_21 : vector<16xi32>
        tpu.vector_store_idx %arg9[%add3A_1174], %broadcast_in_dim3A_1163 {add = true} : memref<23552xf32, #tpu.memory_space<vmem>>[vector<16xi32>], vector<16xf32>,
        %add3A_1175 = arith.addi %add3A_1167, %broadcast_in_dim3A_23 : vector<16xi32>
        tpu.vector_store_idx %arg9[%add3A_1175], %broadcast_in_dim3A_1166 {add = true} : memref<23552xf32, #tpu.memory_space<vmem>>[vector<16xi32>], vector<16xf32>,
        %add3A_1176 = arith.constant 9 : i32
        %add3A_1177 = arith.addi %mul3A_753, %add3A_1176 : i32
        %add3A_1178 = arith.constant 1 : i32
        %add3A_1179 = arith.addi %add3A_1177, %add3A_1178 : i32
        %mul3A_1180 = arith.constant 16 : i32
        %mul3A_1181 = arith.muli %add3A_1179, %mul3A_1180 : i32
        %add3A_1182 = arith.constant 0 : i32
        %add3A_1183 = arith.addi %mul3A_1181, %add3A_1182 : i32
        %get3A_1184 = arith.index_cast %add3A_1183 : i32 to index
        %get3A_1185 = tpu.vector_load %arg5[%get3A_1184] {strides = array<i32>} : memref<8192xi32, #tpu.memory_space<vmem>>, vector<16xi32>,
        %slice3A_1186 = vector.extract_strided_slice %get3A_756 {offsets = [9], sizes = [1], strides = [1]} : vector<16xf32> to vector<1xf32>
        %squeeze3A_1187 = vector.extract %slice3A_1186[0] : f32 from vector<1xf32>
        %broadcast_in_dim3A_1188 = vector.broadcast %squeeze3A_1187 : f32 to vector<16xf32>
        %slice3A_1189 = vector.extract_strided_slice %get3A_760 {offsets = [9], sizes = [1], strides = [1]} : vector<16xf32> to vector<1xf32>
        %squeeze3A_1190 = vector.extract %slice3A_1189[0] : f32 from vector<1xf32>
        %broadcast_in_dim3A_1191 = vector.broadcast %squeeze3A_1190 : f32 to vector<16xf32>
        %slice3A_1192 = vector.extract_strided_slice %get3A_764 {offsets = [9], sizes = [1], strides = [1]} : vector<16xf32> to vector<1xf32>
        %squeeze3A_1193 = vector.extract %slice3A_1192[0] : f32 from vector<1xf32>
        %broadcast_in_dim3A_1194 = vector.broadcast %squeeze3A_1193 : f32 to vector<16xf32>
        %slice3A_1195 = vector.extract_strided_slice %get3A_768 {offsets = [9], sizes = [1], strides = [1]} : vector<16xf32> to vector<1xf32>
        %squeeze3A_1196 = vector.extract %slice3A_1195[0] : f32 from vector<1xf32>
        %broadcast_in_dim3A_1197 = vector.broadcast %squeeze3A_1196 : f32 to vector<16xf32>
        %slice3A_1198 = vector.extract_strided_slice %get3A_772 {offsets = [9], sizes = [1], strides = [1]} : vector<16xf32> to vector<1xf32>
        %squeeze3A_1199 = vector.extract %slice3A_1198[0] : f32 from vector<1xf32>
        %broadcast_in_dim3A_1200 = vector.broadcast %squeeze3A_1199 : f32 to vector<16xf32>
        %slice3A_1201 = vector.extract_strided_slice %get3A_776 {offsets = [9], sizes = [1], strides = [1]} : vector<16xf32> to vector<1xf32>
        %squeeze3A_1202 = vector.extract %slice3A_1201[0] : f32 from vector<1xf32>
        %broadcast_in_dim3A_1203 = vector.broadcast %squeeze3A_1202 : f32 to vector<16xf32>
        %slice3A_1204 = vector.extract_strided_slice %get3A_780 {offsets = [9], sizes = [1], strides = [1]} : vector<16xf32> to vector<1xf32>
        %squeeze3A_1205 = vector.extract %slice3A_1204[0] : f32 from vector<1xf32>
        %broadcast_in_dim3A_1206 = vector.broadcast %squeeze3A_1205 : f32 to vector<16xf32>
        %slice3A_1207 = vector.extract_strided_slice %get3A_784 {offsets = [9], sizes = [1], strides = [1]} : vector<16xf32> to vector<1xf32>
        %squeeze3A_1208 = vector.extract %slice3A_1207[0] : f32 from vector<1xf32>
        %broadcast_in_dim3A_1209 = vector.broadcast %squeeze3A_1208 : f32 to vector<16xf32>
        %add3A_1210 = arith.addi %mul3A_8, %get3A_1142 : vector<16xi32>
        %add3A_1211 = arith.addi %add3A_1210, %broadcast_in_dim3A_9 : vector<16xi32>
        tpu.vector_store_idx %arg9[%add3A_1211], %broadcast_in_dim3A_1188 {add = true} : memref<23552xf32, #tpu.memory_space<vmem>>[vector<16xi32>], vector<16xf32>,
        %add3A_1212 = arith.addi %add3A_1210, %broadcast_in_dim3A_11 : vector<16xi32>
        tpu.vector_store_idx %arg9[%add3A_1212], %broadcast_in_dim3A_1191 {add = true} : memref<23552xf32, #tpu.memory_space<vmem>>[vector<16xi32>], vector<16xf32>,
        %add3A_1213 = arith.addi %add3A_1210, %broadcast_in_dim3A_13 : vector<16xi32>
        tpu.vector_store_idx %arg9[%add3A_1213], %broadcast_in_dim3A_1194 {add = true} : memref<23552xf32, #tpu.memory_space<vmem>>[vector<16xi32>], vector<16xf32>,
        %add3A_1214 = arith.addi %add3A_1210, %broadcast_in_dim3A_15 : vector<16xi32>
        tpu.vector_store_idx %arg9[%add3A_1214], %broadcast_in_dim3A_1197 {add = true} : memref<23552xf32, #tpu.memory_space<vmem>>[vector<16xi32>], vector<16xf32>,
        %add3A_1215 = arith.addi %add3A_1210, %broadcast_in_dim3A_17 : vector<16xi32>
        tpu.vector_store_idx %arg9[%add3A_1215], %broadcast_in_dim3A_1200 {add = true} : memref<23552xf32, #tpu.memory_space<vmem>>[vector<16xi32>], vector<16xf32>,
        %add3A_1216 = arith.addi %add3A_1210, %broadcast_in_dim3A_19 : vector<16xi32>
        tpu.vector_store_idx %arg9[%add3A_1216], %broadcast_in_dim3A_1203 {add = true} : memref<23552xf32, #tpu.memory_space<vmem>>[vector<16xi32>], vector<16xf32>,
        %add3A_1217 = arith.addi %add3A_1210, %broadcast_in_dim3A_21 : vector<16xi32>
        tpu.vector_store_idx %arg9[%add3A_1217], %broadcast_in_dim3A_1206 {add = true} : memref<23552xf32, #tpu.memory_space<vmem>>[vector<16xi32>], vector<16xf32>,
        %add3A_1218 = arith.addi %add3A_1210, %broadcast_in_dim3A_23 : vector<16xi32>
        tpu.vector_store_idx %arg9[%add3A_1218], %broadcast_in_dim3A_1209 {add = true} : memref<23552xf32, #tpu.memory_space<vmem>>[vector<16xi32>], vector<16xf32>,
        %add3A_1219 = arith.constant 10 : i32
        %add3A_1220 = arith.addi %mul3A_753, %add3A_1219 : i32
        %add3A_1221 = arith.constant 1 : i32
        %add3A_1222 = arith.addi %add3A_1220, %add3A_1221 : i32
        %mul3A_1223 = arith.constant 16 : i32
        %mul3A_1224 = arith.muli %add3A_1222, %mul3A_1223 : i32
        %add3A_1225 = arith.constant 0 : i32
        %add3A_1226 = arith.addi %mul3A_1224, %add3A_1225 : i32
        %get3A_1227 = arith.index_cast %add3A_1226 : i32 to index
        %get3A_1228 = tpu.vector_load %arg5[%get3A_1227] {strides = array<i32>} : memref<8192xi32, #tpu.memory_space<vmem>>, vector<16xi32>,
        %slice3A_1229 = vector.extract_strided_slice %get3A_756 {offsets = [10], sizes = [1], strides = [1]} : vector<16xf32> to vector<1xf32>
        %squeeze3A_1230 = vector.extract %slice3A_1229[0] : f32 from vector<1xf32>
        %broadcast_in_dim3A_1231 = vector.broadcast %squeeze3A_1230 : f32 to vector<16xf32>
        %slice3A_1232 = vector.extract_strided_slice %get3A_760 {offsets = [10], sizes = [1], strides = [1]} : vector<16xf32> to vector<1xf32>
        %squeeze3A_1233 = vector.extract %slice3A_1232[0] : f32 from vector<1xf32>
        %broadcast_in_dim3A_1234 = vector.broadcast %squeeze3A_1233 : f32 to vector<16xf32>
        %slice3A_1235 = vector.extract_strided_slice %get3A_764 {offsets = [10], sizes = [1], strides = [1]} : vector<16xf32> to vector<1xf32>
        %squeeze3A_1236 = vector.extract %slice3A_1235[0] : f32 from vector<1xf32>
        %broadcast_in_dim3A_1237 = vector.broadcast %squeeze3A_1236 : f32 to vector<16xf32>
        %slice3A_1238 = vector.extract_strided_slice %get3A_768 {offsets = [10], sizes = [1], strides = [1]} : vector<16xf32> to vector<1xf32>
        %squeeze3A_1239 = vector.extract %slice3A_1238[0] : f32 from vector<1xf32>
        %broadcast_in_dim3A_1240 = vector.broadcast %squeeze3A_1239 : f32 to vector<16xf32>
        %slice3A_1241 = vector.extract_strided_slice %get3A_772 {offsets = [10], sizes = [1], strides = [1]} : vector<16xf32> to vector<1xf32>
        %squeeze3A_1242 = vector.extract %slice3A_1241[0] : f32 from vector<1xf32>
        %broadcast_in_dim3A_1243 = vector.broadcast %squeeze3A_1242 : f32 to vector<16xf32>
        %slice3A_1244 = vector.extract_strided_slice %get3A_776 {offsets = [10], sizes = [1], strides = [1]} : vector<16xf32> to vector<1xf32>
        %squeeze3A_1245 = vector.extract %slice3A_1244[0] : f32 from vector<1xf32>
        %broadcast_in_dim3A_1246 = vector.broadcast %squeeze3A_1245 : f32 to vector<16xf32>
        %slice3A_1247 = vector.extract_strided_slice %get3A_780 {offsets = [10], sizes = [1], strides = [1]} : vector<16xf32> to vector<1xf32>
        %squeeze3A_1248 = vector.extract %slice3A_1247[0] : f32 from vector<1xf32>
        %broadcast_in_dim3A_1249 = vector.broadcast %squeeze3A_1248 : f32 to vector<16xf32>
        %slice3A_1250 = vector.extract_strided_slice %get3A_784 {offsets = [10], sizes = [1], strides = [1]} : vector<16xf32> to vector<1xf32>
        %squeeze3A_1251 = vector.extract %slice3A_1250[0] : f32 from vector<1xf32>
        %broadcast_in_dim3A_1252 = vector.broadcast %squeeze3A_1251 : f32 to vector<16xf32>
        %add3A_1253 = arith.addi %mul3A_8, %get3A_1185 : vector<16xi32>
        %add3A_1254 = arith.addi %add3A_1253, %broadcast_in_dim3A_9 : vector<16xi32>
        tpu.vector_store_idx %arg9[%add3A_1254], %broadcast_in_dim3A_1231 {add = true} : memref<23552xf32, #tpu.memory_space<vmem>>[vector<16xi32>], vector<16xf32>,
        %add3A_1255 = arith.addi %add3A_1253, %broadcast_in_dim3A_11 : vector<16xi32>
        tpu.vector_store_idx %arg9[%add3A_1255], %broadcast_in_dim3A_1234 {add = true} : memref<23552xf32, #tpu.memory_space<vmem>>[vector<16xi32>], vector<16xf32>,
        %add3A_1256 = arith.addi %add3A_1253, %broadcast_in_dim3A_13 : vector<16xi32>
        tpu.vector_store_idx %arg9[%add3A_1256], %broadcast_in_dim3A_1237 {add = true} : memref<23552xf32, #tpu.memory_space<vmem>>[vector<16xi32>], vector<16xf32>,
        %add3A_1257 = arith.addi %add3A_1253, %broadcast_in_dim3A_15 : vector<16xi32>
        tpu.vector_store_idx %arg9[%add3A_1257], %broadcast_in_dim3A_1240 {add = true} : memref<23552xf32, #tpu.memory_space<vmem>>[vector<16xi32>], vector<16xf32>,
        %add3A_1258 = arith.addi %add3A_1253, %broadcast_in_dim3A_17 : vector<16xi32>
        tpu.vector_store_idx %arg9[%add3A_1258], %broadcast_in_dim3A_1243 {add = true} : memref<23552xf32, #tpu.memory_space<vmem>>[vector<16xi32>], vector<16xf32>,
        %add3A_1259 = arith.addi %add3A_1253, %broadcast_in_dim3A_19 : vector<16xi32>
        tpu.vector_store_idx %arg9[%add3A_1259], %broadcast_in_dim3A_1246 {add = true} : memref<23552xf32, #tpu.memory_space<vmem>>[vector<16xi32>], vector<16xf32>,
        %add3A_1260 = arith.addi %add3A_1253, %broadcast_in_dim3A_21 : vector<16xi32>
        tpu.vector_store_idx %arg9[%add3A_1260], %broadcast_in_dim3A_1249 {add = true} : memref<23552xf32, #tpu.memory_space<vmem>>[vector<16xi32>], vector<16xf32>,
        %add3A_1261 = arith.addi %add3A_1253, %broadcast_in_dim3A_23 : vector<16xi32>
        tpu.vector_store_idx %arg9[%add3A_1261], %broadcast_in_dim3A_1252 {add = true} : memref<23552xf32, #tpu.memory_space<vmem>>[vector<16xi32>], vector<16xf32>,
        %add3A_1262 = arith.constant 11 : i32
        %add3A_1263 = arith.addi %mul3A_753, %add3A_1262 : i32
        %add3A_1264 = arith.constant 1 : i32
        %add3A_1265 = arith.addi %add3A_1263, %add3A_1264 : i32
        %mul3A_1266 = arith.constant 16 : i32
        %mul3A_1267 = arith.muli %add3A_1265, %mul3A_1266 : i32
        %add3A_1268 = arith.constant 0 : i32
        %add3A_1269 = arith.addi %mul3A_1267, %add3A_1268 : i32
        %get3A_1270 = arith.index_cast %add3A_1269 : i32 to index
        %get3A_1271 = tpu.vector_load %arg5[%get3A_1270] {strides = array<i32>} : memref<8192xi32, #tpu.memory_space<vmem>>, vector<16xi32>,
        %slice3A_1272 = vector.extract_strided_slice %get3A_756 {offsets = [11], sizes = [1], strides = [1]} : vector<16xf32> to vector<1xf32>
        %squeeze3A_1273 = vector.extract %slice3A_1272[0] : f32 from vector<1xf32>
        %broadcast_in_dim3A_1274 = vector.broadcast %squeeze3A_1273 : f32 to vector<16xf32>
        %slice3A_1275 = vector.extract_strided_slice %get3A_760 {offsets = [11], sizes = [1], strides = [1]} : vector<16xf32> to vector<1xf32>
        %squeeze3A_1276 = vector.extract %slice3A_1275[0] : f32 from vector<1xf32>
        %broadcast_in_dim3A_1277 = vector.broadcast %squeeze3A_1276 : f32 to vector<16xf32>
        %slice3A_1278 = vector.extract_strided_slice %get3A_764 {offsets = [11], sizes = [1], strides = [1]} : vector<16xf32> to vector<1xf32>
        %squeeze3A_1279 = vector.extract %slice3A_1278[0] : f32 from vector<1xf32>
        %broadcast_in_dim3A_1280 = vector.broadcast %squeeze3A_1279 : f32 to vector<16xf32>
        %slice3A_1281 = vector.extract_strided_slice %get3A_768 {offsets = [11], sizes = [1], strides = [1]} : vector<16xf32> to vector<1xf32>
        %squeeze3A_1282 = vector.extract %slice3A_1281[0] : f32 from vector<1xf32>
        %broadcast_in_dim3A_1283 = vector.broadcast %squeeze3A_1282 : f32 to vector<16xf32>
        %slice3A_1284 = vector.extract_strided_slice %get3A_772 {offsets = [11], sizes = [1], strides = [1]} : vector<16xf32> to vector<1xf32>
        %squeeze3A_1285 = vector.extract %slice3A_1284[0] : f32 from vector<1xf32>
        %broadcast_in_dim3A_1286 = vector.broadcast %squeeze3A_1285 : f32 to vector<16xf32>
        %slice3A_1287 = vector.extract_strided_slice %get3A_776 {offsets = [11], sizes = [1], strides = [1]} : vector<16xf32> to vector<1xf32>
        %squeeze3A_1288 = vector.extract %slice3A_1287[0] : f32 from vector<1xf32>
        %broadcast_in_dim3A_1289 = vector.broadcast %squeeze3A_1288 : f32 to vector<16xf32>
        %slice3A_1290 = vector.extract_strided_slice %get3A_780 {offsets = [11], sizes = [1], strides = [1]} : vector<16xf32> to vector<1xf32>
        %squeeze3A_1291 = vector.extract %slice3A_1290[0] : f32 from vector<1xf32>
        %broadcast_in_dim3A_1292 = vector.broadcast %squeeze3A_1291 : f32 to vector<16xf32>
        %slice3A_1293 = vector.extract_strided_slice %get3A_784 {offsets = [11], sizes = [1], strides = [1]} : vector<16xf32> to vector<1xf32>
        %squeeze3A_1294 = vector.extract %slice3A_1293[0] : f32 from vector<1xf32>
        %broadcast_in_dim3A_1295 = vector.broadcast %squeeze3A_1294 : f32 to vector<16xf32>
        %add3A_1296 = arith.addi %mul3A_8, %get3A_1228 : vector<16xi32>
        %add3A_1297 = arith.addi %add3A_1296, %broadcast_in_dim3A_9 : vector<16xi32>
        tpu.vector_store_idx %arg9[%add3A_1297], %broadcast_in_dim3A_1274 {add = true} : memref<23552xf32, #tpu.memory_space<vmem>>[vector<16xi32>], vector<16xf32>,
        %add3A_1298 = arith.addi %add3A_1296, %broadcast_in_dim3A_11 : vector<16xi32>
        tpu.vector_store_idx %arg9[%add3A_1298], %broadcast_in_dim3A_1277 {add = true} : memref<23552xf32, #tpu.memory_space<vmem>>[vector<16xi32>], vector<16xf32>,
        %add3A_1299 = arith.addi %add3A_1296, %broadcast_in_dim3A_13 : vector<16xi32>
        tpu.vector_store_idx %arg9[%add3A_1299], %broadcast_in_dim3A_1280 {add = true} : memref<23552xf32, #tpu.memory_space<vmem>>[vector<16xi32>], vector<16xf32>,
        %add3A_1300 = arith.addi %add3A_1296, %broadcast_in_dim3A_15 : vector<16xi32>
        tpu.vector_store_idx %arg9[%add3A_1300], %broadcast_in_dim3A_1283 {add = true} : memref<23552xf32, #tpu.memory_space<vmem>>[vector<16xi32>], vector<16xf32>,
        %add3A_1301 = arith.addi %add3A_1296, %broadcast_in_dim3A_17 : vector<16xi32>
        tpu.vector_store_idx %arg9[%add3A_1301], %broadcast_in_dim3A_1286 {add = true} : memref<23552xf32, #tpu.memory_space<vmem>>[vector<16xi32>], vector<16xf32>,
        %add3A_1302 = arith.addi %add3A_1296, %broadcast_in_dim3A_19 : vector<16xi32>
        tpu.vector_store_idx %arg9[%add3A_1302], %broadcast_in_dim3A_1289 {add = true} : memref<23552xf32, #tpu.memory_space<vmem>>[vector<16xi32>], vector<16xf32>,
        %add3A_1303 = arith.addi %add3A_1296, %broadcast_in_dim3A_21 : vector<16xi32>
        tpu.vector_store_idx %arg9[%add3A_1303], %broadcast_in_dim3A_1292 {add = true} : memref<23552xf32, #tpu.memory_space<vmem>>[vector<16xi32>], vector<16xf32>,
        %add3A_1304 = arith.addi %add3A_1296, %broadcast_in_dim3A_23 : vector<16xi32>
        tpu.vector_store_idx %arg9[%add3A_1304], %broadcast_in_dim3A_1295 {add = true} : memref<23552xf32, #tpu.memory_space<vmem>>[vector<16xi32>], vector<16xf32>,
        %add3A_1305 = arith.constant 12 : i32
        %add3A_1306 = arith.addi %mul3A_753, %add3A_1305 : i32
        %add3A_1307 = arith.constant 1 : i32
        %add3A_1308 = arith.addi %add3A_1306, %add3A_1307 : i32
        %mul3A_1309 = arith.constant 16 : i32
        %mul3A_1310 = arith.muli %add3A_1308, %mul3A_1309 : i32
        %add3A_1311 = arith.constant 0 : i32
        %add3A_1312 = arith.addi %mul3A_1310, %add3A_1311 : i32
        %get3A_1313 = arith.index_cast %add3A_1312 : i32 to index
        %get3A_1314 = tpu.vector_load %arg5[%get3A_1313] {strides = array<i32>} : memref<8192xi32, #tpu.memory_space<vmem>>, vector<16xi32>,
        %slice3A_1315 = vector.extract_strided_slice %get3A_756 {offsets = [12], sizes = [1], strides = [1]} : vector<16xf32> to vector<1xf32>
        %squeeze3A_1316 = vector.extract %slice3A_1315[0] : f32 from vector<1xf32>
        %broadcast_in_dim3A_1317 = vector.broadcast %squeeze3A_1316 : f32 to vector<16xf32>
        %slice3A_1318 = vector.extract_strided_slice %get3A_760 {offsets = [12], sizes = [1], strides = [1]} : vector<16xf32> to vector<1xf32>
        %squeeze3A_1319 = vector.extract %slice3A_1318[0] : f32 from vector<1xf32>
        %broadcast_in_dim3A_1320 = vector.broadcast %squeeze3A_1319 : f32 to vector<16xf32>
        %slice3A_1321 = vector.extract_strided_slice %get3A_764 {offsets = [12], sizes = [1], strides = [1]} : vector<16xf32> to vector<1xf32>
        %squeeze3A_1322 = vector.extract %slice3A_1321[0] : f32 from vector<1xf32>
        %broadcast_in_dim3A_1323 = vector.broadcast %squeeze3A_1322 : f32 to vector<16xf32>
        %slice3A_1324 = vector.extract_strided_slice %get3A_768 {offsets = [12], sizes = [1], strides = [1]} : vector<16xf32> to vector<1xf32>
        %squeeze3A_1325 = vector.extract %slice3A_1324[0] : f32 from vector<1xf32>
        %broadcast_in_dim3A_1326 = vector.broadcast %squeeze3A_1325 : f32 to vector<16xf32>
        %slice3A_1327 = vector.extract_strided_slice %get3A_772 {offsets = [12], sizes = [1], strides = [1]} : vector<16xf32> to vector<1xf32>
        %squeeze3A_1328 = vector.extract %slice3A_1327[0] : f32 from vector<1xf32>
        %broadcast_in_dim3A_1329 = vector.broadcast %squeeze3A_1328 : f32 to vector<16xf32>
        %slice3A_1330 = vector.extract_strided_slice %get3A_776 {offsets = [12], sizes = [1], strides = [1]} : vector<16xf32> to vector<1xf32>
        %squeeze3A_1331 = vector.extract %slice3A_1330[0] : f32 from vector<1xf32>
        %broadcast_in_dim3A_1332 = vector.broadcast %squeeze3A_1331 : f32 to vector<16xf32>
        %slice3A_1333 = vector.extract_strided_slice %get3A_780 {offsets = [12], sizes = [1], strides = [1]} : vector<16xf32> to vector<1xf32>
        %squeeze3A_1334 = vector.extract %slice3A_1333[0] : f32 from vector<1xf32>
        %broadcast_in_dim3A_1335 = vector.broadcast %squeeze3A_1334 : f32 to vector<16xf32>
        %slice3A_1336 = vector.extract_strided_slice %get3A_784 {offsets = [12], sizes = [1], strides = [1]} : vector<16xf32> to vector<1xf32>
        %squeeze3A_1337 = vector.extract %slice3A_1336[0] : f32 from vector<1xf32>
        %broadcast_in_dim3A_1338 = vector.broadcast %squeeze3A_1337 : f32 to vector<16xf32>
        %add3A_1339 = arith.addi %mul3A_8, %get3A_1271 : vector<16xi32>
        %add3A_1340 = arith.addi %add3A_1339, %broadcast_in_dim3A_9 : vector<16xi32>
        tpu.vector_store_idx %arg9[%add3A_1340], %broadcast_in_dim3A_1317 {add = true} : memref<23552xf32, #tpu.memory_space<vmem>>[vector<16xi32>], vector<16xf32>,
        %add3A_1341 = arith.addi %add3A_1339, %broadcast_in_dim3A_11 : vector<16xi32>
        tpu.vector_store_idx %arg9[%add3A_1341], %broadcast_in_dim3A_1320 {add = true} : memref<23552xf32, #tpu.memory_space<vmem>>[vector<16xi32>], vector<16xf32>,
        %add3A_1342 = arith.addi %add3A_1339, %broadcast_in_dim3A_13 : vector<16xi32>
        tpu.vector_store_idx %arg9[%add3A_1342], %broadcast_in_dim3A_1323 {add = true} : memref<23552xf32, #tpu.memory_space<vmem>>[vector<16xi32>], vector<16xf32>,
        %add3A_1343 = arith.addi %add3A_1339, %broadcast_in_dim3A_15 : vector<16xi32>
        tpu.vector_store_idx %arg9[%add3A_1343], %broadcast_in_dim3A_1326 {add = true} : memref<23552xf32, #tpu.memory_space<vmem>>[vector<16xi32>], vector<16xf32>,
        %add3A_1344 = arith.addi %add3A_1339, %broadcast_in_dim3A_17 : vector<16xi32>
        tpu.vector_store_idx %arg9[%add3A_1344], %broadcast_in_dim3A_1329 {add = true} : memref<23552xf32, #tpu.memory_space<vmem>>[vector<16xi32>], vector<16xf32>,
        %add3A_1345 = arith.addi %add3A_1339, %broadcast_in_dim3A_19 : vector<16xi32>
        tpu.vector_store_idx %arg9[%add3A_1345], %broadcast_in_dim3A_1332 {add = true} : memref<23552xf32, #tpu.memory_space<vmem>>[vector<16xi32>], vector<16xf32>,
        %add3A_1346 = arith.addi %add3A_1339, %broadcast_in_dim3A_21 : vector<16xi32>
        tpu.vector_store_idx %arg9[%add3A_1346], %broadcast_in_dim3A_1335 {add = true} : memref<23552xf32, #tpu.memory_space<vmem>>[vector<16xi32>], vector<16xf32>,
        %add3A_1347 = arith.addi %add3A_1339, %broadcast_in_dim3A_23 : vector<16xi32>
        tpu.vector_store_idx %arg9[%add3A_1347], %broadcast_in_dim3A_1338 {add = true} : memref<23552xf32, #tpu.memory_space<vmem>>[vector<16xi32>], vector<16xf32>,
        %add3A_1348 = arith.constant 13 : i32
        %add3A_1349 = arith.addi %mul3A_753, %add3A_1348 : i32
        %add3A_1350 = arith.constant 1 : i32
        %add3A_1351 = arith.addi %add3A_1349, %add3A_1350 : i32
        %mul3A_1352 = arith.constant 16 : i32
        %mul3A_1353 = arith.muli %add3A_1351, %mul3A_1352 : i32
        %add3A_1354 = arith.constant 0 : i32
        %add3A_1355 = arith.addi %mul3A_1353, %add3A_1354 : i32
        %get3A_1356 = arith.index_cast %add3A_1355 : i32 to index
        %get3A_1357 = tpu.vector_load %arg5[%get3A_1356] {strides = array<i32>} : memref<8192xi32, #tpu.memory_space<vmem>>, vector<16xi32>,
        %slice3A_1358 = vector.extract_strided_slice %get3A_756 {offsets = [13], sizes = [1], strides = [1]} : vector<16xf32> to vector<1xf32>
        %squeeze3A_1359 = vector.extract %slice3A_1358[0] : f32 from vector<1xf32>
        %broadcast_in_dim3A_1360 = vector.broadcast %squeeze3A_1359 : f32 to vector<16xf32>
        %slice3A_1361 = vector.extract_strided_slice %get3A_760 {offsets = [13], sizes = [1], strides = [1]} : vector<16xf32> to vector<1xf32>
        %squeeze3A_1362 = vector.extract %slice3A_1361[0] : f32 from vector<1xf32>
        %broadcast_in_dim3A_1363 = vector.broadcast %squeeze3A_1362 : f32 to vector<16xf32>
        %slice3A_1364 = vector.extract_strided_slice %get3A_764 {offsets = [13], sizes = [1], strides = [1]} : vector<16xf32> to vector<1xf32>
        %squeeze3A_1365 = vector.extract %slice3A_1364[0] : f32 from vector<1xf32>
        %broadcast_in_dim3A_1366 = vector.broadcast %squeeze3A_1365 : f32 to vector<16xf32>
        %slice3A_1367 = vector.extract_strided_slice %get3A_768 {offsets = [13], sizes = [1], strides = [1]} : vector<16xf32> to vector<1xf32>
        %squeeze3A_1368 = vector.extract %slice3A_1367[0] : f32 from vector<1xf32>
        %broadcast_in_dim3A_1369 = vector.broadcast %squeeze3A_1368 : f32 to vector<16xf32>
        %slice3A_1370 = vector.extract_strided_slice %get3A_772 {offsets = [13], sizes = [1], strides = [1]} : vector<16xf32> to vector<1xf32>
        %squeeze3A_1371 = vector.extract %slice3A_1370[0] : f32 from vector<1xf32>
        %broadcast_in_dim3A_1372 = vector.broadcast %squeeze3A_1371 : f32 to vector<16xf32>
        %slice3A_1373 = vector.extract_strided_slice %get3A_776 {offsets = [13], sizes = [1], strides = [1]} : vector<16xf32> to vector<1xf32>
        %squeeze3A_1374 = vector.extract %slice3A_1373[0] : f32 from vector<1xf32>
        %broadcast_in_dim3A_1375 = vector.broadcast %squeeze3A_1374 : f32 to vector<16xf32>
        %slice3A_1376 = vector.extract_strided_slice %get3A_780 {offsets = [13], sizes = [1], strides = [1]} : vector<16xf32> to vector<1xf32>
        %squeeze3A_1377 = vector.extract %slice3A_1376[0] : f32 from vector<1xf32>
        %broadcast_in_dim3A_1378 = vector.broadcast %squeeze3A_1377 : f32 to vector<16xf32>
        %slice3A_1379 = vector.extract_strided_slice %get3A_784 {offsets = [13], sizes = [1], strides = [1]} : vector<16xf32> to vector<1xf32>
        %squeeze3A_1380 = vector.extract %slice3A_1379[0] : f32 from vector<1xf32>
        %broadcast_in_dim3A_1381 = vector.broadcast %squeeze3A_1380 : f32 to vector<16xf32>
        %add3A_1382 = arith.addi %mul3A_8, %get3A_1314 : vector<16xi32>
        %add3A_1383 = arith.addi %add3A_1382, %broadcast_in_dim3A_9 : vector<16xi32>
        tpu.vector_store_idx %arg9[%add3A_1383], %broadcast_in_dim3A_1360 {add = true} : memref<23552xf32, #tpu.memory_space<vmem>>[vector<16xi32>], vector<16xf32>,
        %add3A_1384 = arith.addi %add3A_1382, %broadcast_in_dim3A_11 : vector<16xi32>
        tpu.vector_store_idx %arg9[%add3A_1384], %broadcast_in_dim3A_1363 {add = true} : memref<23552xf32, #tpu.memory_space<vmem>>[vector<16xi32>], vector<16xf32>,
        %add3A_1385 = arith.addi %add3A_1382, %broadcast_in_dim3A_13 : vector<16xi32>
        tpu.vector_store_idx %arg9[%add3A_1385], %broadcast_in_dim3A_1366 {add = true} : memref<23552xf32, #tpu.memory_space<vmem>>[vector<16xi32>], vector<16xf32>,
        %add3A_1386 = arith.addi %add3A_1382, %broadcast_in_dim3A_15 : vector<16xi32>
        tpu.vector_store_idx %arg9[%add3A_1386], %broadcast_in_dim3A_1369 {add = true} : memref<23552xf32, #tpu.memory_space<vmem>>[vector<16xi32>], vector<16xf32>,
        %add3A_1387 = arith.addi %add3A_1382, %broadcast_in_dim3A_17 : vector<16xi32>
        tpu.vector_store_idx %arg9[%add3A_1387], %broadcast_in_dim3A_1372 {add = true} : memref<23552xf32, #tpu.memory_space<vmem>>[vector<16xi32>], vector<16xf32>,
        %add3A_1388 = arith.addi %add3A_1382, %broadcast_in_dim3A_19 : vector<16xi32>
        tpu.vector_store_idx %arg9[%add3A_1388], %broadcast_in_dim3A_1375 {add = true} : memref<23552xf32, #tpu.memory_space<vmem>>[vector<16xi32>], vector<16xf32>,
        %add3A_1389 = arith.addi %add3A_1382, %broadcast_in_dim3A_21 : vector<16xi32>
        tpu.vector_store_idx %arg9[%add3A_1389], %broadcast_in_dim3A_1378 {add = true} : memref<23552xf32, #tpu.memory_space<vmem>>[vector<16xi32>], vector<16xf32>,
        %add3A_1390 = arith.addi %add3A_1382, %broadcast_in_dim3A_23 : vector<16xi32>
        tpu.vector_store_idx %arg9[%add3A_1390], %broadcast_in_dim3A_1381 {add = true} : memref<23552xf32, #tpu.memory_space<vmem>>[vector<16xi32>], vector<16xf32>,
        %add3A_1391 = arith.constant 14 : i32
        %add3A_1392 = arith.addi %mul3A_753, %add3A_1391 : i32
        %add3A_1393 = arith.constant 1 : i32
        %add3A_1394 = arith.addi %add3A_1392, %add3A_1393 : i32
        %mul3A_1395 = arith.constant 16 : i32
        %mul3A_1396 = arith.muli %add3A_1394, %mul3A_1395 : i32
        %add3A_1397 = arith.constant 0 : i32
        %add3A_1398 = arith.addi %mul3A_1396, %add3A_1397 : i32
        %get3A_1399 = arith.index_cast %add3A_1398 : i32 to index
        %get3A_1400 = tpu.vector_load %arg5[%get3A_1399] {strides = array<i32>} : memref<8192xi32, #tpu.memory_space<vmem>>, vector<16xi32>,
        %slice3A_1401 = vector.extract_strided_slice %get3A_756 {offsets = [14], sizes = [1], strides = [1]} : vector<16xf32> to vector<1xf32>
        %squeeze3A_1402 = vector.extract %slice3A_1401[0] : f32 from vector<1xf32>
        %broadcast_in_dim3A_1403 = vector.broadcast %squeeze3A_1402 : f32 to vector<16xf32>
        %slice3A_1404 = vector.extract_strided_slice %get3A_760 {offsets = [14], sizes = [1], strides = [1]} : vector<16xf32> to vector<1xf32>
        %squeeze3A_1405 = vector.extract %slice3A_1404[0] : f32 from vector<1xf32>
        %broadcast_in_dim3A_1406 = vector.broadcast %squeeze3A_1405 : f32 to vector<16xf32>
        %slice3A_1407 = vector.extract_strided_slice %get3A_764 {offsets = [14], sizes = [1], strides = [1]} : vector<16xf32> to vector<1xf32>
        %squeeze3A_1408 = vector.extract %slice3A_1407[0] : f32 from vector<1xf32>
        %broadcast_in_dim3A_1409 = vector.broadcast %squeeze3A_1408 : f32 to vector<16xf32>
        %slice3A_1410 = vector.extract_strided_slice %get3A_768 {offsets = [14], sizes = [1], strides = [1]} : vector<16xf32> to vector<1xf32>
        %squeeze3A_1411 = vector.extract %slice3A_1410[0] : f32 from vector<1xf32>
        %broadcast_in_dim3A_1412 = vector.broadcast %squeeze3A_1411 : f32 to vector<16xf32>
        %slice3A_1413 = vector.extract_strided_slice %get3A_772 {offsets = [14], sizes = [1], strides = [1]} : vector<16xf32> to vector<1xf32>
        %squeeze3A_1414 = vector.extract %slice3A_1413[0] : f32 from vector<1xf32>
        %broadcast_in_dim3A_1415 = vector.broadcast %squeeze3A_1414 : f32 to vector<16xf32>
        %slice3A_1416 = vector.extract_strided_slice %get3A_776 {offsets = [14], sizes = [1], strides = [1]} : vector<16xf32> to vector<1xf32>
        %squeeze3A_1417 = vector.extract %slice3A_1416[0] : f32 from vector<1xf32>
        %broadcast_in_dim3A_1418 = vector.broadcast %squeeze3A_1417 : f32 to vector<16xf32>
        %slice3A_1419 = vector.extract_strided_slice %get3A_780 {offsets = [14], sizes = [1], strides = [1]} : vector<16xf32> to vector<1xf32>
        %squeeze3A_1420 = vector.extract %slice3A_1419[0] : f32 from vector<1xf32>
        %broadcast_in_dim3A_1421 = vector.broadcast %squeeze3A_1420 : f32 to vector<16xf32>
        %slice3A_1422 = vector.extract_strided_slice %get3A_784 {offsets = [14], sizes = [1], strides = [1]} : vector<16xf32> to vector<1xf32>
        %squeeze3A_1423 = vector.extract %slice3A_1422[0] : f32 from vector<1xf32>
        %broadcast_in_dim3A_1424 = vector.broadcast %squeeze3A_1423 : f32 to vector<16xf32>
        %add3A_1425 = arith.addi %mul3A_8, %get3A_1357 : vector<16xi32>
        %add3A_1426 = arith.addi %add3A_1425, %broadcast_in_dim3A_9 : vector<16xi32>
        tpu.vector_store_idx %arg9[%add3A_1426], %broadcast_in_dim3A_1403 {add = true} : memref<23552xf32, #tpu.memory_space<vmem>>[vector<16xi32>], vector<16xf32>,
        %add3A_1427 = arith.addi %add3A_1425, %broadcast_in_dim3A_11 : vector<16xi32>
        tpu.vector_store_idx %arg9[%add3A_1427], %broadcast_in_dim3A_1406 {add = true} : memref<23552xf32, #tpu.memory_space<vmem>>[vector<16xi32>], vector<16xf32>,
        %add3A_1428 = arith.addi %add3A_1425, %broadcast_in_dim3A_13 : vector<16xi32>
        tpu.vector_store_idx %arg9[%add3A_1428], %broadcast_in_dim3A_1409 {add = true} : memref<23552xf32, #tpu.memory_space<vmem>>[vector<16xi32>], vector<16xf32>,
        %add3A_1429 = arith.addi %add3A_1425, %broadcast_in_dim3A_15 : vector<16xi32>
        tpu.vector_store_idx %arg9[%add3A_1429], %broadcast_in_dim3A_1412 {add = true} : memref<23552xf32, #tpu.memory_space<vmem>>[vector<16xi32>], vector<16xf32>,
        %add3A_1430 = arith.addi %add3A_1425, %broadcast_in_dim3A_17 : vector<16xi32>
        tpu.vector_store_idx %arg9[%add3A_1430], %broadcast_in_dim3A_1415 {add = true} : memref<23552xf32, #tpu.memory_space<vmem>>[vector<16xi32>], vector<16xf32>,
        %add3A_1431 = arith.addi %add3A_1425, %broadcast_in_dim3A_19 : vector<16xi32>
        tpu.vector_store_idx %arg9[%add3A_1431], %broadcast_in_dim3A_1418 {add = true} : memref<23552xf32, #tpu.memory_space<vmem>>[vector<16xi32>], vector<16xf32>,
        %add3A_1432 = arith.addi %add3A_1425, %broadcast_in_dim3A_21 : vector<16xi32>
        tpu.vector_store_idx %arg9[%add3A_1432], %broadcast_in_dim3A_1421 {add = true} : memref<23552xf32, #tpu.memory_space<vmem>>[vector<16xi32>], vector<16xf32>,
        %add3A_1433 = arith.addi %add3A_1425, %broadcast_in_dim3A_23 : vector<16xi32>
        tpu.vector_store_idx %arg9[%add3A_1433], %broadcast_in_dim3A_1424 {add = true} : memref<23552xf32, #tpu.memory_space<vmem>>[vector<16xi32>], vector<16xf32>,
        %slice3A_1434 = vector.extract_strided_slice %get3A_756 {offsets = [15], sizes = [1], strides = [1]} : vector<16xf32> to vector<1xf32>
        %squeeze3A_1435 = vector.extract %slice3A_1434[0] : f32 from vector<1xf32>
        %broadcast_in_dim3A_1436 = vector.broadcast %squeeze3A_1435 : f32 to vector<16xf32>
        %slice3A_1437 = vector.extract_strided_slice %get3A_760 {offsets = [15], sizes = [1], strides = [1]} : vector<16xf32> to vector<1xf32>
        %squeeze3A_1438 = vector.extract %slice3A_1437[0] : f32 from vector<1xf32>
        %broadcast_in_dim3A_1439 = vector.broadcast %squeeze3A_1438 : f32 to vector<16xf32>
        %slice3A_1440 = vector.extract_strided_slice %get3A_764 {offsets = [15], sizes = [1], strides = [1]} : vector<16xf32> to vector<1xf32>
        %squeeze3A_1441 = vector.extract %slice3A_1440[0] : f32 from vector<1xf32>
        %broadcast_in_dim3A_1442 = vector.broadcast %squeeze3A_1441 : f32 to vector<16xf32>
        %slice3A_1443 = vector.extract_strided_slice %get3A_768 {offsets = [15], sizes = [1], strides = [1]} : vector<16xf32> to vector<1xf32>
        %squeeze3A_1444 = vector.extract %slice3A_1443[0] : f32 from vector<1xf32>
        %broadcast_in_dim3A_1445 = vector.broadcast %squeeze3A_1444 : f32 to vector<16xf32>
        %slice3A_1446 = vector.extract_strided_slice %get3A_772 {offsets = [15], sizes = [1], strides = [1]} : vector<16xf32> to vector<1xf32>
        %squeeze3A_1447 = vector.extract %slice3A_1446[0] : f32 from vector<1xf32>
        %broadcast_in_dim3A_1448 = vector.broadcast %squeeze3A_1447 : f32 to vector<16xf32>
        %slice3A_1449 = vector.extract_strided_slice %get3A_776 {offsets = [15], sizes = [1], strides = [1]} : vector<16xf32> to vector<1xf32>
        %squeeze3A_1450 = vector.extract %slice3A_1449[0] : f32 from vector<1xf32>
        %broadcast_in_dim3A_1451 = vector.broadcast %squeeze3A_1450 : f32 to vector<16xf32>
        %slice3A_1452 = vector.extract_strided_slice %get3A_780 {offsets = [15], sizes = [1], strides = [1]} : vector<16xf32> to vector<1xf32>
        %squeeze3A_1453 = vector.extract %slice3A_1452[0] : f32 from vector<1xf32>
        %broadcast_in_dim3A_1454 = vector.broadcast %squeeze3A_1453 : f32 to vector<16xf32>
        %slice3A_1455 = vector.extract_strided_slice %get3A_784 {offsets = [15], sizes = [1], strides = [1]} : vector<16xf32> to vector<1xf32>
        %squeeze3A_1456 = vector.extract %slice3A_1455[0] : f32 from vector<1xf32>
        %broadcast_in_dim3A_1457 = vector.broadcast %squeeze3A_1456 : f32 to vector<16xf32>
        %add3A_1458 = arith.addi %mul3A_8, %get3A_1400 : vector<16xi32>
        %add3A_1459 = arith.addi %add3A_1458, %broadcast_in_dim3A_9 : vector<16xi32>
        tpu.vector_store_idx %arg9[%add3A_1459], %broadcast_in_dim3A_1436 {add = true} : memref<23552xf32, #tpu.memory_space<vmem>>[vector<16xi32>], vector<16xf32>,
        %add3A_1460 = arith.addi %add3A_1458, %broadcast_in_dim3A_11 : vector<16xi32>
        tpu.vector_store_idx %arg9[%add3A_1460], %broadcast_in_dim3A_1439 {add = true} : memref<23552xf32, #tpu.memory_space<vmem>>[vector<16xi32>], vector<16xf32>,
        %add3A_1461 = arith.addi %add3A_1458, %broadcast_in_dim3A_13 : vector<16xi32>
        tpu.vector_store_idx %arg9[%add3A_1461], %broadcast_in_dim3A_1442 {add = true} : memref<23552xf32, #tpu.memory_space<vmem>>[vector<16xi32>], vector<16xf32>,
        %add3A_1462 = arith.addi %add3A_1458, %broadcast_in_dim3A_15 : vector<16xi32>
        tpu.vector_store_idx %arg9[%add3A_1462], %broadcast_in_dim3A_1445 {add = true} : memref<23552xf32, #tpu.memory_space<vmem>>[vector<16xi32>], vector<16xf32>,
        %add3A_1463 = arith.addi %add3A_1458, %broadcast_in_dim3A_17 : vector<16xi32>
        tpu.vector_store_idx %arg9[%add3A_1463], %broadcast_in_dim3A_1448 {add = true} : memref<23552xf32, #tpu.memory_space<vmem>>[vector<16xi32>], vector<16xf32>,
        %add3A_1464 = arith.addi %add3A_1458, %broadcast_in_dim3A_19 : vector<16xi32>
        tpu.vector_store_idx %arg9[%add3A_1464], %broadcast_in_dim3A_1451 {add = true} : memref<23552xf32, #tpu.memory_space<vmem>>[vector<16xi32>], vector<16xf32>,
        %add3A_1465 = arith.addi %add3A_1458, %broadcast_in_dim3A_21 : vector<16xi32>
        tpu.vector_store_idx %arg9[%add3A_1465], %broadcast_in_dim3A_1454 {add = true} : memref<23552xf32, #tpu.memory_space<vmem>>[vector<16xi32>], vector<16xf32>,
        %add3A_1466 = arith.addi %add3A_1458, %broadcast_in_dim3A_23 : vector<16xi32>
        tpu.vector_store_idx %arg9[%add3A_1466], %broadcast_in_dim3A_1457 {add = true} : memref<23552xf32, #tpu.memory_space<vmem>>[vector<16xi32>], vector<16xf32>,
      }
      %scan3A_470 = arith.constant 32 : i32
      %mul3A_471 = arith.constant 2 : i32
      %mul3A_472 = arith.muli %scan3A_396, %mul3A_471 : i32
      %add3A_473 = arith.constant 0 : i32
      %add3A_474 = arith.addi %mul3A_472, %add3A_473 : i32
      %add3A_475 = arith.constant 2 : i32
      %add3A_476 = arith.addi %add3A_474, %add3A_475 : i32
      %add3A_477 = arith.addi %add3A, %add3A_476 : i32
      %rem3A_478 = arith.constant 32 : i32
      %rem3A_479 = arith.remsi %add3A_477, %rem3A_478 : i32
      %mul3A_480 = arith.constant 512 : i32
      %mul3A_481 = arith.muli %rem3A_479, %mul3A_480 : i32
      %mul3A_482 = arith.constant 16 : i32
      %mul3A_483 = arith.muli %mul3A_481, %mul3A_482 : i32
      %dma_start3A_484 = tpu.memref_slice %arg3[%mul3A_483] : memref<262144xi32, #tpu.memory_space<hbm>> -> memref<8192xi32, #tpu.memory_space<hbm>>
      %dma_start3A_485 = tpu.memref_slice %arg3[%mul3A_483] : memref<262144xi32, #tpu.memory_space<hbm>> -> memref<8192xi32, #tpu.memory_space<hbm>>
      tpu.enqueue_dma source(%dma_start3A_485 : memref<8192xi32, #tpu.memory_space<hbm>>) target(%arg5 : memref<8192xi32, #tpu.memory_space<vmem>>) target_semaphore(%arg10 : memref<!tpu.dma_semaphore, #tpu.memory_space<semaphore_mem>>)
      %add3A_486 = arith.constant 0 : i32
      %add3A_487 = arith.addi %mul3A_2, %add3A_486 : i32
      %mul3A_488 = arith.constant 16384 : i32
      %mul3A_489 = arith.muli %add3A_487, %mul3A_488 : i32
      %add3A_490 = arith.addi %mul3A_489, %mul3A_481 : i32
      %dma_start3A_491 = arith.constant 0 : i32
      %dma_start3A_492 = tpu.memref_slice %arg7[%dma_start3A_491] : memref<4096xf32, #tpu.memory_space<vmem>> -> memref<512xf32, #tpu.memory_space<vmem>>
      %dma_start3A_493 = tpu.memref_slice %arg2[%add3A_490] : memref<4194304xf32, #tpu.memory_space<hbm>> -> memref<512xf32, #tpu.memory_space<hbm>>
      %dma_start3A_494 = arith.constant 0 : i32
      %dma_start3A_495 = tpu.memref_slice %arg7[%dma_start3A_494] : memref<4096xf32, #tpu.memory_space<vmem>> -> memref<512xf32, #tpu.memory_space<vmem>>
      %dma_start3A_496 = tpu.memref_slice %arg2[%add3A_490] : memref<4194304xf32, #tpu.memory_space<hbm>> -> memref<512xf32, #tpu.memory_space<hbm>>
      tpu.enqueue_dma source(%dma_start3A_496 : memref<512xf32, #tpu.memory_space<hbm>>) target(%dma_start3A_495 : memref<512xf32, #tpu.memory_space<vmem>>) target_semaphore(%arg10 : memref<!tpu.dma_semaphore, #tpu.memory_space<semaphore_mem>>)
      %add3A_497 = arith.constant 1 : i32
      %add3A_498 = arith.addi %mul3A_2, %add3A_497 : i32
      %mul3A_499 = arith.constant 16384 : i32
      %mul3A_500 = arith.muli %add3A_498, %mul3A_499 : i32
      %add3A_501 = arith.addi %mul3A_500, %mul3A_481 : i32
      %dma_start3A_502 = arith.constant 512 : i32
      %dma_start3A_503 = tpu.memref_slice %arg7[%dma_start3A_502] : memref<4096xf32, #tpu.memory_space<vmem>> -> memref<512xf32, #tpu.memory_space<vmem>>
      %dma_start3A_504 = tpu.memref_slice %arg2[%add3A_501] : memref<4194304xf32, #tpu.memory_space<hbm>> -> memref<512xf32, #tpu.memory_space<hbm>>
      %dma_start3A_505 = arith.constant 512 : i32
      %dma_start3A_506 = tpu.memref_slice %arg7[%dma_start3A_505] : memref<4096xf32, #tpu.memory_space<vmem>> -> memref<512xf32, #tpu.memory_space<vmem>>
      %dma_start3A_507 = tpu.memref_slice %arg2[%add3A_501] : memref<4194304xf32, #tpu.memory_space<hbm>> -> memref<512xf32, #tpu.memory_space<hbm>>
      tpu.enqueue_dma source(%dma_start3A_507 : memref<512xf32, #tpu.memory_space<hbm>>) target(%dma_start3A_506 : memref<512xf32, #tpu.memory_space<vmem>>) target_semaphore(%arg10 : memref<!tpu.dma_semaphore, #tpu.memory_space<semaphore_mem>>)
      %add3A_508 = arith.constant 2 : i32
      %add3A_509 = arith.addi %mul3A_2, %add3A_508 : i32
      %mul3A_510 = arith.constant 16384 : i32
      %mul3A_511 = arith.muli %add3A_509, %mul3A_510 : i32
      %add3A_512 = arith.addi %mul3A_511, %mul3A_481 : i32
      %dma_start3A_513 = arith.constant 1024 : i32
      %dma_start3A_514 = tpu.memref_slice %arg7[%dma_start3A_513] : memref<4096xf32, #tpu.memory_space<vmem>> -> memref<512xf32, #tpu.memory_space<vmem>>
      %dma_start3A_515 = tpu.memref_slice %arg2[%add3A_512] : memref<4194304xf32, #tpu.memory_space<hbm>> -> memref<512xf32, #tpu.memory_space<hbm>>
      %dma_start3A_516 = arith.constant 1024 : i32
      %dma_start3A_517 = tpu.memref_slice %arg7[%dma_start3A_516] : memref<4096xf32, #tpu.memory_space<vmem>> -> memref<512xf32, #tpu.memory_space<vmem>>
      %dma_start3A_518 = tpu.memref_slice %arg2[%add3A_512] : memref<4194304xf32, #tpu.memory_space<hbm>> -> memref<512xf32, #tpu.memory_space<hbm>>
      tpu.enqueue_dma source(%dma_start3A_518 : memref<512xf32, #tpu.memory_space<hbm>>) target(%dma_start3A_517 : memref<512xf32, #tpu.memory_space<vmem>>) target_semaphore(%arg10 : memref<!tpu.dma_semaphore, #tpu.memory_space<semaphore_mem>>)
      %add3A_519 = arith.constant 3 : i32
      %add3A_520 = arith.addi %mul3A_2, %add3A_519 : i32
      %mul3A_521 = arith.constant 16384 : i32
      %mul3A_522 = arith.muli %add3A_520, %mul3A_521 : i32
      %add3A_523 = arith.addi %mul3A_522, %mul3A_481 : i32
      %dma_start3A_524 = arith.constant 1536 : i32
      %dma_start3A_525 = tpu.memref_slice %arg7[%dma_start3A_524] : memref<4096xf32, #tpu.memory_space<vmem>> -> memref<512xf32, #tpu.memory_space<vmem>>
      %dma_start3A_526 = tpu.memref_slice %arg2[%add3A_523] : memref<4194304xf32, #tpu.memory_space<hbm>> -> memref<512xf32, #tpu.memory_space<hbm>>
      %dma_start3A_527 = arith.constant 1536 : i32
      %dma_start3A_528 = tpu.memref_slice %arg7[%dma_start3A_527] : memref<4096xf32, #tpu.memory_space<vmem>> -> memref<512xf32, #tpu.memory_space<vmem>>
      %dma_start3A_529 = tpu.memref_slice %arg2[%add3A_523] : memref<4194304xf32, #tpu.memory_space<hbm>> -> memref<512xf32, #tpu.memory_space<hbm>>
      tpu.enqueue_dma source(%dma_start3A_529 : memref<512xf32, #tpu.memory_space<hbm>>) target(%dma_start3A_528 : memref<512xf32, #tpu.memory_space<vmem>>) target_semaphore(%arg10 : memref<!tpu.dma_semaphore, #tpu.memory_space<semaphore_mem>>)
      %add3A_530 = arith.constant 4 : i32
      %add3A_531 = arith.addi %mul3A_2, %add3A_530 : i32
      %mul3A_532 = arith.constant 16384 : i32
      %mul3A_533 = arith.muli %add3A_531, %mul3A_532 : i32
      %add3A_534 = arith.addi %mul3A_533, %mul3A_481 : i32
      %dma_start3A_535 = arith.constant 2048 : i32
      %dma_start3A_536 = tpu.memref_slice %arg7[%dma_start3A_535] : memref<4096xf32, #tpu.memory_space<vmem>> -> memref<512xf32, #tpu.memory_space<vmem>>
      %dma_start3A_537 = tpu.memref_slice %arg2[%add3A_534] : memref<4194304xf32, #tpu.memory_space<hbm>> -> memref<512xf32, #tpu.memory_space<hbm>>
      %dma_start3A_538 = arith.constant 2048 : i32
      %dma_start3A_539 = tpu.memref_slice %arg7[%dma_start3A_538] : memref<4096xf32, #tpu.memory_space<vmem>> -> memref<512xf32, #tpu.memory_space<vmem>>
      %dma_start3A_540 = tpu.memref_slice %arg2[%add3A_534] : memref<4194304xf32, #tpu.memory_space<hbm>> -> memref<512xf32, #tpu.memory_space<hbm>>
      tpu.enqueue_dma source(%dma_start3A_540 : memref<512xf32, #tpu.memory_space<hbm>>) target(%dma_start3A_539 : memref<512xf32, #tpu.memory_space<vmem>>) target_semaphore(%arg10 : memref<!tpu.dma_semaphore, #tpu.memory_space<semaphore_mem>>)
      %add3A_541 = arith.constant 5 : i32
      %add3A_542 = arith.addi %mul3A_2, %add3A_541 : i32
      %mul3A_543 = arith.constant 16384 : i32
      %mul3A_544 = arith.muli %add3A_542, %mul3A_543 : i32
      %add3A_545 = arith.addi %mul3A_544, %mul3A_481 : i32
      %dma_start3A_546 = arith.constant 2560 : i32
      %dma_start3A_547 = tpu.memref_slice %arg7[%dma_start3A_546] : memref<4096xf32, #tpu.memory_space<vmem>> -> memref<512xf32, #tpu.memory_space<vmem>>
      %dma_start3A_548 = tpu.memref_slice %arg2[%add3A_545] : memref<4194304xf32, #tpu.memory_space<hbm>> -> memref<512xf32, #tpu.memory_space<hbm>>
      %dma_start3A_549 = arith.constant 2560 : i32
      %dma_start3A_550 = tpu.memref_slice %arg7[%dma_start3A_549] : memref<4096xf32, #tpu.memory_space<vmem>> -> memref<512xf32, #tpu.memory_space<vmem>>
      %dma_start3A_551 = tpu.memref_slice %arg2[%add3A_545] : memref<4194304xf32, #tpu.memory_space<hbm>> -> memref<512xf32, #tpu.memory_space<hbm>>
      tpu.enqueue_dma source(%dma_start3A_551 : memref<512xf32, #tpu.memory_space<hbm>>) target(%dma_start3A_550 : memref<512xf32, #tpu.memory_space<vmem>>) target_semaphore(%arg10 : memref<!tpu.dma_semaphore, #tpu.memory_space<semaphore_mem>>)
      %add3A_552 = arith.constant 6 : i32
      %add3A_553 = arith.addi %mul3A_2, %add3A_552 : i32
      %mul3A_554 = arith.constant 16384 : i32
      %mul3A_555 = arith.muli %add3A_553, %mul3A_554 : i32
      %add3A_556 = arith.addi %mul3A_555, %mul3A_481 : i32
      %dma_start3A_557 = arith.constant 3072 : i32
      %dma_start3A_558 = tpu.memref_slice %arg7[%dma_start3A_557] : memref<4096xf32, #tpu.memory_space<vmem>> -> memref<512xf32, #tpu.memory_space<vmem>>
      %dma_start3A_559 = tpu.memref_slice %arg2[%add3A_556] : memref<4194304xf32, #tpu.memory_space<hbm>> -> memref<512xf32, #tpu.memory_space<hbm>>
      %dma_start3A_560 = arith.constant 3072 : i32
      %dma_start3A_561 = tpu.memref_slice %arg7[%dma_start3A_560] : memref<4096xf32, #tpu.memory_space<vmem>> -> memref<512xf32, #tpu.memory_space<vmem>>
      %dma_start3A_562 = tpu.memref_slice %arg2[%add3A_556] : memref<4194304xf32, #tpu.memory_space<hbm>> -> memref<512xf32, #tpu.memory_space<hbm>>
      tpu.enqueue_dma source(%dma_start3A_562 : memref<512xf32, #tpu.memory_space<hbm>>) target(%dma_start3A_561 : memref<512xf32, #tpu.memory_space<vmem>>) target_semaphore(%arg10 : memref<!tpu.dma_semaphore, #tpu.memory_space<semaphore_mem>>)
      %add3A_563 = arith.constant 7 : i32
      %add3A_564 = arith.addi %mul3A_2, %add3A_563 : i32
      %mul3A_565 = arith.constant 16384 : i32
      %mul3A_566 = arith.muli %add3A_564, %mul3A_565 : i32
      %add3A_567 = arith.addi %mul3A_566, %mul3A_481 : i32
      %dma_start3A_568 = arith.constant 3584 : i32
      %dma_start3A_569 = tpu.memref_slice %arg7[%dma_start3A_568] : memref<4096xf32, #tpu.memory_space<vmem>> -> memref<512xf32, #tpu.memory_space<vmem>>
      %dma_start3A_570 = tpu.memref_slice %arg2[%add3A_567] : memref<4194304xf32, #tpu.memory_space<hbm>> -> memref<512xf32, #tpu.memory_space<hbm>>
      %dma_start3A_571 = arith.constant 3584 : i32
      %dma_start3A_572 = tpu.memref_slice %arg7[%dma_start3A_571] : memref<4096xf32, #tpu.memory_space<vmem>> -> memref<512xf32, #tpu.memory_space<vmem>>
      %dma_start3A_573 = tpu.memref_slice %arg2[%add3A_567] : memref<4194304xf32, #tpu.memory_space<hbm>> -> memref<512xf32, #tpu.memory_space<hbm>>
      tpu.enqueue_dma source(%dma_start3A_573 : memref<512xf32, #tpu.memory_space<hbm>>) target(%dma_start3A_572 : memref<512xf32, #tpu.memory_space<vmem>>) target_semaphore(%arg10 : memref<!tpu.dma_semaphore, #tpu.memory_space<semaphore_mem>>)
      %dma_wait3A_574 = arith.constant 0 : i32
      %dma_wait3A_575 = tpu.memref_slice %arg3[%dma_wait3A_574] : memref<262144xi32, #tpu.memory_space<hbm>> -> memref<8192xi32, #tpu.memory_space<hbm>>
      %dma_wait3A_576 = arith.constant 0 : i32
      %dma_wait3A_577 = tpu.memref_slice %arg3[%dma_wait3A_576] : memref<262144xi32, #tpu.memory_space<hbm>> -> memref<8192xi32, #tpu.memory_space<hbm>>
      tpu.wait_dma2 semaphore(%arg11 : memref<!tpu.dma_semaphore, #tpu.memory_space<semaphore_mem>>) src(%dma_wait3A_577 : memref<8192xi32, #tpu.memory_space<hbm>>) dst(%arg6 : memref<8192xi32, #tpu.memory_space<vmem>>)
      %dma_wait3A_578 = arith.constant 0 : i32
      %dma_wait3A_579 = tpu.memref_slice %arg8[%dma_wait3A_578] : memref<4096xf32, #tpu.memory_space<vmem>> -> memref<512xf32, #tpu.memory_space<vmem>>
      %dma_wait3A_580 = arith.constant 0 : i32
      %dma_wait3A_581 = tpu.memref_slice %arg2[%dma_wait3A_580] : memref<4194304xf32, #tpu.memory_space<hbm>> -> memref<512xf32, #tpu.memory_space<hbm>>
      %dma_wait3A_582 = arith.constant 0 : i32
      %dma_wait3A_583 = tpu.memref_slice %arg8[%dma_wait3A_582] : memref<4096xf32, #tpu.memory_space<vmem>> -> memref<512xf32, #tpu.memory_space<vmem>>
      %dma_wait3A_584 = arith.constant 0 : i32
      %dma_wait3A_585 = tpu.memref_slice %arg2[%dma_wait3A_584] : memref<4194304xf32, #tpu.memory_space<hbm>> -> memref<512xf32, #tpu.memory_space<hbm>>
      tpu.wait_dma2 semaphore(%arg11 : memref<!tpu.dma_semaphore, #tpu.memory_space<semaphore_mem>>) src(%dma_wait3A_585 : memref<512xf32, #tpu.memory_space<hbm>>) dst(%dma_wait3A_583 : memref<512xf32, #tpu.memory_space<vmem>>)
      %dma_wait3A_586 = arith.constant 512 : i32
      %dma_wait3A_587 = tpu.memref_slice %arg8[%dma_wait3A_586] : memref<4096xf32, #tpu.memory_space<vmem>> -> memref<512xf32, #tpu.memory_space<vmem>>
      %dma_wait3A_588 = arith.constant 0 : i32
      %dma_wait3A_589 = tpu.memref_slice %arg2[%dma_wait3A_588] : memref<4194304xf32, #tpu.memory_space<hbm>> -> memref<512xf32, #tpu.memory_space<hbm>>
      %dma_wait3A_590 = arith.constant 512 : i32
      %dma_wait3A_591 = tpu.memref_slice %arg8[%dma_wait3A_590] : memref<4096xf32, #tpu.memory_space<vmem>> -> memref<512xf32, #tpu.memory_space<vmem>>
      %dma_wait3A_592 = arith.constant 0 : i32
      %dma_wait3A_593 = tpu.memref_slice %arg2[%dma_wait3A_592] : memref<4194304xf32, #tpu.memory_space<hbm>> -> memref<512xf32, #tpu.memory_space<hbm>>
      tpu.wait_dma2 semaphore(%arg11 : memref<!tpu.dma_semaphore, #tpu.memory_space<semaphore_mem>>) src(%dma_wait3A_593 : memref<512xf32, #tpu.memory_space<hbm>>) dst(%dma_wait3A_591 : memref<512xf32, #tpu.memory_space<vmem>>)
      %dma_wait3A_594 = arith.constant 1024 : i32
      %dma_wait3A_595 = tpu.memref_slice %arg8[%dma_wait3A_594] : memref<4096xf32, #tpu.memory_space<vmem>> -> memref<512xf32, #tpu.memory_space<vmem>>
      %dma_wait3A_596 = arith.constant 0 : i32
      %dma_wait3A_597 = tpu.memref_slice %arg2[%dma_wait3A_596] : memref<4194304xf32, #tpu.memory_space<hbm>> -> memref<512xf32, #tpu.memory_space<hbm>>
      %dma_wait3A_598 = arith.constant 1024 : i32
      %dma_wait3A_599 = tpu.memref_slice %arg8[%dma_wait3A_598] : memref<4096xf32, #tpu.memory_space<vmem>> -> memref<512xf32, #tpu.memory_space<vmem>>
      %dma_wait3A_600 = arith.constant 0 : i32
      %dma_wait3A_601 = tpu.memref_slice %arg2[%dma_wait3A_600] : memref<4194304xf32, #tpu.memory_space<hbm>> -> memref<512xf32, #tpu.memory_space<hbm>>
      tpu.wait_dma2 semaphore(%arg11 : memref<!tpu.dma_semaphore, #tpu.memory_space<semaphore_mem>>) src(%dma_wait3A_601 : memref<512xf32, #tpu.memory_space<hbm>>) dst(%dma_wait3A_599 : memref<512xf32, #tpu.memory_space<vmem>>)
      %dma_wait3A_602 = arith.constant 1536 : i32
      %dma_wait3A_603 = tpu.memref_slice %arg8[%dma_wait3A_602] : memref<4096xf32, #tpu.memory_space<vmem>> -> memref<512xf32, #tpu.memory_space<vmem>>
      %dma_wait3A_604 = arith.constant 0 : i32
      %dma_wait3A_605 = tpu.memref_slice %arg2[%dma_wait3A_604] : memref<4194304xf32, #tpu.memory_space<hbm>> -> memref<512xf32, #tpu.memory_space<hbm>>
      %dma_wait3A_606 = arith.constant 1536 : i32
      %dma_wait3A_607 = tpu.memref_slice %arg8[%dma_wait3A_606] : memref<4096xf32, #tpu.memory_space<vmem>> -> memref<512xf32, #tpu.memory_space<vmem>>
      %dma_wait3A_608 = arith.constant 0 : i32
      %dma_wait3A_609 = tpu.memref_slice %arg2[%dma_wait3A_608] : memref<4194304xf32, #tpu.memory_space<hbm>> -> memref<512xf32, #tpu.memory_space<hbm>>
      tpu.wait_dma2 semaphore(%arg11 : memref<!tpu.dma_semaphore, #tpu.memory_space<semaphore_mem>>) src(%dma_wait3A_609 : memref<512xf32, #tpu.memory_space<hbm>>) dst(%dma_wait3A_607 : memref<512xf32, #tpu.memory_space<vmem>>)
      %dma_wait3A_610 = arith.constant 2048 : i32
      %dma_wait3A_611 = tpu.memref_slice %arg8[%dma_wait3A_610] : memref<4096xf32, #tpu.memory_space<vmem>> -> memref<512xf32, #tpu.memory_space<vmem>>
      %dma_wait3A_612 = arith.constant 0 : i32
      %dma_wait3A_613 = tpu.memref_slice %arg2[%dma_wait3A_612] : memref<4194304xf32, #tpu.memory_space<hbm>> -> memref<512xf32, #tpu.memory_space<hbm>>
      %dma_wait3A_614 = arith.constant 2048 : i32
      %dma_wait3A_615 = tpu.memref_slice %arg8[%dma_wait3A_614] : memref<4096xf32, #tpu.memory_space<vmem>> -> memref<512xf32, #tpu.memory_space<vmem>>
      %dma_wait3A_616 = arith.constant 0 : i32
      %dma_wait3A_617 = tpu.memref_slice %arg2[%dma_wait3A_616] : memref<4194304xf32, #tpu.memory_space<hbm>> -> memref<512xf32, #tpu.memory_space<hbm>>
      tpu.wait_dma2 semaphore(%arg11 : memref<!tpu.dma_semaphore, #tpu.memory_space<semaphore_mem>>) src(%dma_wait3A_617 : memref<512xf32, #tpu.memory_space<hbm>>) dst(%dma_wait3A_615 : memref<512xf32, #tpu.memory_space<vmem>>)
      %dma_wait3A_618 = arith.constant 2560 : i32
      %dma_wait3A_619 = tpu.memref_slice %arg8[%dma_wait3A_618] : memref<4096xf32, #tpu.memory_space<vmem>> -> memref<512xf32, #tpu.memory_space<vmem>>
      %dma_wait3A_620 = arith.constant 0 : i32
      %dma_wait3A_621 = tpu.memref_slice %arg2[%dma_wait3A_620] : memref<4194304xf32, #tpu.memory_space<hbm>> -> memref<512xf32, #tpu.memory_space<hbm>>
      %dma_wait3A_622 = arith.constant 2560 : i32
      %dma_wait3A_623 = tpu.memref_slice %arg8[%dma_wait3A_622] : memref<4096xf32, #tpu.memory_space<vmem>> -> memref<512xf32, #tpu.memory_space<vmem>>
      %dma_wait3A_624 = arith.constant 0 : i32
      %dma_wait3A_625 = tpu.memref_slice %arg2[%dma_wait3A_624] : memref<4194304xf32, #tpu.memory_space<hbm>> -> memref<512xf32, #tpu.memory_space<hbm>>
      tpu.wait_dma2 semaphore(%arg11 : memref<!tpu.dma_semaphore, #tpu.memory_space<semaphore_mem>>) src(%dma_wait3A_625 : memref<512xf32, #tpu.memory_space<hbm>>) dst(%dma_wait3A_623 : memref<512xf32, #tpu.memory_space<vmem>>)
      %dma_wait3A_626 = arith.constant 3072 : i32
      %dma_wait3A_627 = tpu.memref_slice %arg8[%dma_wait3A_626] : memref<4096xf32, #tpu.memory_space<vmem>> -> memref<512xf32, #tpu.memory_space<vmem>>
      %dma_wait3A_628 = arith.constant 0 : i32
      %dma_wait3A_629 = tpu.memref_slice %arg2[%dma_wait3A_628] : memref<4194304xf32, #tpu.memory_space<hbm>> -> memref<512xf32, #tpu.memory_space<hbm>>
      %dma_wait3A_630 = arith.constant 3072 : i32
      %dma_wait3A_631 = tpu.memref_slice %arg8[%dma_wait3A_630] : memref<4096xf32, #tpu.memory_space<vmem>> -> memref<512xf32, #tpu.memory_space<vmem>>
      %dma_wait3A_632 = arith.constant 0 : i32
      %dma_wait3A_633 = tpu.memref_slice %arg2[%dma_wait3A_632] : memref<4194304xf32, #tpu.memory_space<hbm>> -> memref<512xf32, #tpu.memory_space<hbm>>
      tpu.wait_dma2 semaphore(%arg11 : memref<!tpu.dma_semaphore, #tpu.memory_space<semaphore_mem>>) src(%dma_wait3A_633 : memref<512xf32, #tpu.memory_space<hbm>>) dst(%dma_wait3A_631 : memref<512xf32, #tpu.memory_space<vmem>>)
      %dma_wait3A_634 = arith.constant 3584 : i32
      %dma_wait3A_635 = tpu.memref_slice %arg8[%dma_wait3A_634] : memref<4096xf32, #tpu.memory_space<vmem>> -> memref<512xf32, #tpu.memory_space<vmem>>
      %dma_wait3A_636 = arith.constant 0 : i32
      %dma_wait3A_637 = tpu.memref_slice %arg2[%dma_wait3A_636] : memref<4194304xf32, #tpu.memory_space<hbm>> -> memref<512xf32, #tpu.memory_space<hbm>>
      %dma_wait3A_638 = arith.constant 3584 : i32
      %dma_wait3A_639 = tpu.memref_slice %arg8[%dma_wait3A_638] : memref<4096xf32, #tpu.memory_space<vmem>> -> memref<512xf32, #tpu.memory_space<vmem>>
      %dma_wait3A_640 = arith.constant 0 : i32
      %dma_wait3A_641 = tpu.memref_slice %arg2[%dma_wait3A_640] : memref<4194304xf32, #tpu.memory_space<hbm>> -> memref<512xf32, #tpu.memory_space<hbm>>
      tpu.wait_dma2 semaphore(%arg11 : memref<!tpu.dma_semaphore, #tpu.memory_space<semaphore_mem>>) src(%dma_wait3A_641 : memref<512xf32, #tpu.memory_space<hbm>>) dst(%dma_wait3A_639 : memref<512xf32, #tpu.memory_space<vmem>>)
      %scan3A_642 = arith.constant 0 : i32
      %scan3A_643 = arith.constant 0 : i32
      %scan3A_644 = arith.constant 32 : i32
      %scan3A_645 = arith.addi %scan3A_643, %scan3A_644 : i32
      %scan3A_646 = arith.constant 1 : i32
      scf.for %scan3A_751 = %scan3A_643 to %scan3A_645 step %scan3A_646  : i32 {
        %mul3A_752 = arith.constant 16 : i32
        %mul3A_753 = arith.muli %scan3A_751, %mul3A_752 : i32
        %add3A_754 = arith.constant 0 : i32
        %add3A_755 = arith.addi %add3A_754, %mul3A_753 : i32
        %get3A = arith.index_cast %add3A_755 : i32 to index
        %get3A_756 = tpu.vector_load %arg8[%get3A] {strides = array<i32>} : memref<4096xf32, #tpu.memory_space<vmem>>, vector<16xf32>,
        %add3A_757 = arith.constant 512 : i32
        %add3A_758 = arith.addi %add3A_757, %mul3A_753 : i32
        %get3A_759 = arith.index_cast %add3A_758 : i32 to index
        %get3A_760 = tpu.vector_load %arg8[%get3A_759] {strides = array<i32>} : memref<4096xf32, #tpu.memory_space<vmem>>, vector<16xf32>,
        %add3A_761 = arith.constant 1024 : i32
        %add3A_762 = arith.addi %add3A_761, %mul3A_753 : i32
        %get3A_763 = arith.index_cast %add3A_762 : i32 to index
        %get3A_764 = tpu.vector_load %arg8[%get3A_763] {strides = array<i32>} : memref<4096xf32, #tpu.memory_space<vmem>>, vector<16xf32>,
        %add3A_765 = arith.constant 1536 : i32
        %add3A_766 = arith.addi %add3A_765, %mul3A_753 : i32
        %get3A_767 = arith.index_cast %add3A_766 : i32 to index
        %get3A_768 = tpu.vector_load %arg8[%get3A_767] {strides = array<i32>} : memref<4096xf32, #tpu.memory_space<vmem>>, vector<16xf32>,
        %add3A_769 = arith.constant 2048 : i32
        %add3A_770 = arith.addi %add3A_769, %mul3A_753 : i32
        %get3A_771 = arith.index_cast %add3A_770 : i32 to index
        %get3A_772 = tpu.vector_load %arg8[%get3A_771] {strides = array<i32>} : memref<4096xf32, #tpu.memory_space<vmem>>, vector<16xf32>,
        %add3A_773 = arith.constant 2560 : i32
        %add3A_774 = arith.addi %add3A_773, %mul3A_753 : i32
        %get3A_775 = arith.index_cast %add3A_774 : i32 to index
        %get3A_776 = tpu.vector_load %arg8[%get3A_775] {strides = array<i32>} : memref<4096xf32, #tpu.memory_space<vmem>>, vector<16xf32>,
        %add3A_777 = arith.constant 3072 : i32
        %add3A_778 = arith.addi %add3A_777, %mul3A_753 : i32
        %get3A_779 = arith.index_cast %add3A_778 : i32 to index
        %get3A_780 = tpu.vector_load %arg8[%get3A_779] {strides = array<i32>} : memref<4096xf32, #tpu.memory_space<vmem>>, vector<16xf32>,
        %add3A_781 = arith.constant 3584 : i32
        %add3A_782 = arith.addi %add3A_781, %mul3A_753 : i32
        %get3A_783 = arith.index_cast %add3A_782 : i32 to index
        %get3A_784 = tpu.vector_load %arg8[%get3A_783] {strides = array<i32>} : memref<4096xf32, #tpu.memory_space<vmem>>, vector<16xf32>,
        %mul3A_785 = arith.constant 16 : i32
        %mul3A_786 = arith.muli %mul3A_753, %mul3A_785 : i32
        %add3A_787 = arith.constant 0 : i32
        %add3A_788 = arith.addi %mul3A_786, %add3A_787 : i32
        %get3A_789 = arith.index_cast %add3A_788 : i32 to index
        %get3A_790 = tpu.vector_load %arg6[%get3A_789] {strides = array<i32>} : memref<8192xi32, #tpu.memory_space<vmem>>, vector<16xi32>,
        %add3A_791 = arith.constant 0 : i32
        %add3A_792 = arith.addi %mul3A_753, %add3A_791 : i32
        %add3A_793 = arith.constant 1 : i32
        %add3A_794 = arith.addi %add3A_792, %add3A_793 : i32
        %mul3A_795 = arith.constant 16 : i32
        %mul3A_796 = arith.muli %add3A_794, %mul3A_795 : i32
        %add3A_797 = arith.constant 0 : i32
        %add3A_798 = arith.addi %mul3A_796, %add3A_797 : i32
        %get3A_799 = arith.index_cast %add3A_798 : i32 to index
        %get3A_800 = tpu.vector_load %arg6[%get3A_799] {strides = array<i32>} : memref<8192xi32, #tpu.memory_space<vmem>>, vector<16xi32>,
        %slice3A = vector.extract_strided_slice %get3A_756 {offsets = [0], sizes = [1], strides = [1]} : vector<16xf32> to vector<1xf32>
        %squeeze3A = vector.extract %slice3A[0] : f32 from vector<1xf32>
        %broadcast_in_dim3A_801 = vector.broadcast %squeeze3A : f32 to vector<16xf32>
        %slice3A_802 = vector.extract_strided_slice %get3A_760 {offsets = [0], sizes = [1], strides = [1]} : vector<16xf32> to vector<1xf32>
        %squeeze3A_803 = vector.extract %slice3A_802[0] : f32 from vector<1xf32>
        %broadcast_in_dim3A_804 = vector.broadcast %squeeze3A_803 : f32 to vector<16xf32>
        %slice3A_805 = vector.extract_strided_slice %get3A_764 {offsets = [0], sizes = [1], strides = [1]} : vector<16xf32> to vector<1xf32>
        %squeeze3A_806 = vector.extract %slice3A_805[0] : f32 from vector<1xf32>
        %broadcast_in_dim3A_807 = vector.broadcast %squeeze3A_806 : f32 to vector<16xf32>
        %slice3A_808 = vector.extract_strided_slice %get3A_768 {offsets = [0], sizes = [1], strides = [1]} : vector<16xf32> to vector<1xf32>
        %squeeze3A_809 = vector.extract %slice3A_808[0] : f32 from vector<1xf32>
        %broadcast_in_dim3A_810 = vector.broadcast %squeeze3A_809 : f32 to vector<16xf32>
        %slice3A_811 = vector.extract_strided_slice %get3A_772 {offsets = [0], sizes = [1], strides = [1]} : vector<16xf32> to vector<1xf32>
        %squeeze3A_812 = vector.extract %slice3A_811[0] : f32 from vector<1xf32>
        %broadcast_in_dim3A_813 = vector.broadcast %squeeze3A_812 : f32 to vector<16xf32>
        %slice3A_814 = vector.extract_strided_slice %get3A_776 {offsets = [0], sizes = [1], strides = [1]} : vector<16xf32> to vector<1xf32>
        %squeeze3A_815 = vector.extract %slice3A_814[0] : f32 from vector<1xf32>
        %broadcast_in_dim3A_816 = vector.broadcast %squeeze3A_815 : f32 to vector<16xf32>
        %slice3A_817 = vector.extract_strided_slice %get3A_780 {offsets = [0], sizes = [1], strides = [1]} : vector<16xf32> to vector<1xf32>
        %squeeze3A_818 = vector.extract %slice3A_817[0] : f32 from vector<1xf32>
        %broadcast_in_dim3A_819 = vector.broadcast %squeeze3A_818 : f32 to vector<16xf32>
        %slice3A_820 = vector.extract_strided_slice %get3A_784 {offsets = [0], sizes = [1], strides = [1]} : vector<16xf32> to vector<1xf32>
        %squeeze3A_821 = vector.extract %slice3A_820[0] : f32 from vector<1xf32>
        %broadcast_in_dim3A_822 = vector.broadcast %squeeze3A_821 : f32 to vector<16xf32>
        %add3A_823 = arith.addi %mul3A_8, %get3A_790 : vector<16xi32>
        %add3A_824 = arith.addi %add3A_823, %broadcast_in_dim3A_9 : vector<16xi32>
        tpu.vector_store_idx %arg9[%add3A_824], %broadcast_in_dim3A_801 {add = true} : memref<23552xf32, #tpu.memory_space<vmem>>[vector<16xi32>], vector<16xf32>,
        %add3A_825 = arith.addi %add3A_823, %broadcast_in_dim3A_11 : vector<16xi32>
        tpu.vector_store_idx %arg9[%add3A_825], %broadcast_in_dim3A_804 {add = true} : memref<23552xf32, #tpu.memory_space<vmem>>[vector<16xi32>], vector<16xf32>,
        %add3A_826 = arith.addi %add3A_823, %broadcast_in_dim3A_13 : vector<16xi32>
        tpu.vector_store_idx %arg9[%add3A_826], %broadcast_in_dim3A_807 {add = true} : memref<23552xf32, #tpu.memory_space<vmem>>[vector<16xi32>], vector<16xf32>,
        %add3A_827 = arith.addi %add3A_823, %broadcast_in_dim3A_15 : vector<16xi32>
        tpu.vector_store_idx %arg9[%add3A_827], %broadcast_in_dim3A_810 {add = true} : memref<23552xf32, #tpu.memory_space<vmem>>[vector<16xi32>], vector<16xf32>,
        %add3A_828 = arith.addi %add3A_823, %broadcast_in_dim3A_17 : vector<16xi32>
        tpu.vector_store_idx %arg9[%add3A_828], %broadcast_in_dim3A_813 {add = true} : memref<23552xf32, #tpu.memory_space<vmem>>[vector<16xi32>], vector<16xf32>,
        %add3A_829 = arith.addi %add3A_823, %broadcast_in_dim3A_19 : vector<16xi32>
        tpu.vector_store_idx %arg9[%add3A_829], %broadcast_in_dim3A_816 {add = true} : memref<23552xf32, #tpu.memory_space<vmem>>[vector<16xi32>], vector<16xf32>,
        %add3A_830 = arith.addi %add3A_823, %broadcast_in_dim3A_21 : vector<16xi32>
        tpu.vector_store_idx %arg9[%add3A_830], %broadcast_in_dim3A_819 {add = true} : memref<23552xf32, #tpu.memory_space<vmem>>[vector<16xi32>], vector<16xf32>,
        %add3A_831 = arith.addi %add3A_823, %broadcast_in_dim3A_23 : vector<16xi32>
        tpu.vector_store_idx %arg9[%add3A_831], %broadcast_in_dim3A_822 {add = true} : memref<23552xf32, #tpu.memory_space<vmem>>[vector<16xi32>], vector<16xf32>,
        %add3A_832 = arith.constant 1 : i32
        %add3A_833 = arith.addi %mul3A_753, %add3A_832 : i32
        %add3A_834 = arith.constant 1 : i32
        %add3A_835 = arith.addi %add3A_833, %add3A_834 : i32
        %mul3A_836 = arith.constant 16 : i32
        %mul3A_837 = arith.muli %add3A_835, %mul3A_836 : i32
        %add3A_838 = arith.constant 0 : i32
        %add3A_839 = arith.addi %mul3A_837, %add3A_838 : i32
        %get3A_840 = arith.index_cast %add3A_839 : i32 to index
        %get3A_841 = tpu.vector_load %arg6[%get3A_840] {strides = array<i32>} : memref<8192xi32, #tpu.memory_space<vmem>>, vector<16xi32>,
        %slice3A_842 = vector.extract_strided_slice %get3A_756 {offsets = [1], sizes = [1], strides = [1]} : vector<16xf32> to vector<1xf32>
        %squeeze3A_843 = vector.extract %slice3A_842[0] : f32 from vector<1xf32>
        %broadcast_in_dim3A_844 = vector.broadcast %squeeze3A_843 : f32 to vector<16xf32>
        %slice3A_845 = vector.extract_strided_slice %get3A_760 {offsets = [1], sizes = [1], strides = [1]} : vector<16xf32> to vector<1xf32>
        %squeeze3A_846 = vector.extract %slice3A_845[0] : f32 from vector<1xf32>
        %broadcast_in_dim3A_847 = vector.broadcast %squeeze3A_846 : f32 to vector<16xf32>
        %slice3A_848 = vector.extract_strided_slice %get3A_764 {offsets = [1], sizes = [1], strides = [1]} : vector<16xf32> to vector<1xf32>
        %squeeze3A_849 = vector.extract %slice3A_848[0] : f32 from vector<1xf32>
        %broadcast_in_dim3A_850 = vector.broadcast %squeeze3A_849 : f32 to vector<16xf32>
        %slice3A_851 = vector.extract_strided_slice %get3A_768 {offsets = [1], sizes = [1], strides = [1]} : vector<16xf32> to vector<1xf32>
        %squeeze3A_852 = vector.extract %slice3A_851[0] : f32 from vector<1xf32>
        %broadcast_in_dim3A_853 = vector.broadcast %squeeze3A_852 : f32 to vector<16xf32>
        %slice3A_854 = vector.extract_strided_slice %get3A_772 {offsets = [1], sizes = [1], strides = [1]} : vector<16xf32> to vector<1xf32>
        %squeeze3A_855 = vector.extract %slice3A_854[0] : f32 from vector<1xf32>
        %broadcast_in_dim3A_856 = vector.broadcast %squeeze3A_855 : f32 to vector<16xf32>
        %slice3A_857 = vector.extract_strided_slice %get3A_776 {offsets = [1], sizes = [1], strides = [1]} : vector<16xf32> to vector<1xf32>
        %squeeze3A_858 = vector.extract %slice3A_857[0] : f32 from vector<1xf32>
        %broadcast_in_dim3A_859 = vector.broadcast %squeeze3A_858 : f32 to vector<16xf32>
        %slice3A_860 = vector.extract_strided_slice %get3A_780 {offsets = [1], sizes = [1], strides = [1]} : vector<16xf32> to vector<1xf32>
        %squeeze3A_861 = vector.extract %slice3A_860[0] : f32 from vector<1xf32>
        %broadcast_in_dim3A_862 = vector.broadcast %squeeze3A_861 : f32 to vector<16xf32>
        %slice3A_863 = vector.extract_strided_slice %get3A_784 {offsets = [1], sizes = [1], strides = [1]} : vector<16xf32> to vector<1xf32>
        %squeeze3A_864 = vector.extract %slice3A_863[0] : f32 from vector<1xf32>
        %broadcast_in_dim3A_865 = vector.broadcast %squeeze3A_864 : f32 to vector<16xf32>
        %add3A_866 = arith.addi %mul3A_8, %get3A_800 : vector<16xi32>
        %add3A_867 = arith.addi %add3A_866, %broadcast_in_dim3A_9 : vector<16xi32>
        tpu.vector_store_idx %arg9[%add3A_867], %broadcast_in_dim3A_844 {add = true} : memref<23552xf32, #tpu.memory_space<vmem>>[vector<16xi32>], vector<16xf32>,
        %add3A_868 = arith.addi %add3A_866, %broadcast_in_dim3A_11 : vector<16xi32>
        tpu.vector_store_idx %arg9[%add3A_868], %broadcast_in_dim3A_847 {add = true} : memref<23552xf32, #tpu.memory_space<vmem>>[vector<16xi32>], vector<16xf32>,
        %add3A_869 = arith.addi %add3A_866, %broadcast_in_dim3A_13 : vector<16xi32>
        tpu.vector_store_idx %arg9[%add3A_869], %broadcast_in_dim3A_850 {add = true} : memref<23552xf32, #tpu.memory_space<vmem>>[vector<16xi32>], vector<16xf32>,
        %add3A_870 = arith.addi %add3A_866, %broadcast_in_dim3A_15 : vector<16xi32>
        tpu.vector_store_idx %arg9[%add3A_870], %broadcast_in_dim3A_853 {add = true} : memref<23552xf32, #tpu.memory_space<vmem>>[vector<16xi32>], vector<16xf32>,
        %add3A_871 = arith.addi %add3A_866, %broadcast_in_dim3A_17 : vector<16xi32>
        tpu.vector_store_idx %arg9[%add3A_871], %broadcast_in_dim3A_856 {add = true} : memref<23552xf32, #tpu.memory_space<vmem>>[vector<16xi32>], vector<16xf32>,
        %add3A_872 = arith.addi %add3A_866, %broadcast_in_dim3A_19 : vector<16xi32>
        tpu.vector_store_idx %arg9[%add3A_872], %broadcast_in_dim3A_859 {add = true} : memref<23552xf32, #tpu.memory_space<vmem>>[vector<16xi32>], vector<16xf32>,
        %add3A_873 = arith.addi %add3A_866, %broadcast_in_dim3A_21 : vector<16xi32>
        tpu.vector_store_idx %arg9[%add3A_873], %broadcast_in_dim3A_862 {add = true} : memref<23552xf32, #tpu.memory_space<vmem>>[vector<16xi32>], vector<16xf32>,
        %add3A_874 = arith.addi %add3A_866, %broadcast_in_dim3A_23 : vector<16xi32>
        tpu.vector_store_idx %arg9[%add3A_874], %broadcast_in_dim3A_865 {add = true} : memref<23552xf32, #tpu.memory_space<vmem>>[vector<16xi32>], vector<16xf32>,
        %add3A_875 = arith.constant 2 : i32
        %add3A_876 = arith.addi %mul3A_753, %add3A_875 : i32
        %add3A_877 = arith.constant 1 : i32
        %add3A_878 = arith.addi %add3A_876, %add3A_877 : i32
        %mul3A_879 = arith.constant 16 : i32
        %mul3A_880 = arith.muli %add3A_878, %mul3A_879 : i32
        %add3A_881 = arith.constant 0 : i32
        %add3A_882 = arith.addi %mul3A_880, %add3A_881 : i32
        %get3A_883 = arith.index_cast %add3A_882 : i32 to index
        %get3A_884 = tpu.vector_load %arg6[%get3A_883] {strides = array<i32>} : memref<8192xi32, #tpu.memory_space<vmem>>, vector<16xi32>,
        %slice3A_885 = vector.extract_strided_slice %get3A_756 {offsets = [2], sizes = [1], strides = [1]} : vector<16xf32> to vector<1xf32>
        %squeeze3A_886 = vector.extract %slice3A_885[0] : f32 from vector<1xf32>
        %broadcast_in_dim3A_887 = vector.broadcast %squeeze3A_886 : f32 to vector<16xf32>
        %slice3A_888 = vector.extract_strided_slice %get3A_760 {offsets = [2], sizes = [1], strides = [1]} : vector<16xf32> to vector<1xf32>
        %squeeze3A_889 = vector.extract %slice3A_888[0] : f32 from vector<1xf32>
        %broadcast_in_dim3A_890 = vector.broadcast %squeeze3A_889 : f32 to vector<16xf32>
        %slice3A_891 = vector.extract_strided_slice %get3A_764 {offsets = [2], sizes = [1], strides = [1]} : vector<16xf32> to vector<1xf32>
        %squeeze3A_892 = vector.extract %slice3A_891[0] : f32 from vector<1xf32>
        %broadcast_in_dim3A_893 = vector.broadcast %squeeze3A_892 : f32 to vector<16xf32>
        %slice3A_894 = vector.extract_strided_slice %get3A_768 {offsets = [2], sizes = [1], strides = [1]} : vector<16xf32> to vector<1xf32>
        %squeeze3A_895 = vector.extract %slice3A_894[0] : f32 from vector<1xf32>
        %broadcast_in_dim3A_896 = vector.broadcast %squeeze3A_895 : f32 to vector<16xf32>
        %slice3A_897 = vector.extract_strided_slice %get3A_772 {offsets = [2], sizes = [1], strides = [1]} : vector<16xf32> to vector<1xf32>
        %squeeze3A_898 = vector.extract %slice3A_897[0] : f32 from vector<1xf32>
        %broadcast_in_dim3A_899 = vector.broadcast %squeeze3A_898 : f32 to vector<16xf32>
        %slice3A_900 = vector.extract_strided_slice %get3A_776 {offsets = [2], sizes = [1], strides = [1]} : vector<16xf32> to vector<1xf32>
        %squeeze3A_901 = vector.extract %slice3A_900[0] : f32 from vector<1xf32>
        %broadcast_in_dim3A_902 = vector.broadcast %squeeze3A_901 : f32 to vector<16xf32>
        %slice3A_903 = vector.extract_strided_slice %get3A_780 {offsets = [2], sizes = [1], strides = [1]} : vector<16xf32> to vector<1xf32>
        %squeeze3A_904 = vector.extract %slice3A_903[0] : f32 from vector<1xf32>
        %broadcast_in_dim3A_905 = vector.broadcast %squeeze3A_904 : f32 to vector<16xf32>
        %slice3A_906 = vector.extract_strided_slice %get3A_784 {offsets = [2], sizes = [1], strides = [1]} : vector<16xf32> to vector<1xf32>
        %squeeze3A_907 = vector.extract %slice3A_906[0] : f32 from vector<1xf32>
        %broadcast_in_dim3A_908 = vector.broadcast %squeeze3A_907 : f32 to vector<16xf32>
        %add3A_909 = arith.addi %mul3A_8, %get3A_841 : vector<16xi32>
        %add3A_910 = arith.addi %add3A_909, %broadcast_in_dim3A_9 : vector<16xi32>
        tpu.vector_store_idx %arg9[%add3A_910], %broadcast_in_dim3A_887 {add = true} : memref<23552xf32, #tpu.memory_space<vmem>>[vector<16xi32>], vector<16xf32>,
        %add3A_911 = arith.addi %add3A_909, %broadcast_in_dim3A_11 : vector<16xi32>
        tpu.vector_store_idx %arg9[%add3A_911], %broadcast_in_dim3A_890 {add = true} : memref<23552xf32, #tpu.memory_space<vmem>>[vector<16xi32>], vector<16xf32>,
        %add3A_912 = arith.addi %add3A_909, %broadcast_in_dim3A_13 : vector<16xi32>
        tpu.vector_store_idx %arg9[%add3A_912], %broadcast_in_dim3A_893 {add = true} : memref<23552xf32, #tpu.memory_space<vmem>>[vector<16xi32>], vector<16xf32>,
        %add3A_913 = arith.addi %add3A_909, %broadcast_in_dim3A_15 : vector<16xi32>
        tpu.vector_store_idx %arg9[%add3A_913], %broadcast_in_dim3A_896 {add = true} : memref<23552xf32, #tpu.memory_space<vmem>>[vector<16xi32>], vector<16xf32>,
        %add3A_914 = arith.addi %add3A_909, %broadcast_in_dim3A_17 : vector<16xi32>
        tpu.vector_store_idx %arg9[%add3A_914], %broadcast_in_dim3A_899 {add = true} : memref<23552xf32, #tpu.memory_space<vmem>>[vector<16xi32>], vector<16xf32>,
        %add3A_915 = arith.addi %add3A_909, %broadcast_in_dim3A_19 : vector<16xi32>
        tpu.vector_store_idx %arg9[%add3A_915], %broadcast_in_dim3A_902 {add = true} : memref<23552xf32, #tpu.memory_space<vmem>>[vector<16xi32>], vector<16xf32>,
        %add3A_916 = arith.addi %add3A_909, %broadcast_in_dim3A_21 : vector<16xi32>
        tpu.vector_store_idx %arg9[%add3A_916], %broadcast_in_dim3A_905 {add = true} : memref<23552xf32, #tpu.memory_space<vmem>>[vector<16xi32>], vector<16xf32>,
        %add3A_917 = arith.addi %add3A_909, %broadcast_in_dim3A_23 : vector<16xi32>
        tpu.vector_store_idx %arg9[%add3A_917], %broadcast_in_dim3A_908 {add = true} : memref<23552xf32, #tpu.memory_space<vmem>>[vector<16xi32>], vector<16xf32>,
        %add3A_918 = arith.constant 3 : i32
        %add3A_919 = arith.addi %mul3A_753, %add3A_918 : i32
        %add3A_920 = arith.constant 1 : i32
        %add3A_921 = arith.addi %add3A_919, %add3A_920 : i32
        %mul3A_922 = arith.constant 16 : i32
        %mul3A_923 = arith.muli %add3A_921, %mul3A_922 : i32
        %add3A_924 = arith.constant 0 : i32
        %add3A_925 = arith.addi %mul3A_923, %add3A_924 : i32
        %get3A_926 = arith.index_cast %add3A_925 : i32 to index
        %get3A_927 = tpu.vector_load %arg6[%get3A_926] {strides = array<i32>} : memref<8192xi32, #tpu.memory_space<vmem>>, vector<16xi32>,
        %slice3A_928 = vector.extract_strided_slice %get3A_756 {offsets = [3], sizes = [1], strides = [1]} : vector<16xf32> to vector<1xf32>
        %squeeze3A_929 = vector.extract %slice3A_928[0] : f32 from vector<1xf32>
        %broadcast_in_dim3A_930 = vector.broadcast %squeeze3A_929 : f32 to vector<16xf32>
        %slice3A_931 = vector.extract_strided_slice %get3A_760 {offsets = [3], sizes = [1], strides = [1]} : vector<16xf32> to vector<1xf32>
        %squeeze3A_932 = vector.extract %slice3A_931[0] : f32 from vector<1xf32>
        %broadcast_in_dim3A_933 = vector.broadcast %squeeze3A_932 : f32 to vector<16xf32>
        %slice3A_934 = vector.extract_strided_slice %get3A_764 {offsets = [3], sizes = [1], strides = [1]} : vector<16xf32> to vector<1xf32>
        %squeeze3A_935 = vector.extract %slice3A_934[0] : f32 from vector<1xf32>
        %broadcast_in_dim3A_936 = vector.broadcast %squeeze3A_935 : f32 to vector<16xf32>
        %slice3A_937 = vector.extract_strided_slice %get3A_768 {offsets = [3], sizes = [1], strides = [1]} : vector<16xf32> to vector<1xf32>
        %squeeze3A_938 = vector.extract %slice3A_937[0] : f32 from vector<1xf32>
        %broadcast_in_dim3A_939 = vector.broadcast %squeeze3A_938 : f32 to vector<16xf32>
        %slice3A_940 = vector.extract_strided_slice %get3A_772 {offsets = [3], sizes = [1], strides = [1]} : vector<16xf32> to vector<1xf32>
        %squeeze3A_941 = vector.extract %slice3A_940[0] : f32 from vector<1xf32>
        %broadcast_in_dim3A_942 = vector.broadcast %squeeze3A_941 : f32 to vector<16xf32>
        %slice3A_943 = vector.extract_strided_slice %get3A_776 {offsets = [3], sizes = [1], strides = [1]} : vector<16xf32> to vector<1xf32>
        %squeeze3A_944 = vector.extract %slice3A_943[0] : f32 from vector<1xf32>
        %broadcast_in_dim3A_945 = vector.broadcast %squeeze3A_944 : f32 to vector<16xf32>
        %slice3A_946 = vector.extract_strided_slice %get3A_780 {offsets = [3], sizes = [1], strides = [1]} : vector<16xf32> to vector<1xf32>
        %squeeze3A_947 = vector.extract %slice3A_946[0] : f32 from vector<1xf32>
        %broadcast_in_dim3A_948 = vector.broadcast %squeeze3A_947 : f32 to vector<16xf32>
        %slice3A_949 = vector.extract_strided_slice %get3A_784 {offsets = [3], sizes = [1], strides = [1]} : vector<16xf32> to vector<1xf32>
        %squeeze3A_950 = vector.extract %slice3A_949[0] : f32 from vector<1xf32>
        %broadcast_in_dim3A_951 = vector.broadcast %squeeze3A_950 : f32 to vector<16xf32>
        %add3A_952 = arith.addi %mul3A_8, %get3A_884 : vector<16xi32>
        %add3A_953 = arith.addi %add3A_952, %broadcast_in_dim3A_9 : vector<16xi32>
        tpu.vector_store_idx %arg9[%add3A_953], %broadcast_in_dim3A_930 {add = true} : memref<23552xf32, #tpu.memory_space<vmem>>[vector<16xi32>], vector<16xf32>,
        %add3A_954 = arith.addi %add3A_952, %broadcast_in_dim3A_11 : vector<16xi32>
        tpu.vector_store_idx %arg9[%add3A_954], %broadcast_in_dim3A_933 {add = true} : memref<23552xf32, #tpu.memory_space<vmem>>[vector<16xi32>], vector<16xf32>,
        %add3A_955 = arith.addi %add3A_952, %broadcast_in_dim3A_13 : vector<16xi32>
        tpu.vector_store_idx %arg9[%add3A_955], %broadcast_in_dim3A_936 {add = true} : memref<23552xf32, #tpu.memory_space<vmem>>[vector<16xi32>], vector<16xf32>,
        %add3A_956 = arith.addi %add3A_952, %broadcast_in_dim3A_15 : vector<16xi32>
        tpu.vector_store_idx %arg9[%add3A_956], %broadcast_in_dim3A_939 {add = true} : memref<23552xf32, #tpu.memory_space<vmem>>[vector<16xi32>], vector<16xf32>,
        %add3A_957 = arith.addi %add3A_952, %broadcast_in_dim3A_17 : vector<16xi32>
        tpu.vector_store_idx %arg9[%add3A_957], %broadcast_in_dim3A_942 {add = true} : memref<23552xf32, #tpu.memory_space<vmem>>[vector<16xi32>], vector<16xf32>,
        %add3A_958 = arith.addi %add3A_952, %broadcast_in_dim3A_19 : vector<16xi32>
        tpu.vector_store_idx %arg9[%add3A_958], %broadcast_in_dim3A_945 {add = true} : memref<23552xf32, #tpu.memory_space<vmem>>[vector<16xi32>], vector<16xf32>,
        %add3A_959 = arith.addi %add3A_952, %broadcast_in_dim3A_21 : vector<16xi32>
        tpu.vector_store_idx %arg9[%add3A_959], %broadcast_in_dim3A_948 {add = true} : memref<23552xf32, #tpu.memory_space<vmem>>[vector<16xi32>], vector<16xf32>,
        %add3A_960 = arith.addi %add3A_952, %broadcast_in_dim3A_23 : vector<16xi32>
        tpu.vector_store_idx %arg9[%add3A_960], %broadcast_in_dim3A_951 {add = true} : memref<23552xf32, #tpu.memory_space<vmem>>[vector<16xi32>], vector<16xf32>,
        %add3A_961 = arith.constant 4 : i32
        %add3A_962 = arith.addi %mul3A_753, %add3A_961 : i32
        %add3A_963 = arith.constant 1 : i32
        %add3A_964 = arith.addi %add3A_962, %add3A_963 : i32
        %mul3A_965 = arith.constant 16 : i32
        %mul3A_966 = arith.muli %add3A_964, %mul3A_965 : i32
        %add3A_967 = arith.constant 0 : i32
        %add3A_968 = arith.addi %mul3A_966, %add3A_967 : i32
        %get3A_969 = arith.index_cast %add3A_968 : i32 to index
        %get3A_970 = tpu.vector_load %arg6[%get3A_969] {strides = array<i32>} : memref<8192xi32, #tpu.memory_space<vmem>>, vector<16xi32>,
        %slice3A_971 = vector.extract_strided_slice %get3A_756 {offsets = [4], sizes = [1], strides = [1]} : vector<16xf32> to vector<1xf32>
        %squeeze3A_972 = vector.extract %slice3A_971[0] : f32 from vector<1xf32>
        %broadcast_in_dim3A_973 = vector.broadcast %squeeze3A_972 : f32 to vector<16xf32>
        %slice3A_974 = vector.extract_strided_slice %get3A_760 {offsets = [4], sizes = [1], strides = [1]} : vector<16xf32> to vector<1xf32>
        %squeeze3A_975 = vector.extract %slice3A_974[0] : f32 from vector<1xf32>
        %broadcast_in_dim3A_976 = vector.broadcast %squeeze3A_975 : f32 to vector<16xf32>
        %slice3A_977 = vector.extract_strided_slice %get3A_764 {offsets = [4], sizes = [1], strides = [1]} : vector<16xf32> to vector<1xf32>
        %squeeze3A_978 = vector.extract %slice3A_977[0] : f32 from vector<1xf32>
        %broadcast_in_dim3A_979 = vector.broadcast %squeeze3A_978 : f32 to vector<16xf32>
        %slice3A_980 = vector.extract_strided_slice %get3A_768 {offsets = [4], sizes = [1], strides = [1]} : vector<16xf32> to vector<1xf32>
        %squeeze3A_981 = vector.extract %slice3A_980[0] : f32 from vector<1xf32>
        %broadcast_in_dim3A_982 = vector.broadcast %squeeze3A_981 : f32 to vector<16xf32>
        %slice3A_983 = vector.extract_strided_slice %get3A_772 {offsets = [4], sizes = [1], strides = [1]} : vector<16xf32> to vector<1xf32>
        %squeeze3A_984 = vector.extract %slice3A_983[0] : f32 from vector<1xf32>
        %broadcast_in_dim3A_985 = vector.broadcast %squeeze3A_984 : f32 to vector<16xf32>
        %slice3A_986 = vector.extract_strided_slice %get3A_776 {offsets = [4], sizes = [1], strides = [1]} : vector<16xf32> to vector<1xf32>
        %squeeze3A_987 = vector.extract %slice3A_986[0] : f32 from vector<1xf32>
        %broadcast_in_dim3A_988 = vector.broadcast %squeeze3A_987 : f32 to vector<16xf32>
        %slice3A_989 = vector.extract_strided_slice %get3A_780 {offsets = [4], sizes = [1], strides = [1]} : vector<16xf32> to vector<1xf32>
        %squeeze3A_990 = vector.extract %slice3A_989[0] : f32 from vector<1xf32>
        %broadcast_in_dim3A_991 = vector.broadcast %squeeze3A_990 : f32 to vector<16xf32>
        %slice3A_992 = vector.extract_strided_slice %get3A_784 {offsets = [4], sizes = [1], strides = [1]} : vector<16xf32> to vector<1xf32>
        %squeeze3A_993 = vector.extract %slice3A_992[0] : f32 from vector<1xf32>
        %broadcast_in_dim3A_994 = vector.broadcast %squeeze3A_993 : f32 to vector<16xf32>
        %add3A_995 = arith.addi %mul3A_8, %get3A_927 : vector<16xi32>
        %add3A_996 = arith.addi %add3A_995, %broadcast_in_dim3A_9 : vector<16xi32>
        tpu.vector_store_idx %arg9[%add3A_996], %broadcast_in_dim3A_973 {add = true} : memref<23552xf32, #tpu.memory_space<vmem>>[vector<16xi32>], vector<16xf32>,
        %add3A_997 = arith.addi %add3A_995, %broadcast_in_dim3A_11 : vector<16xi32>
        tpu.vector_store_idx %arg9[%add3A_997], %broadcast_in_dim3A_976 {add = true} : memref<23552xf32, #tpu.memory_space<vmem>>[vector<16xi32>], vector<16xf32>,
        %add3A_998 = arith.addi %add3A_995, %broadcast_in_dim3A_13 : vector<16xi32>
        tpu.vector_store_idx %arg9[%add3A_998], %broadcast_in_dim3A_979 {add = true} : memref<23552xf32, #tpu.memory_space<vmem>>[vector<16xi32>], vector<16xf32>,
        %add3A_999 = arith.addi %add3A_995, %broadcast_in_dim3A_15 : vector<16xi32>
        tpu.vector_store_idx %arg9[%add3A_999], %broadcast_in_dim3A_982 {add = true} : memref<23552xf32, #tpu.memory_space<vmem>>[vector<16xi32>], vector<16xf32>,
        %add3A_1000 = arith.addi %add3A_995, %broadcast_in_dim3A_17 : vector<16xi32>
        tpu.vector_store_idx %arg9[%add3A_1000], %broadcast_in_dim3A_985 {add = true} : memref<23552xf32, #tpu.memory_space<vmem>>[vector<16xi32>], vector<16xf32>,
        %add3A_1001 = arith.addi %add3A_995, %broadcast_in_dim3A_19 : vector<16xi32>
        tpu.vector_store_idx %arg9[%add3A_1001], %broadcast_in_dim3A_988 {add = true} : memref<23552xf32, #tpu.memory_space<vmem>>[vector<16xi32>], vector<16xf32>,
        %add3A_1002 = arith.addi %add3A_995, %broadcast_in_dim3A_21 : vector<16xi32>
        tpu.vector_store_idx %arg9[%add3A_1002], %broadcast_in_dim3A_991 {add = true} : memref<23552xf32, #tpu.memory_space<vmem>>[vector<16xi32>], vector<16xf32>,
        %add3A_1003 = arith.addi %add3A_995, %broadcast_in_dim3A_23 : vector<16xi32>
        tpu.vector_store_idx %arg9[%add3A_1003], %broadcast_in_dim3A_994 {add = true} : memref<23552xf32, #tpu.memory_space<vmem>>[vector<16xi32>], vector<16xf32>,
        %add3A_1004 = arith.constant 5 : i32
        %add3A_1005 = arith.addi %mul3A_753, %add3A_1004 : i32
        %add3A_1006 = arith.constant 1 : i32
        %add3A_1007 = arith.addi %add3A_1005, %add3A_1006 : i32
        %mul3A_1008 = arith.constant 16 : i32
        %mul3A_1009 = arith.muli %add3A_1007, %mul3A_1008 : i32
        %add3A_1010 = arith.constant 0 : i32
        %add3A_1011 = arith.addi %mul3A_1009, %add3A_1010 : i32
        %get3A_1012 = arith.index_cast %add3A_1011 : i32 to index
        %get3A_1013 = tpu.vector_load %arg6[%get3A_1012] {strides = array<i32>} : memref<8192xi32, #tpu.memory_space<vmem>>, vector<16xi32>,
        %slice3A_1014 = vector.extract_strided_slice %get3A_756 {offsets = [5], sizes = [1], strides = [1]} : vector<16xf32> to vector<1xf32>
        %squeeze3A_1015 = vector.extract %slice3A_1014[0] : f32 from vector<1xf32>
        %broadcast_in_dim3A_1016 = vector.broadcast %squeeze3A_1015 : f32 to vector<16xf32>
        %slice3A_1017 = vector.extract_strided_slice %get3A_760 {offsets = [5], sizes = [1], strides = [1]} : vector<16xf32> to vector<1xf32>
        %squeeze3A_1018 = vector.extract %slice3A_1017[0] : f32 from vector<1xf32>
        %broadcast_in_dim3A_1019 = vector.broadcast %squeeze3A_1018 : f32 to vector<16xf32>
        %slice3A_1020 = vector.extract_strided_slice %get3A_764 {offsets = [5], sizes = [1], strides = [1]} : vector<16xf32> to vector<1xf32>
        %squeeze3A_1021 = vector.extract %slice3A_1020[0] : f32 from vector<1xf32>
        %broadcast_in_dim3A_1022 = vector.broadcast %squeeze3A_1021 : f32 to vector<16xf32>
        %slice3A_1023 = vector.extract_strided_slice %get3A_768 {offsets = [5], sizes = [1], strides = [1]} : vector<16xf32> to vector<1xf32>
        %squeeze3A_1024 = vector.extract %slice3A_1023[0] : f32 from vector<1xf32>
        %broadcast_in_dim3A_1025 = vector.broadcast %squeeze3A_1024 : f32 to vector<16xf32>
        %slice3A_1026 = vector.extract_strided_slice %get3A_772 {offsets = [5], sizes = [1], strides = [1]} : vector<16xf32> to vector<1xf32>
        %squeeze3A_1027 = vector.extract %slice3A_1026[0] : f32 from vector<1xf32>
        %broadcast_in_dim3A_1028 = vector.broadcast %squeeze3A_1027 : f32 to vector<16xf32>
        %slice3A_1029 = vector.extract_strided_slice %get3A_776 {offsets = [5], sizes = [1], strides = [1]} : vector<16xf32> to vector<1xf32>
        %squeeze3A_1030 = vector.extract %slice3A_1029[0] : f32 from vector<1xf32>
        %broadcast_in_dim3A_1031 = vector.broadcast %squeeze3A_1030 : f32 to vector<16xf32>
        %slice3A_1032 = vector.extract_strided_slice %get3A_780 {offsets = [5], sizes = [1], strides = [1]} : vector<16xf32> to vector<1xf32>
        %squeeze3A_1033 = vector.extract %slice3A_1032[0] : f32 from vector<1xf32>
        %broadcast_in_dim3A_1034 = vector.broadcast %squeeze3A_1033 : f32 to vector<16xf32>
        %slice3A_1035 = vector.extract_strided_slice %get3A_784 {offsets = [5], sizes = [1], strides = [1]} : vector<16xf32> to vector<1xf32>
        %squeeze3A_1036 = vector.extract %slice3A_1035[0] : f32 from vector<1xf32>
        %broadcast_in_dim3A_1037 = vector.broadcast %squeeze3A_1036 : f32 to vector<16xf32>
        %add3A_1038 = arith.addi %mul3A_8, %get3A_970 : vector<16xi32>
        %add3A_1039 = arith.addi %add3A_1038, %broadcast_in_dim3A_9 : vector<16xi32>
        tpu.vector_store_idx %arg9[%add3A_1039], %broadcast_in_dim3A_1016 {add = true} : memref<23552xf32, #tpu.memory_space<vmem>>[vector<16xi32>], vector<16xf32>,
        %add3A_1040 = arith.addi %add3A_1038, %broadcast_in_dim3A_11 : vector<16xi32>
        tpu.vector_store_idx %arg9[%add3A_1040], %broadcast_in_dim3A_1019 {add = true} : memref<23552xf32, #tpu.memory_space<vmem>>[vector<16xi32>], vector<16xf32>,
        %add3A_1041 = arith.addi %add3A_1038, %broadcast_in_dim3A_13 : vector<16xi32>
        tpu.vector_store_idx %arg9[%add3A_1041], %broadcast_in_dim3A_1022 {add = true} : memref<23552xf32, #tpu.memory_space<vmem>>[vector<16xi32>], vector<16xf32>,
        %add3A_1042 = arith.addi %add3A_1038, %broadcast_in_dim3A_15 : vector<16xi32>
        tpu.vector_store_idx %arg9[%add3A_1042], %broadcast_in_dim3A_1025 {add = true} : memref<23552xf32, #tpu.memory_space<vmem>>[vector<16xi32>], vector<16xf32>,
        %add3A_1043 = arith.addi %add3A_1038, %broadcast_in_dim3A_17 : vector<16xi32>
        tpu.vector_store_idx %arg9[%add3A_1043], %broadcast_in_dim3A_1028 {add = true} : memref<23552xf32, #tpu.memory_space<vmem>>[vector<16xi32>], vector<16xf32>,
        %add3A_1044 = arith.addi %add3A_1038, %broadcast_in_dim3A_19 : vector<16xi32>
        tpu.vector_store_idx %arg9[%add3A_1044], %broadcast_in_dim3A_1031 {add = true} : memref<23552xf32, #tpu.memory_space<vmem>>[vector<16xi32>], vector<16xf32>,
        %add3A_1045 = arith.addi %add3A_1038, %broadcast_in_dim3A_21 : vector<16xi32>
        tpu.vector_store_idx %arg9[%add3A_1045], %broadcast_in_dim3A_1034 {add = true} : memref<23552xf32, #tpu.memory_space<vmem>>[vector<16xi32>], vector<16xf32>,
        %add3A_1046 = arith.addi %add3A_1038, %broadcast_in_dim3A_23 : vector<16xi32>
        tpu.vector_store_idx %arg9[%add3A_1046], %broadcast_in_dim3A_1037 {add = true} : memref<23552xf32, #tpu.memory_space<vmem>>[vector<16xi32>], vector<16xf32>,
        %add3A_1047 = arith.constant 6 : i32
        %add3A_1048 = arith.addi %mul3A_753, %add3A_1047 : i32
        %add3A_1049 = arith.constant 1 : i32
        %add3A_1050 = arith.addi %add3A_1048, %add3A_1049 : i32
        %mul3A_1051 = arith.constant 16 : i32
        %mul3A_1052 = arith.muli %add3A_1050, %mul3A_1051 : i32
        %add3A_1053 = arith.constant 0 : i32
        %add3A_1054 = arith.addi %mul3A_1052, %add3A_1053 : i32
        %get3A_1055 = arith.index_cast %add3A_1054 : i32 to index
        %get3A_1056 = tpu.vector_load %arg6[%get3A_1055] {strides = array<i32>} : memref<8192xi32, #tpu.memory_space<vmem>>, vector<16xi32>,
        %slice3A_1057 = vector.extract_strided_slice %get3A_756 {offsets = [6], sizes = [1], strides = [1]} : vector<16xf32> to vector<1xf32>
        %squeeze3A_1058 = vector.extract %slice3A_1057[0] : f32 from vector<1xf32>
        %broadcast_in_dim3A_1059 = vector.broadcast %squeeze3A_1058 : f32 to vector<16xf32>
        %slice3A_1060 = vector.extract_strided_slice %get3A_760 {offsets = [6], sizes = [1], strides = [1]} : vector<16xf32> to vector<1xf32>
        %squeeze3A_1061 = vector.extract %slice3A_1060[0] : f32 from vector<1xf32>
        %broadcast_in_dim3A_1062 = vector.broadcast %squeeze3A_1061 : f32 to vector<16xf32>
        %slice3A_1063 = vector.extract_strided_slice %get3A_764 {offsets = [6], sizes = [1], strides = [1]} : vector<16xf32> to vector<1xf32>
        %squeeze3A_1064 = vector.extract %slice3A_1063[0] : f32 from vector<1xf32>
        %broadcast_in_dim3A_1065 = vector.broadcast %squeeze3A_1064 : f32 to vector<16xf32>
        %slice3A_1066 = vector.extract_strided_slice %get3A_768 {offsets = [6], sizes = [1], strides = [1]} : vector<16xf32> to vector<1xf32>
        %squeeze3A_1067 = vector.extract %slice3A_1066[0] : f32 from vector<1xf32>
        %broadcast_in_dim3A_1068 = vector.broadcast %squeeze3A_1067 : f32 to vector<16xf32>
        %slice3A_1069 = vector.extract_strided_slice %get3A_772 {offsets = [6], sizes = [1], strides = [1]} : vector<16xf32> to vector<1xf32>
        %squeeze3A_1070 = vector.extract %slice3A_1069[0] : f32 from vector<1xf32>
        %broadcast_in_dim3A_1071 = vector.broadcast %squeeze3A_1070 : f32 to vector<16xf32>
        %slice3A_1072 = vector.extract_strided_slice %get3A_776 {offsets = [6], sizes = [1], strides = [1]} : vector<16xf32> to vector<1xf32>
        %squeeze3A_1073 = vector.extract %slice3A_1072[0] : f32 from vector<1xf32>
        %broadcast_in_dim3A_1074 = vector.broadcast %squeeze3A_1073 : f32 to vector<16xf32>
        %slice3A_1075 = vector.extract_strided_slice %get3A_780 {offsets = [6], sizes = [1], strides = [1]} : vector<16xf32> to vector<1xf32>
        %squeeze3A_1076 = vector.extract %slice3A_1075[0] : f32 from vector<1xf32>
        %broadcast_in_dim3A_1077 = vector.broadcast %squeeze3A_1076 : f32 to vector<16xf32>
        %slice3A_1078 = vector.extract_strided_slice %get3A_784 {offsets = [6], sizes = [1], strides = [1]} : vector<16xf32> to vector<1xf32>
        %squeeze3A_1079 = vector.extract %slice3A_1078[0] : f32 from vector<1xf32>
        %broadcast_in_dim3A_1080 = vector.broadcast %squeeze3A_1079 : f32 to vector<16xf32>
        %add3A_1081 = arith.addi %mul3A_8, %get3A_1013 : vector<16xi32>
        %add3A_1082 = arith.addi %add3A_1081, %broadcast_in_dim3A_9 : vector<16xi32>
        tpu.vector_store_idx %arg9[%add3A_1082], %broadcast_in_dim3A_1059 {add = true} : memref<23552xf32, #tpu.memory_space<vmem>>[vector<16xi32>], vector<16xf32>,
        %add3A_1083 = arith.addi %add3A_1081, %broadcast_in_dim3A_11 : vector<16xi32>
        tpu.vector_store_idx %arg9[%add3A_1083], %broadcast_in_dim3A_1062 {add = true} : memref<23552xf32, #tpu.memory_space<vmem>>[vector<16xi32>], vector<16xf32>,
        %add3A_1084 = arith.addi %add3A_1081, %broadcast_in_dim3A_13 : vector<16xi32>
        tpu.vector_store_idx %arg9[%add3A_1084], %broadcast_in_dim3A_1065 {add = true} : memref<23552xf32, #tpu.memory_space<vmem>>[vector<16xi32>], vector<16xf32>,
        %add3A_1085 = arith.addi %add3A_1081, %broadcast_in_dim3A_15 : vector<16xi32>
        tpu.vector_store_idx %arg9[%add3A_1085], %broadcast_in_dim3A_1068 {add = true} : memref<23552xf32, #tpu.memory_space<vmem>>[vector<16xi32>], vector<16xf32>,
        %add3A_1086 = arith.addi %add3A_1081, %broadcast_in_dim3A_17 : vector<16xi32>
        tpu.vector_store_idx %arg9[%add3A_1086], %broadcast_in_dim3A_1071 {add = true} : memref<23552xf32, #tpu.memory_space<vmem>>[vector<16xi32>], vector<16xf32>,
        %add3A_1087 = arith.addi %add3A_1081, %broadcast_in_dim3A_19 : vector<16xi32>
        tpu.vector_store_idx %arg9[%add3A_1087], %broadcast_in_dim3A_1074 {add = true} : memref<23552xf32, #tpu.memory_space<vmem>>[vector<16xi32>], vector<16xf32>,
        %add3A_1088 = arith.addi %add3A_1081, %broadcast_in_dim3A_21 : vector<16xi32>
        tpu.vector_store_idx %arg9[%add3A_1088], %broadcast_in_dim3A_1077 {add = true} : memref<23552xf32, #tpu.memory_space<vmem>>[vector<16xi32>], vector<16xf32>,
        %add3A_1089 = arith.addi %add3A_1081, %broadcast_in_dim3A_23 : vector<16xi32>
        tpu.vector_store_idx %arg9[%add3A_1089], %broadcast_in_dim3A_1080 {add = true} : memref<23552xf32, #tpu.memory_space<vmem>>[vector<16xi32>], vector<16xf32>,
        %add3A_1090 = arith.constant 7 : i32
        %add3A_1091 = arith.addi %mul3A_753, %add3A_1090 : i32
        %add3A_1092 = arith.constant 1 : i32
        %add3A_1093 = arith.addi %add3A_1091, %add3A_1092 : i32
        %mul3A_1094 = arith.constant 16 : i32
        %mul3A_1095 = arith.muli %add3A_1093, %mul3A_1094 : i32
        %add3A_1096 = arith.constant 0 : i32
        %add3A_1097 = arith.addi %mul3A_1095, %add3A_1096 : i32
        %get3A_1098 = arith.index_cast %add3A_1097 : i32 to index
        %get3A_1099 = tpu.vector_load %arg6[%get3A_1098] {strides = array<i32>} : memref<8192xi32, #tpu.memory_space<vmem>>, vector<16xi32>,
        %slice3A_1100 = vector.extract_strided_slice %get3A_756 {offsets = [7], sizes = [1], strides = [1]} : vector<16xf32> to vector<1xf32>
        %squeeze3A_1101 = vector.extract %slice3A_1100[0] : f32 from vector<1xf32>
        %broadcast_in_dim3A_1102 = vector.broadcast %squeeze3A_1101 : f32 to vector<16xf32>
        %slice3A_1103 = vector.extract_strided_slice %get3A_760 {offsets = [7], sizes = [1], strides = [1]} : vector<16xf32> to vector<1xf32>
        %squeeze3A_1104 = vector.extract %slice3A_1103[0] : f32 from vector<1xf32>
        %broadcast_in_dim3A_1105 = vector.broadcast %squeeze3A_1104 : f32 to vector<16xf32>
        %slice3A_1106 = vector.extract_strided_slice %get3A_764 {offsets = [7], sizes = [1], strides = [1]} : vector<16xf32> to vector<1xf32>
        %squeeze3A_1107 = vector.extract %slice3A_1106[0] : f32 from vector<1xf32>
        %broadcast_in_dim3A_1108 = vector.broadcast %squeeze3A_1107 : f32 to vector<16xf32>
        %slice3A_1109 = vector.extract_strided_slice %get3A_768 {offsets = [7], sizes = [1], strides = [1]} : vector<16xf32> to vector<1xf32>
        %squeeze3A_1110 = vector.extract %slice3A_1109[0] : f32 from vector<1xf32>
        %broadcast_in_dim3A_1111 = vector.broadcast %squeeze3A_1110 : f32 to vector<16xf32>
        %slice3A_1112 = vector.extract_strided_slice %get3A_772 {offsets = [7], sizes = [1], strides = [1]} : vector<16xf32> to vector<1xf32>
        %squeeze3A_1113 = vector.extract %slice3A_1112[0] : f32 from vector<1xf32>
        %broadcast_in_dim3A_1114 = vector.broadcast %squeeze3A_1113 : f32 to vector<16xf32>
        %slice3A_1115 = vector.extract_strided_slice %get3A_776 {offsets = [7], sizes = [1], strides = [1]} : vector<16xf32> to vector<1xf32>
        %squeeze3A_1116 = vector.extract %slice3A_1115[0] : f32 from vector<1xf32>
        %broadcast_in_dim3A_1117 = vector.broadcast %squeeze3A_1116 : f32 to vector<16xf32>
        %slice3A_1118 = vector.extract_strided_slice %get3A_780 {offsets = [7], sizes = [1], strides = [1]} : vector<16xf32> to vector<1xf32>
        %squeeze3A_1119 = vector.extract %slice3A_1118[0] : f32 from vector<1xf32>
        %broadcast_in_dim3A_1120 = vector.broadcast %squeeze3A_1119 : f32 to vector<16xf32>
        %slice3A_1121 = vector.extract_strided_slice %get3A_784 {offsets = [7], sizes = [1], strides = [1]} : vector<16xf32> to vector<1xf32>
        %squeeze3A_1122 = vector.extract %slice3A_1121[0] : f32 from vector<1xf32>
        %broadcast_in_dim3A_1123 = vector.broadcast %squeeze3A_1122 : f32 to vector<16xf32>
        %add3A_1124 = arith.addi %mul3A_8, %get3A_1056 : vector<16xi32>
        %add3A_1125 = arith.addi %add3A_1124, %broadcast_in_dim3A_9 : vector<16xi32>
        tpu.vector_store_idx %arg9[%add3A_1125], %broadcast_in_dim3A_1102 {add = true} : memref<23552xf32, #tpu.memory_space<vmem>>[vector<16xi32>], vector<16xf32>,
        %add3A_1126 = arith.addi %add3A_1124, %broadcast_in_dim3A_11 : vector<16xi32>
        tpu.vector_store_idx %arg9[%add3A_1126], %broadcast_in_dim3A_1105 {add = true} : memref<23552xf32, #tpu.memory_space<vmem>>[vector<16xi32>], vector<16xf32>,
        %add3A_1127 = arith.addi %add3A_1124, %broadcast_in_dim3A_13 : vector<16xi32>
        tpu.vector_store_idx %arg9[%add3A_1127], %broadcast_in_dim3A_1108 {add = true} : memref<23552xf32, #tpu.memory_space<vmem>>[vector<16xi32>], vector<16xf32>,
        %add3A_1128 = arith.addi %add3A_1124, %broadcast_in_dim3A_15 : vector<16xi32>
        tpu.vector_store_idx %arg9[%add3A_1128], %broadcast_in_dim3A_1111 {add = true} : memref<23552xf32, #tpu.memory_space<vmem>>[vector<16xi32>], vector<16xf32>,
        %add3A_1129 = arith.addi %add3A_1124, %broadcast_in_dim3A_17 : vector<16xi32>
        tpu.vector_store_idx %arg9[%add3A_1129], %broadcast_in_dim3A_1114 {add = true} : memref<23552xf32, #tpu.memory_space<vmem>>[vector<16xi32>], vector<16xf32>,
        %add3A_1130 = arith.addi %add3A_1124, %broadcast_in_dim3A_19 : vector<16xi32>
        tpu.vector_store_idx %arg9[%add3A_1130], %broadcast_in_dim3A_1117 {add = true} : memref<23552xf32, #tpu.memory_space<vmem>>[vector<16xi32>], vector<16xf32>,
        %add3A_1131 = arith.addi %add3A_1124, %broadcast_in_dim3A_21 : vector<16xi32>
        tpu.vector_store_idx %arg9[%add3A_1131], %broadcast_in_dim3A_1120 {add = true} : memref<23552xf32, #tpu.memory_space<vmem>>[vector<16xi32>], vector<16xf32>,
        %add3A_1132 = arith.addi %add3A_1124, %broadcast_in_dim3A_23 : vector<16xi32>
        tpu.vector_store_idx %arg9[%add3A_1132], %broadcast_in_dim3A_1123 {add = true} : memref<23552xf32, #tpu.memory_space<vmem>>[vector<16xi32>], vector<16xf32>,
        %add3A_1133 = arith.constant 8 : i32
        %add3A_1134 = arith.addi %mul3A_753, %add3A_1133 : i32
        %add3A_1135 = arith.constant 1 : i32
        %add3A_1136 = arith.addi %add3A_1134, %add3A_1135 : i32
        %mul3A_1137 = arith.constant 16 : i32
        %mul3A_1138 = arith.muli %add3A_1136, %mul3A_1137 : i32
        %add3A_1139 = arith.constant 0 : i32
        %add3A_1140 = arith.addi %mul3A_1138, %add3A_1139 : i32
        %get3A_1141 = arith.index_cast %add3A_1140 : i32 to index
        %get3A_1142 = tpu.vector_load %arg6[%get3A_1141] {strides = array<i32>} : memref<8192xi32, #tpu.memory_space<vmem>>, vector<16xi32>,
        %slice3A_1143 = vector.extract_strided_slice %get3A_756 {offsets = [8], sizes = [1], strides = [1]} : vector<16xf32> to vector<1xf32>
        %squeeze3A_1144 = vector.extract %slice3A_1143[0] : f32 from vector<1xf32>
        %broadcast_in_dim3A_1145 = vector.broadcast %squeeze3A_1144 : f32 to vector<16xf32>
        %slice3A_1146 = vector.extract_strided_slice %get3A_760 {offsets = [8], sizes = [1], strides = [1]} : vector<16xf32> to vector<1xf32>
        %squeeze3A_1147 = vector.extract %slice3A_1146[0] : f32 from vector<1xf32>
        %broadcast_in_dim3A_1148 = vector.broadcast %squeeze3A_1147 : f32 to vector<16xf32>
        %slice3A_1149 = vector.extract_strided_slice %get3A_764 {offsets = [8], sizes = [1], strides = [1]} : vector<16xf32> to vector<1xf32>
        %squeeze3A_1150 = vector.extract %slice3A_1149[0] : f32 from vector<1xf32>
        %broadcast_in_dim3A_1151 = vector.broadcast %squeeze3A_1150 : f32 to vector<16xf32>
        %slice3A_1152 = vector.extract_strided_slice %get3A_768 {offsets = [8], sizes = [1], strides = [1]} : vector<16xf32> to vector<1xf32>
        %squeeze3A_1153 = vector.extract %slice3A_1152[0] : f32 from vector<1xf32>
        %broadcast_in_dim3A_1154 = vector.broadcast %squeeze3A_1153 : f32 to vector<16xf32>
        %slice3A_1155 = vector.extract_strided_slice %get3A_772 {offsets = [8], sizes = [1], strides = [1]} : vector<16xf32> to vector<1xf32>
        %squeeze3A_1156 = vector.extract %slice3A_1155[0] : f32 from vector<1xf32>
        %broadcast_in_dim3A_1157 = vector.broadcast %squeeze3A_1156 : f32 to vector<16xf32>
        %slice3A_1158 = vector.extract_strided_slice %get3A_776 {offsets = [8], sizes = [1], strides = [1]} : vector<16xf32> to vector<1xf32>
        %squeeze3A_1159 = vector.extract %slice3A_1158[0] : f32 from vector<1xf32>
        %broadcast_in_dim3A_1160 = vector.broadcast %squeeze3A_1159 : f32 to vector<16xf32>
        %slice3A_1161 = vector.extract_strided_slice %get3A_780 {offsets = [8], sizes = [1], strides = [1]} : vector<16xf32> to vector<1xf32>
        %squeeze3A_1162 = vector.extract %slice3A_1161[0] : f32 from vector<1xf32>
        %broadcast_in_dim3A_1163 = vector.broadcast %squeeze3A_1162 : f32 to vector<16xf32>
        %slice3A_1164 = vector.extract_strided_slice %get3A_784 {offsets = [8], sizes = [1], strides = [1]} : vector<16xf32> to vector<1xf32>
        %squeeze3A_1165 = vector.extract %slice3A_1164[0] : f32 from vector<1xf32>
        %broadcast_in_dim3A_1166 = vector.broadcast %squeeze3A_1165 : f32 to vector<16xf32>
        %add3A_1167 = arith.addi %mul3A_8, %get3A_1099 : vector<16xi32>
        %add3A_1168 = arith.addi %add3A_1167, %broadcast_in_dim3A_9 : vector<16xi32>
        tpu.vector_store_idx %arg9[%add3A_1168], %broadcast_in_dim3A_1145 {add = true} : memref<23552xf32, #tpu.memory_space<vmem>>[vector<16xi32>], vector<16xf32>,
        %add3A_1169 = arith.addi %add3A_1167, %broadcast_in_dim3A_11 : vector<16xi32>
        tpu.vector_store_idx %arg9[%add3A_1169], %broadcast_in_dim3A_1148 {add = true} : memref<23552xf32, #tpu.memory_space<vmem>>[vector<16xi32>], vector<16xf32>,
        %add3A_1170 = arith.addi %add3A_1167, %broadcast_in_dim3A_13 : vector<16xi32>
        tpu.vector_store_idx %arg9[%add3A_1170], %broadcast_in_dim3A_1151 {add = true} : memref<23552xf32, #tpu.memory_space<vmem>>[vector<16xi32>], vector<16xf32>,
        %add3A_1171 = arith.addi %add3A_1167, %broadcast_in_dim3A_15 : vector<16xi32>
        tpu.vector_store_idx %arg9[%add3A_1171], %broadcast_in_dim3A_1154 {add = true} : memref<23552xf32, #tpu.memory_space<vmem>>[vector<16xi32>], vector<16xf32>,
        %add3A_1172 = arith.addi %add3A_1167, %broadcast_in_dim3A_17 : vector<16xi32>
        tpu.vector_store_idx %arg9[%add3A_1172], %broadcast_in_dim3A_1157 {add = true} : memref<23552xf32, #tpu.memory_space<vmem>>[vector<16xi32>], vector<16xf32>,
        %add3A_1173 = arith.addi %add3A_1167, %broadcast_in_dim3A_19 : vector<16xi32>
        tpu.vector_store_idx %arg9[%add3A_1173], %broadcast_in_dim3A_1160 {add = true} : memref<23552xf32, #tpu.memory_space<vmem>>[vector<16xi32>], vector<16xf32>,
        %add3A_1174 = arith.addi %add3A_1167, %broadcast_in_dim3A_21 : vector<16xi32>
        tpu.vector_store_idx %arg9[%add3A_1174], %broadcast_in_dim3A_1163 {add = true} : memref<23552xf32, #tpu.memory_space<vmem>>[vector<16xi32>], vector<16xf32>,
        %add3A_1175 = arith.addi %add3A_1167, %broadcast_in_dim3A_23 : vector<16xi32>
        tpu.vector_store_idx %arg9[%add3A_1175], %broadcast_in_dim3A_1166 {add = true} : memref<23552xf32, #tpu.memory_space<vmem>>[vector<16xi32>], vector<16xf32>,
        %add3A_1176 = arith.constant 9 : i32
        %add3A_1177 = arith.addi %mul3A_753, %add3A_1176 : i32
        %add3A_1178 = arith.constant 1 : i32
        %add3A_1179 = arith.addi %add3A_1177, %add3A_1178 : i32
        %mul3A_1180 = arith.constant 16 : i32
        %mul3A_1181 = arith.muli %add3A_1179, %mul3A_1180 : i32
        %add3A_1182 = arith.constant 0 : i32
        %add3A_1183 = arith.addi %mul3A_1181, %add3A_1182 : i32
        %get3A_1184 = arith.index_cast %add3A_1183 : i32 to index
        %get3A_1185 = tpu.vector_load %arg6[%get3A_1184] {strides = array<i32>} : memref<8192xi32, #tpu.memory_space<vmem>>, vector<16xi32>,
        %slice3A_1186 = vector.extract_strided_slice %get3A_756 {offsets = [9], sizes = [1], strides = [1]} : vector<16xf32> to vector<1xf32>
        %squeeze3A_1187 = vector.extract %slice3A_1186[0] : f32 from vector<1xf32>
        %broadcast_in_dim3A_1188 = vector.broadcast %squeeze3A_1187 : f32 to vector<16xf32>
        %slice3A_1189 = vector.extract_strided_slice %get3A_760 {offsets = [9], sizes = [1], strides = [1]} : vector<16xf32> to vector<1xf32>
        %squeeze3A_1190 = vector.extract %slice3A_1189[0] : f32 from vector<1xf32>
        %broadcast_in_dim3A_1191 = vector.broadcast %squeeze3A_1190 : f32 to vector<16xf32>
        %slice3A_1192 = vector.extract_strided_slice %get3A_764 {offsets = [9], sizes = [1], strides = [1]} : vector<16xf32> to vector<1xf32>
        %squeeze3A_1193 = vector.extract %slice3A_1192[0] : f32 from vector<1xf32>
        %broadcast_in_dim3A_1194 = vector.broadcast %squeeze3A_1193 : f32 to vector<16xf32>
        %slice3A_1195 = vector.extract_strided_slice %get3A_768 {offsets = [9], sizes = [1], strides = [1]} : vector<16xf32> to vector<1xf32>
        %squeeze3A_1196 = vector.extract %slice3A_1195[0] : f32 from vector<1xf32>
        %broadcast_in_dim3A_1197 = vector.broadcast %squeeze3A_1196 : f32 to vector<16xf32>
        %slice3A_1198 = vector.extract_strided_slice %get3A_772 {offsets = [9], sizes = [1], strides = [1]} : vector<16xf32> to vector<1xf32>
        %squeeze3A_1199 = vector.extract %slice3A_1198[0] : f32 from vector<1xf32>
        %broadcast_in_dim3A_1200 = vector.broadcast %squeeze3A_1199 : f32 to vector<16xf32>
        %slice3A_1201 = vector.extract_strided_slice %get3A_776 {offsets = [9], sizes = [1], strides = [1]} : vector<16xf32> to vector<1xf32>
        %squeeze3A_1202 = vector.extract %slice3A_1201[0] : f32 from vector<1xf32>
        %broadcast_in_dim3A_1203 = vector.broadcast %squeeze3A_1202 : f32 to vector<16xf32>
        %slice3A_1204 = vector.extract_strided_slice %get3A_780 {offsets = [9], sizes = [1], strides = [1]} : vector<16xf32> to vector<1xf32>
        %squeeze3A_1205 = vector.extract %slice3A_1204[0] : f32 from vector<1xf32>
        %broadcast_in_dim3A_1206 = vector.broadcast %squeeze3A_1205 : f32 to vector<16xf32>
        %slice3A_1207 = vector.extract_strided_slice %get3A_784 {offsets = [9], sizes = [1], strides = [1]} : vector<16xf32> to vector<1xf32>
        %squeeze3A_1208 = vector.extract %slice3A_1207[0] : f32 from vector<1xf32>
        %broadcast_in_dim3A_1209 = vector.broadcast %squeeze3A_1208 : f32 to vector<16xf32>
        %add3A_1210 = arith.addi %mul3A_8, %get3A_1142 : vector<16xi32>
        %add3A_1211 = arith.addi %add3A_1210, %broadcast_in_dim3A_9 : vector<16xi32>
        tpu.vector_store_idx %arg9[%add3A_1211], %broadcast_in_dim3A_1188 {add = true} : memref<23552xf32, #tpu.memory_space<vmem>>[vector<16xi32>], vector<16xf32>,
        %add3A_1212 = arith.addi %add3A_1210, %broadcast_in_dim3A_11 : vector<16xi32>
        tpu.vector_store_idx %arg9[%add3A_1212], %broadcast_in_dim3A_1191 {add = true} : memref<23552xf32, #tpu.memory_space<vmem>>[vector<16xi32>], vector<16xf32>,
        %add3A_1213 = arith.addi %add3A_1210, %broadcast_in_dim3A_13 : vector<16xi32>
        tpu.vector_store_idx %arg9[%add3A_1213], %broadcast_in_dim3A_1194 {add = true} : memref<23552xf32, #tpu.memory_space<vmem>>[vector<16xi32>], vector<16xf32>,
        %add3A_1214 = arith.addi %add3A_1210, %broadcast_in_dim3A_15 : vector<16xi32>
        tpu.vector_store_idx %arg9[%add3A_1214], %broadcast_in_dim3A_1197 {add = true} : memref<23552xf32, #tpu.memory_space<vmem>>[vector<16xi32>], vector<16xf32>,
        %add3A_1215 = arith.addi %add3A_1210, %broadcast_in_dim3A_17 : vector<16xi32>
        tpu.vector_store_idx %arg9[%add3A_1215], %broadcast_in_dim3A_1200 {add = true} : memref<23552xf32, #tpu.memory_space<vmem>>[vector<16xi32>], vector<16xf32>,
        %add3A_1216 = arith.addi %add3A_1210, %broadcast_in_dim3A_19 : vector<16xi32>
        tpu.vector_store_idx %arg9[%add3A_1216], %broadcast_in_dim3A_1203 {add = true} : memref<23552xf32, #tpu.memory_space<vmem>>[vector<16xi32>], vector<16xf32>,
        %add3A_1217 = arith.addi %add3A_1210, %broadcast_in_dim3A_21 : vector<16xi32>
        tpu.vector_store_idx %arg9[%add3A_1217], %broadcast_in_dim3A_1206 {add = true} : memref<23552xf32, #tpu.memory_space<vmem>>[vector<16xi32>], vector<16xf32>,
        %add3A_1218 = arith.addi %add3A_1210, %broadcast_in_dim3A_23 : vector<16xi32>
        tpu.vector_store_idx %arg9[%add3A_1218], %broadcast_in_dim3A_1209 {add = true} : memref<23552xf32, #tpu.memory_space<vmem>>[vector<16xi32>], vector<16xf32>,
        %add3A_1219 = arith.constant 10 : i32
        %add3A_1220 = arith.addi %mul3A_753, %add3A_1219 : i32
        %add3A_1221 = arith.constant 1 : i32
        %add3A_1222 = arith.addi %add3A_1220, %add3A_1221 : i32
        %mul3A_1223 = arith.constant 16 : i32
        %mul3A_1224 = arith.muli %add3A_1222, %mul3A_1223 : i32
        %add3A_1225 = arith.constant 0 : i32
        %add3A_1226 = arith.addi %mul3A_1224, %add3A_1225 : i32
        %get3A_1227 = arith.index_cast %add3A_1226 : i32 to index
        %get3A_1228 = tpu.vector_load %arg6[%get3A_1227] {strides = array<i32>} : memref<8192xi32, #tpu.memory_space<vmem>>, vector<16xi32>,
        %slice3A_1229 = vector.extract_strided_slice %get3A_756 {offsets = [10], sizes = [1], strides = [1]} : vector<16xf32> to vector<1xf32>
        %squeeze3A_1230 = vector.extract %slice3A_1229[0] : f32 from vector<1xf32>
        %broadcast_in_dim3A_1231 = vector.broadcast %squeeze3A_1230 : f32 to vector<16xf32>
        %slice3A_1232 = vector.extract_strided_slice %get3A_760 {offsets = [10], sizes = [1], strides = [1]} : vector<16xf32> to vector<1xf32>
        %squeeze3A_1233 = vector.extract %slice3A_1232[0] : f32 from vector<1xf32>
        %broadcast_in_dim3A_1234 = vector.broadcast %squeeze3A_1233 : f32 to vector<16xf32>
        %slice3A_1235 = vector.extract_strided_slice %get3A_764 {offsets = [10], sizes = [1], strides = [1]} : vector<16xf32> to vector<1xf32>
        %squeeze3A_1236 = vector.extract %slice3A_1235[0] : f32 from vector<1xf32>
        %broadcast_in_dim3A_1237 = vector.broadcast %squeeze3A_1236 : f32 to vector<16xf32>
        %slice3A_1238 = vector.extract_strided_slice %get3A_768 {offsets = [10], sizes = [1], strides = [1]} : vector<16xf32> to vector<1xf32>
        %squeeze3A_1239 = vector.extract %slice3A_1238[0] : f32 from vector<1xf32>
        %broadcast_in_dim3A_1240 = vector.broadcast %squeeze3A_1239 : f32 to vector<16xf32>
        %slice3A_1241 = vector.extract_strided_slice %get3A_772 {offsets = [10], sizes = [1], strides = [1]} : vector<16xf32> to vector<1xf32>
        %squeeze3A_1242 = vector.extract %slice3A_1241[0] : f32 from vector<1xf32>
        %broadcast_in_dim3A_1243 = vector.broadcast %squeeze3A_1242 : f32 to vector<16xf32>
        %slice3A_1244 = vector.extract_strided_slice %get3A_776 {offsets = [10], sizes = [1], strides = [1]} : vector<16xf32> to vector<1xf32>
        %squeeze3A_1245 = vector.extract %slice3A_1244[0] : f32 from vector<1xf32>
        %broadcast_in_dim3A_1246 = vector.broadcast %squeeze3A_1245 : f32 to vector<16xf32>
        %slice3A_1247 = vector.extract_strided_slice %get3A_780 {offsets = [10], sizes = [1], strides = [1]} : vector<16xf32> to vector<1xf32>
        %squeeze3A_1248 = vector.extract %slice3A_1247[0] : f32 from vector<1xf32>
        %broadcast_in_dim3A_1249 = vector.broadcast %squeeze3A_1248 : f32 to vector<16xf32>
        %slice3A_1250 = vector.extract_strided_slice %get3A_784 {offsets = [10], sizes = [1], strides = [1]} : vector<16xf32> to vector<1xf32>
        %squeeze3A_1251 = vector.extract %slice3A_1250[0] : f32 from vector<1xf32>
        %broadcast_in_dim3A_1252 = vector.broadcast %squeeze3A_1251 : f32 to vector<16xf32>
        %add3A_1253 = arith.addi %mul3A_8, %get3A_1185 : vector<16xi32>
        %add3A_1254 = arith.addi %add3A_1253, %broadcast_in_dim3A_9 : vector<16xi32>
        tpu.vector_store_idx %arg9[%add3A_1254], %broadcast_in_dim3A_1231 {add = true} : memref<23552xf32, #tpu.memory_space<vmem>>[vector<16xi32>], vector<16xf32>,
        %add3A_1255 = arith.addi %add3A_1253, %broadcast_in_dim3A_11 : vector<16xi32>
        tpu.vector_store_idx %arg9[%add3A_1255], %broadcast_in_dim3A_1234 {add = true} : memref<23552xf32, #tpu.memory_space<vmem>>[vector<16xi32>], vector<16xf32>,
        %add3A_1256 = arith.addi %add3A_1253, %broadcast_in_dim3A_13 : vector<16xi32>
        tpu.vector_store_idx %arg9[%add3A_1256], %broadcast_in_dim3A_1237 {add = true} : memref<23552xf32, #tpu.memory_space<vmem>>[vector<16xi32>], vector<16xf32>,
        %add3A_1257 = arith.addi %add3A_1253, %broadcast_in_dim3A_15 : vector<16xi32>
        tpu.vector_store_idx %arg9[%add3A_1257], %broadcast_in_dim3A_1240 {add = true} : memref<23552xf32, #tpu.memory_space<vmem>>[vector<16xi32>], vector<16xf32>,
        %add3A_1258 = arith.addi %add3A_1253, %broadcast_in_dim3A_17 : vector<16xi32>
        tpu.vector_store_idx %arg9[%add3A_1258], %broadcast_in_dim3A_1243 {add = true} : memref<23552xf32, #tpu.memory_space<vmem>>[vector<16xi32>], vector<16xf32>,
        %add3A_1259 = arith.addi %add3A_1253, %broadcast_in_dim3A_19 : vector<16xi32>
        tpu.vector_store_idx %arg9[%add3A_1259], %broadcast_in_dim3A_1246 {add = true} : memref<23552xf32, #tpu.memory_space<vmem>>[vector<16xi32>], vector<16xf32>,
        %add3A_1260 = arith.addi %add3A_1253, %broadcast_in_dim3A_21 : vector<16xi32>
        tpu.vector_store_idx %arg9[%add3A_1260], %broadcast_in_dim3A_1249 {add = true} : memref<23552xf32, #tpu.memory_space<vmem>>[vector<16xi32>], vector<16xf32>,
        %add3A_1261 = arith.addi %add3A_1253, %broadcast_in_dim3A_23 : vector<16xi32>
        tpu.vector_store_idx %arg9[%add3A_1261], %broadcast_in_dim3A_1252 {add = true} : memref<23552xf32, #tpu.memory_space<vmem>>[vector<16xi32>], vector<16xf32>,
        %add3A_1262 = arith.constant 11 : i32
        %add3A_1263 = arith.addi %mul3A_753, %add3A_1262 : i32
        %add3A_1264 = arith.constant 1 : i32
        %add3A_1265 = arith.addi %add3A_1263, %add3A_1264 : i32
        %mul3A_1266 = arith.constant 16 : i32
        %mul3A_1267 = arith.muli %add3A_1265, %mul3A_1266 : i32
        %add3A_1268 = arith.constant 0 : i32
        %add3A_1269 = arith.addi %mul3A_1267, %add3A_1268 : i32
        %get3A_1270 = arith.index_cast %add3A_1269 : i32 to index
        %get3A_1271 = tpu.vector_load %arg6[%get3A_1270] {strides = array<i32>} : memref<8192xi32, #tpu.memory_space<vmem>>, vector<16xi32>,
        %slice3A_1272 = vector.extract_strided_slice %get3A_756 {offsets = [11], sizes = [1], strides = [1]} : vector<16xf32> to vector<1xf32>
        %squeeze3A_1273 = vector.extract %slice3A_1272[0] : f32 from vector<1xf32>
        %broadcast_in_dim3A_1274 = vector.broadcast %squeeze3A_1273 : f32 to vector<16xf32>
        %slice3A_1275 = vector.extract_strided_slice %get3A_760 {offsets = [11], sizes = [1], strides = [1]} : vector<16xf32> to vector<1xf32>
        %squeeze3A_1276 = vector.extract %slice3A_1275[0] : f32 from vector<1xf32>
        %broadcast_in_dim3A_1277 = vector.broadcast %squeeze3A_1276 : f32 to vector<16xf32>
        %slice3A_1278 = vector.extract_strided_slice %get3A_764 {offsets = [11], sizes = [1], strides = [1]} : vector<16xf32> to vector<1xf32>
        %squeeze3A_1279 = vector.extract %slice3A_1278[0] : f32 from vector<1xf32>
        %broadcast_in_dim3A_1280 = vector.broadcast %squeeze3A_1279 : f32 to vector<16xf32>
        %slice3A_1281 = vector.extract_strided_slice %get3A_768 {offsets = [11], sizes = [1], strides = [1]} : vector<16xf32> to vector<1xf32>
        %squeeze3A_1282 = vector.extract %slice3A_1281[0] : f32 from vector<1xf32>
        %broadcast_in_dim3A_1283 = vector.broadcast %squeeze3A_1282 : f32 to vector<16xf32>
        %slice3A_1284 = vector.extract_strided_slice %get3A_772 {offsets = [11], sizes = [1], strides = [1]} : vector<16xf32> to vector<1xf32>
        %squeeze3A_1285 = vector.extract %slice3A_1284[0] : f32 from vector<1xf32>
        %broadcast_in_dim3A_1286 = vector.broadcast %squeeze3A_1285 : f32 to vector<16xf32>
        %slice3A_1287 = vector.extract_strided_slice %get3A_776 {offsets = [11], sizes = [1], strides = [1]} : vector<16xf32> to vector<1xf32>
        %squeeze3A_1288 = vector.extract %slice3A_1287[0] : f32 from vector<1xf32>
        %broadcast_in_dim3A_1289 = vector.broadcast %squeeze3A_1288 : f32 to vector<16xf32>
        %slice3A_1290 = vector.extract_strided_slice %get3A_780 {offsets = [11], sizes = [1], strides = [1]} : vector<16xf32> to vector<1xf32>
        %squeeze3A_1291 = vector.extract %slice3A_1290[0] : f32 from vector<1xf32>
        %broadcast_in_dim3A_1292 = vector.broadcast %squeeze3A_1291 : f32 to vector<16xf32>
        %slice3A_1293 = vector.extract_strided_slice %get3A_784 {offsets = [11], sizes = [1], strides = [1]} : vector<16xf32> to vector<1xf32>
        %squeeze3A_1294 = vector.extract %slice3A_1293[0] : f32 from vector<1xf32>
        %broadcast_in_dim3A_1295 = vector.broadcast %squeeze3A_1294 : f32 to vector<16xf32>
        %add3A_1296 = arith.addi %mul3A_8, %get3A_1228 : vector<16xi32>
        %add3A_1297 = arith.addi %add3A_1296, %broadcast_in_dim3A_9 : vector<16xi32>
        tpu.vector_store_idx %arg9[%add3A_1297], %broadcast_in_dim3A_1274 {add = true} : memref<23552xf32, #tpu.memory_space<vmem>>[vector<16xi32>], vector<16xf32>,
        %add3A_1298 = arith.addi %add3A_1296, %broadcast_in_dim3A_11 : vector<16xi32>
        tpu.vector_store_idx %arg9[%add3A_1298], %broadcast_in_dim3A_1277 {add = true} : memref<23552xf32, #tpu.memory_space<vmem>>[vector<16xi32>], vector<16xf32>,
        %add3A_1299 = arith.addi %add3A_1296, %broadcast_in_dim3A_13 : vector<16xi32>
        tpu.vector_store_idx %arg9[%add3A_1299], %broadcast_in_dim3A_1280 {add = true} : memref<23552xf32, #tpu.memory_space<vmem>>[vector<16xi32>], vector<16xf32>,
        %add3A_1300 = arith.addi %add3A_1296, %broadcast_in_dim3A_15 : vector<16xi32>
        tpu.vector_store_idx %arg9[%add3A_1300], %broadcast_in_dim3A_1283 {add = true} : memref<23552xf32, #tpu.memory_space<vmem>>[vector<16xi32>], vector<16xf32>,
        %add3A_1301 = arith.addi %add3A_1296, %broadcast_in_dim3A_17 : vector<16xi32>
        tpu.vector_store_idx %arg9[%add3A_1301], %broadcast_in_dim3A_1286 {add = true} : memref<23552xf32, #tpu.memory_space<vmem>>[vector<16xi32>], vector<16xf32>,
        %add3A_1302 = arith.addi %add3A_1296, %broadcast_in_dim3A_19 : vector<16xi32>
        tpu.vector_store_idx %arg9[%add3A_1302], %broadcast_in_dim3A_1289 {add = true} : memref<23552xf32, #tpu.memory_space<vmem>>[vector<16xi32>], vector<16xf32>,
        %add3A_1303 = arith.addi %add3A_1296, %broadcast_in_dim3A_21 : vector<16xi32>
        tpu.vector_store_idx %arg9[%add3A_1303], %broadcast_in_dim3A_1292 {add = true} : memref<23552xf32, #tpu.memory_space<vmem>>[vector<16xi32>], vector<16xf32>,
        %add3A_1304 = arith.addi %add3A_1296, %broadcast_in_dim3A_23 : vector<16xi32>
        tpu.vector_store_idx %arg9[%add3A_1304], %broadcast_in_dim3A_1295 {add = true} : memref<23552xf32, #tpu.memory_space<vmem>>[vector<16xi32>], vector<16xf32>,
        %add3A_1305 = arith.constant 12 : i32
        %add3A_1306 = arith.addi %mul3A_753, %add3A_1305 : i32
        %add3A_1307 = arith.constant 1 : i32
        %add3A_1308 = arith.addi %add3A_1306, %add3A_1307 : i32
        %mul3A_1309 = arith.constant 16 : i32
        %mul3A_1310 = arith.muli %add3A_1308, %mul3A_1309 : i32
        %add3A_1311 = arith.constant 0 : i32
        %add3A_1312 = arith.addi %mul3A_1310, %add3A_1311 : i32
        %get3A_1313 = arith.index_cast %add3A_1312 : i32 to index
        %get3A_1314 = tpu.vector_load %arg6[%get3A_1313] {strides = array<i32>} : memref<8192xi32, #tpu.memory_space<vmem>>, vector<16xi32>,
        %slice3A_1315 = vector.extract_strided_slice %get3A_756 {offsets = [12], sizes = [1], strides = [1]} : vector<16xf32> to vector<1xf32>
        %squeeze3A_1316 = vector.extract %slice3A_1315[0] : f32 from vector<1xf32>
        %broadcast_in_dim3A_1317 = vector.broadcast %squeeze3A_1316 : f32 to vector<16xf32>
        %slice3A_1318 = vector.extract_strided_slice %get3A_760 {offsets = [12], sizes = [1], strides = [1]} : vector<16xf32> to vector<1xf32>
        %squeeze3A_1319 = vector.extract %slice3A_1318[0] : f32 from vector<1xf32>
        %broadcast_in_dim3A_1320 = vector.broadcast %squeeze3A_1319 : f32 to vector<16xf32>
        %slice3A_1321 = vector.extract_strided_slice %get3A_764 {offsets = [12], sizes = [1], strides = [1]} : vector<16xf32> to vector<1xf32>
        %squeeze3A_1322 = vector.extract %slice3A_1321[0] : f32 from vector<1xf32>
        %broadcast_in_dim3A_1323 = vector.broadcast %squeeze3A_1322 : f32 to vector<16xf32>
        %slice3A_1324 = vector.extract_strided_slice %get3A_768 {offsets = [12], sizes = [1], strides = [1]} : vector<16xf32> to vector<1xf32>
        %squeeze3A_1325 = vector.extract %slice3A_1324[0] : f32 from vector<1xf32>
        %broadcast_in_dim3A_1326 = vector.broadcast %squeeze3A_1325 : f32 to vector<16xf32>
        %slice3A_1327 = vector.extract_strided_slice %get3A_772 {offsets = [12], sizes = [1], strides = [1]} : vector<16xf32> to vector<1xf32>
        %squeeze3A_1328 = vector.extract %slice3A_1327[0] : f32 from vector<1xf32>
        %broadcast_in_dim3A_1329 = vector.broadcast %squeeze3A_1328 : f32 to vector<16xf32>
        %slice3A_1330 = vector.extract_strided_slice %get3A_776 {offsets = [12], sizes = [1], strides = [1]} : vector<16xf32> to vector<1xf32>
        %squeeze3A_1331 = vector.extract %slice3A_1330[0] : f32 from vector<1xf32>
        %broadcast_in_dim3A_1332 = vector.broadcast %squeeze3A_1331 : f32 to vector<16xf32>
        %slice3A_1333 = vector.extract_strided_slice %get3A_780 {offsets = [12], sizes = [1], strides = [1]} : vector<16xf32> to vector<1xf32>
        %squeeze3A_1334 = vector.extract %slice3A_1333[0] : f32 from vector<1xf32>
        %broadcast_in_dim3A_1335 = vector.broadcast %squeeze3A_1334 : f32 to vector<16xf32>
        %slice3A_1336 = vector.extract_strided_slice %get3A_784 {offsets = [12], sizes = [1], strides = [1]} : vector<16xf32> to vector<1xf32>
        %squeeze3A_1337 = vector.extract %slice3A_1336[0] : f32 from vector<1xf32>
        %broadcast_in_dim3A_1338 = vector.broadcast %squeeze3A_1337 : f32 to vector<16xf32>
        %add3A_1339 = arith.addi %mul3A_8, %get3A_1271 : vector<16xi32>
        %add3A_1340 = arith.addi %add3A_1339, %broadcast_in_dim3A_9 : vector<16xi32>
        tpu.vector_store_idx %arg9[%add3A_1340], %broadcast_in_dim3A_1317 {add = true} : memref<23552xf32, #tpu.memory_space<vmem>>[vector<16xi32>], vector<16xf32>,
        %add3A_1341 = arith.addi %add3A_1339, %broadcast_in_dim3A_11 : vector<16xi32>
        tpu.vector_store_idx %arg9[%add3A_1341], %broadcast_in_dim3A_1320 {add = true} : memref<23552xf32, #tpu.memory_space<vmem>>[vector<16xi32>], vector<16xf32>,
        %add3A_1342 = arith.addi %add3A_1339, %broadcast_in_dim3A_13 : vector<16xi32>
        tpu.vector_store_idx %arg9[%add3A_1342], %broadcast_in_dim3A_1323 {add = true} : memref<23552xf32, #tpu.memory_space<vmem>>[vector<16xi32>], vector<16xf32>,
        %add3A_1343 = arith.addi %add3A_1339, %broadcast_in_dim3A_15 : vector<16xi32>
        tpu.vector_store_idx %arg9[%add3A_1343], %broadcast_in_dim3A_1326 {add = true} : memref<23552xf32, #tpu.memory_space<vmem>>[vector<16xi32>], vector<16xf32>,
        %add3A_1344 = arith.addi %add3A_1339, %broadcast_in_dim3A_17 : vector<16xi32>
        tpu.vector_store_idx %arg9[%add3A_1344], %broadcast_in_dim3A_1329 {add = true} : memref<23552xf32, #tpu.memory_space<vmem>>[vector<16xi32>], vector<16xf32>,
        %add3A_1345 = arith.addi %add3A_1339, %broadcast_in_dim3A_19 : vector<16xi32>
        tpu.vector_store_idx %arg9[%add3A_1345], %broadcast_in_dim3A_1332 {add = true} : memref<23552xf32, #tpu.memory_space<vmem>>[vector<16xi32>], vector<16xf32>,
        %add3A_1346 = arith.addi %add3A_1339, %broadcast_in_dim3A_21 : vector<16xi32>
        tpu.vector_store_idx %arg9[%add3A_1346], %broadcast_in_dim3A_1335 {add = true} : memref<23552xf32, #tpu.memory_space<vmem>>[vector<16xi32>], vector<16xf32>,
        %add3A_1347 = arith.addi %add3A_1339, %broadcast_in_dim3A_23 : vector<16xi32>
        tpu.vector_store_idx %arg9[%add3A_1347], %broadcast_in_dim3A_1338 {add = true} : memref<23552xf32, #tpu.memory_space<vmem>>[vector<16xi32>], vector<16xf32>,
        %add3A_1348 = arith.constant 13 : i32
        %add3A_1349 = arith.addi %mul3A_753, %add3A_1348 : i32
        %add3A_1350 = arith.constant 1 : i32
        %add3A_1351 = arith.addi %add3A_1349, %add3A_1350 : i32
        %mul3A_1352 = arith.constant 16 : i32
        %mul3A_1353 = arith.muli %add3A_1351, %mul3A_1352 : i32
        %add3A_1354 = arith.constant 0 : i32
        %add3A_1355 = arith.addi %mul3A_1353, %add3A_1354 : i32
        %get3A_1356 = arith.index_cast %add3A_1355 : i32 to index
        %get3A_1357 = tpu.vector_load %arg6[%get3A_1356] {strides = array<i32>} : memref<8192xi32, #tpu.memory_space<vmem>>, vector<16xi32>,
        %slice3A_1358 = vector.extract_strided_slice %get3A_756 {offsets = [13], sizes = [1], strides = [1]} : vector<16xf32> to vector<1xf32>
        %squeeze3A_1359 = vector.extract %slice3A_1358[0] : f32 from vector<1xf32>
        %broadcast_in_dim3A_1360 = vector.broadcast %squeeze3A_1359 : f32 to vector<16xf32>
        %slice3A_1361 = vector.extract_strided_slice %get3A_760 {offsets = [13], sizes = [1], strides = [1]} : vector<16xf32> to vector<1xf32>
        %squeeze3A_1362 = vector.extract %slice3A_1361[0] : f32 from vector<1xf32>
        %broadcast_in_dim3A_1363 = vector.broadcast %squeeze3A_1362 : f32 to vector<16xf32>
        %slice3A_1364 = vector.extract_strided_slice %get3A_764 {offsets = [13], sizes = [1], strides = [1]} : vector<16xf32> to vector<1xf32>
        %squeeze3A_1365 = vector.extract %slice3A_1364[0] : f32 from vector<1xf32>
        %broadcast_in_dim3A_1366 = vector.broadcast %squeeze3A_1365 : f32 to vector<16xf32>
        %slice3A_1367 = vector.extract_strided_slice %get3A_768 {offsets = [13], sizes = [1], strides = [1]} : vector<16xf32> to vector<1xf32>
        %squeeze3A_1368 = vector.extract %slice3A_1367[0] : f32 from vector<1xf32>
        %broadcast_in_dim3A_1369 = vector.broadcast %squeeze3A_1368 : f32 to vector<16xf32>
        %slice3A_1370 = vector.extract_strided_slice %get3A_772 {offsets = [13], sizes = [1], strides = [1]} : vector<16xf32> to vector<1xf32>
        %squeeze3A_1371 = vector.extract %slice3A_1370[0] : f32 from vector<1xf32>
        %broadcast_in_dim3A_1372 = vector.broadcast %squeeze3A_1371 : f32 to vector<16xf32>
        %slice3A_1373 = vector.extract_strided_slice %get3A_776 {offsets = [13], sizes = [1], strides = [1]} : vector<16xf32> to vector<1xf32>
        %squeeze3A_1374 = vector.extract %slice3A_1373[0] : f32 from vector<1xf32>
        %broadcast_in_dim3A_1375 = vector.broadcast %squeeze3A_1374 : f32 to vector<16xf32>
        %slice3A_1376 = vector.extract_strided_slice %get3A_780 {offsets = [13], sizes = [1], strides = [1]} : vector<16xf32> to vector<1xf32>
        %squeeze3A_1377 = vector.extract %slice3A_1376[0] : f32 from vector<1xf32>
        %broadcast_in_dim3A_1378 = vector.broadcast %squeeze3A_1377 : f32 to vector<16xf32>
        %slice3A_1379 = vector.extract_strided_slice %get3A_784 {offsets = [13], sizes = [1], strides = [1]} : vector<16xf32> to vector<1xf32>
        %squeeze3A_1380 = vector.extract %slice3A_1379[0] : f32 from vector<1xf32>
        %broadcast_in_dim3A_1381 = vector.broadcast %squeeze3A_1380 : f32 to vector<16xf32>
        %add3A_1382 = arith.addi %mul3A_8, %get3A_1314 : vector<16xi32>
        %add3A_1383 = arith.addi %add3A_1382, %broadcast_in_dim3A_9 : vector<16xi32>
        tpu.vector_store_idx %arg9[%add3A_1383], %broadcast_in_dim3A_1360 {add = true} : memref<23552xf32, #tpu.memory_space<vmem>>[vector<16xi32>], vector<16xf32>,
        %add3A_1384 = arith.addi %add3A_1382, %broadcast_in_dim3A_11 : vector<16xi32>
        tpu.vector_store_idx %arg9[%add3A_1384], %broadcast_in_dim3A_1363 {add = true} : memref<23552xf32, #tpu.memory_space<vmem>>[vector<16xi32>], vector<16xf32>,
        %add3A_1385 = arith.addi %add3A_1382, %broadcast_in_dim3A_13 : vector<16xi32>
        tpu.vector_store_idx %arg9[%add3A_1385], %broadcast_in_dim3A_1366 {add = true} : memref<23552xf32, #tpu.memory_space<vmem>>[vector<16xi32>], vector<16xf32>,
        %add3A_1386 = arith.addi %add3A_1382, %broadcast_in_dim3A_15 : vector<16xi32>
        tpu.vector_store_idx %arg9[%add3A_1386], %broadcast_in_dim3A_1369 {add = true} : memref<23552xf32, #tpu.memory_space<vmem>>[vector<16xi32>], vector<16xf32>,
        %add3A_1387 = arith.addi %add3A_1382, %broadcast_in_dim3A_17 : vector<16xi32>
        tpu.vector_store_idx %arg9[%add3A_1387], %broadcast_in_dim3A_1372 {add = true} : memref<23552xf32, #tpu.memory_space<vmem>>[vector<16xi32>], vector<16xf32>,
        %add3A_1388 = arith.addi %add3A_1382, %broadcast_in_dim3A_19 : vector<16xi32>
        tpu.vector_store_idx %arg9[%add3A_1388], %broadcast_in_dim3A_1375 {add = true} : memref<23552xf32, #tpu.memory_space<vmem>>[vector<16xi32>], vector<16xf32>,
        %add3A_1389 = arith.addi %add3A_1382, %broadcast_in_dim3A_21 : vector<16xi32>
        tpu.vector_store_idx %arg9[%add3A_1389], %broadcast_in_dim3A_1378 {add = true} : memref<23552xf32, #tpu.memory_space<vmem>>[vector<16xi32>], vector<16xf32>,
        %add3A_1390 = arith.addi %add3A_1382, %broadcast_in_dim3A_23 : vector<16xi32>
        tpu.vector_store_idx %arg9[%add3A_1390], %broadcast_in_dim3A_1381 {add = true} : memref<23552xf32, #tpu.memory_space<vmem>>[vector<16xi32>], vector<16xf32>,
        %add3A_1391 = arith.constant 14 : i32
        %add3A_1392 = arith.addi %mul3A_753, %add3A_1391 : i32
        %add3A_1393 = arith.constant 1 : i32
        %add3A_1394 = arith.addi %add3A_1392, %add3A_1393 : i32
        %mul3A_1395 = arith.constant 16 : i32
        %mul3A_1396 = arith.muli %add3A_1394, %mul3A_1395 : i32
        %add3A_1397 = arith.constant 0 : i32
        %add3A_1398 = arith.addi %mul3A_1396, %add3A_1397 : i32
        %get3A_1399 = arith.index_cast %add3A_1398 : i32 to index
        %get3A_1400 = tpu.vector_load %arg6[%get3A_1399] {strides = array<i32>} : memref<8192xi32, #tpu.memory_space<vmem>>, vector<16xi32>,
        %slice3A_1401 = vector.extract_strided_slice %get3A_756 {offsets = [14], sizes = [1], strides = [1]} : vector<16xf32> to vector<1xf32>
        %squeeze3A_1402 = vector.extract %slice3A_1401[0] : f32 from vector<1xf32>
        %broadcast_in_dim3A_1403 = vector.broadcast %squeeze3A_1402 : f32 to vector<16xf32>
        %slice3A_1404 = vector.extract_strided_slice %get3A_760 {offsets = [14], sizes = [1], strides = [1]} : vector<16xf32> to vector<1xf32>
        %squeeze3A_1405 = vector.extract %slice3A_1404[0] : f32 from vector<1xf32>
        %broadcast_in_dim3A_1406 = vector.broadcast %squeeze3A_1405 : f32 to vector<16xf32>
        %slice3A_1407 = vector.extract_strided_slice %get3A_764 {offsets = [14], sizes = [1], strides = [1]} : vector<16xf32> to vector<1xf32>
        %squeeze3A_1408 = vector.extract %slice3A_1407[0] : f32 from vector<1xf32>
        %broadcast_in_dim3A_1409 = vector.broadcast %squeeze3A_1408 : f32 to vector<16xf32>
        %slice3A_1410 = vector.extract_strided_slice %get3A_768 {offsets = [14], sizes = [1], strides = [1]} : vector<16xf32> to vector<1xf32>
        %squeeze3A_1411 = vector.extract %slice3A_1410[0] : f32 from vector<1xf32>
        %broadcast_in_dim3A_1412 = vector.broadcast %squeeze3A_1411 : f32 to vector<16xf32>
        %slice3A_1413 = vector.extract_strided_slice %get3A_772 {offsets = [14], sizes = [1], strides = [1]} : vector<16xf32> to vector<1xf32>
        %squeeze3A_1414 = vector.extract %slice3A_1413[0] : f32 from vector<1xf32>
        %broadcast_in_dim3A_1415 = vector.broadcast %squeeze3A_1414 : f32 to vector<16xf32>
        %slice3A_1416 = vector.extract_strided_slice %get3A_776 {offsets = [14], sizes = [1], strides = [1]} : vector<16xf32> to vector<1xf32>
        %squeeze3A_1417 = vector.extract %slice3A_1416[0] : f32 from vector<1xf32>
        %broadcast_in_dim3A_1418 = vector.broadcast %squeeze3A_1417 : f32 to vector<16xf32>
        %slice3A_1419 = vector.extract_strided_slice %get3A_780 {offsets = [14], sizes = [1], strides = [1]} : vector<16xf32> to vector<1xf32>
        %squeeze3A_1420 = vector.extract %slice3A_1419[0] : f32 from vector<1xf32>
        %broadcast_in_dim3A_1421 = vector.broadcast %squeeze3A_1420 : f32 to vector<16xf32>
        %slice3A_1422 = vector.extract_strided_slice %get3A_784 {offsets = [14], sizes = [1], strides = [1]} : vector<16xf32> to vector<1xf32>
        %squeeze3A_1423 = vector.extract %slice3A_1422[0] : f32 from vector<1xf32>
        %broadcast_in_dim3A_1424 = vector.broadcast %squeeze3A_1423 : f32 to vector<16xf32>
        %add3A_1425 = arith.addi %mul3A_8, %get3A_1357 : vector<16xi32>
        %add3A_1426 = arith.addi %add3A_1425, %broadcast_in_dim3A_9 : vector<16xi32>
        tpu.vector_store_idx %arg9[%add3A_1426], %broadcast_in_dim3A_1403 {add = true} : memref<23552xf32, #tpu.memory_space<vmem>>[vector<16xi32>], vector<16xf32>,
        %add3A_1427 = arith.addi %add3A_1425, %broadcast_in_dim3A_11 : vector<16xi32>
        tpu.vector_store_idx %arg9[%add3A_1427], %broadcast_in_dim3A_1406 {add = true} : memref<23552xf32, #tpu.memory_space<vmem>>[vector<16xi32>], vector<16xf32>,
        %add3A_1428 = arith.addi %add3A_1425, %broadcast_in_dim3A_13 : vector<16xi32>
        tpu.vector_store_idx %arg9[%add3A_1428], %broadcast_in_dim3A_1409 {add = true} : memref<23552xf32, #tpu.memory_space<vmem>>[vector<16xi32>], vector<16xf32>,
        %add3A_1429 = arith.addi %add3A_1425, %broadcast_in_dim3A_15 : vector<16xi32>
        tpu.vector_store_idx %arg9[%add3A_1429], %broadcast_in_dim3A_1412 {add = true} : memref<23552xf32, #tpu.memory_space<vmem>>[vector<16xi32>], vector<16xf32>,
        %add3A_1430 = arith.addi %add3A_1425, %broadcast_in_dim3A_17 : vector<16xi32>
        tpu.vector_store_idx %arg9[%add3A_1430], %broadcast_in_dim3A_1415 {add = true} : memref<23552xf32, #tpu.memory_space<vmem>>[vector<16xi32>], vector<16xf32>,
        %add3A_1431 = arith.addi %add3A_1425, %broadcast_in_dim3A_19 : vector<16xi32>
        tpu.vector_store_idx %arg9[%add3A_1431], %broadcast_in_dim3A_1418 {add = true} : memref<23552xf32, #tpu.memory_space<vmem>>[vector<16xi32>], vector<16xf32>,
        %add3A_1432 = arith.addi %add3A_1425, %broadcast_in_dim3A_21 : vector<16xi32>
        tpu.vector_store_idx %arg9[%add3A_1432], %broadcast_in_dim3A_1421 {add = true} : memref<23552xf32, #tpu.memory_space<vmem>>[vector<16xi32>], vector<16xf32>,
        %add3A_1433 = arith.addi %add3A_1425, %broadcast_in_dim3A_23 : vector<16xi32>
        tpu.vector_store_idx %arg9[%add3A_1433], %broadcast_in_dim3A_1424 {add = true} : memref<23552xf32, #tpu.memory_space<vmem>>[vector<16xi32>], vector<16xf32>,
        %slice3A_1434 = vector.extract_strided_slice %get3A_756 {offsets = [15], sizes = [1], strides = [1]} : vector<16xf32> to vector<1xf32>
        %squeeze3A_1435 = vector.extract %slice3A_1434[0] : f32 from vector<1xf32>
        %broadcast_in_dim3A_1436 = vector.broadcast %squeeze3A_1435 : f32 to vector<16xf32>
        %slice3A_1437 = vector.extract_strided_slice %get3A_760 {offsets = [15], sizes = [1], strides = [1]} : vector<16xf32> to vector<1xf32>
        %squeeze3A_1438 = vector.extract %slice3A_1437[0] : f32 from vector<1xf32>
        %broadcast_in_dim3A_1439 = vector.broadcast %squeeze3A_1438 : f32 to vector<16xf32>
        %slice3A_1440 = vector.extract_strided_slice %get3A_764 {offsets = [15], sizes = [1], strides = [1]} : vector<16xf32> to vector<1xf32>
        %squeeze3A_1441 = vector.extract %slice3A_1440[0] : f32 from vector<1xf32>
        %broadcast_in_dim3A_1442 = vector.broadcast %squeeze3A_1441 : f32 to vector<16xf32>
        %slice3A_1443 = vector.extract_strided_slice %get3A_768 {offsets = [15], sizes = [1], strides = [1]} : vector<16xf32> to vector<1xf32>
        %squeeze3A_1444 = vector.extract %slice3A_1443[0] : f32 from vector<1xf32>
        %broadcast_in_dim3A_1445 = vector.broadcast %squeeze3A_1444 : f32 to vector<16xf32>
        %slice3A_1446 = vector.extract_strided_slice %get3A_772 {offsets = [15], sizes = [1], strides = [1]} : vector<16xf32> to vector<1xf32>
        %squeeze3A_1447 = vector.extract %slice3A_1446[0] : f32 from vector<1xf32>
        %broadcast_in_dim3A_1448 = vector.broadcast %squeeze3A_1447 : f32 to vector<16xf32>
        %slice3A_1449 = vector.extract_strided_slice %get3A_776 {offsets = [15], sizes = [1], strides = [1]} : vector<16xf32> to vector<1xf32>
        %squeeze3A_1450 = vector.extract %slice3A_1449[0] : f32 from vector<1xf32>
        %broadcast_in_dim3A_1451 = vector.broadcast %squeeze3A_1450 : f32 to vector<16xf32>
        %slice3A_1452 = vector.extract_strided_slice %get3A_780 {offsets = [15], sizes = [1], strides = [1]} : vector<16xf32> to vector<1xf32>
        %squeeze3A_1453 = vector.extract %slice3A_1452[0] : f32 from vector<1xf32>
        %broadcast_in_dim3A_1454 = vector.broadcast %squeeze3A_1453 : f32 to vector<16xf32>
        %slice3A_1455 = vector.extract_strided_slice %get3A_784 {offsets = [15], sizes = [1], strides = [1]} : vector<16xf32> to vector<1xf32>
        %squeeze3A_1456 = vector.extract %slice3A_1455[0] : f32 from vector<1xf32>
        %broadcast_in_dim3A_1457 = vector.broadcast %squeeze3A_1456 : f32 to vector<16xf32>
        %add3A_1458 = arith.addi %mul3A_8, %get3A_1400 : vector<16xi32>
        %add3A_1459 = arith.addi %add3A_1458, %broadcast_in_dim3A_9 : vector<16xi32>
        tpu.vector_store_idx %arg9[%add3A_1459], %broadcast_in_dim3A_1436 {add = true} : memref<23552xf32, #tpu.memory_space<vmem>>[vector<16xi32>], vector<16xf32>,
        %add3A_1460 = arith.addi %add3A_1458, %broadcast_in_dim3A_11 : vector<16xi32>
        tpu.vector_store_idx %arg9[%add3A_1460], %broadcast_in_dim3A_1439 {add = true} : memref<23552xf32, #tpu.memory_space<vmem>>[vector<16xi32>], vector<16xf32>,
        %add3A_1461 = arith.addi %add3A_1458, %broadcast_in_dim3A_13 : vector<16xi32>
        tpu.vector_store_idx %arg9[%add3A_1461], %broadcast_in_dim3A_1442 {add = true} : memref<23552xf32, #tpu.memory_space<vmem>>[vector<16xi32>], vector<16xf32>,
        %add3A_1462 = arith.addi %add3A_1458, %broadcast_in_dim3A_15 : vector<16xi32>
        tpu.vector_store_idx %arg9[%add3A_1462], %broadcast_in_dim3A_1445 {add = true} : memref<23552xf32, #tpu.memory_space<vmem>>[vector<16xi32>], vector<16xf32>,
        %add3A_1463 = arith.addi %add3A_1458, %broadcast_in_dim3A_17 : vector<16xi32>
        tpu.vector_store_idx %arg9[%add3A_1463], %broadcast_in_dim3A_1448 {add = true} : memref<23552xf32, #tpu.memory_space<vmem>>[vector<16xi32>], vector<16xf32>,
        %add3A_1464 = arith.addi %add3A_1458, %broadcast_in_dim3A_19 : vector<16xi32>
        tpu.vector_store_idx %arg9[%add3A_1464], %broadcast_in_dim3A_1451 {add = true} : memref<23552xf32, #tpu.memory_space<vmem>>[vector<16xi32>], vector<16xf32>,
        %add3A_1465 = arith.addi %add3A_1458, %broadcast_in_dim3A_21 : vector<16xi32>
        tpu.vector_store_idx %arg9[%add3A_1465], %broadcast_in_dim3A_1454 {add = true} : memref<23552xf32, #tpu.memory_space<vmem>>[vector<16xi32>], vector<16xf32>,
        %add3A_1466 = arith.addi %add3A_1458, %broadcast_in_dim3A_23 : vector<16xi32>
        tpu.vector_store_idx %arg9[%add3A_1466], %broadcast_in_dim3A_1457 {add = true} : memref<23552xf32, #tpu.memory_space<vmem>>[vector<16xi32>], vector<16xf32>,
      }
      %scan3A_647 = arith.constant 32 : i32
      %mul3A_648 = arith.constant 2 : i32
      %mul3A_649 = arith.muli %scan3A_396, %mul3A_648 : i32
      %add3A_650 = arith.constant 1 : i32
      %add3A_651 = arith.addi %mul3A_649, %add3A_650 : i32
      %add3A_652 = arith.constant 2 : i32
      %add3A_653 = arith.addi %add3A_651, %add3A_652 : i32
      %add3A_654 = arith.addi %add3A, %add3A_653 : i32
      %rem3A_655 = arith.constant 32 : i32
      %rem3A_656 = arith.remsi %add3A_654, %rem3A_655 : i32
      %mul3A_657 = arith.constant 512 : i32
      %mul3A_658 = arith.muli %rem3A_656, %mul3A_657 : i32
      %mul3A_659 = arith.constant 16 : i32
      %mul3A_660 = arith.muli %mul3A_658, %mul3A_659 : i32
      %dma_start3A_661 = tpu.memref_slice %arg3[%mul3A_660] : memref<262144xi32, #tpu.memory_space<hbm>> -> memref<8192xi32, #tpu.memory_space<hbm>>
      %dma_start3A_662 = tpu.memref_slice %arg3[%mul3A_660] : memref<262144xi32, #tpu.memory_space<hbm>> -> memref<8192xi32, #tpu.memory_space<hbm>>
      tpu.enqueue_dma source(%dma_start3A_662 : memref<8192xi32, #tpu.memory_space<hbm>>) target(%arg6 : memref<8192xi32, #tpu.memory_space<vmem>>) target_semaphore(%arg11 : memref<!tpu.dma_semaphore, #tpu.memory_space<semaphore_mem>>)
      %add3A_663 = arith.constant 0 : i32
      %add3A_664 = arith.addi %mul3A_2, %add3A_663 : i32
      %mul3A_665 = arith.constant 16384 : i32
      %mul3A_666 = arith.muli %add3A_664, %mul3A_665 : i32
      %add3A_667 = arith.addi %mul3A_666, %mul3A_658 : i32
      %dma_start3A_668 = arith.constant 0 : i32
      %dma_start3A_669 = tpu.memref_slice %arg8[%dma_start3A_668] : memref<4096xf32, #tpu.memory_space<vmem>> -> memref<512xf32, #tpu.memory_space<vmem>>
      %dma_start3A_670 = tpu.memref_slice %arg2[%add3A_667] : memref<4194304xf32, #tpu.memory_space<hbm>> -> memref<512xf32, #tpu.memory_space<hbm>>
      %dma_start3A_671 = arith.constant 0 : i32
      %dma_start3A_672 = tpu.memref_slice %arg8[%dma_start3A_671] : memref<4096xf32, #tpu.memory_space<vmem>> -> memref<512xf32, #tpu.memory_space<vmem>>
      %dma_start3A_673 = tpu.memref_slice %arg2[%add3A_667] : memref<4194304xf32, #tpu.memory_space<hbm>> -> memref<512xf32, #tpu.memory_space<hbm>>
      tpu.enqueue_dma source(%dma_start3A_673 : memref<512xf32, #tpu.memory_space<hbm>>) target(%dma_start3A_672 : memref<512xf32, #tpu.memory_space<vmem>>) target_semaphore(%arg11 : memref<!tpu.dma_semaphore, #tpu.memory_space<semaphore_mem>>)
      %add3A_674 = arith.constant 1 : i32
      %add3A_675 = arith.addi %mul3A_2, %add3A_674 : i32
      %mul3A_676 = arith.constant 16384 : i32
      %mul3A_677 = arith.muli %add3A_675, %mul3A_676 : i32
      %add3A_678 = arith.addi %mul3A_677, %mul3A_658 : i32
      %dma_start3A_679 = arith.constant 512 : i32
      %dma_start3A_680 = tpu.memref_slice %arg8[%dma_start3A_679] : memref<4096xf32, #tpu.memory_space<vmem>> -> memref<512xf32, #tpu.memory_space<vmem>>
      %dma_start3A_681 = tpu.memref_slice %arg2[%add3A_678] : memref<4194304xf32, #tpu.memory_space<hbm>> -> memref<512xf32, #tpu.memory_space<hbm>>
      %dma_start3A_682 = arith.constant 512 : i32
      %dma_start3A_683 = tpu.memref_slice %arg8[%dma_start3A_682] : memref<4096xf32, #tpu.memory_space<vmem>> -> memref<512xf32, #tpu.memory_space<vmem>>
      %dma_start3A_684 = tpu.memref_slice %arg2[%add3A_678] : memref<4194304xf32, #tpu.memory_space<hbm>> -> memref<512xf32, #tpu.memory_space<hbm>>
      tpu.enqueue_dma source(%dma_start3A_684 : memref<512xf32, #tpu.memory_space<hbm>>) target(%dma_start3A_683 : memref<512xf32, #tpu.memory_space<vmem>>) target_semaphore(%arg11 : memref<!tpu.dma_semaphore, #tpu.memory_space<semaphore_mem>>)
      %add3A_685 = arith.constant 2 : i32
      %add3A_686 = arith.addi %mul3A_2, %add3A_685 : i32
      %mul3A_687 = arith.constant 16384 : i32
      %mul3A_688 = arith.muli %add3A_686, %mul3A_687 : i32
      %add3A_689 = arith.addi %mul3A_688, %mul3A_658 : i32
      %dma_start3A_690 = arith.constant 1024 : i32
      %dma_start3A_691 = tpu.memref_slice %arg8[%dma_start3A_690] : memref<4096xf32, #tpu.memory_space<vmem>> -> memref<512xf32, #tpu.memory_space<vmem>>
      %dma_start3A_692 = tpu.memref_slice %arg2[%add3A_689] : memref<4194304xf32, #tpu.memory_space<hbm>> -> memref<512xf32, #tpu.memory_space<hbm>>
      %dma_start3A_693 = arith.constant 1024 : i32
      %dma_start3A_694 = tpu.memref_slice %arg8[%dma_start3A_693] : memref<4096xf32, #tpu.memory_space<vmem>> -> memref<512xf32, #tpu.memory_space<vmem>>
      %dma_start3A_695 = tpu.memref_slice %arg2[%add3A_689] : memref<4194304xf32, #tpu.memory_space<hbm>> -> memref<512xf32, #tpu.memory_space<hbm>>
      tpu.enqueue_dma source(%dma_start3A_695 : memref<512xf32, #tpu.memory_space<hbm>>) target(%dma_start3A_694 : memref<512xf32, #tpu.memory_space<vmem>>) target_semaphore(%arg11 : memref<!tpu.dma_semaphore, #tpu.memory_space<semaphore_mem>>)
      %add3A_696 = arith.constant 3 : i32
      %add3A_697 = arith.addi %mul3A_2, %add3A_696 : i32
      %mul3A_698 = arith.constant 16384 : i32
      %mul3A_699 = arith.muli %add3A_697, %mul3A_698 : i32
      %add3A_700 = arith.addi %mul3A_699, %mul3A_658 : i32
      %dma_start3A_701 = arith.constant 1536 : i32
      %dma_start3A_702 = tpu.memref_slice %arg8[%dma_start3A_701] : memref<4096xf32, #tpu.memory_space<vmem>> -> memref<512xf32, #tpu.memory_space<vmem>>
      %dma_start3A_703 = tpu.memref_slice %arg2[%add3A_700] : memref<4194304xf32, #tpu.memory_space<hbm>> -> memref<512xf32, #tpu.memory_space<hbm>>
      %dma_start3A_704 = arith.constant 1536 : i32
      %dma_start3A_705 = tpu.memref_slice %arg8[%dma_start3A_704] : memref<4096xf32, #tpu.memory_space<vmem>> -> memref<512xf32, #tpu.memory_space<vmem>>
      %dma_start3A_706 = tpu.memref_slice %arg2[%add3A_700] : memref<4194304xf32, #tpu.memory_space<hbm>> -> memref<512xf32, #tpu.memory_space<hbm>>
      tpu.enqueue_dma source(%dma_start3A_706 : memref<512xf32, #tpu.memory_space<hbm>>) target(%dma_start3A_705 : memref<512xf32, #tpu.memory_space<vmem>>) target_semaphore(%arg11 : memref<!tpu.dma_semaphore, #tpu.memory_space<semaphore_mem>>)
      %add3A_707 = arith.constant 4 : i32
      %add3A_708 = arith.addi %mul3A_2, %add3A_707 : i32
      %mul3A_709 = arith.constant 16384 : i32
      %mul3A_710 = arith.muli %add3A_708, %mul3A_709 : i32
      %add3A_711 = arith.addi %mul3A_710, %mul3A_658 : i32
      %dma_start3A_712 = arith.constant 2048 : i32
      %dma_start3A_713 = tpu.memref_slice %arg8[%dma_start3A_712] : memref<4096xf32, #tpu.memory_space<vmem>> -> memref<512xf32, #tpu.memory_space<vmem>>
      %dma_start3A_714 = tpu.memref_slice %arg2[%add3A_711] : memref<4194304xf32, #tpu.memory_space<hbm>> -> memref<512xf32, #tpu.memory_space<hbm>>
      %dma_start3A_715 = arith.constant 2048 : i32
      %dma_start3A_716 = tpu.memref_slice %arg8[%dma_start3A_715] : memref<4096xf32, #tpu.memory_space<vmem>> -> memref<512xf32, #tpu.memory_space<vmem>>
      %dma_start3A_717 = tpu.memref_slice %arg2[%add3A_711] : memref<4194304xf32, #tpu.memory_space<hbm>> -> memref<512xf32, #tpu.memory_space<hbm>>
      tpu.enqueue_dma source(%dma_start3A_717 : memref<512xf32, #tpu.memory_space<hbm>>) target(%dma_start3A_716 : memref<512xf32, #tpu.memory_space<vmem>>) target_semaphore(%arg11 : memref<!tpu.dma_semaphore, #tpu.memory_space<semaphore_mem>>)
      %add3A_718 = arith.constant 5 : i32
      %add3A_719 = arith.addi %mul3A_2, %add3A_718 : i32
      %mul3A_720 = arith.constant 16384 : i32
      %mul3A_721 = arith.muli %add3A_719, %mul3A_720 : i32
      %add3A_722 = arith.addi %mul3A_721, %mul3A_658 : i32
      %dma_start3A_723 = arith.constant 2560 : i32
      %dma_start3A_724 = tpu.memref_slice %arg8[%dma_start3A_723] : memref<4096xf32, #tpu.memory_space<vmem>> -> memref<512xf32, #tpu.memory_space<vmem>>
      %dma_start3A_725 = tpu.memref_slice %arg2[%add3A_722] : memref<4194304xf32, #tpu.memory_space<hbm>> -> memref<512xf32, #tpu.memory_space<hbm>>
      %dma_start3A_726 = arith.constant 2560 : i32
      %dma_start3A_727 = tpu.memref_slice %arg8[%dma_start3A_726] : memref<4096xf32, #tpu.memory_space<vmem>> -> memref<512xf32, #tpu.memory_space<vmem>>
      %dma_start3A_728 = tpu.memref_slice %arg2[%add3A_722] : memref<4194304xf32, #tpu.memory_space<hbm>> -> memref<512xf32, #tpu.memory_space<hbm>>
      tpu.enqueue_dma source(%dma_start3A_728 : memref<512xf32, #tpu.memory_space<hbm>>) target(%dma_start3A_727 : memref<512xf32, #tpu.memory_space<vmem>>) target_semaphore(%arg11 : memref<!tpu.dma_semaphore, #tpu.memory_space<semaphore_mem>>)
      %add3A_729 = arith.constant 6 : i32
      %add3A_730 = arith.addi %mul3A_2, %add3A_729 : i32
      %mul3A_731 = arith.constant 16384 : i32
      %mul3A_732 = arith.muli %add3A_730, %mul3A_731 : i32
      %add3A_733 = arith.addi %mul3A_732, %mul3A_658 : i32
      %dma_start3A_734 = arith.constant 3072 : i32
      %dma_start3A_735 = tpu.memref_slice %arg8[%dma_start3A_734] : memref<4096xf32, #tpu.memory_space<vmem>> -> memref<512xf32, #tpu.memory_space<vmem>>
      %dma_start3A_736 = tpu.memref_slice %arg2[%add3A_733] : memref<4194304xf32, #tpu.memory_space<hbm>> -> memref<512xf32, #tpu.memory_space<hbm>>
      %dma_start3A_737 = arith.constant 3072 : i32
      %dma_start3A_738 = tpu.memref_slice %arg8[%dma_start3A_737] : memref<4096xf32, #tpu.memory_space<vmem>> -> memref<512xf32, #tpu.memory_space<vmem>>
      %dma_start3A_739 = tpu.memref_slice %arg2[%add3A_733] : memref<4194304xf32, #tpu.memory_space<hbm>> -> memref<512xf32, #tpu.memory_space<hbm>>
      tpu.enqueue_dma source(%dma_start3A_739 : memref<512xf32, #tpu.memory_space<hbm>>) target(%dma_start3A_738 : memref<512xf32, #tpu.memory_space<vmem>>) target_semaphore(%arg11 : memref<!tpu.dma_semaphore, #tpu.memory_space<semaphore_mem>>)
      %add3A_740 = arith.constant 7 : i32
      %add3A_741 = arith.addi %mul3A_2, %add3A_740 : i32
      %mul3A_742 = arith.constant 16384 : i32
      %mul3A_743 = arith.muli %add3A_741, %mul3A_742 : i32
      %add3A_744 = arith.addi %mul3A_743, %mul3A_658 : i32
      %dma_start3A_745 = arith.constant 3584 : i32
      %dma_start3A_746 = tpu.memref_slice %arg8[%dma_start3A_745] : memref<4096xf32, #tpu.memory_space<vmem>> -> memref<512xf32, #tpu.memory_space<vmem>>
      %dma_start3A_747 = tpu.memref_slice %arg2[%add3A_744] : memref<4194304xf32, #tpu.memory_space<hbm>> -> memref<512xf32, #tpu.memory_space<hbm>>
      %dma_start3A_748 = arith.constant 3584 : i32
      %dma_start3A_749 = tpu.memref_slice %arg8[%dma_start3A_748] : memref<4096xf32, #tpu.memory_space<vmem>> -> memref<512xf32, #tpu.memory_space<vmem>>
      %dma_start3A_750 = tpu.memref_slice %arg2[%add3A_744] : memref<4194304xf32, #tpu.memory_space<hbm>> -> memref<512xf32, #tpu.memory_space<hbm>>
      tpu.enqueue_dma source(%dma_start3A_750 : memref<512xf32, #tpu.memory_space<hbm>>) target(%dma_start3A_749 : memref<512xf32, #tpu.memory_space<vmem>>) target_semaphore(%arg11 : memref<!tpu.dma_semaphore, #tpu.memory_space<semaphore_mem>>)
    }
    %scan3A_228 = arith.constant 16 : i32
    %dma_wait3A = arith.constant 0 : i32
    %dma_wait3A_229 = tpu.memref_slice %arg3[%dma_wait3A] : memref<262144xi32, #tpu.memory_space<hbm>> -> memref<8192xi32, #tpu.memory_space<hbm>>
    %dma_wait3A_230 = arith.constant 0 : i32
    %dma_wait3A_231 = tpu.memref_slice %arg3[%dma_wait3A_230] : memref<262144xi32, #tpu.memory_space<hbm>> -> memref<8192xi32, #tpu.memory_space<hbm>>
    tpu.wait_dma2 semaphore(%arg10 : memref<!tpu.dma_semaphore, #tpu.memory_space<semaphore_mem>>) src(%dma_wait3A_231 : memref<8192xi32, #tpu.memory_space<hbm>>) dst(%arg5 : memref<8192xi32, #tpu.memory_space<vmem>>)
    %dma_wait3A_232 = arith.constant 0 : i32
    %dma_wait3A_233 = tpu.memref_slice %arg7[%dma_wait3A_232] : memref<4096xf32, #tpu.memory_space<vmem>> -> memref<512xf32, #tpu.memory_space<vmem>>
    %dma_wait3A_234 = arith.constant 0 : i32
    %dma_wait3A_235 = tpu.memref_slice %arg2[%dma_wait3A_234] : memref<4194304xf32, #tpu.memory_space<hbm>> -> memref<512xf32, #tpu.memory_space<hbm>>
    %dma_wait3A_236 = arith.constant 0 : i32
    %dma_wait3A_237 = tpu.memref_slice %arg7[%dma_wait3A_236] : memref<4096xf32, #tpu.memory_space<vmem>> -> memref<512xf32, #tpu.memory_space<vmem>>
    %dma_wait3A_238 = arith.constant 0 : i32
    %dma_wait3A_239 = tpu.memref_slice %arg2[%dma_wait3A_238] : memref<4194304xf32, #tpu.memory_space<hbm>> -> memref<512xf32, #tpu.memory_space<hbm>>
    tpu.wait_dma2 semaphore(%arg10 : memref<!tpu.dma_semaphore, #tpu.memory_space<semaphore_mem>>) src(%dma_wait3A_239 : memref<512xf32, #tpu.memory_space<hbm>>) dst(%dma_wait3A_237 : memref<512xf32, #tpu.memory_space<vmem>>)
    %dma_wait3A_240 = arith.constant 512 : i32
    %dma_wait3A_241 = tpu.memref_slice %arg7[%dma_wait3A_240] : memref<4096xf32, #tpu.memory_space<vmem>> -> memref<512xf32, #tpu.memory_space<vmem>>
    %dma_wait3A_242 = arith.constant 0 : i32
    %dma_wait3A_243 = tpu.memref_slice %arg2[%dma_wait3A_242] : memref<4194304xf32, #tpu.memory_space<hbm>> -> memref<512xf32, #tpu.memory_space<hbm>>
    %dma_wait3A_244 = arith.constant 512 : i32
    %dma_wait3A_245 = tpu.memref_slice %arg7[%dma_wait3A_244] : memref<4096xf32, #tpu.memory_space<vmem>> -> memref<512xf32, #tpu.memory_space<vmem>>
    %dma_wait3A_246 = arith.constant 0 : i32
    %dma_wait3A_247 = tpu.memref_slice %arg2[%dma_wait3A_246] : memref<4194304xf32, #tpu.memory_space<hbm>> -> memref<512xf32, #tpu.memory_space<hbm>>
    tpu.wait_dma2 semaphore(%arg10 : memref<!tpu.dma_semaphore, #tpu.memory_space<semaphore_mem>>) src(%dma_wait3A_247 : memref<512xf32, #tpu.memory_space<hbm>>) dst(%dma_wait3A_245 : memref<512xf32, #tpu.memory_space<vmem>>)
    %dma_wait3A_248 = arith.constant 1024 : i32
    %dma_wait3A_249 = tpu.memref_slice %arg7[%dma_wait3A_248] : memref<4096xf32, #tpu.memory_space<vmem>> -> memref<512xf32, #tpu.memory_space<vmem>>
    %dma_wait3A_250 = arith.constant 0 : i32
    %dma_wait3A_251 = tpu.memref_slice %arg2[%dma_wait3A_250] : memref<4194304xf32, #tpu.memory_space<hbm>> -> memref<512xf32, #tpu.memory_space<hbm>>
    %dma_wait3A_252 = arith.constant 1024 : i32
    %dma_wait3A_253 = tpu.memref_slice %arg7[%dma_wait3A_252] : memref<4096xf32, #tpu.memory_space<vmem>> -> memref<512xf32, #tpu.memory_space<vmem>>
    %dma_wait3A_254 = arith.constant 0 : i32
    %dma_wait3A_255 = tpu.memref_slice %arg2[%dma_wait3A_254] : memref<4194304xf32, #tpu.memory_space<hbm>> -> memref<512xf32, #tpu.memory_space<hbm>>
    tpu.wait_dma2 semaphore(%arg10 : memref<!tpu.dma_semaphore, #tpu.memory_space<semaphore_mem>>) src(%dma_wait3A_255 : memref<512xf32, #tpu.memory_space<hbm>>) dst(%dma_wait3A_253 : memref<512xf32, #tpu.memory_space<vmem>>)
    %dma_wait3A_256 = arith.constant 1536 : i32
    %dma_wait3A_257 = tpu.memref_slice %arg7[%dma_wait3A_256] : memref<4096xf32, #tpu.memory_space<vmem>> -> memref<512xf32, #tpu.memory_space<vmem>>
    %dma_wait3A_258 = arith.constant 0 : i32
    %dma_wait3A_259 = tpu.memref_slice %arg2[%dma_wait3A_258] : memref<4194304xf32, #tpu.memory_space<hbm>> -> memref<512xf32, #tpu.memory_space<hbm>>
    %dma_wait3A_260 = arith.constant 1536 : i32
    %dma_wait3A_261 = tpu.memref_slice %arg7[%dma_wait3A_260] : memref<4096xf32, #tpu.memory_space<vmem>> -> memref<512xf32, #tpu.memory_space<vmem>>
    %dma_wait3A_262 = arith.constant 0 : i32
    %dma_wait3A_263 = tpu.memref_slice %arg2[%dma_wait3A_262] : memref<4194304xf32, #tpu.memory_space<hbm>> -> memref<512xf32, #tpu.memory_space<hbm>>
    tpu.wait_dma2 semaphore(%arg10 : memref<!tpu.dma_semaphore, #tpu.memory_space<semaphore_mem>>) src(%dma_wait3A_263 : memref<512xf32, #tpu.memory_space<hbm>>) dst(%dma_wait3A_261 : memref<512xf32, #tpu.memory_space<vmem>>)
    %dma_wait3A_264 = arith.constant 2048 : i32
    %dma_wait3A_265 = tpu.memref_slice %arg7[%dma_wait3A_264] : memref<4096xf32, #tpu.memory_space<vmem>> -> memref<512xf32, #tpu.memory_space<vmem>>
    %dma_wait3A_266 = arith.constant 0 : i32
    %dma_wait3A_267 = tpu.memref_slice %arg2[%dma_wait3A_266] : memref<4194304xf32, #tpu.memory_space<hbm>> -> memref<512xf32, #tpu.memory_space<hbm>>
    %dma_wait3A_268 = arith.constant 2048 : i32
    %dma_wait3A_269 = tpu.memref_slice %arg7[%dma_wait3A_268] : memref<4096xf32, #tpu.memory_space<vmem>> -> memref<512xf32, #tpu.memory_space<vmem>>
    %dma_wait3A_270 = arith.constant 0 : i32
    %dma_wait3A_271 = tpu.memref_slice %arg2[%dma_wait3A_270] : memref<4194304xf32, #tpu.memory_space<hbm>> -> memref<512xf32, #tpu.memory_space<hbm>>
    tpu.wait_dma2 semaphore(%arg10 : memref<!tpu.dma_semaphore, #tpu.memory_space<semaphore_mem>>) src(%dma_wait3A_271 : memref<512xf32, #tpu.memory_space<hbm>>) dst(%dma_wait3A_269 : memref<512xf32, #tpu.memory_space<vmem>>)
    %dma_wait3A_272 = arith.constant 2560 : i32
    %dma_wait3A_273 = tpu.memref_slice %arg7[%dma_wait3A_272] : memref<4096xf32, #tpu.memory_space<vmem>> -> memref<512xf32, #tpu.memory_space<vmem>>
    %dma_wait3A_274 = arith.constant 0 : i32
    %dma_wait3A_275 = tpu.memref_slice %arg2[%dma_wait3A_274] : memref<4194304xf32, #tpu.memory_space<hbm>> -> memref<512xf32, #tpu.memory_space<hbm>>
    %dma_wait3A_276 = arith.constant 2560 : i32
    %dma_wait3A_277 = tpu.memref_slice %arg7[%dma_wait3A_276] : memref<4096xf32, #tpu.memory_space<vmem>> -> memref<512xf32, #tpu.memory_space<vmem>>
    %dma_wait3A_278 = arith.constant 0 : i32
    %dma_wait3A_279 = tpu.memref_slice %arg2[%dma_wait3A_278] : memref<4194304xf32, #tpu.memory_space<hbm>> -> memref<512xf32, #tpu.memory_space<hbm>>
    tpu.wait_dma2 semaphore(%arg10 : memref<!tpu.dma_semaphore, #tpu.memory_space<semaphore_mem>>) src(%dma_wait3A_279 : memref<512xf32, #tpu.memory_space<hbm>>) dst(%dma_wait3A_277 : memref<512xf32, #tpu.memory_space<vmem>>)
    %dma_wait3A_280 = arith.constant 3072 : i32
    %dma_wait3A_281 = tpu.memref_slice %arg7[%dma_wait3A_280] : memref<4096xf32, #tpu.memory_space<vmem>> -> memref<512xf32, #tpu.memory_space<vmem>>
    %dma_wait3A_282 = arith.constant 0 : i32
    %dma_wait3A_283 = tpu.memref_slice %arg2[%dma_wait3A_282] : memref<4194304xf32, #tpu.memory_space<hbm>> -> memref<512xf32, #tpu.memory_space<hbm>>
    %dma_wait3A_284 = arith.constant 3072 : i32
    %dma_wait3A_285 = tpu.memref_slice %arg7[%dma_wait3A_284] : memref<4096xf32, #tpu.memory_space<vmem>> -> memref<512xf32, #tpu.memory_space<vmem>>
    %dma_wait3A_286 = arith.constant 0 : i32
    %dma_wait3A_287 = tpu.memref_slice %arg2[%dma_wait3A_286] : memref<4194304xf32, #tpu.memory_space<hbm>> -> memref<512xf32, #tpu.memory_space<hbm>>
    tpu.wait_dma2 semaphore(%arg10 : memref<!tpu.dma_semaphore, #tpu.memory_space<semaphore_mem>>) src(%dma_wait3A_287 : memref<512xf32, #tpu.memory_space<hbm>>) dst(%dma_wait3A_285 : memref<512xf32, #tpu.memory_space<vmem>>)
    %dma_wait3A_288 = arith.constant 3584 : i32
    %dma_wait3A_289 = tpu.memref_slice %arg7[%dma_wait3A_288] : memref<4096xf32, #tpu.memory_space<vmem>> -> memref<512xf32, #tpu.memory_space<vmem>>
    %dma_wait3A_290 = arith.constant 0 : i32
    %dma_wait3A_291 = tpu.memref_slice %arg2[%dma_wait3A_290] : memref<4194304xf32, #tpu.memory_space<hbm>> -> memref<512xf32, #tpu.memory_space<hbm>>
    %dma_wait3A_292 = arith.constant 3584 : i32
    %dma_wait3A_293 = tpu.memref_slice %arg7[%dma_wait3A_292] : memref<4096xf32, #tpu.memory_space<vmem>> -> memref<512xf32, #tpu.memory_space<vmem>>
    %dma_wait3A_294 = arith.constant 0 : i32
    %dma_wait3A_295 = tpu.memref_slice %arg2[%dma_wait3A_294] : memref<4194304xf32, #tpu.memory_space<hbm>> -> memref<512xf32, #tpu.memory_space<hbm>>
    tpu.wait_dma2 semaphore(%arg10 : memref<!tpu.dma_semaphore, #tpu.memory_space<semaphore_mem>>) src(%dma_wait3A_295 : memref<512xf32, #tpu.memory_space<hbm>>) dst(%dma_wait3A_293 : memref<512xf32, #tpu.memory_space<vmem>>)
    %dma_wait3A_296 = arith.constant 0 : i32
    %dma_wait3A_297 = tpu.memref_slice %arg3[%dma_wait3A_296] : memref<262144xi32, #tpu.memory_space<hbm>> -> memref<8192xi32, #tpu.memory_space<hbm>>
    %dma_wait3A_298 = arith.constant 0 : i32
    %dma_wait3A_299 = tpu.memref_slice %arg3[%dma_wait3A_298] : memref<262144xi32, #tpu.memory_space<hbm>> -> memref<8192xi32, #tpu.memory_space<hbm>>
    tpu.wait_dma2 semaphore(%arg11 : memref<!tpu.dma_semaphore, #tpu.memory_space<semaphore_mem>>) src(%dma_wait3A_299 : memref<8192xi32, #tpu.memory_space<hbm>>) dst(%arg6 : memref<8192xi32, #tpu.memory_space<vmem>>)
    %dma_wait3A_300 = arith.constant 0 : i32
    %dma_wait3A_301 = tpu.memref_slice %arg8[%dma_wait3A_300] : memref<4096xf32, #tpu.memory_space<vmem>> -> memref<512xf32, #tpu.memory_space<vmem>>
    %dma_wait3A_302 = arith.constant 0 : i32
    %dma_wait3A_303 = tpu.memref_slice %arg2[%dma_wait3A_302] : memref<4194304xf32, #tpu.memory_space<hbm>> -> memref<512xf32, #tpu.memory_space<hbm>>
    %dma_wait3A_304 = arith.constant 0 : i32
    %dma_wait3A_305 = tpu.memref_slice %arg8[%dma_wait3A_304] : memref<4096xf32, #tpu.memory_space<vmem>> -> memref<512xf32, #tpu.memory_space<vmem>>
    %dma_wait3A_306 = arith.constant 0 : i32
    %dma_wait3A_307 = tpu.memref_slice %arg2[%dma_wait3A_306] : memref<4194304xf32, #tpu.memory_space<hbm>> -> memref<512xf32, #tpu.memory_space<hbm>>
    tpu.wait_dma2 semaphore(%arg11 : memref<!tpu.dma_semaphore, #tpu.memory_space<semaphore_mem>>) src(%dma_wait3A_307 : memref<512xf32, #tpu.memory_space<hbm>>) dst(%dma_wait3A_305 : memref<512xf32, #tpu.memory_space<vmem>>)
    %dma_wait3A_308 = arith.constant 512 : i32
    %dma_wait3A_309 = tpu.memref_slice %arg8[%dma_wait3A_308] : memref<4096xf32, #tpu.memory_space<vmem>> -> memref<512xf32, #tpu.memory_space<vmem>>
    %dma_wait3A_310 = arith.constant 0 : i32
    %dma_wait3A_311 = tpu.memref_slice %arg2[%dma_wait3A_310] : memref<4194304xf32, #tpu.memory_space<hbm>> -> memref<512xf32, #tpu.memory_space<hbm>>
    %dma_wait3A_312 = arith.constant 512 : i32
    %dma_wait3A_313 = tpu.memref_slice %arg8[%dma_wait3A_312] : memref<4096xf32, #tpu.memory_space<vmem>> -> memref<512xf32, #tpu.memory_space<vmem>>
    %dma_wait3A_314 = arith.constant 0 : i32
    %dma_wait3A_315 = tpu.memref_slice %arg2[%dma_wait3A_314] : memref<4194304xf32, #tpu.memory_space<hbm>> -> memref<512xf32, #tpu.memory_space<hbm>>
    tpu.wait_dma2 semaphore(%arg11 : memref<!tpu.dma_semaphore, #tpu.memory_space<semaphore_mem>>) src(%dma_wait3A_315 : memref<512xf32, #tpu.memory_space<hbm>>) dst(%dma_wait3A_313 : memref<512xf32, #tpu.memory_space<vmem>>)
    %dma_wait3A_316 = arith.constant 1024 : i32
    %dma_wait3A_317 = tpu.memref_slice %arg8[%dma_wait3A_316] : memref<4096xf32, #tpu.memory_space<vmem>> -> memref<512xf32, #tpu.memory_space<vmem>>
    %dma_wait3A_318 = arith.constant 0 : i32
    %dma_wait3A_319 = tpu.memref_slice %arg2[%dma_wait3A_318] : memref<4194304xf32, #tpu.memory_space<hbm>> -> memref<512xf32, #tpu.memory_space<hbm>>
    %dma_wait3A_320 = arith.constant 1024 : i32
    %dma_wait3A_321 = tpu.memref_slice %arg8[%dma_wait3A_320] : memref<4096xf32, #tpu.memory_space<vmem>> -> memref<512xf32, #tpu.memory_space<vmem>>
    %dma_wait3A_322 = arith.constant 0 : i32
    %dma_wait3A_323 = tpu.memref_slice %arg2[%dma_wait3A_322] : memref<4194304xf32, #tpu.memory_space<hbm>> -> memref<512xf32, #tpu.memory_space<hbm>>
    tpu.wait_dma2 semaphore(%arg11 : memref<!tpu.dma_semaphore, #tpu.memory_space<semaphore_mem>>) src(%dma_wait3A_323 : memref<512xf32, #tpu.memory_space<hbm>>) dst(%dma_wait3A_321 : memref<512xf32, #tpu.memory_space<vmem>>)
    %dma_wait3A_324 = arith.constant 1536 : i32
    %dma_wait3A_325 = tpu.memref_slice %arg8[%dma_wait3A_324] : memref<4096xf32, #tpu.memory_space<vmem>> -> memref<512xf32, #tpu.memory_space<vmem>>
    %dma_wait3A_326 = arith.constant 0 : i32
    %dma_wait3A_327 = tpu.memref_slice %arg2[%dma_wait3A_326] : memref<4194304xf32, #tpu.memory_space<hbm>> -> memref<512xf32, #tpu.memory_space<hbm>>
    %dma_wait3A_328 = arith.constant 1536 : i32
    %dma_wait3A_329 = tpu.memref_slice %arg8[%dma_wait3A_328] : memref<4096xf32, #tpu.memory_space<vmem>> -> memref<512xf32, #tpu.memory_space<vmem>>
    %dma_wait3A_330 = arith.constant 0 : i32
    %dma_wait3A_331 = tpu.memref_slice %arg2[%dma_wait3A_330] : memref<4194304xf32, #tpu.memory_space<hbm>> -> memref<512xf32, #tpu.memory_space<hbm>>
    tpu.wait_dma2 semaphore(%arg11 : memref<!tpu.dma_semaphore, #tpu.memory_space<semaphore_mem>>) src(%dma_wait3A_331 : memref<512xf32, #tpu.memory_space<hbm>>) dst(%dma_wait3A_329 : memref<512xf32, #tpu.memory_space<vmem>>)
    %dma_wait3A_332 = arith.constant 2048 : i32
    %dma_wait3A_333 = tpu.memref_slice %arg8[%dma_wait3A_332] : memref<4096xf32, #tpu.memory_space<vmem>> -> memref<512xf32, #tpu.memory_space<vmem>>
    %dma_wait3A_334 = arith.constant 0 : i32
    %dma_wait3A_335 = tpu.memref_slice %arg2[%dma_wait3A_334] : memref<4194304xf32, #tpu.memory_space<hbm>> -> memref<512xf32, #tpu.memory_space<hbm>>
    %dma_wait3A_336 = arith.constant 2048 : i32
    %dma_wait3A_337 = tpu.memref_slice %arg8[%dma_wait3A_336] : memref<4096xf32, #tpu.memory_space<vmem>> -> memref<512xf32, #tpu.memory_space<vmem>>
    %dma_wait3A_338 = arith.constant 0 : i32
    %dma_wait3A_339 = tpu.memref_slice %arg2[%dma_wait3A_338] : memref<4194304xf32, #tpu.memory_space<hbm>> -> memref<512xf32, #tpu.memory_space<hbm>>
    tpu.wait_dma2 semaphore(%arg11 : memref<!tpu.dma_semaphore, #tpu.memory_space<semaphore_mem>>) src(%dma_wait3A_339 : memref<512xf32, #tpu.memory_space<hbm>>) dst(%dma_wait3A_337 : memref<512xf32, #tpu.memory_space<vmem>>)
    %dma_wait3A_340 = arith.constant 2560 : i32
    %dma_wait3A_341 = tpu.memref_slice %arg8[%dma_wait3A_340] : memref<4096xf32, #tpu.memory_space<vmem>> -> memref<512xf32, #tpu.memory_space<vmem>>
    %dma_wait3A_342 = arith.constant 0 : i32
    %dma_wait3A_343 = tpu.memref_slice %arg2[%dma_wait3A_342] : memref<4194304xf32, #tpu.memory_space<hbm>> -> memref<512xf32, #tpu.memory_space<hbm>>
    %dma_wait3A_344 = arith.constant 2560 : i32
    %dma_wait3A_345 = tpu.memref_slice %arg8[%dma_wait3A_344] : memref<4096xf32, #tpu.memory_space<vmem>> -> memref<512xf32, #tpu.memory_space<vmem>>
    %dma_wait3A_346 = arith.constant 0 : i32
    %dma_wait3A_347 = tpu.memref_slice %arg2[%dma_wait3A_346] : memref<4194304xf32, #tpu.memory_space<hbm>> -> memref<512xf32, #tpu.memory_space<hbm>>
    tpu.wait_dma2 semaphore(%arg11 : memref<!tpu.dma_semaphore, #tpu.memory_space<semaphore_mem>>) src(%dma_wait3A_347 : memref<512xf32, #tpu.memory_space<hbm>>) dst(%dma_wait3A_345 : memref<512xf32, #tpu.memory_space<vmem>>)
    %dma_wait3A_348 = arith.constant 3072 : i32
    %dma_wait3A_349 = tpu.memref_slice %arg8[%dma_wait3A_348] : memref<4096xf32, #tpu.memory_space<vmem>> -> memref<512xf32, #tpu.memory_space<vmem>>
    %dma_wait3A_350 = arith.constant 0 : i32
    %dma_wait3A_351 = tpu.memref_slice %arg2[%dma_wait3A_350] : memref<4194304xf32, #tpu.memory_space<hbm>> -> memref<512xf32, #tpu.memory_space<hbm>>
    %dma_wait3A_352 = arith.constant 3072 : i32
    %dma_wait3A_353 = tpu.memref_slice %arg8[%dma_wait3A_352] : memref<4096xf32, #tpu.memory_space<vmem>> -> memref<512xf32, #tpu.memory_space<vmem>>
    %dma_wait3A_354 = arith.constant 0 : i32
    %dma_wait3A_355 = tpu.memref_slice %arg2[%dma_wait3A_354] : memref<4194304xf32, #tpu.memory_space<hbm>> -> memref<512xf32, #tpu.memory_space<hbm>>
    tpu.wait_dma2 semaphore(%arg11 : memref<!tpu.dma_semaphore, #tpu.memory_space<semaphore_mem>>) src(%dma_wait3A_355 : memref<512xf32, #tpu.memory_space<hbm>>) dst(%dma_wait3A_353 : memref<512xf32, #tpu.memory_space<vmem>>)
    %dma_wait3A_356 = arith.constant 3584 : i32
    %dma_wait3A_357 = tpu.memref_slice %arg8[%dma_wait3A_356] : memref<4096xf32, #tpu.memory_space<vmem>> -> memref<512xf32, #tpu.memory_space<vmem>>
    %dma_wait3A_358 = arith.constant 0 : i32
    %dma_wait3A_359 = tpu.memref_slice %arg2[%dma_wait3A_358] : memref<4194304xf32, #tpu.memory_space<hbm>> -> memref<512xf32, #tpu.memory_space<hbm>>
    %dma_wait3A_360 = arith.constant 3584 : i32
    %dma_wait3A_361 = tpu.memref_slice %arg8[%dma_wait3A_360] : memref<4096xf32, #tpu.memory_space<vmem>> -> memref<512xf32, #tpu.memory_space<vmem>>
    %dma_wait3A_362 = arith.constant 0 : i32
    %dma_wait3A_363 = tpu.memref_slice %arg2[%dma_wait3A_362] : memref<4194304xf32, #tpu.memory_space<hbm>> -> memref<512xf32, #tpu.memory_space<hbm>>
    tpu.wait_dma2 semaphore(%arg11 : memref<!tpu.dma_semaphore, #tpu.memory_space<semaphore_mem>>) src(%dma_wait3A_363 : memref<512xf32, #tpu.memory_space<hbm>>) dst(%dma_wait3A_361 : memref<512xf32, #tpu.memory_space<vmem>>)
    %add3A_364 = arith.constant 0 : i32
    %add3A_365 = arith.addi %mul3A_2, %add3A_364 : i32
    %mul3A_366 = arith.constant 2944 : i32
    %mul3A_367 = arith.muli %add3A_365, %mul3A_366 : i32
    "tpu.region"() ({
      %run_scoped3A = tpu.sem_alloc : memref<!tpu.dma_semaphore, #tpu.memory_space<semaphore_mem>>
      %dma_start3A_396 = arith.constant 0 : i32
      %dma_start3A_397 = tpu.memref_slice %arg9[%dma_start3A_396] : memref<23552xf32, #tpu.memory_space<vmem>> -> memref<2944xf32, #tpu.memory_space<vmem>>
      %dma_start3A_398 = tpu.memref_slice %arg4[%mul3A_367] : memref<753664xf32, #tpu.memory_space<hbm>> -> memref<2944xf32, #tpu.memory_space<hbm>>
      %dma_start3A_399 = tpu.memref_slice %arg4[%mul3A_367] : memref<753664xf32, #tpu.memory_space<hbm>> -> memref<2944xf32, #tpu.memory_space<hbm>>
      %dma_start3A_400 = arith.constant 0 : i32
      %dma_start3A_401 = tpu.memref_slice %arg9[%dma_start3A_400] : memref<23552xf32, #tpu.memory_space<vmem>> -> memref<2944xf32, #tpu.memory_space<vmem>>
      tpu.enqueue_dma source(%dma_start3A_401 : memref<2944xf32, #tpu.memory_space<vmem>>) target(%dma_start3A_399 : memref<2944xf32, #tpu.memory_space<hbm>>) target_semaphore(%run_scoped3A : memref<!tpu.dma_semaphore, #tpu.memory_space<semaphore_mem>>)
      %dma_wait3A_402 = arith.constant 0 : i32
      %dma_wait3A_403 = tpu.memref_slice %arg9[%dma_wait3A_402] : memref<23552xf32, #tpu.memory_space<vmem>> -> memref<2944xf32, #tpu.memory_space<vmem>>
      %dma_wait3A_404 = tpu.memref_slice %arg4[%mul3A_367] : memref<753664xf32, #tpu.memory_space<hbm>> -> memref<2944xf32, #tpu.memory_space<hbm>>
      %dma_wait3A_405 = tpu.memref_slice %arg4[%mul3A_367] : memref<753664xf32, #tpu.memory_space<hbm>> -> memref<2944xf32, #tpu.memory_space<hbm>>
      %dma_wait3A_406 = arith.constant 0 : i32
      %dma_wait3A_407 = tpu.memref_slice %arg9[%dma_wait3A_406] : memref<23552xf32, #tpu.memory_space<vmem>> -> memref<2944xf32, #tpu.memory_space<vmem>>
      tpu.wait_dma2 semaphore(%run_scoped3A : memref<!tpu.dma_semaphore, #tpu.memory_space<semaphore_mem>>) src(%dma_wait3A_407 : memref<2944xf32, #tpu.memory_space<vmem>>) dst(%dma_wait3A_405 : memref<2944xf32, #tpu.memory_space<hbm>>)
      tpu.yield
    }) : () -> ()
    %add3A_368 = arith.constant 1 : i32
    %add3A_369 = arith.addi %mul3A_2, %add3A_368 : i32
    %mul3A_370 = arith.constant 2944 : i32
    %mul3A_371 = arith.muli %add3A_369, %mul3A_370 : i32
    "tpu.region"() ({
      %run_scoped3A = tpu.sem_alloc : memref<!tpu.dma_semaphore, #tpu.memory_space<semaphore_mem>>
      %dma_start3A_396 = arith.constant 2944 : i32
      %dma_start3A_397 = tpu.memref_slice %arg9[%dma_start3A_396] : memref<23552xf32, #tpu.memory_space<vmem>> -> memref<2944xf32, #tpu.memory_space<vmem>>
      %dma_start3A_398 = tpu.memref_slice %arg4[%mul3A_371] : memref<753664xf32, #tpu.memory_space<hbm>> -> memref<2944xf32, #tpu.memory_space<hbm>>
      %dma_start3A_399 = tpu.memref_slice %arg4[%mul3A_371] : memref<753664xf32, #tpu.memory_space<hbm>> -> memref<2944xf32, #tpu.memory_space<hbm>>
      %dma_start3A_400 = arith.constant 2944 : i32
      %dma_start3A_401 = tpu.memref_slice %arg9[%dma_start3A_400] : memref<23552xf32, #tpu.memory_space<vmem>> -> memref<2944xf32, #tpu.memory_space<vmem>>
      tpu.enqueue_dma source(%dma_start3A_401 : memref<2944xf32, #tpu.memory_space<vmem>>) target(%dma_start3A_399 : memref<2944xf32, #tpu.memory_space<hbm>>) target_semaphore(%run_scoped3A : memref<!tpu.dma_semaphore, #tpu.memory_space<semaphore_mem>>)
      %dma_wait3A_402 = arith.constant 2944 : i32
      %dma_wait3A_403 = tpu.memref_slice %arg9[%dma_wait3A_402] : memref<23552xf32, #tpu.memory_space<vmem>> -> memref<2944xf32, #tpu.memory_space<vmem>>
      %dma_wait3A_404 = tpu.memref_slice %arg4[%mul3A_371] : memref<753664xf32, #tpu.memory_space<hbm>> -> memref<2944xf32, #tpu.memory_space<hbm>>
      %dma_wait3A_405 = tpu.memref_slice %arg4[%mul3A_371] : memref<753664xf32, #tpu.memory_space<hbm>> -> memref<2944xf32, #tpu.memory_space<hbm>>
      %dma_wait3A_406 = arith.constant 2944 : i32
      %dma_wait3A_407 = tpu.memref_slice %arg9[%dma_wait3A_406] : memref<23552xf32, #tpu.memory_space<vmem>> -> memref<2944xf32, #tpu.memory_space<vmem>>
      tpu.wait_dma2 semaphore(%run_scoped3A : memref<!tpu.dma_semaphore, #tpu.memory_space<semaphore_mem>>) src(%dma_wait3A_407 : memref<2944xf32, #tpu.memory_space<vmem>>) dst(%dma_wait3A_405 : memref<2944xf32, #tpu.memory_space<hbm>>)
      tpu.yield
    }) : () -> ()
    %add3A_372 = arith.constant 2 : i32
    %add3A_373 = arith.addi %mul3A_2, %add3A_372 : i32
    %mul3A_374 = arith.constant 2944 : i32
    %mul3A_375 = arith.muli %add3A_373, %mul3A_374 : i32
    "tpu.region"() ({
      %run_scoped3A = tpu.sem_alloc : memref<!tpu.dma_semaphore, #tpu.memory_space<semaphore_mem>>
      %dma_start3A_396 = arith.constant 5888 : i32
      %dma_start3A_397 = tpu.memref_slice %arg9[%dma_start3A_396] : memref<23552xf32, #tpu.memory_space<vmem>> -> memref<2944xf32, #tpu.memory_space<vmem>>
      %dma_start3A_398 = tpu.memref_slice %arg4[%mul3A_375] : memref<753664xf32, #tpu.memory_space<hbm>> -> memref<2944xf32, #tpu.memory_space<hbm>>
      %dma_start3A_399 = tpu.memref_slice %arg4[%mul3A_375] : memref<753664xf32, #tpu.memory_space<hbm>> -> memref<2944xf32, #tpu.memory_space<hbm>>
      %dma_start3A_400 = arith.constant 5888 : i32
      %dma_start3A_401 = tpu.memref_slice %arg9[%dma_start3A_400] : memref<23552xf32, #tpu.memory_space<vmem>> -> memref<2944xf32, #tpu.memory_space<vmem>>
      tpu.enqueue_dma source(%dma_start3A_401 : memref<2944xf32, #tpu.memory_space<vmem>>) target(%dma_start3A_399 : memref<2944xf32, #tpu.memory_space<hbm>>) target_semaphore(%run_scoped3A : memref<!tpu.dma_semaphore, #tpu.memory_space<semaphore_mem>>)
      %dma_wait3A_402 = arith.constant 5888 : i32
      %dma_wait3A_403 = tpu.memref_slice %arg9[%dma_wait3A_402] : memref<23552xf32, #tpu.memory_space<vmem>> -> memref<2944xf32, #tpu.memory_space<vmem>>
      %dma_wait3A_404 = tpu.memref_slice %arg4[%mul3A_375] : memref<753664xf32, #tpu.memory_space<hbm>> -> memref<2944xf32, #tpu.memory_space<hbm>>
      %dma_wait3A_405 = tpu.memref_slice %arg4[%mul3A_375] : memref<753664xf32, #tpu.memory_space<hbm>> -> memref<2944xf32, #tpu.memory_space<hbm>>
      %dma_wait3A_406 = arith.constant 5888 : i32
      %dma_wait3A_407 = tpu.memref_slice %arg9[%dma_wait3A_406] : memref<23552xf32, #tpu.memory_space<vmem>> -> memref<2944xf32, #tpu.memory_space<vmem>>
      tpu.wait_dma2 semaphore(%run_scoped3A : memref<!tpu.dma_semaphore, #tpu.memory_space<semaphore_mem>>) src(%dma_wait3A_407 : memref<2944xf32, #tpu.memory_space<vmem>>) dst(%dma_wait3A_405 : memref<2944xf32, #tpu.memory_space<hbm>>)
      tpu.yield
    }) : () -> ()
    %add3A_376 = arith.constant 3 : i32
    %add3A_377 = arith.addi %mul3A_2, %add3A_376 : i32
    %mul3A_378 = arith.constant 2944 : i32
    %mul3A_379 = arith.muli %add3A_377, %mul3A_378 : i32
    "tpu.region"() ({
      %run_scoped3A = tpu.sem_alloc : memref<!tpu.dma_semaphore, #tpu.memory_space<semaphore_mem>>
      %dma_start3A_396 = arith.constant 8832 : i32
      %dma_start3A_397 = tpu.memref_slice %arg9[%dma_start3A_396] : memref<23552xf32, #tpu.memory_space<vmem>> -> memref<2944xf32, #tpu.memory_space<vmem>>
      %dma_start3A_398 = tpu.memref_slice %arg4[%mul3A_379] : memref<753664xf32, #tpu.memory_space<hbm>> -> memref<2944xf32, #tpu.memory_space<hbm>>
      %dma_start3A_399 = tpu.memref_slice %arg4[%mul3A_379] : memref<753664xf32, #tpu.memory_space<hbm>> -> memref<2944xf32, #tpu.memory_space<hbm>>
      %dma_start3A_400 = arith.constant 8832 : i32
      %dma_start3A_401 = tpu.memref_slice %arg9[%dma_start3A_400] : memref<23552xf32, #tpu.memory_space<vmem>> -> memref<2944xf32, #tpu.memory_space<vmem>>
      tpu.enqueue_dma source(%dma_start3A_401 : memref<2944xf32, #tpu.memory_space<vmem>>) target(%dma_start3A_399 : memref<2944xf32, #tpu.memory_space<hbm>>) target_semaphore(%run_scoped3A : memref<!tpu.dma_semaphore, #tpu.memory_space<semaphore_mem>>)
      %dma_wait3A_402 = arith.constant 8832 : i32
      %dma_wait3A_403 = tpu.memref_slice %arg9[%dma_wait3A_402] : memref<23552xf32, #tpu.memory_space<vmem>> -> memref<2944xf32, #tpu.memory_space<vmem>>
      %dma_wait3A_404 = tpu.memref_slice %arg4[%mul3A_379] : memref<753664xf32, #tpu.memory_space<hbm>> -> memref<2944xf32, #tpu.memory_space<hbm>>
      %dma_wait3A_405 = tpu.memref_slice %arg4[%mul3A_379] : memref<753664xf32, #tpu.memory_space<hbm>> -> memref<2944xf32, #tpu.memory_space<hbm>>
      %dma_wait3A_406 = arith.constant 8832 : i32
      %dma_wait3A_407 = tpu.memref_slice %arg9[%dma_wait3A_406] : memref<23552xf32, #tpu.memory_space<vmem>> -> memref<2944xf32, #tpu.memory_space<vmem>>
      tpu.wait_dma2 semaphore(%run_scoped3A : memref<!tpu.dma_semaphore, #tpu.memory_space<semaphore_mem>>) src(%dma_wait3A_407 : memref<2944xf32, #tpu.memory_space<vmem>>) dst(%dma_wait3A_405 : memref<2944xf32, #tpu.memory_space<hbm>>)
      tpu.yield
    }) : () -> ()
    %add3A_380 = arith.constant 4 : i32
    %add3A_381 = arith.addi %mul3A_2, %add3A_380 : i32
    %mul3A_382 = arith.constant 2944 : i32
    %mul3A_383 = arith.muli %add3A_381, %mul3A_382 : i32
    "tpu.region"() ({
      %run_scoped3A = tpu.sem_alloc : memref<!tpu.dma_semaphore, #tpu.memory_space<semaphore_mem>>
      %dma_start3A_396 = arith.constant 11776 : i32
      %dma_start3A_397 = tpu.memref_slice %arg9[%dma_start3A_396] : memref<23552xf32, #tpu.memory_space<vmem>> -> memref<2944xf32, #tpu.memory_space<vmem>>
      %dma_start3A_398 = tpu.memref_slice %arg4[%mul3A_383] : memref<753664xf32, #tpu.memory_space<hbm>> -> memref<2944xf32, #tpu.memory_space<hbm>>
      %dma_start3A_399 = tpu.memref_slice %arg4[%mul3A_383] : memref<753664xf32, #tpu.memory_space<hbm>> -> memref<2944xf32, #tpu.memory_space<hbm>>
      %dma_start3A_400 = arith.constant 11776 : i32
      %dma_start3A_401 = tpu.memref_slice %arg9[%dma_start3A_400] : memref<23552xf32, #tpu.memory_space<vmem>> -> memref<2944xf32, #tpu.memory_space<vmem>>
      tpu.enqueue_dma source(%dma_start3A_401 : memref<2944xf32, #tpu.memory_space<vmem>>) target(%dma_start3A_399 : memref<2944xf32, #tpu.memory_space<hbm>>) target_semaphore(%run_scoped3A : memref<!tpu.dma_semaphore, #tpu.memory_space<semaphore_mem>>)
      %dma_wait3A_402 = arith.constant 11776 : i32
      %dma_wait3A_403 = tpu.memref_slice %arg9[%dma_wait3A_402] : memref<23552xf32, #tpu.memory_space<vmem>> -> memref<2944xf32, #tpu.memory_space<vmem>>
      %dma_wait3A_404 = tpu.memref_slice %arg4[%mul3A_383] : memref<753664xf32, #tpu.memory_space<hbm>> -> memref<2944xf32, #tpu.memory_space<hbm>>
      %dma_wait3A_405 = tpu.memref_slice %arg4[%mul3A_383] : memref<753664xf32, #tpu.memory_space<hbm>> -> memref<2944xf32, #tpu.memory_space<hbm>>
      %dma_wait3A_406 = arith.constant 11776 : i32
      %dma_wait3A_407 = tpu.memref_slice %arg9[%dma_wait3A_406] : memref<23552xf32, #tpu.memory_space<vmem>> -> memref<2944xf32, #tpu.memory_space<vmem>>
      tpu.wait_dma2 semaphore(%run_scoped3A : memref<!tpu.dma_semaphore, #tpu.memory_space<semaphore_mem>>) src(%dma_wait3A_407 : memref<2944xf32, #tpu.memory_space<vmem>>) dst(%dma_wait3A_405 : memref<2944xf32, #tpu.memory_space<hbm>>)
      tpu.yield
    }) : () -> ()
    %add3A_384 = arith.constant 5 : i32
    %add3A_385 = arith.addi %mul3A_2, %add3A_384 : i32
    %mul3A_386 = arith.constant 2944 : i32
    %mul3A_387 = arith.muli %add3A_385, %mul3A_386 : i32
    "tpu.region"() ({
      %run_scoped3A = tpu.sem_alloc : memref<!tpu.dma_semaphore, #tpu.memory_space<semaphore_mem>>
      %dma_start3A_396 = arith.constant 14720 : i32
      %dma_start3A_397 = tpu.memref_slice %arg9[%dma_start3A_396] : memref<23552xf32, #tpu.memory_space<vmem>> -> memref<2944xf32, #tpu.memory_space<vmem>>
      %dma_start3A_398 = tpu.memref_slice %arg4[%mul3A_387] : memref<753664xf32, #tpu.memory_space<hbm>> -> memref<2944xf32, #tpu.memory_space<hbm>>
      %dma_start3A_399 = tpu.memref_slice %arg4[%mul3A_387] : memref<753664xf32, #tpu.memory_space<hbm>> -> memref<2944xf32, #tpu.memory_space<hbm>>
      %dma_start3A_400 = arith.constant 14720 : i32
      %dma_start3A_401 = tpu.memref_slice %arg9[%dma_start3A_400] : memref<23552xf32, #tpu.memory_space<vmem>> -> memref<2944xf32, #tpu.memory_space<vmem>>
      tpu.enqueue_dma source(%dma_start3A_401 : memref<2944xf32, #tpu.memory_space<vmem>>) target(%dma_start3A_399 : memref<2944xf32, #tpu.memory_space<hbm>>) target_semaphore(%run_scoped3A : memref<!tpu.dma_semaphore, #tpu.memory_space<semaphore_mem>>)
      %dma_wait3A_402 = arith.constant 14720 : i32
      %dma_wait3A_403 = tpu.memref_slice %arg9[%dma_wait3A_402] : memref<23552xf32, #tpu.memory_space<vmem>> -> memref<2944xf32, #tpu.memory_space<vmem>>
      %dma_wait3A_404 = tpu.memref_slice %arg4[%mul3A_387] : memref<753664xf32, #tpu.memory_space<hbm>> -> memref<2944xf32, #tpu.memory_space<hbm>>
      %dma_wait3A_405 = tpu.memref_slice %arg4[%mul3A_387] : memref<753664xf32, #tpu.memory_space<hbm>> -> memref<2944xf32, #tpu.memory_space<hbm>>
      %dma_wait3A_406 = arith.constant 14720 : i32
      %dma_wait3A_407 = tpu.memref_slice %arg9[%dma_wait3A_406] : memref<23552xf32, #tpu.memory_space<vmem>> -> memref<2944xf32, #tpu.memory_space<vmem>>
      tpu.wait_dma2 semaphore(%run_scoped3A : memref<!tpu.dma_semaphore, #tpu.memory_space<semaphore_mem>>) src(%dma_wait3A_407 : memref<2944xf32, #tpu.memory_space<vmem>>) dst(%dma_wait3A_405 : memref<2944xf32, #tpu.memory_space<hbm>>)
      tpu.yield
    }) : () -> ()
    %add3A_388 = arith.constant 6 : i32
    %add3A_389 = arith.addi %mul3A_2, %add3A_388 : i32
    %mul3A_390 = arith.constant 2944 : i32
    %mul3A_391 = arith.muli %add3A_389, %mul3A_390 : i32
    "tpu.region"() ({
      %run_scoped3A = tpu.sem_alloc : memref<!tpu.dma_semaphore, #tpu.memory_space<semaphore_mem>>
      %dma_start3A_396 = arith.constant 17664 : i32
      %dma_start3A_397 = tpu.memref_slice %arg9[%dma_start3A_396] : memref<23552xf32, #tpu.memory_space<vmem>> -> memref<2944xf32, #tpu.memory_space<vmem>>
      %dma_start3A_398 = tpu.memref_slice %arg4[%mul3A_391] : memref<753664xf32, #tpu.memory_space<hbm>> -> memref<2944xf32, #tpu.memory_space<hbm>>
      %dma_start3A_399 = tpu.memref_slice %arg4[%mul3A_391] : memref<753664xf32, #tpu.memory_space<hbm>> -> memref<2944xf32, #tpu.memory_space<hbm>>
      %dma_start3A_400 = arith.constant 17664 : i32
      %dma_start3A_401 = tpu.memref_slice %arg9[%dma_start3A_400] : memref<23552xf32, #tpu.memory_space<vmem>> -> memref<2944xf32, #tpu.memory_space<vmem>>
      tpu.enqueue_dma source(%dma_start3A_401 : memref<2944xf32, #tpu.memory_space<vmem>>) target(%dma_start3A_399 : memref<2944xf32, #tpu.memory_space<hbm>>) target_semaphore(%run_scoped3A : memref<!tpu.dma_semaphore, #tpu.memory_space<semaphore_mem>>)
      %dma_wait3A_402 = arith.constant 17664 : i32
      %dma_wait3A_403 = tpu.memref_slice %arg9[%dma_wait3A_402] : memref<23552xf32, #tpu.memory_space<vmem>> -> memref<2944xf32, #tpu.memory_space<vmem>>
      %dma_wait3A_404 = tpu.memref_slice %arg4[%mul3A_391] : memref<753664xf32, #tpu.memory_space<hbm>> -> memref<2944xf32, #tpu.memory_space<hbm>>
      %dma_wait3A_405 = tpu.memref_slice %arg4[%mul3A_391] : memref<753664xf32, #tpu.memory_space<hbm>> -> memref<2944xf32, #tpu.memory_space<hbm>>
      %dma_wait3A_406 = arith.constant 17664 : i32
      %dma_wait3A_407 = tpu.memref_slice %arg9[%dma_wait3A_406] : memref<23552xf32, #tpu.memory_space<vmem>> -> memref<2944xf32, #tpu.memory_space<vmem>>
      tpu.wait_dma2 semaphore(%run_scoped3A : memref<!tpu.dma_semaphore, #tpu.memory_space<semaphore_mem>>) src(%dma_wait3A_407 : memref<2944xf32, #tpu.memory_space<vmem>>) dst(%dma_wait3A_405 : memref<2944xf32, #tpu.memory_space<hbm>>)
      tpu.yield
    }) : () -> ()
    %add3A_392 = arith.constant 7 : i32
    %add3A_393 = arith.addi %mul3A_2, %add3A_392 : i32
    %mul3A_394 = arith.constant 2944 : i32
    %mul3A_395 = arith.muli %add3A_393, %mul3A_394 : i32
    "tpu.region"() ({
      %run_scoped3A = tpu.sem_alloc : memref<!tpu.dma_semaphore, #tpu.memory_space<semaphore_mem>>
      %dma_start3A_396 = arith.constant 20608 : i32
      %dma_start3A_397 = tpu.memref_slice %arg9[%dma_start3A_396] : memref<23552xf32, #tpu.memory_space<vmem>> -> memref<2944xf32, #tpu.memory_space<vmem>>
      %dma_start3A_398 = tpu.memref_slice %arg4[%mul3A_395] : memref<753664xf32, #tpu.memory_space<hbm>> -> memref<2944xf32, #tpu.memory_space<hbm>>
      %dma_start3A_399 = tpu.memref_slice %arg4[%mul3A_395] : memref<753664xf32, #tpu.memory_space<hbm>> -> memref<2944xf32, #tpu.memory_space<hbm>>
      %dma_start3A_400 = arith.constant 20608 : i32
      %dma_start3A_401 = tpu.memref_slice %arg9[%dma_start3A_400] : memref<23552xf32, #tpu.memory_space<vmem>> -> memref<2944xf32, #tpu.memory_space<vmem>>
      tpu.enqueue_dma source(%dma_start3A_401 : memref<2944xf32, #tpu.memory_space<vmem>>) target(%dma_start3A_399 : memref<2944xf32, #tpu.memory_space<hbm>>) target_semaphore(%run_scoped3A : memref<!tpu.dma_semaphore, #tpu.memory_space<semaphore_mem>>)
      %dma_wait3A_402 = arith.constant 20608 : i32
      %dma_wait3A_403 = tpu.memref_slice %arg9[%dma_wait3A_402] : memref<23552xf32, #tpu.memory_space<vmem>> -> memref<2944xf32, #tpu.memory_space<vmem>>
      %dma_wait3A_404 = tpu.memref_slice %arg4[%mul3A_395] : memref<753664xf32, #tpu.memory_space<hbm>> -> memref<2944xf32, #tpu.memory_space<hbm>>
      %dma_wait3A_405 = tpu.memref_slice %arg4[%mul3A_395] : memref<753664xf32, #tpu.memory_space<hbm>> -> memref<2944xf32, #tpu.memory_space<hbm>>
      %dma_wait3A_406 = arith.constant 20608 : i32
      %dma_wait3A_407 = tpu.memref_slice %arg9[%dma_wait3A_406] : memref<23552xf32, #tpu.memory_space<vmem>> -> memref<2944xf32, #tpu.memory_space<vmem>>
      tpu.wait_dma2 semaphore(%run_scoped3A : memref<!tpu.dma_semaphore, #tpu.memory_space<semaphore_mem>>) src(%dma_wait3A_407 : memref<2944xf32, #tpu.memory_space<vmem>>) dst(%dma_wait3A_405 : memref<2944xf32, #tpu.memory_space<hbm>>)
      tpu.yield
    }) : () -> ()
    return
  }
}

module attributes {stable_mosaic.version = 14 : i64} {
  func.func @_dht_tc_body(%arg0: i32, %arg1: memref<1x8x1x2048xi32, #tpu.memory_space<vmem>>, %arg2: memref<1x184x128xf32, #tpu.memory_space<vmem>>, %arg3: memref<16384x256xbf16, #tpu.memory_space<vmem>>, %arg4: memref<1x184x256xf32, #tpu.memory_space<vmem>>) attributes {dimension_semantics = [#tpu.dimension_semantics<arbitrary>], iteration_bounds = array<i64: 74>, scalar_prefetch = 0 : i64, scratch_operands = 0 : i64, tpu.core_type = #tpu.core_type<tc>, window_params = [{transform_indices = @transform_0, window_bounds = array<i64: 1, 8, 1, 2048>}, {transform_indices = @transform_1, window_bounds = array<i64: 1, 184, 128>}, {pipeline_mode = #tpu.pipeline_mode<synchronous>, transform_indices = @transform_2, window_bounds = array<i64: 16384, 256>}, {transform_indices = @transform_3, window_bounds = array<i64: 1, 184, 256>}]} {
    %iota3A = tpu.iota {dimensions = array<i32: 0>} : vector<128x2048xi32>
    %broadcast_in_dim3A = arith.constant 0.000000e+00 : f32
    %broadcast_in_dim3A_0 = vector.broadcast %broadcast_in_dim3A : f32 to vector<128x256xf32>
    %get3A = arith.constant 0 : index
    %get3A_1 = arith.constant 0 : index
    %get3A_2 = arith.constant 0 : index
    %get3A_3 = arith.constant 0 : index
    %get3A_4 = vector.load %arg1[%get3A, %get3A_1, %get3A_2, %get3A_3] : memref<1x8x1x2048xi32, #tpu.memory_space<vmem>>, vector<1x1x1x2048xi32>
    %get3A_5 = vector.shape_cast %get3A_4 : vector<1x1x1x2048xi32> to vector<2048xi32>
    %broadcast_in_dim3A_6 = vector.shape_cast %get3A_5 : vector<2048xi32> to vector<1x2048xi32>
    %eq3A = vector.broadcast %broadcast_in_dim3A_6 : vector<1x2048xi32> to vector<128x2048xi32>
    %eq3A_7 = arith.cmpi eq, %eq3A, %iota3A : vector<128x2048xi32>
    %convert_element_type3A = arith.extui %eq3A_7 : vector<128x2048xi1> to vector<128x2048xi32>
    %convert_element_type3A_8 = arith.sitofp %convert_element_type3A : vector<128x2048xi32> to vector<128x2048xf32>
    %convert_element_type3A_9 = arith.truncf %convert_element_type3A_8 : vector<128x2048xf32> to vector<128x2048xbf16>
    %get3A_10 = arith.constant 0 : index
    %get3A_11 = arith.constant 0 : index
    %get3A_12 = vector.load %arg3[%get3A_10, %get3A_11] : memref<16384x256xbf16, #tpu.memory_space<vmem>>, vector<2048x256xbf16>
    %dot_general3A = arith.constant dense<0.000000e+00> : vector<128x256xf32>
    %dot_general3A_13 = tpu.matmul %convert_element_type3A_9, %get3A_12, %dot_general3A {dimension_numbers = #tpu.dot_dimension_numbers<[1], [0], [0], [1], [0, 0, 1, 1], [], []>, transpose_lhs_hint = false} : vector<128x2048xbf16>, vector<2048x256xbf16>, vector<128x256xf32> -> vector<128x256xf32>
    %add3A = arith.addf %broadcast_in_dim3A_0, %dot_general3A_13 : vector<128x256xf32>
    %get3A_14 = arith.constant 0 : index
    %get3A_15 = arith.constant 1 : index
    %get3A_16 = arith.constant 0 : index
    %get3A_17 = arith.constant 0 : index
    %get3A_18 = vector.load %arg1[%get3A_14, %get3A_15, %get3A_16, %get3A_17] : memref<1x8x1x2048xi32, #tpu.memory_space<vmem>>, vector<1x1x1x2048xi32>
    %get3A_19 = vector.shape_cast %get3A_18 : vector<1x1x1x2048xi32> to vector<2048xi32>
    %broadcast_in_dim3A_20 = vector.shape_cast %get3A_19 : vector<2048xi32> to vector<1x2048xi32>
    %eq3A_21 = vector.broadcast %broadcast_in_dim3A_20 : vector<1x2048xi32> to vector<128x2048xi32>
    %eq3A_22 = arith.cmpi eq, %eq3A_21, %iota3A : vector<128x2048xi32>
    %convert_element_type3A_23 = arith.extui %eq3A_22 : vector<128x2048xi1> to vector<128x2048xi32>
    %convert_element_type3A_24 = arith.sitofp %convert_element_type3A_23 : vector<128x2048xi32> to vector<128x2048xf32>
    %convert_element_type3A_25 = arith.truncf %convert_element_type3A_24 : vector<128x2048xf32> to vector<128x2048xbf16>
    %get3A_26 = arith.constant 2048 : index
    %get3A_27 = arith.constant 0 : index
    %get3A_28 = vector.load %arg3[%get3A_26, %get3A_27] : memref<16384x256xbf16, #tpu.memory_space<vmem>>, vector<2048x256xbf16>
    %dot_general3A_29 = arith.constant dense<0.000000e+00> : vector<128x256xf32>
    %dot_general3A_30 = tpu.matmul %convert_element_type3A_25, %get3A_28, %dot_general3A_29 {dimension_numbers = #tpu.dot_dimension_numbers<[1], [0], [0], [1], [0, 0, 1, 1], [], []>, transpose_lhs_hint = false} : vector<128x2048xbf16>, vector<2048x256xbf16>, vector<128x256xf32> -> vector<128x256xf32>
    %add3A_31 = arith.addf %add3A, %dot_general3A_30 : vector<128x256xf32>
    %get3A_32 = arith.constant 0 : index
    %get3A_33 = arith.constant 2 : index
    %get3A_34 = arith.constant 0 : index
    %get3A_35 = arith.constant 0 : index
    %get3A_36 = vector.load %arg1[%get3A_32, %get3A_33, %get3A_34, %get3A_35] : memref<1x8x1x2048xi32, #tpu.memory_space<vmem>>, vector<1x1x1x2048xi32>
    %get3A_37 = vector.shape_cast %get3A_36 : vector<1x1x1x2048xi32> to vector<2048xi32>
    %broadcast_in_dim3A_38 = vector.shape_cast %get3A_37 : vector<2048xi32> to vector<1x2048xi32>
    %eq3A_39 = vector.broadcast %broadcast_in_dim3A_38 : vector<1x2048xi32> to vector<128x2048xi32>
    %eq3A_40 = arith.cmpi eq, %eq3A_39, %iota3A : vector<128x2048xi32>
    %convert_element_type3A_41 = arith.extui %eq3A_40 : vector<128x2048xi1> to vector<128x2048xi32>
    %convert_element_type3A_42 = arith.sitofp %convert_element_type3A_41 : vector<128x2048xi32> to vector<128x2048xf32>
    %convert_element_type3A_43 = arith.truncf %convert_element_type3A_42 : vector<128x2048xf32> to vector<128x2048xbf16>
    %get3A_44 = arith.constant 4096 : index
    %get3A_45 = arith.constant 0 : index
    %get3A_46 = vector.load %arg3[%get3A_44, %get3A_45] : memref<16384x256xbf16, #tpu.memory_space<vmem>>, vector<2048x256xbf16>
    %dot_general3A_47 = arith.constant dense<0.000000e+00> : vector<128x256xf32>
    %dot_general3A_48 = tpu.matmul %convert_element_type3A_43, %get3A_46, %dot_general3A_47 {dimension_numbers = #tpu.dot_dimension_numbers<[1], [0], [0], [1], [0, 0, 1, 1], [], []>, transpose_lhs_hint = false} : vector<128x2048xbf16>, vector<2048x256xbf16>, vector<128x256xf32> -> vector<128x256xf32>
    %add3A_49 = arith.addf %add3A_31, %dot_general3A_48 : vector<128x256xf32>
    %get3A_50 = arith.constant 0 : index
    %get3A_51 = arith.constant 3 : index
    %get3A_52 = arith.constant 0 : index
    %get3A_53 = arith.constant 0 : index
    %get3A_54 = vector.load %arg1[%get3A_50, %get3A_51, %get3A_52, %get3A_53] : memref<1x8x1x2048xi32, #tpu.memory_space<vmem>>, vector<1x1x1x2048xi32>
    %get3A_55 = vector.shape_cast %get3A_54 : vector<1x1x1x2048xi32> to vector<2048xi32>
    %broadcast_in_dim3A_56 = vector.shape_cast %get3A_55 : vector<2048xi32> to vector<1x2048xi32>
    %eq3A_57 = vector.broadcast %broadcast_in_dim3A_56 : vector<1x2048xi32> to vector<128x2048xi32>
    %eq3A_58 = arith.cmpi eq, %eq3A_57, %iota3A : vector<128x2048xi32>
    %convert_element_type3A_59 = arith.extui %eq3A_58 : vector<128x2048xi1> to vector<128x2048xi32>
    %convert_element_type3A_60 = arith.sitofp %convert_element_type3A_59 : vector<128x2048xi32> to vector<128x2048xf32>
    %convert_element_type3A_61 = arith.truncf %convert_element_type3A_60 : vector<128x2048xf32> to vector<128x2048xbf16>
    %get3A_62 = arith.constant 6144 : index
    %get3A_63 = arith.constant 0 : index
    %get3A_64 = vector.load %arg3[%get3A_62, %get3A_63] : memref<16384x256xbf16, #tpu.memory_space<vmem>>, vector<2048x256xbf16>
    %dot_general3A_65 = arith.constant dense<0.000000e+00> : vector<128x256xf32>
    %dot_general3A_66 = tpu.matmul %convert_element_type3A_61, %get3A_64, %dot_general3A_65 {dimension_numbers = #tpu.dot_dimension_numbers<[1], [0], [0], [1], [0, 0, 1, 1], [], []>, transpose_lhs_hint = false} : vector<128x2048xbf16>, vector<2048x256xbf16>, vector<128x256xf32> -> vector<128x256xf32>
    %add3A_67 = arith.addf %add3A_49, %dot_general3A_66 : vector<128x256xf32>
    %get3A_68 = arith.constant 0 : index
    %get3A_69 = arith.constant 4 : index
    %get3A_70 = arith.constant 0 : index
    %get3A_71 = arith.constant 0 : index
    %get3A_72 = vector.load %arg1[%get3A_68, %get3A_69, %get3A_70, %get3A_71] : memref<1x8x1x2048xi32, #tpu.memory_space<vmem>>, vector<1x1x1x2048xi32>
    %get3A_73 = vector.shape_cast %get3A_72 : vector<1x1x1x2048xi32> to vector<2048xi32>
    %broadcast_in_dim3A_74 = vector.shape_cast %get3A_73 : vector<2048xi32> to vector<1x2048xi32>
    %eq3A_75 = vector.broadcast %broadcast_in_dim3A_74 : vector<1x2048xi32> to vector<128x2048xi32>
    %eq3A_76 = arith.cmpi eq, %eq3A_75, %iota3A : vector<128x2048xi32>
    %convert_element_type3A_77 = arith.extui %eq3A_76 : vector<128x2048xi1> to vector<128x2048xi32>
    %convert_element_type3A_78 = arith.sitofp %convert_element_type3A_77 : vector<128x2048xi32> to vector<128x2048xf32>
    %convert_element_type3A_79 = arith.truncf %convert_element_type3A_78 : vector<128x2048xf32> to vector<128x2048xbf16>
    %get3A_80 = arith.constant 8192 : index
    %get3A_81 = arith.constant 0 : index
    %get3A_82 = vector.load %arg3[%get3A_80, %get3A_81] : memref<16384x256xbf16, #tpu.memory_space<vmem>>, vector<2048x256xbf16>
    %dot_general3A_83 = arith.constant dense<0.000000e+00> : vector<128x256xf32>
    %dot_general3A_84 = tpu.matmul %convert_element_type3A_79, %get3A_82, %dot_general3A_83 {dimension_numbers = #tpu.dot_dimension_numbers<[1], [0], [0], [1], [0, 0, 1, 1], [], []>, transpose_lhs_hint = false} : vector<128x2048xbf16>, vector<2048x256xbf16>, vector<128x256xf32> -> vector<128x256xf32>
    %add3A_85 = arith.addf %add3A_67, %dot_general3A_84 : vector<128x256xf32>
    %get3A_86 = arith.constant 0 : index
    %get3A_87 = arith.constant 5 : index
    %get3A_88 = arith.constant 0 : index
    %get3A_89 = arith.constant 0 : index
    %get3A_90 = vector.load %arg1[%get3A_86, %get3A_87, %get3A_88, %get3A_89] : memref<1x8x1x2048xi32, #tpu.memory_space<vmem>>, vector<1x1x1x2048xi32>
    %get3A_91 = vector.shape_cast %get3A_90 : vector<1x1x1x2048xi32> to vector<2048xi32>
    %broadcast_in_dim3A_92 = vector.shape_cast %get3A_91 : vector<2048xi32> to vector<1x2048xi32>
    %eq3A_93 = vector.broadcast %broadcast_in_dim3A_92 : vector<1x2048xi32> to vector<128x2048xi32>
    %eq3A_94 = arith.cmpi eq, %eq3A_93, %iota3A : vector<128x2048xi32>
    %convert_element_type3A_95 = arith.extui %eq3A_94 : vector<128x2048xi1> to vector<128x2048xi32>
    %convert_element_type3A_96 = arith.sitofp %convert_element_type3A_95 : vector<128x2048xi32> to vector<128x2048xf32>
    %convert_element_type3A_97 = arith.truncf %convert_element_type3A_96 : vector<128x2048xf32> to vector<128x2048xbf16>
    %get3A_98 = arith.constant 10240 : index
    %get3A_99 = arith.constant 0 : index
    %get3A_100 = vector.load %arg3[%get3A_98, %get3A_99] : memref<16384x256xbf16, #tpu.memory_space<vmem>>, vector<2048x256xbf16>
    %dot_general3A_101 = arith.constant dense<0.000000e+00> : vector<128x256xf32>
    %dot_general3A_102 = tpu.matmul %convert_element_type3A_97, %get3A_100, %dot_general3A_101 {dimension_numbers = #tpu.dot_dimension_numbers<[1], [0], [0], [1], [0, 0, 1, 1], [], []>, transpose_lhs_hint = false} : vector<128x2048xbf16>, vector<2048x256xbf16>, vector<128x256xf32> -> vector<128x256xf32>
    %add3A_103 = arith.addf %add3A_85, %dot_general3A_102 : vector<128x256xf32>
    %get3A_104 = arith.constant 0 : index
    %get3A_105 = arith.constant 6 : index
    %get3A_106 = arith.constant 0 : index
    %get3A_107 = arith.constant 0 : index
    %get3A_108 = vector.load %arg1[%get3A_104, %get3A_105, %get3A_106, %get3A_107] : memref<1x8x1x2048xi32, #tpu.memory_space<vmem>>, vector<1x1x1x2048xi32>
    %get3A_109 = vector.shape_cast %get3A_108 : vector<1x1x1x2048xi32> to vector<2048xi32>
    %broadcast_in_dim3A_110 = vector.shape_cast %get3A_109 : vector<2048xi32> to vector<1x2048xi32>
    %eq3A_111 = vector.broadcast %broadcast_in_dim3A_110 : vector<1x2048xi32> to vector<128x2048xi32>
    %eq3A_112 = arith.cmpi eq, %eq3A_111, %iota3A : vector<128x2048xi32>
    %convert_element_type3A_113 = arith.extui %eq3A_112 : vector<128x2048xi1> to vector<128x2048xi32>
    %convert_element_type3A_114 = arith.sitofp %convert_element_type3A_113 : vector<128x2048xi32> to vector<128x2048xf32>
    %convert_element_type3A_115 = arith.truncf %convert_element_type3A_114 : vector<128x2048xf32> to vector<128x2048xbf16>
    %get3A_116 = arith.constant 12288 : index
    %get3A_117 = arith.constant 0 : index
    %get3A_118 = vector.load %arg3[%get3A_116, %get3A_117] : memref<16384x256xbf16, #tpu.memory_space<vmem>>, vector<2048x256xbf16>
    %dot_general3A_119 = arith.constant dense<0.000000e+00> : vector<128x256xf32>
    %dot_general3A_120 = tpu.matmul %convert_element_type3A_115, %get3A_118, %dot_general3A_119 {dimension_numbers = #tpu.dot_dimension_numbers<[1], [0], [0], [1], [0, 0, 1, 1], [], []>, transpose_lhs_hint = false} : vector<128x2048xbf16>, vector<2048x256xbf16>, vector<128x256xf32> -> vector<128x256xf32>
    %add3A_121 = arith.addf %add3A_103, %dot_general3A_120 : vector<128x256xf32>
    %get3A_122 = arith.constant 0 : index
    %get3A_123 = arith.constant 7 : index
    %get3A_124 = arith.constant 0 : index
    %get3A_125 = arith.constant 0 : index
    %get3A_126 = vector.load %arg1[%get3A_122, %get3A_123, %get3A_124, %get3A_125] : memref<1x8x1x2048xi32, #tpu.memory_space<vmem>>, vector<1x1x1x2048xi32>
    %get3A_127 = vector.shape_cast %get3A_126 : vector<1x1x1x2048xi32> to vector<2048xi32>
    %broadcast_in_dim3A_128 = vector.shape_cast %get3A_127 : vector<2048xi32> to vector<1x2048xi32>
    %eq3A_129 = vector.broadcast %broadcast_in_dim3A_128 : vector<1x2048xi32> to vector<128x2048xi32>
    %eq3A_130 = arith.cmpi eq, %eq3A_129, %iota3A : vector<128x2048xi32>
    %convert_element_type3A_131 = arith.extui %eq3A_130 : vector<128x2048xi1> to vector<128x2048xi32>
    %convert_element_type3A_132 = arith.sitofp %convert_element_type3A_131 : vector<128x2048xi32> to vector<128x2048xf32>
    %convert_element_type3A_133 = arith.truncf %convert_element_type3A_132 : vector<128x2048xf32> to vector<128x2048xbf16>
    %get3A_134 = arith.constant 14336 : index
    %get3A_135 = arith.constant 0 : index
    %get3A_136 = vector.load %arg3[%get3A_134, %get3A_135] : memref<16384x256xbf16, #tpu.memory_space<vmem>>, vector<2048x256xbf16>
    %dot_general3A_137 = arith.constant dense<0.000000e+00> : vector<128x256xf32>
    %dot_general3A_138 = tpu.matmul %convert_element_type3A_133, %get3A_136, %dot_general3A_137 {dimension_numbers = #tpu.dot_dimension_numbers<[1], [0], [0], [1], [0, 0, 1, 1], [], []>, transpose_lhs_hint = false} : vector<128x2048xbf16>, vector<2048x256xbf16>, vector<128x256xf32> -> vector<128x256xf32>
    %add3A_139 = arith.addf %add3A_121, %dot_general3A_138 : vector<128x256xf32>
    %get3A_140 = arith.constant 0 : index
    %get3A_141 = arith.constant 0 : index
    %get3A_142 = arith.constant 0 : index
    %get3A_143 = vector.load %arg2[%get3A_140, %get3A_141, %get3A_142] : memref<1x184x128xf32, #tpu.memory_space<vmem>>, vector<1x184x128xf32>
    %get3A_144 = vector.shape_cast %get3A_143 : vector<1x184x128xf32> to vector<184x128xf32>
    %dot_general3A_145 = arith.constant dense<0.000000e+00> : vector<184x256xf32>
    %dot_general3A_146 = tpu.matmul %get3A_144, %add3A_139, %dot_general3A_145 {dimension_numbers = #tpu.dot_dimension_numbers<[1], [0], [0], [1], [0, 0, 1, 1], [], []>, transpose_lhs_hint = false} : vector<184x128xf32>, vector<128x256xf32>, vector<184x256xf32> -> vector<184x256xf32>
    %swap3A = arith.constant 0 : index
    %swap3A_147 = arith.constant 0 : index
    %swap3A_148 = arith.constant 0 : index
    %swap3A_149 = vector.load %arg4[%swap3A, %swap3A_147, %swap3A_148] : memref<1x184x256xf32, #tpu.memory_space<vmem>>, vector<1x184x256xf32>
    %swap3A_150 = vector.shape_cast %swap3A_149 : vector<1x184x256xf32> to vector<184x256xf32>
    %swap3A_151 = vector.shape_cast %dot_general3A_146 : vector<184x256xf32> to vector<1x184x256xf32>
    tpu.vector_store %arg4[%swap3A, %swap3A_147, %swap3A_148], %swap3A_151 {strides = array<i32>} : memref<1x184x256xf32, #tpu.memory_space<vmem>>, vector<1x184x256xf32>,
    return
  }
  func.func @transform_0(%arg0: i32) -> (i32, i32, i32, i32) {
    %c0_i32 = arith.constant 0 : i32
    %c0_i32_0 = arith.constant 0 : i32
    %c0_i32_1 = arith.constant 0 : i32
    %c0_i32_2 = arith.constant 0 : i32
    return %arg0, %c0_i32, %c0_i32_0, %c0_i32_1 : i32, i32, i32, i32
  }
  func.func @transform_1(%arg0: i32) -> (i32, i32, i32) {
    %c0_i32 = arith.constant 0 : i32
    %c0_i32_0 = arith.constant 0 : i32
    %c0_i32_1 = arith.constant 0 : i32
    return %arg0, %c0_i32, %c0_i32_0 : i32, i32, i32
  }
  func.func @transform_2(%arg0: i32) -> (i32, i32) {
    %c0_i32 = arith.constant 0 : i32
    %c0_i32_0 = arith.constant 0 : i32
    %c0_i32_1 = arith.constant 0 : i32
    return %c0_i32, %c0_i32_0 : i32, i32
  }
  func.func @transform_3(%arg0: i32) -> (i32, i32, i32) {
    %c0_i32 = arith.constant 0 : i32
    %c0_i32_0 = arith.constant 0 : i32
    %c0_i32_1 = arith.constant 0 : i32
    return %arg0, %c0_i32, %c0_i32_0 : i32, i32, i32
  }
}

</mosaic_0001>

<sc_bundles>
// kernel: kernel.4.cloned.1.call-start
scs
__scs_entry_jumppad:
0x0: {  	(pc) =	sbr.rel $0x88, $3  }
0x1: {  	(tag) =	ssettag $0x0;
	lr =	simm.s32 $0x1  }
0x2: {  	[smem:$0x3FA0] =	sst lr;
	_ =	strace $0xD0000000  }
0x3: {  	_ = 	snop  }
0x4: {  	_ = 	snop  }
0x5: {  	_ = 	snop  }
0x6: {  	_ = 	snop  }
0x7: {  	_ = 	snop  }
__scs_overlays_trampoline_lowered:
0x8: {  	[smem:$0x3FAF] =	sst s0  }
0x9: {  	[smem:$0x3FB0] =	sst s1  }
0xa: {  	[smem:$0x3FB1] =	sst s2  }
0xb: {  	[smem:$0x3FB2] =	sst s3  }
0xc: {  	[smem:$0x3FB3] =	sst s4  }
0xd: {  	[smem:$0x3FB4] =	sst s5  }
0xe: {  	[smem:$0x3FB5] =	sst s6  }
0xf: {  	[smem:$0x3FB6] =	sst s7  }
0x10: {  	[smem:$0x3FB7] =	sst s8  }
0x11: {  	[smem:$0x3FB8] =	sst s9;
	s0 =	simm.s32 @!p0 $0x0  }
0x12: {  	s1 =	sld [smem:$0x3F9E];
	s0 =	simm.s32 @p0 $0x1  }
0x13: {  	[smem:$0x3FB9] =	sst s0;
	s0 =	simm.s32 @!p1 $0x0  }
0x14: {  	s2 =	sld [smem:$0x3F9D];
	s0 =	simm.s32 @p1 $0x1  }
0x15: {  	[smem:$0x3FBA] =	sst s0;
	s0 =	simm.s32 @!p2 $0x0  }
0x16: {  	s3 =	sld [smem:$0x3FDB];
	s0 =	simm.s32 @p2 $0x1  }
0x17: {  	s4 =	simm.s32 $0x1BF5;
	[smem:$0x3FBC] =	sst s0  }
0x18: {  	s0 =	sld [smem:$0x3F9F];
	_ =	swait.ge [sflag:s4], $0x0  }
0x19: {  	s7 =	sld [smem:$0x3FA0]  }
0x1a: {  	s8 =	sadd.s32 $0xFFFFE003, lr  }
0x1b: {  	s9 =	sadd.s32 $0xFFFFFEF7, lr;
	s5 =	simm.s32 $0xFFFFFFFF;
	p2 =	slt.u32 s8, $0xFFFFF086  }
0x1c: {  	p1 =	slt.u32 s9, $0xF7A;
	s5 =	simm.s32 @!p2 $0x0  }
0x1d: {  	s5 =	simm.s32 @p1 $0x1;
	p0 =	seq.s32 s7, s2  }
0x1e: {  	s7 =	smul.u32 @!p0 $0xF7A, s2;
	p2 =	seq.s32 @!p0 s5, $0x0  }
0x1f: {  	s9 =	smul.u32 $0xF7A, s1;
	s8 =	simm.s32 @!p0 $0x1BF5;
	p2 =	por !p2, p0  }
0x20: {  	[sflag:s8] =	ssyncset.s32 @!p0 $0xFFFFF086;
	s6 =	sadd.s32 @!p0 s3, s7;
	s7 =	simm.s32 @!p0 $0x108  }
0x21: {  	s3 =	sadd.s32 s3, s9;
	s6 =	sadd.s32 @!p0 $0x88, s6;
	s7 =	simm.s32 @p2 $0x1082  }
0x22: {  	[simem:s7], [sflag:s8] =	dma.local @!p0 [hbm:s6], $0xF7A  }
0x23: {  	s9 =	sor.u32 $0xD0000000, s2;
	s6 =	simm.s32 $0x108;
	_ =	swait.ge @!p0 [sflag:s8], $0x0  }
0x24: {  	s3 =	sadd.s32 $0x88, s3;
	s6 =	simm.s32 @!p1 $0x1082;
	[sflag:s4] =	ssyncset.s32 $0xFFFFF086  }
0x25: {  	[simem:s6], [sflag:s4] =	dma.local [hbm:s3], $0xF7A  }
0x26: {  	[smem:$0x3FA0] =	sst s1;
	(tag) =	ssettag s2;
	_ =	strace s9  }
0x27: {  	s1 =	sld [smem:$0x3FB0]  }
0x28: {  	s2 =	sld [smem:$0x3FB1]  }
0x29: {  	s4 =	sld [smem:$0x3FB3]  }
0x2a: {  	p0 =	seq.s32 s5, $0x0;
	s5 =	sld [smem:$0x3FB4]  }
0x2b: {  	s6 =	sld [smem:$0x3FB5]  }
0x2c: {  	s7 =	sld [smem:$0x3FB6]  }
0x2d: {  	s3 =	simm.s32 $0x108;
	s8 =	sld [smem:$0x3FB7]  }
0x2e: {  	s3 =	simm.s32 @!p0 $0x1082;
	s9 =	sld [smem:$0x3FB8]  }
0x2f: {  	lr =	sadd.s32 s0, s3;
	s0 =	sld [smem:$0x3FAF]  }
0x30: {  	s3 =	sld [smem:$0x3FB2]  }
0x31: {  	[smem:$0x3FBB] =	sst s10  }
0x32: {  	s10 =	sld [smem:$0x3FB9];
	_ =	sdelay $0x3  }
0x33: {  	p0 =	seq.s32 s10, $0x1;
	s10 =	sld [smem:$0x3FBB];
	_ =	sdelay $0x3  }
0x34: {  	[smem:$0x3FBB] =	sst s10  }
0x35: {  	s10 =	sld [smem:$0x3FBA];
	_ =	sdelay $0x3  }
0x36: {  	p1 =	seq.s32 s10, $0x1;
	s10 =	sld [smem:$0x3FBB];
	_ =	sdelay $0x3  }
0x37: {  	[smem:$0x3FBB] =	sst s10  }
0x38: {  	s10 =	sld [smem:$0x3FBC]  }
0x39: {  	_ = 	snop;
	(pc) =	sbr.ind lr, $3  }
0x3a: {  	_ = 	snop  }
0x3b: {  	_ = 	snop  }
0x3c: {  	p2 =	seq.s32 s10, $0x1;
	s10 =	sld [smem:$0x3FBB]  }
0x3d: {  	_ =	shalt  }
0x3e: {  	_ =	shalt  }
0x3f: {  	_ =	shalt  }
0x40: {  	_ =	shalt  }
0x41: {  	_ =	shalt  }
0x42: {  	_ =	shalt  }
0x43: {  	_ =	shalt  }
0x44: {  	_ =	shalt  }
0x45: {  	_ =	shalt  }
0x46: {  	_ =	shalt  }
0x47: {  	_ =	shalt  }
0x48: {  	_ =	shalt  }
0x49: {  	_ =	shalt  }
0x4a: {  	_ =	shalt  }
0x4b: {  	_ =	shalt  }
0x4c: {  	_ =	shalt  }
0x4d: {  	_ =	shalt  }
0x4e: {  	_ =	shalt  }
0x4f: {  	_ =	shalt  }
0x50: {  	_ =	shalt  }
0x51: {  	_ =	shalt  }
0x52: {  	_ =	shalt  }
0x53: {  	_ =	shalt  }
0x54: {  	_ =	shalt  }
0x55: {  	_ =	shalt  }
0x56: {  	_ =	shalt  }
0x57: {  	_ =	shalt  }
0x58: {  	_ =	shalt  }
0x59: {  	_ =	shalt  }
0x5a: {  	_ =	shalt  }
0x5b: {  	_ =	shalt  }
0x5c: {  	_ =	shalt  }
0x5d: {  	_ =	shalt  }
0x5e: {  	_ =	shalt  }
0x5f: {  	_ =	shalt  }
0x60: {  	_ =	shalt  }
0x61: {  	_ =	shalt  }
0x62: {  	_ =	shalt  }
0x63: {  	_ =	shalt  }
0x64: {  	_ =	shalt  }
0x65: {  	_ =	shalt  }
0x66: {  	_ =	shalt  }
0x67: {  	_ =	shalt  }
0x68: {  	_ =	shalt  }
0x69: {  	_ =	shalt  }
0x6a: {  	_ =	shalt  }
0x6b: {  	_ =	shalt  }
0x6c: {  	_ =	shalt  }
0x6d: {  	_ =	shalt  }
0x6e: {  	_ =	shalt  }
0x6f: {  	_ =	shalt  }
0x70: {  	_ =	shalt  }
0x71: {  	_ =	shalt  }
0x72: {  	_ =	shalt  }
0x73: {  	_ =	shalt  }
0x74: {  	_ =	shalt  }
0x75: {  	_ =	shalt  }
0x76: {  	_ =	shalt  }
0x77: {  	_ =	shalt  }
0x78: {  	_ =	shalt  }
0x79: {  	_ =	shalt  }
0x7a: {  	_ =	shalt  }
0x7b: {  	_ =	shalt  }
0x7c: {  	_ =	shalt  }
0x7d: {  	_ =	shalt  }
0x7e: {  	_ =	shalt  }
0x7f: {  	_ =	shalt  }
0x80: {  	_ =	shalt  }
0x81: {  	_ =	shalt  }
0x82: {  	_ =	shalt  }
0x83: {  	_ =	shalt  }
0x84: {  	_ =	shalt  }
0x85: {  	_ =	shalt  }
0x86: {  	_ =	shalt  }
0x87: {  	_ =	shalt  }
.Lfunc_end0:
.L_simem_size_0:
called_computation_lowered:
.L_overlay_start_0:
0x88: {  	s2 =	sld [smem:$0x3FD9]  }
0x89: {  	s3 =	sld [smem:$0x3FFE];
	_ =	sdelay $0x1  }
0x8a: {  	s1 =	srdreg.scid  }
0x8b: {  	s0 =	sand.u32 $0x1, s1  }
0x8c: {  	s17 =	sshll.u32 s0, $0xA;
	s2 =	sadd.s32 s3, s2  }
0x8d: {  	s2 =	sadd.s32 s2, s17  }
0x8e: {  	[smem:$0x3FC7] =	sst s2  }
0x8f: {  	_ = 	snop  }
0x90: {  	s2 =	sld [smem:$0x3FC9];
	(tm) =	ssettm $0x1  }
0x91: {  	s18 =	sld [smem:$0x3FFB];
	_ =	sdelay $0x3  }
0x92: {  	_ =	strace s18  }
0x93: {  	s3 =	sld [smem:$0x3FFC];
	_ =	sdelay $0x3  }
0x94: {  	_ =	strace s3  }
0x95: {  	s3 =	sld [smem:$0x3FFD];
	_ =	sdelay $0x3  }
0x96: {  	_ =	strace s3  }
0x97: {  	_ =	strace $0x8FFFFFFF  }
0x98: {  	s19 =	sld [smem:$0x3FDB];
	_ =	sdelay $0x1  }
0x99: {  	s4 =	simm.s32 $_scs_section_size  }
0x9a: {  	s5 =	simm.s32 $_size__tile_overlayer_lowered;
	s6 =	simm.s32 $_tile_overlayer_lowered  }
0x9b: {  	s22 =	simm.s32 $0x1BFF;
	s21 =	sshll.u32 s6, $0x1;
	s3 =	sadd.s32 s4, s19  }
0x9c: {  	s7 =	simm.s32 $0x0;
	s20 =	sshll.u32 s5, $0x1;
	s5 =	sadd.s32 s21, s3  }
0x9d: {  	[timem:s7], [sflag:s22] =	dma.local [hbm:s5], s20  }
0x9e: {  	_ =	swait.ge [sflag:s22], s20  }
0x9f: {  	s4 =	ssub.s32 $0x0, s20;
	[sflag:s22] =	ssyncset.done $0x0  }
0xa0: {  	[sflag:s22] =	ssyncadd.s32 s4;
	_ =	sdelay $0x1  }
0xa1: {  	s23 =	simm.s32 $0x1B8B  }
0xa2: {  	_ =	swait.ge [sflag:s23], $0x1  }
0xa3: {  	[sflag:s23] =	ssyncset.done $0x0  }
0xa4: {  	s25 =	simm.s32 $0x1B8E;
	s24 =	sld [smem:$0x3FFE];
	[sflag:s23] =	ssyncadd.s32 $0xFFFFFFFF  }
0xa5: {  	s26 =	simm.s32 $execute0_lowered;
	[smem:$0x3FD2] =	sst s25  }
0xa6: {  	s5 =	sshll.u32 s26, $0x1;
	_ =	strace $0x80000046;
	[dreg:$0x1] =	wrdreg $0xFFFFFFFF  }
0xa7: {  	s28 =	simm.s32 $_size_execute0_lowered;
	s3 =	sadd.s32 s3, s5;
	[dreg:$0x0] =	wrdreg $0x0  }
0xa8: {  	s5 =	sshll.u32 s28, $0x1;
	[dreg:$0x2] =	wrdreg s3  }
0xa9: {  	[dreg:$0x3] =	wrdreg s5  }
0xaa: {  	[dreg:$0x4] =	wrdreg $0xC0  }
0xab: {  	_ =	task [dreg:s7], $0x5FFFF  }
0xac: {  	[dreg:$0x1] =	wrdreg $0xFFFFFFFF  }
0xad: {  	[dreg:$0x0] =	wrdreg $0x60  }
0xae: {  	[dreg:$0x2] =	wrdreg s2  }
0xaf: {  	[dreg:$0x3] =	wrdreg s24  }
0xb0: {  	[dreg:$0x4] =	wrdreg $0x9  }
0xb1: {  	_ =	task.clear_ibuf [dreg:s7], $0x5FFFF;
	_ =	strace $0x90000046  }
0xb2: {  	s29 =	simm.s32 $0x9;
	_ =	strace $0x80000048  }
0xb3: {  	_ =	swait.ge [sflag:s29], $0x1  }
0xb4: {  	[sflag:s29] =	ssyncadd.s32 $0xFFFFFFFF  }
0xb5: {  	_ =	strace $0x90000048  }
0xb6: {  	_ =	sfence  }
0xb7: {  	s30 =	sld [smem:$0x0];
	_ =	sdelay $0x2  }
0xb8: {  	s31 =	sshll.u32 s1, $0xD;
	s1 =	sshrl.u32 s1, $0x2  }
0xb9: {  	s3 =	sand.u32 $0x4000, s31;
	s1 =	sadd.s32 s1, s30  }
0xba: {  	s0 =	sor.u32 s3, s0;
	s1 =	sshll.u32 s1, $0x11  }
0xbb: {  	s0 =	sor.u32 s1, s0  }
0xbc: {  	s0 =	sadd.s32 $0x8F2B, s0  }
0xbd: {  	[sflag:s0] =	ssyncadd.remote.s32 $0x1  }
0xbe: {  	_ =	sfence.sel $0xFFFF  }
0xbf: {  	[dreg:$0x0] =	wrdreg $0xFFFFFFFF;
	(pc) =	sbr.abs _section_cstart, $3  }
0xc0: {  	[dreg:$0x1] =	wrdreg $0xFFFFFFFF  }
0xc1: {  	_ =	task.clear_ibuf [dreg:s7], $0x2FFFF;
	_ =	strace $0x9FFFFFFF  }
0xc2: {  	(tm) =	ssettm $0x7FFFFFFF  }
0xc3: {  	_ =	shalt  }
tec
execute0_lowered:
.L_overlay_start_1:
0x0: {  	(tag) =	ssettag $0x1  }
0x1: {  	s1 =	rddreg [dreg:$0x0]  }
0x2: {  	s2 =	rddreg [dreg:$0x1];
	s3 =	simm.s32 $0x0;
	s0 =	srdreg.scid  }
0x3: {  	s4 =	stileid.u32;
	[smem:$0x7FF] =	sst s3;
	s0 =	sand.u32 $0x1, s0  }
0x4: {  	s5 =	sshll.u32 s4, $0x1;
	s4 =	sadd.s32 $0x2400, s2;
	_ =	strace $0x80000047  }
0x5: {  	s6 =	ssub.s32 $0x2, s0;
	s0 =	sor.u32 s0, s5;
	s5 =	sadd.s32 $0xA400, s2  }
0x6: {  	s26 =	sshrl.u32 s6, $0x1;
	s8 =	sshll.u32 s0, $0x3;
	s9 =	smul.u32 $0xB80, s0  }
0x7: {  	s10 =	sshll.u32 s0, $0x9;
	s29 =	sshll.u32 s0, $0xA;
	s7 =	sor.u32 $0x1, s8  }
0x8: {  	s2 =	ssub.s32 s6, s26;
	s11 =	sor.u32 $0x2, s8;
	s12 =	smul.u32 $0x170, s7  }
0x9: {  	s13 =	sor.u32 $0x3, s8;
	s6 =	sadd.s32 s4, s29;
	s14 =	smul.u32 $0x170, s11  }
0xa: {  	s15 =	sor.u32 $0x4, s8;
	s17 =	sor.u32 $0x5, s8;
	s16 =	smul.u32 $0x170, s13  }
0xb: {  	s19 =	sor.u32 $0x6, s8;
	[dreg:$0x3] =	wrdreg s6;
	s18 =	smul.u32 $0x170, s15  }
0xc: {  	s6 =	sshll.u32 s0, $0x11;
	s7 =	sshll.u32 s7, $0xE;
	s20 =	smul.u32 $0x170, s17  }
0xd: {  	s8 =	sshll.u32 s11, $0xE;
	s11 =	sshllo.u32 s0, $0x3;
	s9 =	sadd.s32 s5, s9  }
0xe: {  	s21 =	smul.u32 $0x170, s19;
	[dreg:$0x4] =	wrdreg s9;
	s30 =	sadd.s32 s5, s12  }
0xf: {  	s31 =	smul.u32 $0x170, s11;
	s22 =	sadd.s32 s5, s14;
	[dreg:$0x5] =	wrdreg s30  }
0x10: {  	s29 =	sor.u32 s10, s6;
	s23 =	sadd.s32 s5, s16;
	[dreg:$0x6] =	wrdreg s22  }
0x11: {  	s28 =	sshll.u32 s11, $0xE;
	s24 =	sadd.s32 s5, s18;
	[dreg:$0x7] =	wrdreg s23  }
0x12: {  	s11 =	simm.s32 $0x5A00;
	s25 =	sadd.s32 s5, s20;
	[dreg:$0x8] =	wrdreg s24  }
0x13: {  	s26 =	sadd.s32 s5, s21;
	s20 =	sshll.u32 s13, $0xE;
	[dreg:$0x9] =	wrdreg s25  }
0x14: {  	s21 =	sshll.u32 s15, $0xE;
	[dreg:$0xa] =	wrdreg s26;
	s5 =	sadd.s32 s5, s31  }
0x15: {  	s30 =	sor.u32 s10, s7;
	s31 =	sor.u32 s10, s8;
	s22 =	sshll.u32 s17, $0xE  }
0x16: {  	s16 =	sor.u32 s10, s20;
	s17 =	sor.u32 s10, s21;
	s26 =	sshll.u32 s19, $0xE  }
0x17: {  	s25 =	sadd.s32 $0x1, s0;
	[dreg:$0xb] =	wrdreg s5;
	s5 =	sshrl.u32 s29, $0x3  }
0x18: {  	s9 =	sshrl.u32 s30, $0x3;
	s12 =	sshrl.u32 s31, $0x3;
	s18 =	sor.u32 s10, s22  }
0x19: {  	s29 =	sor.u32 s10, s26;
	s10 =	sor.u32 s10, s28;
	s5 =	sadd.s32 s1, s5  }
0x1a: {  	s9 =	sadd.s32 s1, s9;
	s14 =	sadd.s32 s1, s12;
	[dreg:$0xc] =	wrdreg s5  }
0x1b: {  	s12 =	sshrl.u32 s18, $0x3;
	s10 =	sshrl.u32 s10, $0x3;
	[dreg:$0xd] =	wrdreg s9  }
0x1c: {  	[dreg:$0xe] =	wrdreg s14;
	s5 =	sshrl.u32 s16, $0x3;
	s24 =	sadd.s32 s1, s12  }
0x1d: {  	s9 =	sshrl.u32 s17, $0x3;
	s31 =	sadd.s32 s1, s10;
	[dreg:$0x11] =	wrdreg s24  }
0x1e: {  	s5 =	sadd.s32 s1, s5;
	s23 =	sadd.s32 s1, s9;
	[dreg:$0x13] =	wrdreg s31  }
0x1f: {  	s9 =	sshrl.u32 s29, $0x3;
	s31 =	smax.u32 s2, $0x1;
	[dreg:$0xf] =	wrdreg s5  }
0x20: {  	s2 =	simm.s32 $0x5200;
	[dreg:$0x10] =	wrdreg s23;
	s5 =	sand.u32 $0x1F, s25  }
0x21: {  	s9 =	sadd.s32 s1, s9;
	[dreg:$0x1d] =	wrdreg s31;
	s30 =	sshll.u32 s5, $0x9  }
0x22: {  	[dreg:$0x12] =	wrdreg s9;
	s5 =	sshll.u32 s5, $0xA;
	s10 =	sor.u32 s6, s30  }
0x23: {  	s12 =	sor.u32 s30, s7;
	s5 =	sadd.s32 s4, s5;
	s15 =	sor.u32 s30, s8  }
0x24: {  	s16 =	sor.u32 s30, s20;
	s17 =	sor.u32 s30, s21;
	s23 =	sor.u32 s30, s22  }
0x25: {  	s24 =	sor.u32 s30, s26;
	s25 =	sor.u32 s30, s28;
	s9 =	sshrl.u32 s10, $0x3  }
0x26: {  	[dreg:$0x14] =	wrdreg s5;
	s14 =	sshrl.u32 s12, $0x3;
	s19 =	sshrl.u32 s17, $0x3  }
0x27: {  	s30 =	sshrl.u32 s25, $0x3;
	s10 =	simm.s32 $0x5800;
	s12 =	simm.s32 $0x5C00  }
0x28: {  	s17 =	simm.s32 $0x6000;
	s13 =	sadd.s32 s1, s9;
	s5 =	sadd.s32 s1, s14  }
0x29: {  	s9 =	sshrl.u32 s16, $0x3;
	s14 =	sadd.s32 $0x2, s0;
	[dreg:$0x15] =	wrdreg s13  }
0x2a: {  	s16 =	simm.s32 $0x1;
	[dreg:$0x16] =	wrdreg s5;
	s5 =	sshrl.u32 s15, $0x3  }
0x2b: {  	s18 =	sadd.s32 s1, s9;
	s9 =	sshrl.u32 s24, $0x3;
	s15 =	sadd.s32 $0x3, s0  }
0x2c: {  	v0 =	vlaneseq.u32;
	s0 =	simm.s32 $0x5000;
	s5 =	sadd.s32 s1, s5;
	[dreg:$0x18] =	wrdreg s18  }
0x2d: {  	v0 =	vmul.u32 $0xB8, v0;
	s13 =	simm.s32 $0x5E00;
	[dreg:$0x17] =	wrdreg s5;
	s5 =	sadd.s32 s1, s19  }
0x2e: {  	s29 =	sadd.s32 s1, s9;
	[dreg:$0x19] =	wrdreg s5;
	s5 =	sshrl.u32 s23, $0x3  }
0x2f: {  	v1 =	vimm.f32 $0.0e+00;
	v2 =	vadd.s32 $0xB80, v0;
	s24 =	simm.s32 $0x0;
	[dreg:$0x1b] =	wrdreg s29;
	s5 =	sadd.s32 s1, s5  }
0x30: {  	v3 =	vadd.s32 $0x1700, v0;
	v4 =	vadd.s32 $0x2280, v0;
	v5 =	vadd.s32 $0x2E00, v0;
	s9 =	simm.s32 $0x5600;
	[dreg:$0x1a] =	wrdreg s5;
	s5 =	sadd.s32 s1, s30  }
0x31: {  	v6 =	vadd.s32 $0x3980, v0;
	v7 =	vadd.s32 $0x4500, v0;
	v8 =	vadd.s32 $0x5080, v0;
	s18 =	simm.s32 $0x2;
	[dreg:$0x1c] =	wrdreg s5;
	s5 =	simm.s32 $0x5400  }
.LBB2_1:
0x32: {  	[dreg:$0x1e] =	wrdreg s24;
	s19 =	simm.s32 $0x40;
	s23 =	simm.s32 $0x0  }
.LBB2_2:
0x33: {  	p0 =	sne.s32 s19, $0x16FC0;
	[tilespmem:s23+$0x6000] =	vst v1;
	s23 =	smov.u32 s19;
	s19 =	sadd.s32 $0x40, s19  }
.Ltmp0:
0x34: {  	(pc) =	sbr.rel @p0 .LBB2_2-.Ltmp0, $2  }
0x35: {  	_ =	sdelay $0x2  }
0x36: {  	s23 =	sshra.s32 s23, $0x2  }
0x37: {  	[tilespmem:s23+$0x6000] =	vst v1;
	s19 =	simm.s32 $0x0;
	s25 =	rddreg [dreg:$0x3]  }
0x38: {  	[tilespmem:s19], [sflag:$0x1] =	stream.linear.gather [hbm4b:s25+s19], $0x2000, $0x38;
	[tilespmem:$0xBC00] =	vst v63  }
0x39: {  	s29 =	rddreg [dreg:$0xc];
	s24 =	simm.s32 $0x4000  }
0x3a: {  	[tilespmem:s24], [sflag:$0x1] =	stream.linear.gather [hbm4b:s29+s19], $0x200, $0x38;
	[tilespmem:$0xBC00] =	vst v63  }
0x3b: {  	s30 =	rddreg [dreg:$0xd];
	s31 =	simm.s32 $0x4200  }
0x3c: {  	[tilespmem:s31], [sflag:$0x1] =	stream.linear.gather [hbm4b:s30+s19], $0x200, $0x38;
	[tilespmem:$0xBC00] =	vst v63  }
0x3d: {  	s25 =	rddreg [dreg:$0xe];
	s29 =	simm.s32 $0x4400  }
0x3e: {  	[tilespmem:s29], [sflag:$0x1] =	stream.linear.gather [hbm4b:s25+s19], $0x200, $0x38;
	[tilespmem:$0xBC00] =	vst v63  }
0x3f: {  	s30 =	rddreg [dreg:$0xf];
	s31 =	simm.s32 $0x4600  }
0x40: {  	[tilespmem:s31], [sflag:$0x1] =	stream.linear.gather [hbm4b:s30+s19], $0x200, $0x38;
	[tilespmem:$0xBC00] =	vst v63  }
0x41: {  	s25 =	rddreg [dreg:$0x10];
	s29 =	simm.s32 $0x4800  }
0x42: {  	[tilespmem:s29], [sflag:$0x1] =	stream.linear.gather [hbm4b:s25+s19], $0x200, $0x38;
	[tilespmem:$0xBC00] =	vst v63  }
0x43: {  	s30 =	rddreg [dreg:$0x11];
	s31 =	simm.s32 $0x4A00  }
0x44: {  	[tilespmem:s31], [sflag:$0x1] =	stream.linear.gather [hbm4b:s30+s19], $0x200, $0x38;
	[tilespmem:$0xBC00] =	vst v63  }
0x45: {  	s25 =	rddreg [dreg:$0x12];
	s29 =	simm.s32 $0x4C00  }
0x46: {  	[tilespmem:s29], [sflag:$0x1] =	stream.linear.gather [hbm4b:s25+s19], $0x200, $0x38;
	[tilespmem:$0xBC00] =	vst v63  }
0x47: {  	s30 =	rddreg [dreg:$0x13];
	s31 =	simm.s32 $0x4E00  }
0x48: {  	[tilespmem:s31], [sflag:$0x1] =	stream.linear.gather [hbm4b:s30+s19], $0x200, $0x38;
	[tilespmem:$0xBC00] =	vst v63  }
0x49: {  	s24 =	rddreg [dreg:$0x14];
	s25 =	simm.s32 $0x2000  }
0x4a: {  	[tilespmem:s25], [sflag:$0x2] =	stream.linear.gather [hbm4b:s24+s19], $0x2000, $0x38;
	[tilespmem:$0xBC00] =	vst v63  }
0x4b: {  	s29 =	rddreg [dreg:$0x15]  }
0x4c: {  	[tilespmem:s0], [sflag:$0x2] =	stream.linear.gather [hbm4b:s29+s19], $0x200, $0x38;
	[tilespmem:$0xBC00] =	vst v63  }
0x4d: {  	s30 =	rddreg [dreg:$0x16]  }
0x4e: {  	[tilespmem:s2], [sflag:$0x2] =	stream.linear.gather [hbm4b:s30+s19], $0x200, $0x38;
	[tilespmem:$0xBC00] =	vst v63  }
0x4f: {  	s31 =	rddreg [dreg:$0x17]  }
0x50: {  	[tilespmem:s5], [sflag:$0x2] =	stream.linear.gather [hbm4b:s31+s19], $0x200, $0x38;
	[tilespmem:$0xBC00] =	vst v63  }
0x51: {  	s24 =	rddreg [dreg:$0x18]  }
0x52: {  	[tilespmem:s9], [sflag:$0x2] =	stream.linear.gather [hbm4b:s24+s19], $0x200, $0x38;
	[tilespmem:$0xBC00] =	vst v63  }
0x53: {  	s25 =	rddreg [dreg:$0x19]  }
0x54: {  	[tilespmem:s10], [sflag:$0x2] =	stream.linear.gather [hbm4b:s25+s19], $0x200, $0x38;
	[tilespmem:$0xBC00] =	vst v63  }
0x55: {  	s29 =	rddreg [dreg:$0x1a]  }
0x56: {  	[tilespmem:s11], [sflag:$0x2] =	stream.linear.gather [hbm4b:s29+s19], $0x200, $0x38;
	[tilespmem:$0xBC00] =	vst v63  }
0x57: {  	s30 =	rddreg [dreg:$0x1b]  }
0x58: {  	[tilespmem:s12], [sflag:$0x2] =	stream.linear.gather [hbm4b:s30+s19], $0x200, $0x38;
	[tilespmem:$0xBC00] =	vst v63  }
0x59: {  	s23 =	simm.s32 $0x0;
	s31 =	rddreg [dreg:$0x1c]  }
0x5a: {  	[tilespmem:s13], [sflag:$0x2] =	stream.linear.gather [hbm4b:s31+s19], $0x200, $0x38;
	[tilespmem:$0xBC00] =	vst v63  }
.LBB2_4:
0x5b: {  	_ =	swait.ge [sflag:s16], $0x2000  }
0x5c: {  	[sflag:s16] =	ssyncset.done $0x0  }
0x5d: {  	[sflag:s16] =	ssyncadd.s32 $0xFFFFE000  }
0x5e: {  	_ =	swait.ge [sflag:s16], $0x200  }
0x5f: {  	[sflag:s16] =	ssyncset.done $0x0  }
0x60: {  	[sflag:s16] =	ssyncadd.s32 $0xFFFFFE00  }
0x61: {  	_ =	swait.ge [sflag:s16], $0x200  }
0x62: {  	[sflag:s16] =	ssyncset.done $0x0  }
0x63: {  	[sflag:s16] =	ssyncadd.s32 $0xFFFFFE00  }
0x64: {  	_ =	swait.ge [sflag:s16], $0x200  }
0x65: {  	[sflag:s16] =	ssyncset.done $0x0  }
0x66: {  	[sflag:s16] =	ssyncadd.s32 $0xFFFFFE00  }
0x67: {  	_ =	swait.ge [sflag:s16], $0x200  }
0x68: {  	[sflag:s16] =	ssyncset.done $0x0  }
0x69: {  	[sflag:s16] =	ssyncadd.s32 $0xFFFFFE00  }
0x6a: {  	_ =	swait.ge [sflag:s16], $0x200  }
0x6b: {  	[sflag:s16] =	ssyncset.done $0x0  }
0x6c: {  	[sflag:s16] =	ssyncadd.s32 $0xFFFFFE00  }
0x6d: {  	_ =	swait.ge [sflag:s16], $0x200  }
0x6e: {  	[sflag:s16] =	ssyncset.done $0x0  }
0x6f: {  	[sflag:s16] =	ssyncadd.s32 $0xFFFFFE00  }
0x70: {  	_ =	swait.ge [sflag:s16], $0x200  }
0x71: {  	[sflag:s16] =	ssyncset.done $0x0  }
0x72: {  	[sflag:s16] =	ssyncadd.s32 $0xFFFFFE00  }
0x73: {  	_ =	swait.ge [sflag:s16], $0x200  }
0x74: {  	[sflag:s16] =	ssyncset.done $0x0  }
0x75: {  	s24 =	simm.s32 $0x80;
	[sflag:s16] =	ssyncadd.s32 $0xFFFFFE00  }
0x76: {  	s25 =	simm.s32 $0x4000;
	v17 =	vld [tilespmem:s24+$0xFFFFFF80]  }
0x77: {  	s29 =	sand.u32 $0x1F0, s19;
	v15 =	vld [tilespmem:s25+$0x0]  }
0x78: {  	v10 =	vld [tilespmem:s29+$0x4600]  }
0x79: {  	v14 =	vld [tilespmem:s29+$0x4400]  }
0x7a: {  	v16 =	vld [tilespmem:s29+$0x4200]  }
0x7b: {  	v13 =	vld [tilespmem:s29+$0x4800];
	v18 =	vadd.s32 v0, v17  }
0x7c: {  	v11 =	vld [tilespmem:s29+$0x4A00];
	v19 =	vadd.s32 v2, v17  }
0x7d: {  	v9 =	vld [tilespmem:s29+$0x4C00];
	v20 =	vadd.s32 v3, v17  }
0x7e: {  	v12 =	vld [tilespmem:s29+$0x4E00];
	v21 =	vbroadcast v15, $0x0;
	v22 =	vadd.s32 v4, v17  }
0x7f: {  	v24 =	vld [tilespmem:s24+$0xFFFFFF90];
	v23 =	vadd.s32 v5, v17;
	v25 =	vbroadcast v16, $0x0  }
0x80: {  	v26 =	vbroadcast v14, $0x0;
	v27 =	vadd.s32 v6, v17;
	[tilespmem:v18+s17+$0x0] =	vst.idx.add.f32.msk $0xffff, v21  }
0x81: {  	v47 =	vadd.s32 v7, v17;
	v18 =	vbroadcast v10, $0x0;
	[tilespmem:v19+s17+$0x0] =	vst.idx.add.f32.msk $0xffff, v25  }
0x82: {  	v17 =	vadd.s32 v8, v17;
	v19 =	vbroadcast v13, $0x0;
	[tilespmem:v20+s17+$0x0] =	vst.idx.add.f32.msk $0xffff, v26  }
0x83: {  	v48 =	vbroadcast v11, $0x0;
	[tilespmem:v22+s17+$0x0] =	vst.idx.add.f32.msk $0xffff, v18  }
0x84: {  	v18 =	vbroadcast v9, $0x0;
	[tilespmem:v23+s17+$0x0] =	vst.idx.add.f32.msk $0xffff, v19;
	v19 =	vadd.s32 v0, v24  }
0x85: {  	v49 =	vbroadcast v12, $0x0;
	v50 =	vadd.s32 v2, v24;
	[tilespmem:v27+s17+$0x0] =	vst.idx.add.f32.msk $0xffff, v48  }
0x86: {  	v51 =	vadd.s32 v3, v24;
	[tilespmem:v47+s17+$0x0] =	vst.idx.add.f32.msk $0xffff, v18  }
0x87: {  	v52 =	vadd.s32 v4, v24;
	v18 =	vbroadcast v15, $0x1;
	[tilespmem:v17+s17+$0x0] =	vst.idx.add.f32.msk $0xffff, v49  }
0x88: {  	v53 =	vadd.s32 v5, v24;
	v17 =	vbroadcast v16, $0x1;
	v25 =	vld [tilespmem:s24+$0xFFFFFFA0]  }
0x89: {  	v54 =	vbroadcast v14, $0x1;
	v55 =	vadd.s32 v6, v24;
	[tilespmem:v19+s17+$0x0] =	vst.idx.add.f32.msk $0xffff, v18  }
0x8a: {  	v18 =	vbroadcast v10, $0x1;
	v19 =	vadd.s32 v7, v24;
	[tilespmem:v50+s17+$0x0] =	vst.idx.add.f32.msk $0xffff, v17  }
0x8b: {  	v56 =	vadd.s32 v8, v24;
	v17 =	vbroadcast v13, $0x1;
	[tilespmem:v51+s17+$0x0] =	vst.idx.add.f32.msk $0xffff, v54  }
0x8c: {  	v57 =	vbroadcast v11, $0x1;
	[tilespmem:v52+s17+$0x0] =	vst.idx.add.f32.msk $0xffff, v18  }
0x8d: {  	v18 =	vbroadcast v9, $0x1;
	[tilespmem:v53+s17+$0x0] =	vst.idx.add.f32.msk $0xffff, v17;
	v17 =	vadd.s32 v0, v25  }
0x8e: {  	v58 =	vbroadcast v12, $0x1;
	v59 =	vadd.s32 v2, v25;
	[tilespmem:v55+s17+$0x0] =	vst.idx.add.f32.msk $0xffff, v57  }
0x8f: {  	v60 =	vadd.s32 v3, v25;
	[tilespmem:v19+s17+$0x0] =	vst.idx.add.f32.msk $0xffff, v18  }
0x90: {  	v18 =	vbroadcast v15, $0x2;
	v19 =	vadd.s32 v4, v25;
	[tilespmem:v56+s17+$0x0] =	vst.idx.add.f32.msk $0xffff, v58  }
0x91: {  	v61 =	vbroadcast v16, $0x2;
	v62 =	vadd.s32 v5, v25;
	v63 =	vld [tilespmem:s24+$0xFFFFFFB0]  }
0x92: {  	v30 =	vbroadcast v14, $0x2;
	v31 =	vadd.s32 v6, v25;
	[tilespmem:v17+s17+$0x0] =	vst.idx.add.f32.msk $0xffff, v18  }
0x93: {  	v17 =	vbroadcast v10, $0x2;
	v18 =	vadd.s32 v7, v25;
	[tilespmem:v59+s17+$0x0] =	vst.idx.add.f32.msk $0xffff, v61  }
0x94: {  	v32 =	vbroadcast v13, $0x2;
	v33 =	vadd.s32 v8, v25;
	[tilespmem:v60+s17+$0x0] =	vst.idx.add.f32.msk $0xffff, v30  }
0x95: {  	v34 =	vbroadcast v11, $0x2;
	[tilespmem:v19+s17+$0x0] =	vst.idx.add.f32.msk $0xffff, v17  }
0x96: {  	v17 =	vbroadcast v9, $0x2;
	[tilespmem:v62+s17+$0x0] =	vst.idx.add.f32.msk $0xffff, v32;
	v19 =	vadd.s32 v0, v63  }
0x97: {  	v35 =	vbroadcast v12, $0x2;
	v36 =	vadd.s32 v2, v63;
	[tilespmem:v31+s17+$0x0] =	vst.idx.add.f32.msk $0xffff, v34  }
0x98: {  	v37 =	vadd.s32 v3, v63;
	[tilespmem:v18+s17+$0x0] =	vst.idx.add.f32.msk $0xffff, v17  }
0x99: {  	v17 =	vbroadcast v15, $0x3;
	v18 =	vadd.s32 v4, v63;
	[tilespmem:v33+s17+$0x0] =	vst.idx.add.f32.msk $0xffff, v35  }
0x9a: {  	v38 =	vbroadcast v16, $0x3;
	v39 =	vadd.s32 v5, v63;
	v40 =	vld [tilespmem:s24+$0xFFFFFFC0]  }
0x9b: {  	v41 =	vbroadcast v14, $0x3;
	v42 =	vadd.s32 v6, v63;
	[tilespmem:v19+s17+$0x0] =	vst.idx.add.f32.msk $0xffff, v17  }
0x9c: {  	v17 =	vbroadcast v10, $0x3;
	v19 =	vadd.s32 v7, v63;
	[tilespmem:v36+s17+$0x0] =	vst.idx.add.f32.msk $0xffff, v38  }
0x9d: {  	v43 =	vbroadcast v13, $0x3;
	v44 =	vadd.s32 v8, v63;
	[tilespmem:v37+s17+$0x0] =	vst.idx.add.f32.msk $0xffff, v41  }
0x9e: {  	v45 =	vbroadcast v11, $0x3;
	[tilespmem:v18+s17+$0x0] =	vst.idx.add.f32.msk $0xffff, v17  }
0x9f: {  	v17 =	vbroadcast v9, $0x3;
	[tilespmem:v39+s17+$0x0] =	vst.idx.add.f32.msk $0xffff, v43;
	v18 =	vadd.s32 v0, v40  }
0xa0: {  	v46 =	vbroadcast v12, $0x3;
	v47 =	vadd.s32 v2, v40;
	[tilespmem:v42+s17+$0x0] =	vst.idx.add.f32.msk $0xffff, v45  }
0xa1: {  	v48 =	vadd.s32 v3, v40;
	[tilespmem:v19+s17+$0x0] =	vst.idx.add.f32.msk $0xffff, v17  }
0xa2: {  	v17 =	vbroadcast v15, $0x4;
	v19 =	vadd.s32 v4, v40;
	[tilespmem:v44+s17+$0x0] =	vst.idx.add.f32.msk $0xffff, v46  }
0xa3: {  	v49 =	vbroadcast v16, $0x4;
	v50 =	vadd.s32 v5, v40;
	v51 =	vld [tilespmem:s24+$0xFFFFFFD0]  }
0xa4: {  	v52 =	vbroadcast v14, $0x4;
	v53 =	vadd.s32 v6, v40;
	[tilespmem:v18+s17+$0x0] =	vst.idx.add.f32.msk $0xffff, v17  }
0xa5: {  	v17 =	vbroadcast v10, $0x4;
	v18 =	vadd.s32 v7, v40;
	[tilespmem:v47+s17+$0x0] =	vst.idx.add.f32.msk $0xffff, v49  }
0xa6: {  	v54 =	vbroadcast v13, $0x4;
	v55 =	vadd.s32 v8, v40;
	[tilespmem:v48+s17+$0x0] =	vst.idx.add.f32.msk $0xffff, v52  }
0xa7: {  	v56 =	vbroadcast v11, $0x4;
	[tilespmem:v19+s17+$0x0] =	vst.idx.add.f32.msk $0xffff, v17  }
0xa8: {  	v17 =	vbroadcast v9, $0x4;
	[tilespmem:v50+s17+$0x0] =	vst.idx.add.f32.msk $0xffff, v54;
	v19 =	vadd.s32 v0, v51  }
0xa9: {  	v57 =	vbroadcast v12, $0x4;
	v58 =	vadd.s32 v2, v51;
	[tilespmem:v53+s17+$0x0] =	vst.idx.add.f32.msk $0xffff, v56  }
0xaa: {  	v59 =	vadd.s32 v3, v51;
	[tilespmem:v18+s17+$0x0] =	vst.idx.add.f32.msk $0xffff, v17  }
0xab: {  	v17 =	vbroadcast v15, $0x5;
	v18 =	vadd.s32 v4, v51;
	[tilespmem:v55+s17+$0x0] =	vst.idx.add.f32.msk $0xffff, v57  }
0xac: {  	v60 =	vbroadcast v16, $0x5;
	v61 =	vadd.s32 v5, v51;
	v62 =	vld [tilespmem:s24+$0xFFFFFFE0]  }
0xad: {  	v63 =	vbroadcast v14, $0x5;
	v30 =	vadd.s32 v6, v51;
	[tilespmem:v19+s17+$0x0] =	vst.idx.add.f32.msk $0xffff, v17  }
0xae: {  	v17 =	vbroadcast v10, $0x5;
	v19 =	vadd.s32 v7, v51;
	[tilespmem:v58+s17+$0x0] =	vst.idx.add.f32.msk $0xffff, v60  }
0xaf: {  	v31 =	vbroadcast v13, $0x5;
	v32 =	vadd.s32 v8, v51;
	[tilespmem:v59+s17+$0x0] =	vst.idx.add.f32.msk $0xffff, v63  }
0xb0: {  	v33 =	vbroadcast v11, $0x5;
	[tilespmem:v18+s17+$0x0] =	vst.idx.add.f32.msk $0xffff, v17  }
0xb1: {  	v17 =	vbroadcast v9, $0x5;
	[tilespmem:v61+s17+$0x0] =	vst.idx.add.f32.msk $0xffff, v31;
	v18 =	vadd.s32 v0, v62  }
0xb2: {  	v34 =	vbroadcast v12, $0x5;
	v35 =	vadd.s32 v2, v62;
	[tilespmem:v30+s17+$0x0] =	vst.idx.add.f32.msk $0xffff, v33  }
0xb3: {  	v36 =	vadd.s32 v3, v62;
	[tilespmem:v19+s17+$0x0] =	vst.idx.add.f32.msk $0xffff, v17  }
0xb4: {  	v17 =	vbroadcast v15, $0x6;
	v19 =	vadd.s32 v4, v62;
	[tilespmem:v32+s17+$0x0] =	vst.idx.add.f32.msk $0xffff, v34  }
0xb5: {  	v37 =	vbroadcast v16, $0x6;
	v38 =	vadd.s32 v5, v62;
	v39 =	vld [tilespmem:s24+$0xFFFFFFF0]  }
0xb6: {  	v40 =	vbroadcast v14, $0x6;
	v41 =	vadd.s32 v6, v62;
	[tilespmem:v18+s17+$0x0] =	vst.idx.add.f32.msk $0xffff, v17  }
0xb7: {  	v17 =	vbroadcast v10, $0x6;
	v18 =	vadd.s32 v7, v62;
	[tilespmem:v35+s17+$0x0] =	vst.idx.add.f32.msk $0xffff, v37  }
0xb8: {  	v42 =	vbroadcast v13, $0x6;
	v43 =	vadd.s32 v8, v62;
	[tilespmem:v36+s17+$0x0] =	vst.idx.add.f32.msk $0xffff, v40  }
0xb9: {  	v44 =	vbroadcast v11, $0x6;
	[tilespmem:v19+s17+$0x0] =	vst.idx.add.f32.msk $0xffff, v17  }
0xba: {  	v17 =	vbroadcast v9, $0x6;
	[tilespmem:v38+s17+$0x0] =	vst.idx.add.f32.msk $0xffff, v42;
	v19 =	vadd.s32 v0, v39  }
0xbb: {  	v45 =	vbroadcast v12, $0x6;
	v46 =	vadd.s32 v2, v39;
	[tilespmem:v41+s17+$0x0] =	vst.idx.add.f32.msk $0xffff, v44  }
0xbc: {  	v47 =	vadd.s32 v3, v39;
	[tilespmem:v18+s17+$0x0] =	vst.idx.add.f32.msk $0xffff, v17  }
0xbd: {  	v17 =	vbroadcast v15, $0x7;
	v18 =	vadd.s32 v4, v39;
	[tilespmem:v43+s17+$0x0] =	vst.idx.add.f32.msk $0xffff, v45  }
0xbe: {  	v48 =	vbroadcast v16, $0x7;
	v49 =	vadd.s32 v5, v39;
	v50 =	vld [tilespmem:s24+$0x0]  }
0xbf: {  	v51 =	vbroadcast v14, $0x7;
	v52 =	vadd.s32 v6, v39;
	[tilespmem:v19+s17+$0x0] =	vst.idx.add.f32.msk $0xffff, v17  }
0xc0: {  	v17 =	vbroadcast v10, $0x7;
	v19 =	vadd.s32 v7, v39;
	[tilespmem:v46+s17+$0x0] =	vst.idx.add.f32.msk $0xffff, v48  }
0xc1: {  	v53 =	vbroadcast v13, $0x7;
	v54 =	vadd.s32 v8, v39;
	[tilespmem:v47+s17+$0x0] =	vst.idx.add.f32.msk $0xffff, v51  }
0xc2: {  	v55 =	vbroadcast v11, $0x7;
	[tilespmem:v18+s17+$0x0] =	vst.idx.add.f32.msk $0xffff, v17  }
0xc3: {  	v17 =	vbroadcast v9, $0x7;
	[tilespmem:v49+s17+$0x0] =	vst.idx.add.f32.msk $0xffff, v53;
	v18 =	vadd.s32 v0, v50  }
0xc4: {  	v56 =	vbroadcast v12, $0x7;
	v57 =	vadd.s32 v2, v50;
	[tilespmem:v52+s17+$0x0] =	vst.idx.add.f32.msk $0xffff, v55  }
0xc5: {  	v58 =	vadd.s32 v3, v50;
	[tilespmem:v19+s17+$0x0] =	vst.idx.add.f32.msk $0xffff, v17  }
0xc6: {  	v17 =	vbroadcast v15, $0x8;
	v19 =	vadd.s32 v4, v50;
	[tilespmem:v54+s17+$0x0] =	vst.idx.add.f32.msk $0xffff, v56  }
0xc7: {  	v59 =	vbroadcast v16, $0x8;
	v60 =	vadd.s32 v5, v50;
	v61 =	vld [tilespmem:s24+$0x10]  }
0xc8: {  	v62 =	vbroadcast v14, $0x8;
	v63 =	vadd.s32 v6, v50;
	[tilespmem:v18+s17+$0x0] =	vst.idx.add.f32.msk $0xffff, v17  }
0xc9: {  	v17 =	vbroadcast v10, $0x8;
	v18 =	vadd.s32 v7, v50;
	[tilespmem:v57+s17+$0x0] =	vst.idx.add.f32.msk $0xffff, v59  }
0xca: {  	v30 =	vbroadcast v13, $0x8;
	v31 =	vadd.s32 v8, v50;
	[tilespmem:v58+s17+$0x0] =	vst.idx.add.f32.msk $0xffff, v62  }
0xcb: {  	v32 =	vbroadcast v11, $0x8;
	[tilespmem:v19+s17+$0x0] =	vst.idx.add.f32.msk $0xffff, v17  }
0xcc: {  	v17 =	vbroadcast v9, $0x8;
	[tilespmem:v60+s17+$0x0] =	vst.idx.add.f32.msk $0xffff, v30;
	v19 =	vadd.s32 v0, v61  }
0xcd: {  	v33 =	vbroadcast v12, $0x8;
	v34 =	vadd.s32 v2, v61;
	[tilespmem:v63+s17+$0x0] =	vst.idx.add.f32.msk $0xffff, v32  }
0xce: {  	v35 =	vadd.s32 v3, v61;
	[tilespmem:v18+s17+$0x0] =	vst.idx.add.f32.msk $0xffff, v17  }
0xcf: {  	v17 =	vbroadcast v15, $0x9;
	v18 =	vadd.s32 v4, v61;
	[tilespmem:v31+s17+$0x0] =	vst.idx.add.f32.msk $0xffff, v33  }
0xd0: {  	v36 =	vbroadcast v16, $0x9;
	v37 =	vadd.s32 v5, v61;
	v38 =	vld [tilespmem:s24+$0x20]  }
0xd1: {  	v39 =	vbroadcast v14, $0x9;
	v40 =	vadd.s32 v6, v61;
	[tilespmem:v19+s17+$0x0] =	vst.idx.add.f32.msk $0xffff, v17  }
0xd2: {  	v17 =	vbroadcast v10, $0x9;
	v19 =	vadd.s32 v7, v61;
	[tilespmem:v34+s17+$0x0] =	vst.idx.add.f32.msk $0xffff, v36  }
0xd3: {  	v41 =	vbroadcast v13, $0x9;
	v42 =	vadd.s32 v8, v61;
	[tilespmem:v35+s17+$0x0] =	vst.idx.add.f32.msk $0xffff, v39  }
0xd4: {  	v43 =	vbroadcast v11, $0x9;
	[tilespmem:v18+s17+$0x0] =	vst.idx.add.f32.msk $0xffff, v17  }
0xd5: {  	v17 =	vbroadcast v9, $0x9;
	[tilespmem:v37+s17+$0x0] =	vst.idx.add.f32.msk $0xffff, v41;
	v18 =	vadd.s32 v0, v38  }
0xd6: {  	v44 =	vbroadcast v12, $0x9;
	v45 =	vadd.s32 v2, v38;
	[tilespmem:v40+s17+$0x0] =	vst.idx.add.f32.msk $0xffff, v43  }
0xd7: {  	v46 =	vadd.s32 v3, v38;
	[tilespmem:v19+s17+$0x0] =	vst.idx.add.f32.msk $0xffff, v17  }
0xd8: {  	v17 =	vbroadcast v15, $0xA;
	v19 =	vadd.s32 v4, v38;
	[tilespmem:v42+s17+$0x0] =	vst.idx.add.f32.msk $0xffff, v44  }
0xd9: {  	v47 =	vbroadcast v16, $0xA;
	v48 =	vadd.s32 v5, v38;
	v49 =	vld [tilespmem:s24+$0x30]  }
0xda: {  	v50 =	vbroadcast v14, $0xA;
	v51 =	vadd.s32 v6, v38;
	[tilespmem:v18+s17+$0x0] =	vst.idx.add.f32.msk $0xffff, v17  }
0xdb: {  	v17 =	vbroadcast v10, $0xA;
	v18 =	vadd.s32 v7, v38;
	[tilespmem:v45+s17+$0x0] =	vst.idx.add.f32.msk $0xffff, v47  }
0xdc: {  	v52 =	vbroadcast v13, $0xA;
	v53 =	vadd.s32 v8, v38;
	[tilespmem:v46+s17+$0x0] =	vst.idx.add.f32.msk $0xffff, v50  }
0xdd: {  	v54 =	vbroadcast v11, $0xA;
	[tilespmem:v19+s17+$0x0] =	vst.idx.add.f32.msk $0xffff, v17  }
0xde: {  	v17 =	vbroadcast v9, $0xA;
	[tilespmem:v48+s17+$0x0] =	vst.idx.add.f32.msk $0xffff, v52;
	v19 =	vadd.s32 v0, v49  }
0xdf: {  	v55 =	vbroadcast v12, $0xA;
	v56 =	vadd.s32 v2, v49;
	[tilespmem:v51+s17+$0x0] =	vst.idx.add.f32.msk $0xffff, v54  }
0xe0: {  	v57 =	vadd.s32 v3, v49;
	[tilespmem:v18+s17+$0x0] =	vst.idx.add.f32.msk $0xffff, v17  }
0xe1: {  	v17 =	vbroadcast v15, $0xB;
	v18 =	vadd.s32 v4, v49;
	[tilespmem:v53+s17+$0x0] =	vst.idx.add.f32.msk $0xffff, v55  }
0xe2: {  	v58 =	vbroadcast v16, $0xB;
	v59 =	vadd.s32 v5, v49;
	v60 =	vld [tilespmem:s24+$0x40]  }
0xe3: {  	v61 =	vbroadcast v14, $0xB;
	v62 =	vadd.s32 v6, v49;
	[tilespmem:v19+s17+$0x0] =	vst.idx.add.f32.msk $0xffff, v17  }
0xe4: {  	v17 =	vbroadcast v10, $0xB;
	v19 =	vadd.s32 v7, v49;
	[tilespmem:v56+s17+$0x0] =	vst.idx.add.f32.msk $0xffff, v58  }
0xe5: {  	v63 =	vbroadcast v13, $0xB;
	v24 =	vadd.s32 v8, v49;
	[tilespmem:v57+s17+$0x0] =	vst.idx.add.f32.msk $0xffff, v61  }
0xe6: {  	v28 =	vbroadcast v11, $0xB;
	[tilespmem:v18+s17+$0x0] =	vst.idx.add.f32.msk $0xffff, v17  }
0xe7: {  	v17 =	vbroadcast v9, $0xB;
	[tilespmem:v59+s17+$0x0] =	vst.idx.add.f32.msk $0xffff, v63;
	v18 =	vadd.s32 v0, v60  }
0xe8: {  	v29 =	vbroadcast v12, $0xB;
	v30 =	vadd.s32 v2, v60;
	[tilespmem:v62+s17+$0x0] =	vst.idx.add.f32.msk $0xffff, v28  }
0xe9: {  	v31 =	vadd.s32 v3, v60;
	[tilespmem:v19+s17+$0x0] =	vst.idx.add.f32.msk $0xffff, v17  }
0xea: {  	v17 =	vbroadcast v15, $0xC;
	v19 =	vadd.s32 v4, v60;
	[tilespmem:v24+s17+$0x0] =	vst.idx.add.f32.msk $0xffff, v29  }
0xeb: {  	v32 =	vbroadcast v16, $0xC;
	v33 =	vadd.s32 v5, v60;
	v34 =	vld [tilespmem:s24+$0x50]  }
0xec: {  	v35 =	vbroadcast v14, $0xC;
	v36 =	vadd.s32 v6, v60;
	[tilespmem:v18+s17+$0x0] =	vst.idx.add.f32.msk $0xffff, v17  }
0xed: {  	v17 =	vbroadcast v10, $0xC;
	v18 =	vadd.s32 v7, v60;
	[tilespmem:v30+s17+$0x0] =	vst.idx.add.f32.msk $0xffff, v32  }
0xee: {  	v37 =	vbroadcast v13, $0xC;
	v38 =	vadd.s32 v8, v60;
	[tilespmem:v31+s17+$0x0] =	vst.idx.add.f32.msk $0xffff, v35  }
0xef: {  	v39 =	vbroadcast v11, $0xC;
	[tilespmem:v19+s17+$0x0] =	vst.idx.add.f32.msk $0xffff, v17  }
0xf0: {  	v17 =	vbroadcast v9, $0xC;
	[tilespmem:v33+s17+$0x0] =	vst.idx.add.f32.msk $0xffff, v37;
	v19 =	vadd.s32 v0, v34  }
0xf1: {  	v40 =	vbroadcast v12, $0xC;
	v41 =	vadd.s32 v2, v34;
	[tilespmem:v36+s17+$0x0] =	vst.idx.add.f32.msk $0xffff, v39  }
0xf2: {  	v42 =	vadd.s32 v3, v34;
	[tilespmem:v18+s17+$0x0] =	vst.idx.add.f32.msk $0xffff, v17  }
0xf3: {  	v17 =	vbroadcast v15, $0xD;
	v18 =	vadd.s32 v4, v34;
	[tilespmem:v38+s17+$0x0] =	vst.idx.add.f32.msk $0xffff, v40  }
0xf4: {  	v43 =	vbroadcast v16, $0xD;
	v44 =	vadd.s32 v5, v34;
	v45 =	vld [tilespmem:s24+$0x60]  }
0xf5: {  	v46 =	vbroadcast v14, $0xD;
	v47 =	vadd.s32 v6, v34;
	[tilespmem:v19+s17+$0x0] =	vst.idx.add.f32.msk $0xffff, v17  }
0xf6: {  	v17 =	vbroadcast v10, $0xD;
	v19 =	vadd.s32 v7, v34;
	[tilespmem:v41+s17+$0x0] =	vst.idx.add.f32.msk $0xffff, v43  }
0xf7: {  	v48 =	vbroadcast v13, $0xD;
	v49 =	vadd.s32 v8, v34;
	[tilespmem:v42+s17+$0x0] =	vst.idx.add.f32.msk $0xffff, v46  }
0xf8: {  	v50 =	vbroadcast v11, $0xD;
	[tilespmem:v18+s17+$0x0] =	vst.idx.add.f32.msk $0xffff, v17  }
0xf9: {  	v17 =	vbroadcast v9, $0xD;
	[tilespmem:v44+s17+$0x0] =	vst.idx.add.f32.msk $0xffff, v48  }
0xfa: {  	v18 =	vbroadcast v12, $0xD;
	v51 =	vadd.s32 v0, v45;
	[tilespmem:v47+s17+$0x0] =	vst.idx.add.f32.msk $0xffff, v50  }
0xfb: {  	v52 =	vadd.s32 v2, v45;
	[tilespmem:v19+s17+$0x0] =	vst.idx.add.f32.msk $0xffff, v17  }
0xfc: {  	v17 =	vadd.s32 v3, v45;
	[tilespmem:v49+s17+$0x0] =	vst.idx.add.f32.msk $0xffff, v18  }
0xfd: {  	v19 =	vadd.s32 v4, v45;
	v18 =	vbroadcast v15, $0xE;
	v22 =	vld [tilespmem:s24+$0x70]  }
0xfe: {  	v53 =	vbroadcast v16, $0xE;
	v54 =	vadd.s32 v5, v45  }
0xff: {  	v55 =	vbroadcast v14, $0xE;
	[tilespmem:v51+s17+$0x0] =	vst.idx.add.f32.msk $0xffff, v18;
	v18 =	vadd.s32 v6, v45  }
0x100: {  	v56 =	vbroadcast v10, $0xE;
	v57 =	vadd.s32 v7, v45;
	[tilespmem:v52+s17+$0x0] =	vst.idx.add.f32.msk $0xffff, v53  }
0x101: {  	v58 =	vbroadcast v13, $0xE;
	[tilespmem:v17+s17+$0x0] =	vst.idx.add.f32.msk $0xffff, v55;
	v17 =	vadd.s32 v8, v45  }
0x102: {  	v59 =	vbroadcast v11, $0xE;
	[tilespmem:v19+s17+$0x0] =	vst.idx.add.f32.msk $0xffff, v56;
	v19 =	vadd.s32 v0, v22  }
0x103: {  	v60 =	vbroadcast v9, $0xE;
	[tilespmem:v54+s17+$0x0] =	vst.idx.add.f32.msk $0xffff, v58;
	v61 =	vadd.s32 v2, v22  }
0x104: {  	v62 =	vbroadcast v12, $0xE;
	[tilespmem:v18+s17+$0x0] =	vst.idx.add.f32.msk $0xffff, v59;
	v18 =	vadd.s32 v3, v22  }
0x105: {  	v15 =	vbroadcast v15, $0xF;
	v63 =	vadd.s32 v4, v22;
	[tilespmem:v57+s17+$0x0] =	vst.idx.add.f32.msk $0xffff, v60  }
0x106: {  	v16 =	vbroadcast v16, $0xF;
	[tilespmem:v17+s17+$0x0] =	vst.idx.add.f32.msk $0xffff, v62  }
0x107: {  	v14 =	vbroadcast v14, $0xF;
	v17 =	vadd.s32 v5, v22;
	[tilespmem:v19+s17+$0x0] =	vst.idx.add.f32.msk $0xffff, v15  }
0x108: {  	v10 =	vbroadcast v10, $0xF;
	v15 =	vadd.s32 v6, v22;
	[tilespmem:v61+s17+$0x0] =	vst.idx.add.f32.msk $0xffff, v16  }
0x109: {  	[tilespmem:v18+s17+$0x0] =	vst.idx.add.f32.msk $0xffff, v14;
	v14 =	vadd.s32 v7, v22  }
0x10a: {  	v13 =	vbroadcast v13, $0xF;
	[tilespmem:v63+s17+$0x0] =	vst.idx.add.f32.msk $0xffff, v10;
	v10 =	vadd.s32 v8, v22  }
0x10b: {  	v11 =	vbroadcast v11, $0xF  }
0x10c: {  	s29 =	simm.s32 $0x10;
	v16 =	vbroadcast v9, $0xF;
	v9 =	vbroadcast v12, $0xF;
	[tilespmem:v17+s17+$0x0] =	vst.idx.add.f32.msk $0xffff, v13  }
.LBB2_5:
0x10d: {  	p0 =	sne.s32 s29, $0x1F0;
	[tilespmem:v15+s17+$0x0] =	vst.idx.add.f32.msk $0xffff, v11;
	s25 =	sadd.s32 $0x10, s25;
	s24 =	sadd.s32 $0x100, s24  }
0x10e: {  	s30 =	smov.u32 s29;
	s29 =	sadd.s32 $0x10, s29;
	[tilespmem:v14+s17+$0x0] =	vst.idx.add.f32.msk $0xffff, v16  }
0x10f: {  	[tilespmem:v10+s17+$0x0] =	vst.idx.add.f32.msk $0xffff, v9  }
0x110: {  	v17 =	vld [tilespmem:s24+$0xFFFFFF80]  }
0x111: {  	s30 =	sand.u32 $0x1F0, s30;
	v15 =	vld [tilespmem:s25+$0x0]  }
0x112: {  	v9 =	vld [tilespmem:s30+$0x4600]  }
0x113: {  	v14 =	vld [tilespmem:s30+$0x4400]  }
0x114: {  	v16 =	vld [tilespmem:s30+$0x4200]  }
0x115: {  	v10 =	vld [tilespmem:s30+$0x4800];
	v18 =	vadd.s32 v0, v17;
	v19 =	vadd.s32 v2, v17  }
0x116: {  	v20 =	vadd.s32 v3, v17;
	v11 =	vld [tilespmem:s30+$0x4A00]  }
0x117: {  	v22 =	vadd.s32 v4, v17;
	v21 =	vbroadcast v15, $0x0;
	v12 =	vld [tilespmem:s30+$0x4C00]  }
0x118: {  	v23 =	vadd.s32 v5, v17;
	v13 =	vld [tilespmem:s30+$0x4E00]  }
0x119: {  	v27 =	vadd.s32 v6, v17;
	v26 =	vbroadcast v14, $0x0;
	v24 =	vld [tilespmem:s24+$0xFFFFFF90];
	v25 =	vbroadcast v16, $0x0  }
0x11a: {  	v28 =	vbroadcast v9, $0x0;
	[tilespmem:v18+s17+$0x0] =	vst.idx.add.f32.msk $0xffff, v21;
	v18 =	vadd.s32 v7, v17  }
0x11b: {  	v21 =	vbroadcast v10, $0x0;
	v17 =	vadd.s32 v8, v17;
	[tilespmem:v19+s17+$0x0] =	vst.idx.add.f32.msk $0xffff, v25  }
0x11c: {  	v19 =	vbroadcast v11, $0x0;
	[tilespmem:v20+s17+$0x0] =	vst.idx.add.f32.msk $0xffff, v26  }
0x11d: {  	v20 =	vbroadcast v12, $0x0;
	[tilespmem:v22+s17+$0x0] =	vst.idx.add.f32.msk $0xffff, v28  }
0x11e: {  	v22 =	vbroadcast v13, $0x0;
	[tilespmem:v23+s17+$0x0] =	vst.idx.add.f32.msk $0xffff, v21;
	v21 =	vadd.s32 v0, v24;
	v23 =	vadd.s32 v2, v24  }
0x11f: {  	[tilespmem:v27+s17+$0x0] =	vst.idx.add.f32.msk $0xffff, v19;
	v19 =	vadd.s32 v3, v24  }
0x120: {  	[tilespmem:v18+s17+$0x0] =	vst.idx.add.f32.msk $0xffff, v20;
	v18 =	vbroadcast v15, $0x1;
	v20 =	vadd.s32 v4, v24  }
0x121: {  	[tilespmem:v17+s17+$0x0] =	vst.idx.add.f32.msk $0xffff, v22;
	v17 =	vbroadcast v16, $0x1;
	v22 =	vadd.s32 v5, v24  }
0x122: {  	v26 =	vbroadcast v14, $0x1;
	v27 =	vadd.s32 v6, v24;
	v25 =	vld [tilespmem:s24+$0xFFFFFFA0]  }
0x123: {  	v28 =	vbroadcast v9, $0x1;
	[tilespmem:v21+s17+$0x0] =	vst.idx.add.f32.msk $0xffff, v18;
	v18 =	vadd.s32 v7, v24  }
0x124: {  	v21 =	vbroadcast v10, $0x1;
	[tilespmem:v23+s17+$0x0] =	vst.idx.add.f32.msk $0xffff, v17;
	v17 =	vadd.s32 v8, v24  }
0x125: {  	v23 =	vbroadcast v11, $0x1;
	[tilespmem:v19+s17+$0x0] =	vst.idx.add.f32.msk $0xffff, v26  }
0x126: {  	v19 =	vbroadcast v12, $0x1;
	[tilespmem:v20+s17+$0x0] =	vst.idx.add.f32.msk $0xffff, v28  }
0x127: {  	v20 =	vbroadcast v13, $0x1;
	[tilespmem:v22+s17+$0x0] =	vst.idx.add.f32.msk $0xffff, v21;
	v21 =	vadd.s32 v0, v25;
	v22 =	vadd.s32 v2, v25  }
0x128: {  	[tilespmem:v27+s17+$0x0] =	vst.idx.add.f32.msk $0xffff, v23;
	v23 =	vadd.s32 v3, v25  }
0x129: {  	[tilespmem:v18+s17+$0x0] =	vst.idx.add.f32.msk $0xffff, v19;
	v18 =	vbroadcast v15, $0x2;
	v19 =	vadd.s32 v4, v25  }
0x12a: {  	[tilespmem:v17+s17+$0x0] =	vst.idx.add.f32.msk $0xffff, v20;
	v17 =	vbroadcast v16, $0x2;
	v20 =	vadd.s32 v5, v25  }
0x12b: {  	v26 =	vbroadcast v14, $0x2;
	v27 =	vadd.s32 v6, v25;
	v24 =	vld [tilespmem:s24+$0xFFFFFFB0]  }
0x12c: {  	v28 =	vbroadcast v9, $0x2;
	[tilespmem:v21+s17+$0x0] =	vst.idx.add.f32.msk $0xffff, v18;
	v18 =	vadd.s32 v7, v25  }
0x12d: {  	v21 =	vbroadcast v10, $0x2;
	[tilespmem:v22+s17+$0x0] =	vst.idx.add.f32.msk $0xffff, v17;
	v17 =	vadd.s32 v8, v25  }
0x12e: {  	v22 =	vbroadcast v11, $0x2;
	[tilespmem:v23+s17+$0x0] =	vst.idx.add.f32.msk $0xffff, v26  }
0x12f: {  	v23 =	vbroadcast v12, $0x2;
	[tilespmem:v19+s17+$0x0] =	vst.idx.add.f32.msk $0xffff, v28  }
0x130: {  	v19 =	vbroadcast v13, $0x2;
	[tilespmem:v20+s17+$0x0] =	vst.idx.add.f32.msk $0xffff, v21;
	v20 =	vadd.s32 v0, v24;
	v21 =	vadd.s32 v2, v24  }
0x131: {  	[tilespmem:v27+s17+$0x0] =	vst.idx.add.f32.msk $0xffff, v22;
	v22 =	vadd.s32 v3, v24  }
0x132: {  	[tilespmem:v18+s17+$0x0] =	vst.idx.add.f32.msk $0xffff, v23;
	v18 =	vbroadcast v15, $0x3;
	v23 =	vadd.s32 v4, v24  }
0x133: {  	[tilespmem:v17+s17+$0x0] =	vst.idx.add.f32.msk $0xffff, v19;
	v17 =	vbroadcast v16, $0x3;
	v19 =	vadd.s32 v5, v24  }
0x134: {  	v26 =	vbroadcast v14, $0x3;
	v27 =	vadd.s32 v6, v24;
	v25 =	vld [tilespmem:s24+$0xFFFFFFC0]  }
0x135: {  	v28 =	vbroadcast v9, $0x3;
	[tilespmem:v20+s17+$0x0] =	vst.idx.add.f32.msk $0xffff, v18;
	v18 =	vadd.s32 v7, v24  }
0x136: {  	v20 =	vbroadcast v10, $0x3;
	[tilespmem:v21+s17+$0x0] =	vst.idx.add.f32.msk $0xffff, v17;
	v17 =	vadd.s32 v8, v24  }
0x137: {  	v21 =	vbroadcast v11, $0x3;
	[tilespmem:v22+s17+$0x0] =	vst.idx.add.f32.msk $0xffff, v26  }
0x138: {  	v22 =	vbroadcast v12, $0x3;
	[tilespmem:v23+s17+$0x0] =	vst.idx.add.f32.msk $0xffff, v28  }
0x139: {  	v23 =	vbroadcast v13, $0x3;
	[tilespmem:v19+s17+$0x0] =	vst.idx.add.f32.msk $0xffff, v20;
	v19 =	vadd.s32 v0, v25;
	v20 =	vadd.s32 v2, v25  }
0x13a: {  	[tilespmem:v27+s17+$0x0] =	vst.idx.add.f32.msk $0xffff, v21;
	v21 =	vadd.s32 v3, v25  }
0x13b: {  	[tilespmem:v18+s17+$0x0] =	vst.idx.add.f32.msk $0xffff, v22;
	v18 =	vbroadcast v15, $0x4;
	v22 =	vadd.s32 v4, v25  }
0x13c: {  	[tilespmem:v17+s17+$0x0] =	vst.idx.add.f32.msk $0xffff, v23;
	v17 =	vbroadcast v16, $0x4;
	v23 =	vadd.s32 v5, v25  }
0x13d: {  	v26 =	vbroadcast v14, $0x4;
	v27 =	vadd.s32 v6, v25;
	v24 =	vld [tilespmem:s24+$0xFFFFFFD0]  }
0x13e: {  	v28 =	vbroadcast v9, $0x4;
	[tilespmem:v19+s17+$0x0] =	vst.idx.add.f32.msk $0xffff, v18;
	v18 =	vadd.s32 v7, v25  }
0x13f: {  	v19 =	vbroadcast v10, $0x4;
	[tilespmem:v20+s17+$0x0] =	vst.idx.add.f32.msk $0xffff, v17;
	v17 =	vadd.s32 v8, v25  }
0x140: {  	v20 =	vbroadcast v11, $0x4;
	[tilespmem:v21+s17+$0x0] =	vst.idx.add.f32.msk $0xffff, v26  }
0x141: {  	v21 =	vbroadcast v12, $0x4;
	[tilespmem:v22+s17+$0x0] =	vst.idx.add.f32.msk $0xffff, v28  }
0x142: {  	v22 =	vbroadcast v13, $0x4;
	[tilespmem:v23+s17+$0x0] =	vst.idx.add.f32.msk $0xffff, v19;
	v19 =	vadd.s32 v0, v24;
	v23 =	vadd.s32 v2, v24  }
0x143: {  	[tilespmem:v27+s17+$0x0] =	vst.idx.add.f32.msk $0xffff, v20;
	v20 =	vadd.s32 v3, v24  }
0x144: {  	[tilespmem:v18+s17+$0x0] =	vst.idx.add.f32.msk $0xffff, v21;
	v18 =	vbroadcast v15, $0x5;
	v21 =	vadd.s32 v4, v24  }
0x145: {  	[tilespmem:v17+s17+$0x0] =	vst.idx.add.f32.msk $0xffff, v22;
	v17 =	vbroadcast v16, $0x5;
	v22 =	vadd.s32 v5, v24  }
0x146: {  	v26 =	vbroadcast v14, $0x5;
	v27 =	vadd.s32 v6, v24;
	v25 =	vld [tilespmem:s24+$0xFFFFFFE0]  }
0x147: {  	v28 =	vbroadcast v9, $0x5;
	[tilespmem:v19+s17+$0x0] =	vst.idx.add.f32.msk $0xffff, v18;
	v18 =	vadd.s32 v7, v24  }
0x148: {  	v19 =	vbroadcast v10, $0x5;
	[tilespmem:v23+s17+$0x0] =	vst.idx.add.f32.msk $0xffff, v17;
	v17 =	vadd.s32 v8, v24  }
0x149: {  	v23 =	vbroadcast v11, $0x5;
	[tilespmem:v20+s17+$0x0] =	vst.idx.add.f32.msk $0xffff, v26  }
0x14a: {  	v20 =	vbroadcast v12, $0x5;
	[tilespmem:v21+s17+$0x0] =	vst.idx.add.f32.msk $0xffff, v28  }
0x14b: {  	v21 =	vbroadcast v13, $0x5;
	[tilespmem:v22+s17+$0x0] =	vst.idx.add.f32.msk $0xffff, v19;
	v19 =	vadd.s32 v0, v25;
	v22 =	vadd.s32 v2, v25  }
0x14c: {  	[tilespmem:v27+s17+$0x0] =	vst.idx.add.f32.msk $0xffff, v23;
	v23 =	vadd.s32 v3, v25  }
0x14d: {  	[tilespmem:v18+s17+$0x0] =	vst.idx.add.f32.msk $0xffff, v20;
	v18 =	vbroadcast v15, $0x6;
	v20 =	vadd.s32 v4, v25  }
0x14e: {  	[tilespmem:v17+s17+$0x0] =	vst.idx.add.f32.msk $0xffff, v21;
	v17 =	vbroadcast v16, $0x6;
	v21 =	vadd.s32 v5, v25  }
0x14f: {  	v26 =	vbroadcast v14, $0x6;
	v27 =	vadd.s32 v6, v25;
	v24 =	vld [tilespmem:s24+$0xFFFFFFF0]  }
0x150: {  	v28 =	vbroadcast v9, $0x6;
	[tilespmem:v19+s17+$0x0] =	vst.idx.add.f32.msk $0xffff, v18;
	v18 =	vadd.s32 v7, v25  }
0x151: {  	v19 =	vbroadcast v10, $0x6;
	[tilespmem:v22+s17+$0x0] =	vst.idx.add.f32.msk $0xffff, v17;
	v17 =	vadd.s32 v8, v25  }
0x152: {  	v22 =	vbroadcast v11, $0x6;
	[tilespmem:v23+s17+$0x0] =	vst.idx.add.f32.msk $0xffff, v26  }
0x153: {  	v23 =	vbroadcast v12, $0x6;
	[tilespmem:v20+s17+$0x0] =	vst.idx.add.f32.msk $0xffff, v28  }
0x154: {  	v20 =	vbroadcast v13, $0x6;
	[tilespmem:v21+s17+$0x0] =	vst.idx.add.f32.msk $0xffff, v19;
	v19 =	vadd.s32 v0, v24;
	v21 =	vadd.s32 v2, v24  }
0x155: {  	[tilespmem:v27+s17+$0x0] =	vst.idx.add.f32.msk $0xffff, v22;
	v22 =	vadd.s32 v3, v24  }
0x156: {  	[tilespmem:v18+s17+$0x0] =	vst.idx.add.f32.msk $0xffff, v23;
	v18 =	vbroadcast v15, $0x7;
	v23 =	vadd.s32 v4, v24  }
0x157: {  	[tilespmem:v17+s17+$0x0] =	vst.idx.add.f32.msk $0xffff, v20;
	v17 =	vbroadcast v16, $0x7;
	v20 =	vadd.s32 v5, v24  }
0x158: {  	v26 =	vbroadcast v14, $0x7;
	v27 =	vadd.s32 v6, v24;
	v25 =	vld [tilespmem:s24+$0x0]  }
0x159: {  	v28 =	vbroadcast v9, $0x7;
	[tilespmem:v19+s17+$0x0] =	vst.idx.add.f32.msk $0xffff, v18;
	v18 =	vadd.s32 v7, v24  }
0x15a: {  	v19 =	vbroadcast v10, $0x7;
	[tilespmem:v21+s17+$0x0] =	vst.idx.add.f32.msk $0xffff, v17;
	v17 =	vadd.s32 v8, v24  }
0x15b: {  	v21 =	vbroadcast v11, $0x7;
	[tilespmem:v22+s17+$0x0] =	vst.idx.add.f32.msk $0xffff, v26  }
0x15c: {  	v22 =	vbroadcast v12, $0x7;
	[tilespmem:v23+s17+$0x0] =	vst.idx.add.f32.msk $0xffff, v28  }
0x15d: {  	v23 =	vbroadcast v13, $0x7;
	[tilespmem:v20+s17+$0x0] =	vst.idx.add.f32.msk $0xffff, v19;
	v19 =	vadd.s32 v0, v25;
	v20 =	vadd.s32 v2, v25  }
0x15e: {  	[tilespmem:v27+s17+$0x0] =	vst.idx.add.f32.msk $0xffff, v21;
	v21 =	vadd.s32 v3, v25  }
0x15f: {  	[tilespmem:v18+s17+$0x0] =	vst.idx.add.f32.msk $0xffff, v22;
	v18 =	vbroadcast v15, $0x8;
	v22 =	vadd.s32 v4, v25  }
0x160: {  	[tilespmem:v17+s17+$0x0] =	vst.idx.add.f32.msk $0xffff, v23;
	v17 =	vbroadcast v16, $0x8;
	v23 =	vadd.s32 v5, v25  }
0x161: {  	v26 =	vbroadcast v14, $0x8;
	v27 =	vadd.s32 v6, v25;
	v24 =	vld [tilespmem:s24+$0x10]  }
0x162: {  	v28 =	vbroadcast v9, $0x8;
	[tilespmem:v19+s17+$0x0] =	vst.idx.add.f32.msk $0xffff, v18;
	v18 =	vadd.s32 v7, v25  }
0x163: {  	v19 =	vbroadcast v10, $0x8;
	[tilespmem:v20+s17+$0x0] =	vst.idx.add.f32.msk $0xffff, v17;
	v17 =	vadd.s32 v8, v25  }
0x164: {  	v20 =	vbroadcast v11, $0x8;
	[tilespmem:v21+s17+$0x0] =	vst.idx.add.f32.msk $0xffff, v26  }
0x165: {  	v21 =	vbroadcast v12, $0x8;
	[tilespmem:v22+s17+$0x0] =	vst.idx.add.f32.msk $0xffff, v28  }
0x166: {  	v22 =	vbroadcast v13, $0x8;
	[tilespmem:v23+s17+$0x0] =	vst.idx.add.f32.msk $0xffff, v19;
	v19 =	vadd.s32 v0, v24;
	v23 =	vadd.s32 v2, v24  }
0x167: {  	[tilespmem:v27+s17+$0x0] =	vst.idx.add.f32.msk $0xffff, v20;
	v20 =	vadd.s32 v3, v24  }
0x168: {  	[tilespmem:v18+s17+$0x0] =	vst.idx.add.f32.msk $0xffff, v21;
	v18 =	vbroadcast v15, $0x9;
	v21 =	vadd.s32 v4, v24  }
0x169: {  	[tilespmem:v17+s17+$0x0] =	vst.idx.add.f32.msk $0xffff, v22;
	v17 =	vbroadcast v16, $0x9;
	v22 =	vadd.s32 v5, v24  }
0x16a: {  	v26 =	vbroadcast v14, $0x9;
	v27 =	vadd.s32 v6, v24;
	v25 =	vld [tilespmem:s24+$0x20]  }
0x16b: {  	v28 =	vbroadcast v9, $0x9;
	[tilespmem:v19+s17+$0x0] =	vst.idx.add.f32.msk $0xffff, v18;
	v18 =	vadd.s32 v7, v24  }
0x16c: {  	v19 =	vbroadcast v10, $0x9;
	[tilespmem:v23+s17+$0x0] =	vst.idx.add.f32.msk $0xffff, v17;
	v17 =	vadd.s32 v8, v24  }
0x16d: {  	v23 =	vbroadcast v11, $0x9;
	[tilespmem:v20+s17+$0x0] =	vst.idx.add.f32.msk $0xffff, v26  }
0x16e: {  	v20 =	vbroadcast v12, $0x9;
	[tilespmem:v21+s17+$0x0] =	vst.idx.add.f32.msk $0xffff, v28  }
0x16f: {  	v21 =	vbroadcast v13, $0x9;
	[tilespmem:v22+s17+$0x0] =	vst.idx.add.f32.msk $0xffff, v19;
	v19 =	vadd.s32 v0, v25;
	v22 =	vadd.s32 v2, v25  }
0x170: {  	[tilespmem:v27+s17+$0x0] =	vst.idx.add.f32.msk $0xffff, v23;
	v23 =	vadd.s32 v3, v25  }
0x171: {  	[tilespmem:v18+s17+$0x0] =	vst.idx.add.f32.msk $0xffff, v20;
	v18 =	vbroadcast v15, $0xA;
	v20 =	vadd.s32 v4, v25  }
0x172: {  	[tilespmem:v17+s17+$0x0] =	vst.idx.add.f32.msk $0xffff, v21;
	v17 =	vbroadcast v16, $0xA;
	v21 =	vadd.s32 v5, v25  }
0x173: {  	v26 =	vbroadcast v14, $0xA;
	v27 =	vadd.s32 v6, v25;
	v24 =	vld [tilespmem:s24+$0x30]  }
0x174: {  	v28 =	vbroadcast v9, $0xA;
	[tilespmem:v19+s17+$0x0] =	vst.idx.add.f32.msk $0xffff, v18;
	v18 =	vadd.s32 v7, v25  }
0x175: {  	v19 =	vbroadcast v10, $0xA;
	[tilespmem:v22+s17+$0x0] =	vst.idx.add.f32.msk $0xffff, v17;
	v17 =	vadd.s32 v8, v25  }
0x176: {  	v22 =	vbroadcast v11, $0xA;
	[tilespmem:v23+s17+$0x0] =	vst.idx.add.f32.msk $0xffff, v26  }
0x177: {  	v23 =	vbroadcast v12, $0xA;
	[tilespmem:v20+s17+$0x0] =	vst.idx.add.f32.msk $0xffff, v28  }
0x178: {  	v20 =	vbroadcast v13, $0xA;
	[tilespmem:v21+s17+$0x0] =	vst.idx.add.f32.msk $0xffff, v19;
	v19 =	vadd.s32 v0, v24;
	v21 =	vadd.s32 v2, v24  }
0x179: {  	[tilespmem:v27+s17+$0x0] =	vst.idx.add.f32.msk $0xffff, v22;
	v22 =	vadd.s32 v3, v24  }
0x17a: {  	[tilespmem:v18+s17+$0x0] =	vst.idx.add.f32.msk $0xffff, v23;
	v18 =	vbroadcast v15, $0xB;
	v23 =	vadd.s32 v4, v24  }
0x17b: {  	[tilespmem:v17+s17+$0x0] =	vst.idx.add.f32.msk $0xffff, v20;
	v17 =	vbroadcast v16, $0xB;
	v20 =	vadd.s32 v5, v24  }
0x17c: {  	v26 =	vbroadcast v14, $0xB;
	v27 =	vadd.s32 v6, v24;
	v25 =	vld [tilespmem:s24+$0x40]  }
0x17d: {  	v28 =	vbroadcast v9, $0xB;
	[tilespmem:v19+s17+$0x0] =	vst.idx.add.f32.msk $0xffff, v18;
	v18 =	vadd.s32 v7, v24  }
0x17e: {  	v19 =	vbroadcast v10, $0xB;
	[tilespmem:v21+s17+$0x0] =	vst.idx.add.f32.msk $0xffff, v17;
	v17 =	vadd.s32 v8, v24  }
0x17f: {  	v21 =	vbroadcast v11, $0xB;
	[tilespmem:v22+s17+$0x0] =	vst.idx.add.f32.msk $0xffff, v26  }
0x180: {  	v22 =	vbroadcast v12, $0xB;
	[tilespmem:v23+s17+$0x0] =	vst.idx.add.f32.msk $0xffff, v28  }
0x181: {  	v23 =	vbroadcast v13, $0xB;
	[tilespmem:v20+s17+$0x0] =	vst.idx.add.f32.msk $0xffff, v19;
	v19 =	vadd.s32 v0, v25;
	v20 =	vadd.s32 v2, v25  }
0x182: {  	[tilespmem:v27+s17+$0x0] =	vst.idx.add.f32.msk $0xffff, v21;
	v21 =	vadd.s32 v3, v25  }
0x183: {  	[tilespmem:v18+s17+$0x0] =	vst.idx.add.f32.msk $0xffff, v22;
	v18 =	vbroadcast v15, $0xC;
	v22 =	vadd.s32 v4, v25  }
0x184: {  	[tilespmem:v17+s17+$0x0] =	vst.idx.add.f32.msk $0xffff, v23;
	v17 =	vbroadcast v16, $0xC;
	v23 =	vadd.s32 v5, v25  }
0x185: {  	v26 =	vbroadcast v14, $0xC;
	v27 =	vadd.s32 v6, v25;
	v24 =	vld [tilespmem:s24+$0x50]  }
0x186: {  	v28 =	vbroadcast v9, $0xC;
	[tilespmem:v19+s17+$0x0] =	vst.idx.add.f32.msk $0xffff, v18;
	v18 =	vadd.s32 v7, v25  }
0x187: {  	v19 =	vbroadcast v10, $0xC;
	[tilespmem:v20+s17+$0x0] =	vst.idx.add.f32.msk $0xffff, v17;
	v17 =	vadd.s32 v8, v25  }
0x188: {  	v20 =	vbroadcast v11, $0xC;
	[tilespmem:v21+s17+$0x0] =	vst.idx.add.f32.msk $0xffff, v26  }
0x189: {  	v21 =	vbroadcast v12, $0xC;
	[tilespmem:v22+s17+$0x0] =	vst.idx.add.f32.msk $0xffff, v28  }
0x18a: {  	v22 =	vbroadcast v13, $0xC;
	[tilespmem:v23+s17+$0x0] =	vst.idx.add.f32.msk $0xffff, v19;
	v19 =	vadd.s32 v0, v24;
	v23 =	vadd.s32 v2, v24  }
0x18b: {  	[tilespmem:v27+s17+$0x0] =	vst.idx.add.f32.msk $0xffff, v20;
	v20 =	vadd.s32 v3, v24  }
0x18c: {  	[tilespmem:v18+s17+$0x0] =	vst.idx.add.f32.msk $0xffff, v21;
	v18 =	vbroadcast v15, $0xD;
	v21 =	vadd.s32 v4, v24  }
0x18d: {  	[tilespmem:v17+s17+$0x0] =	vst.idx.add.f32.msk $0xffff, v22;
	v17 =	vbroadcast v16, $0xD;
	v22 =	vadd.s32 v5, v24  }
0x18e: {  	v26 =	vbroadcast v14, $0xD;
	v27 =	vadd.s32 v6, v24;
	v25 =	vld [tilespmem:s24+$0x60]  }
0x18f: {  	v28 =	vbroadcast v9, $0xD;
	[tilespmem:v19+s17+$0x0] =	vst.idx.add.f32.msk $0xffff, v18;
	v18 =	vadd.s32 v7, v24  }
0x190: {  	v19 =	vbroadcast v10, $0xD;
	[tilespmem:v23+s17+$0x0] =	vst.idx.add.f32.msk $0xffff, v17;
	v17 =	vadd.s32 v8, v24  }
0x191: {  	v23 =	vbroadcast v11, $0xD;
	[tilespmem:v20+s17+$0x0] =	vst.idx.add.f32.msk $0xffff, v26  }
0x192: {  	v20 =	vbroadcast v12, $0xD;
	[tilespmem:v21+s17+$0x0] =	vst.idx.add.f32.msk $0xffff, v28  }
0x193: {  	v21 =	vbroadcast v13, $0xD;
	[tilespmem:v22+s17+$0x0] =	vst.idx.add.f32.msk $0xffff, v19;
	v19 =	vadd.s32 v0, v25  }
0x194: {  	v22 =	vadd.s32 v2, v25;
	[tilespmem:v27+s17+$0x0] =	vst.idx.add.f32.msk $0xffff, v23  }
0x195: {  	[tilespmem:v18+s17+$0x0] =	vst.idx.add.f32.msk $0xffff, v20;
	v18 =	vadd.s32 v3, v25  }
0x196: {  	v20 =	vadd.s32 v4, v25;
	[tilespmem:v17+s17+$0x0] =	vst.idx.add.f32.msk $0xffff, v21;
	v17 =	vbroadcast v15, $0xE  }
0x197: {  	v24 =	vadd.s32 v5, v25;
	v23 =	vbroadcast v16, $0xE;
	v21 =	vld [tilespmem:s24+$0x70]  }
0x198: {  	v26 =	vbroadcast v14, $0xE;
	[tilespmem:v19+s17+$0x0] =	vst.idx.add.f32.msk $0xffff, v17;
	v17 =	vadd.s32 v6, v25  }
0x199: {  	v19 =	vbroadcast v9, $0xE;
	[tilespmem:v22+s17+$0x0] =	vst.idx.add.f32.msk $0xffff, v23;
	v22 =	vadd.s32 v7, v25  }
0x19a: {  	v23 =	vbroadcast v10, $0xE;
	[tilespmem:v18+s17+$0x0] =	vst.idx.add.f32.msk $0xffff, v26;
	v18 =	vadd.s32 v8, v25  }
0x19b: {  	v25 =	vbroadcast v11, $0xE;
	[tilespmem:v20+s17+$0x0] =	vst.idx.add.f32.msk $0xffff, v19  }
0x19c: {  	v19 =	vbroadcast v12, $0xE;
	[tilespmem:v24+s17+$0x0] =	vst.idx.add.f32.msk $0xffff, v23;
	v20 =	vadd.s32 v0, v21;
	v23 =	vadd.s32 v2, v21  }
0x19d: {  	v24 =	vbroadcast v13, $0xE;
	[tilespmem:v17+s17+$0x0] =	vst.idx.add.f32.msk $0xffff, v25;
	v17 =	vadd.s32 v3, v21  }
0x19e: {  	[tilespmem:v22+s17+$0x0] =	vst.idx.add.f32.msk $0xffff, v19;
	v19 =	vbroadcast v15, $0xF;
	v22 =	vadd.s32 v4, v21  }
0x19f: {  	v16 =	vbroadcast v16, $0xF;
	[tilespmem:v18+s17+$0x0] =	vst.idx.add.f32.msk $0xffff, v24;
	v18 =	vadd.s32 v5, v21  }
0x1a0: {  	v15 =	vadd.s32 v6, v21;
	v24 =	vbroadcast v14, $0xF  }
.Ltmp1:
0x1a1: {  	v9 =	vbroadcast v9, $0xF;
	v14 =	vadd.s32 v7, v21;
	[tilespmem:v20+s17+$0x0] =	vst.idx.add.f32.msk $0xffff, v19;
	(pc) =	sbr.rel @p0 .LBB2_5-.Ltmp1, $4  }
0x1a2: {  	v19 =	vbroadcast v10, $0xF;
	v10 =	vadd.s32 v8, v21;
	[tilespmem:v23+s17+$0x0] =	vst.idx.add.f32.msk $0xffff, v16  }
0x1a3: {  	v11 =	vbroadcast v11, $0xF;
	[tilespmem:v17+s17+$0x0] =	vst.idx.add.f32.msk $0xffff, v24  }
0x1a4: {  	v16 =	vbroadcast v12, $0xF;
	[tilespmem:v22+s17+$0x0] =	vst.idx.add.f32.msk $0xffff, v9  }
0x1a5: {  	v9 =	vbroadcast v13, $0xF;
	[tilespmem:v18+s17+$0x0] =	vst.idx.add.f32.msk $0xffff, v19  }
0x1a6: {  	_ =	sdelay $0x1  }
0x1a7: {  	s24 =	sshll.u32 s23, $0x1  }
0x1a8: {  	s25 =	sadd.s32 s24, s14  }
0x1a9: {  	[tilespmem:v15+s17+$0x0] =	vst.idx.add.f32.msk $0xffff, v11;
	s25 =	sand.u32 $0x1F, s25  }
0x1aa: {  	[tilespmem:v14+s17+$0x0] =	vst.idx.add.f32.msk $0xffff, v16;
	s29 =	sshll.u32 s25, $0xA  }
0x1ab: {  	s30 =	simm.s32 $0x0;
	[tilespmem:v10+s17+$0x0] =	vst.idx.add.f32.msk $0xffff, v9;
	s25 =	sshll.u32 s25, $0x9;
	s29 =	sadd.s32 s4, s29  }
0x1ac: {  	[tilespmem:s30], [sflag:$0x1] =	stream.linear.gather [hbm4b:s29+s30], $0x2000, $0x38;
	[tilespmem:$0xBC00] =	vst v63  }
0x1ad: {  	s29 =	sor.u32 s6, s25  }
0x1ae: {  	s29 =	sshrl.u32 s29, $0x3  }
0x1af: {  	s31 =	simm.s32 $0x4000;
	s29 =	sadd.s32 s1, s29  }
0x1b0: {  	[tilespmem:s31], [sflag:$0x1] =	stream.linear.gather [hbm4b:s29+s30], $0x200, $0x38;
	[tilespmem:$0xBC00] =	vst v63  }
0x1b1: {  	s29 =	sor.u32 s7, s25  }
0x1b2: {  	s29 =	sshrl.u32 s29, $0x3  }
0x1b3: {  	s31 =	simm.s32 $0x4200;
	s29 =	sadd.s32 s1, s29  }
0x1b4: {  	[tilespmem:s31], [sflag:$0x1] =	stream.linear.gather [hbm4b:s29+s30], $0x200, $0x38;
	[tilespmem:$0xBC00] =	vst v63  }
0x1b5: {  	s29 =	sor.u32 s8, s25  }
0x1b6: {  	s29 =	sshrl.u32 s29, $0x3  }
0x1b7: {  	s31 =	simm.s32 $0x4400;
	s29 =	sadd.s32 s1, s29  }
0x1b8: {  	[tilespmem:s31], [sflag:$0x1] =	stream.linear.gather [hbm4b:s29+s30], $0x200, $0x38;
	[tilespmem:$0xBC00] =	vst v63  }
0x1b9: {  	s29 =	sor.u32 s20, s25  }
0x1ba: {  	s29 =	sshrl.u32 s29, $0x3  }
0x1bb: {  	s31 =	simm.s32 $0x4600;
	s29 =	sadd.s32 s1, s29  }
0x1bc: {  	[tilespmem:s31], [sflag:$0x1] =	stream.linear.gather [hbm4b:s29+s30], $0x200, $0x38;
	[tilespmem:$0xBC00] =	vst v63  }
0x1bd: {  	s29 =	sor.u32 s21, s25  }
0x1be: {  	s29 =	sshrl.u32 s29, $0x3  }
0x1bf: {  	s31 =	simm.s32 $0x4800;
	s29 =	sadd.s32 s1, s29  }
0x1c0: {  	[tilespmem:s31], [sflag:$0x1] =	stream.linear.gather [hbm4b:s29+s30], $0x200, $0x38;
	[tilespmem:$0xBC00] =	vst v63  }
0x1c1: {  	s29 =	sor.u32 s22, s25  }
0x1c2: {  	s29 =	sshrl.u32 s29, $0x3  }
0x1c3: {  	s31 =	simm.s32 $0x4A00;
	s29 =	sadd.s32 s1, s29  }
0x1c4: {  	[tilespmem:s31], [sflag:$0x1] =	stream.linear.gather [hbm4b:s29+s30], $0x200, $0x38;
	[tilespmem:$0xBC00] =	vst v63  }
0x1c5: {  	s29 =	sor.u32 s26, s25  }
0x1c6: {  	s25 =	sor.u32 s28, s25;
	s29 =	sshrl.u32 s29, $0x3  }
0x1c7: {  	s31 =	simm.s32 $0x4C00;
	s25 =	sshrl.u32 s25, $0x3;
	s29 =	sadd.s32 s1, s29  }
0x1c8: {  	[tilespmem:s31], [sflag:$0x1] =	stream.linear.gather [hbm4b:s29+s30], $0x200, $0x38;
	[tilespmem:$0xBC00] =	vst v63  }
0x1c9: {  	s25 =	sadd.s32 s1, s25;
	s29 =	simm.s32 $0x4E00  }
0x1ca: {  	[tilespmem:s29], [sflag:$0x1] =	stream.linear.gather [hbm4b:s25+s30], $0x200, $0x38;
	[tilespmem:$0xBC00] =	vst v63  }
0x1cb: {  	_ =	swait.ge [sflag:s18], $0x2000  }
0x1cc: {  	[sflag:s18] =	ssyncset.done $0x0  }
0x1cd: {  	[sflag:s18] =	ssyncadd.s32 $0xFFFFE000  }
0x1ce: {  	_ =	swait.ge [sflag:s18], $0x200  }
0x1cf: {  	[sflag:s18] =	ssyncset.done $0x0  }
0x1d0: {  	[sflag:s18] =	ssyncadd.s32 $0xFFFFFE00  }
0x1d1: {  	_ =	swait.ge [sflag:s18], $0x200  }
0x1d2: {  	[sflag:s18] =	ssyncset.done $0x0  }
0x1d3: {  	[sflag:s18] =	ssyncadd.s32 $0xFFFFFE00  }
0x1d4: {  	_ =	swait.ge [sflag:s18], $0x200  }
0x1d5: {  	[sflag:s18] =	ssyncset.done $0x0  }
0x1d6: {  	[sflag:s18] =	ssyncadd.s32 $0xFFFFFE00  }
0x1d7: {  	_ =	swait.ge [sflag:s18], $0x200  }
0x1d8: {  	[sflag:s18] =	ssyncset.done $0x0  }
0x1d9: {  	[sflag:s18] =	ssyncadd.s32 $0xFFFFFE00  }
0x1da: {  	_ =	swait.ge [sflag:s18], $0x200  }
0x1db: {  	[sflag:s18] =	ssyncset.done $0x0  }
0x1dc: {  	[sflag:s18] =	ssyncadd.s32 $0xFFFFFE00  }
0x1dd: {  	_ =	swait.ge [sflag:s18], $0x200  }
0x1de: {  	[sflag:s18] =	ssyncset.done $0x0  }
0x1df: {  	[sflag:s18] =	ssyncadd.s32 $0xFFFFFE00  }
0x1e0: {  	_ =	swait.ge [sflag:s18], $0x200  }
0x1e1: {  	[sflag:s18] =	ssyncset.done $0x0  }
0x1e2: {  	[sflag:s18] =	ssyncadd.s32 $0xFFFFFE00  }
0x1e3: {  	_ =	swait.ge [sflag:s18], $0x200  }
0x1e4: {  	[sflag:s18] =	ssyncset.done $0x0  }
0x1e5: {  	s25 =	simm.s32 $0x2080;
	[sflag:s18] =	ssyncadd.s32 $0xFFFFFE00  }
0x1e6: {  	s29 =	simm.s32 $0x5000;
	v17 =	vld [tilespmem:s25+$0xFFFFFF80]  }
0x1e7: {  	s30 =	sand.u32 $0x1F0, s30;
	v15 =	vld [tilespmem:s29+$0x0]  }
0x1e8: {  	v10 =	vld [tilespmem:s30+$0x5600]  }
0x1e9: {  	v14 =	vld [tilespmem:s30+$0x5400]  }
0x1ea: {  	v16 =	vld [tilespmem:s30+$0x5200]  }
0x1eb: {  	v13 =	vld [tilespmem:s30+$0x5800];
	v18 =	vadd.s32 v0, v17  }
0x1ec: {  	v11 =	vld [tilespmem:s30+$0x5A00];
	v19 =	vadd.s32 v2, v17  }
0x1ed: {  	v9 =	vld [tilespmem:s30+$0x5C00];
	v20 =	vadd.s32 v3, v17  }
0x1ee: {  	v12 =	vld [tilespmem:s30+$0x5E00];
	v21 =	vbroadcast v15, $0x0;
	v22 =	vadd.s32 v4, v17  }
0x1ef: {  	v24 =	vld [tilespmem:s25+$0xFFFFFF90];
	v23 =	vadd.s32 v5, v17;
	v25 =	vbroadcast v16, $0x0  }
0x1f0: {  	v26 =	vbroadcast v14, $0x0;
	v27 =	vadd.s32 v6, v17;
	[tilespmem:v18+s17+$0x0] =	vst.idx.add.f32.msk $0xffff, v21  }
0x1f1: {  	v47 =	vadd.s32 v7, v17;
	v18 =	vbroadcast v10, $0x0;
	[tilespmem:v19+s17+$0x0] =	vst.idx.add.f32.msk $0xffff, v25  }
0x1f2: {  	v17 =	vadd.s32 v8, v17;
	v19 =	vbroadcast v13, $0x0;
	[tilespmem:v20+s17+$0x0] =	vst.idx.add.f32.msk $0xffff, v26  }
0x1f3: {  	v48 =	vbroadcast v11, $0x0;
	[tilespmem:v22+s17+$0x0] =	vst.idx.add.f32.msk $0xffff, v18  }
0x1f4: {  	v18 =	vbroadcast v9, $0x0;
	[tilespmem:v23+s17+$0x0] =	vst.idx.add.f32.msk $0xffff, v19;
	v19 =	vadd.s32 v0, v24  }
0x1f5: {  	v49 =	vbroadcast v12, $0x0;
	v50 =	vadd.s32 v2, v24;
	[tilespmem:v27+s17+$0x0] =	vst.idx.add.f32.msk $0xffff, v48  }
0x1f6: {  	v51 =	vadd.s32 v3, v24;
	[tilespmem:v47+s17+$0x0] =	vst.idx.add.f32.msk $0xffff, v18  }
0x1f7: {  	v52 =	vadd.s32 v4, v24;
	v18 =	vbroadcast v15, $0x1;
	[tilespmem:v17+s17+$0x0] =	vst.idx.add.f32.msk $0xffff, v49  }
0x1f8: {  	v53 =	vadd.s32 v5, v24;
	v17 =	vbroadcast v16, $0x1;
	v25 =	vld [tilespmem:s25+$0xFFFFFFA0]  }
0x1f9: {  	v54 =	vbroadcast v14, $0x1;
	v55 =	vadd.s32 v6, v24;
	[tilespmem:v19+s17+$0x0] =	vst.idx.add.f32.msk $0xffff, v18  }
0x1fa: {  	v18 =	vbroadcast v10, $0x1;
	v19 =	vadd.s32 v7, v24;
	[tilespmem:v50+s17+$0x0] =	vst.idx.add.f32.msk $0xffff, v17  }
0x1fb: {  	v56 =	vadd.s32 v8, v24;
	v17 =	vbroadcast v13, $0x1;
	[tilespmem:v51+s17+$0x0] =	vst.idx.add.f32.msk $0xffff, v54  }
0x1fc: {  	v57 =	vbroadcast v11, $0x1;
	[tilespmem:v52+s17+$0x0] =	vst.idx.add.f32.msk $0xffff, v18  }
0x1fd: {  	v18 =	vbroadcast v9, $0x1;
	[tilespmem:v53+s17+$0x0] =	vst.idx.add.f32.msk $0xffff, v17;
	v17 =	vadd.s32 v0, v25  }
0x1fe: {  	v58 =	vbroadcast v12, $0x1;
	v59 =	vadd.s32 v2, v25;
	[tilespmem:v55+s17+$0x0] =	vst.idx.add.f32.msk $0xffff, v57  }
0x1ff: {  	v60 =	vadd.s32 v3, v25;
	[tilespmem:v19+s17+$0x0] =	vst.idx.add.f32.msk $0xffff, v18  }
0x200: {  	v18 =	vbroadcast v15, $0x2;
	v19 =	vadd.s32 v4, v25;
	[tilespmem:v56+s17+$0x0] =	vst.idx.add.f32.msk $0xffff, v58  }
0x201: {  	v61 =	vbroadcast v16, $0x2;
	v62 =	vadd.s32 v5, v25;
	v63 =	vld [tilespmem:s25+$0xFFFFFFB0]  }
0x202: {  	v30 =	vbroadcast v14, $0x2;
	v31 =	vadd.s32 v6, v25;
	[tilespmem:v17+s17+$0x0] =	vst.idx.add.f32.msk $0xffff, v18  }
0x203: {  	v17 =	vbroadcast v10, $0x2;
	v18 =	vadd.s32 v7, v25;
	[tilespmem:v59+s17+$0x0] =	vst.idx.add.f32.msk $0xffff, v61  }
0x204: {  	v32 =	vbroadcast v13, $0x2;
	v33 =	vadd.s32 v8, v25;
	[tilespmem:v60+s17+$0x0] =	vst.idx.add.f32.msk $0xffff, v30  }
0x205: {  	v34 =	vbroadcast v11, $0x2;
	[tilespmem:v19+s17+$0x0] =	vst.idx.add.f32.msk $0xffff, v17  }
0x206: {  	v17 =	vbroadcast v9, $0x2;
	[tilespmem:v62+s17+$0x0] =	vst.idx.add.f32.msk $0xffff, v32;
	v19 =	vadd.s32 v0, v63  }
0x207: {  	v35 =	vbroadcast v12, $0x2;
	v36 =	vadd.s32 v2, v63;
	[tilespmem:v31+s17+$0x0] =	vst.idx.add.f32.msk $0xffff, v34  }
0x208: {  	v37 =	vadd.s32 v3, v63;
	[tilespmem:v18+s17+$0x0] =	vst.idx.add.f32.msk $0xffff, v17  }
0x209: {  	v17 =	vbroadcast v15, $0x3;
	v18 =	vadd.s32 v4, v63;
	[tilespmem:v33+s17+$0x0] =	vst.idx.add.f32.msk $0xffff, v35  }
0x20a: {  	v38 =	vbroadcast v16, $0x3;
	v39 =	vadd.s32 v5, v63;
	v40 =	vld [tilespmem:s25+$0xFFFFFFC0]  }
0x20b: {  	v41 =	vbroadcast v14, $0x3;
	v42 =	vadd.s32 v6, v63;
	[tilespmem:v19+s17+$0x0] =	vst.idx.add.f32.msk $0xffff, v17  }
0x20c: {  	v17 =	vbroadcast v10, $0x3;
	v19 =	vadd.s32 v7, v63;
	[tilespmem:v36+s17+$0x0] =	vst.idx.add.f32.msk $0xffff, v38  }
0x20d: {  	v43 =	vbroadcast v13, $0x3;
	v44 =	vadd.s32 v8, v63;
	[tilespmem:v37+s17+$0x0] =	vst.idx.add.f32.msk $0xffff, v41  }
0x20e: {  	v45 =	vbroadcast v11, $0x3;
	[tilespmem:v18+s17+$0x0] =	vst.idx.add.f32.msk $0xffff, v17  }
0x20f: {  	v17 =	vbroadcast v9, $0x3;
	[tilespmem:v39+s17+$0x0] =	vst.idx.add.f32.msk $0xffff, v43;
	v18 =	vadd.s32 v0, v40  }
0x210: {  	v46 =	vbroadcast v12, $0x3;
	v47 =	vadd.s32 v2, v40;
	[tilespmem:v42+s17+$0x0] =	vst.idx.add.f32.msk $0xffff, v45  }
0x211: {  	v48 =	vadd.s32 v3, v40;
	[tilespmem:v19+s17+$0x0] =	vst.idx.add.f32.msk $0xffff, v17  }
0x212: {  	v17 =	vbroadcast v15, $0x4;
	v19 =	vadd.s32 v4, v40;
	[tilespmem:v44+s17+$0x0] =	vst.idx.add.f32.msk $0xffff, v46  }
0x213: {  	v49 =	vbroadcast v16, $0x4;
	v50 =	vadd.s32 v5, v40;
	v51 =	vld [tilespmem:s25+$0xFFFFFFD0]  }
0x214: {  	v52 =	vbroadcast v14, $0x4;
	v53 =	vadd.s32 v6, v40;
	[tilespmem:v18+s17+$0x0] =	vst.idx.add.f32.msk $0xffff, v17  }
0x215: {  	v17 =	vbroadcast v10, $0x4;
	v18 =	vadd.s32 v7, v40;
	[tilespmem:v47+s17+$0x0] =	vst.idx.add.f32.msk $0xffff, v49  }
0x216: {  	v54 =	vbroadcast v13, $0x4;
	v55 =	vadd.s32 v8, v40;
	[tilespmem:v48+s17+$0x0] =	vst.idx.add.f32.msk $0xffff, v52  }
0x217: {  	v56 =	vbroadcast v11, $0x4;
	[tilespmem:v19+s17+$0x0] =	vst.idx.add.f32.msk $0xffff, v17  }
0x218: {  	v17 =	vbroadcast v9, $0x4;
	[tilespmem:v50+s17+$0x0] =	vst.idx.add.f32.msk $0xffff, v54;
	v19 =	vadd.s32 v0, v51  }
0x219: {  	v57 =	vbroadcast v12, $0x4;
	v58 =	vadd.s32 v2, v51;
	[tilespmem:v53+s17+$0x0] =	vst.idx.add.f32.msk $0xffff, v56  }
0x21a: {  	v59 =	vadd.s32 v3, v51;
	[tilespmem:v18+s17+$0x0] =	vst.idx.add.f32.msk $0xffff, v17  }
0x21b: {  	v17 =	vbroadcast v15, $0x5;
	v18 =	vadd.s32 v4, v51;
	[tilespmem:v55+s17+$0x0] =	vst.idx.add.f32.msk $0xffff, v57  }
0x21c: {  	v60 =	vbroadcast v16, $0x5;
	v61 =	vadd.s32 v5, v51;
	v62 =	vld [tilespmem:s25+$0xFFFFFFE0]  }
0x21d: {  	v63 =	vbroadcast v14, $0x5;
	v30 =	vadd.s32 v6, v51;
	[tilespmem:v19+s17+$0x0] =	vst.idx.add.f32.msk $0xffff, v17  }
0x21e: {  	v17 =	vbroadcast v10, $0x5;
	v19 =	vadd.s32 v7, v51;
	[tilespmem:v58+s17+$0x0] =	vst.idx.add.f32.msk $0xffff, v60  }
0x21f: {  	v31 =	vbroadcast v13, $0x5;
	v32 =	vadd.s32 v8, v51;
	[tilespmem:v59+s17+$0x0] =	vst.idx.add.f32.msk $0xffff, v63  }
0x220: {  	v33 =	vbroadcast v11, $0x5;
	[tilespmem:v18+s17+$0x0] =	vst.idx.add.f32.msk $0xffff, v17  }
0x221: {  	v17 =	vbroadcast v9, $0x5;
	[tilespmem:v61+s17+$0x0] =	vst.idx.add.f32.msk $0xffff, v31;
	v18 =	vadd.s32 v0, v62  }
0x222: {  	v34 =	vbroadcast v12, $0x5;
	v35 =	vadd.s32 v2, v62;
	[tilespmem:v30+s17+$0x0] =	vst.idx.add.f32.msk $0xffff, v33  }
0x223: {  	v36 =	vadd.s32 v3, v62;
	[tilespmem:v19+s17+$0x0] =	vst.idx.add.f32.msk $0xffff, v17  }
0x224: {  	v17 =	vbroadcast v15, $0x6;
	v19 =	vadd.s32 v4, v62;
	[tilespmem:v32+s17+$0x0] =	vst.idx.add.f32.msk $0xffff, v34  }
0x225: {  	v37 =	vbroadcast v16, $0x6;
	v38 =	vadd.s32 v5, v62;
	v39 =	vld [tilespmem:s25+$0xFFFFFFF0]  }
0x226: {  	v40 =	vbroadcast v14, $0x6;
	v41 =	vadd.s32 v6, v62;
	[tilespmem:v18+s17+$0x0] =	vst.idx.add.f32.msk $0xffff, v17  }
0x227: {  	v17 =	vbroadcast v10, $0x6;
	v18 =	vadd.s32 v7, v62;
	[tilespmem:v35+s17+$0x0] =	vst.idx.add.f32.msk $0xffff, v37  }
0x228: {  	v42 =	vbroadcast v13, $0x6;
	v43 =	vadd.s32 v8, v62;
	[tilespmem:v36+s17+$0x0] =	vst.idx.add.f32.msk $0xffff, v40  }
0x229: {  	v44 =	vbroadcast v11, $0x6;
	[tilespmem:v19+s17+$0x0] =	vst.idx.add.f32.msk $0xffff, v17  }
0x22a: {  	v17 =	vbroadcast v9, $0x6;
	[tilespmem:v38+s17+$0x0] =	vst.idx.add.f32.msk $0xffff, v42;
	v19 =	vadd.s32 v0, v39  }
0x22b: {  	v45 =	vbroadcast v12, $0x6;
	v46 =	vadd.s32 v2, v39;
	[tilespmem:v41+s17+$0x0] =	vst.idx.add.f32.msk $0xffff, v44  }
0x22c: {  	v47 =	vadd.s32 v3, v39;
	[tilespmem:v18+s17+$0x0] =	vst.idx.add.f32.msk $0xffff, v17  }
0x22d: {  	v17 =	vbroadcast v15, $0x7;
	v18 =	vadd.s32 v4, v39;
	[tilespmem:v43+s17+$0x0] =	vst.idx.add.f32.msk $0xffff, v45  }
0x22e: {  	v48 =	vbroadcast v16, $0x7;
	v49 =	vadd.s32 v5, v39;
	v50 =	vld [tilespmem:s25+$0x0]  }
0x22f: {  	v51 =	vbroadcast v14, $0x7;
	v52 =	vadd.s32 v6, v39;
	[tilespmem:v19+s17+$0x0] =	vst.idx.add.f32.msk $0xffff, v17  }
0x230: {  	v17 =	vbroadcast v10, $0x7;
	v19 =	vadd.s32 v7, v39;
	[tilespmem:v46+s17+$0x0] =	vst.idx.add.f32.msk $0xffff, v48  }
0x231: {  	v53 =	vbroadcast v13, $0x7;
	v54 =	vadd.s32 v8, v39;
	[tilespmem:v47+s17+$0x0] =	vst.idx.add.f32.msk $0xffff, v51  }
0x232: {  	v55 =	vbroadcast v11, $0x7;
	[tilespmem:v18+s17+$0x0] =	vst.idx.add.f32.msk $0xffff, v17  }
0x233: {  	v17 =	vbroadcast v9, $0x7;
	[tilespmem:v49+s17+$0x0] =	vst.idx.add.f32.msk $0xffff, v53;
	v18 =	vadd.s32 v0, v50  }
0x234: {  	v56 =	vbroadcast v12, $0x7;
	v57 =	vadd.s32 v2, v50;
	[tilespmem:v52+s17+$0x0] =	vst.idx.add.f32.msk $0xffff, v55  }
0x235: {  	v58 =	vadd.s32 v3, v50;
	[tilespmem:v19+s17+$0x0] =	vst.idx.add.f32.msk $0xffff, v17  }
0x236: {  	v17 =	vbroadcast v15, $0x8;
	v19 =	vadd.s32 v4, v50;
	[tilespmem:v54+s17+$0x0] =	vst.idx.add.f32.msk $0xffff, v56  }
0x237: {  	v59 =	vbroadcast v16, $0x8;
	v60 =	vadd.s32 v5, v50;
	v61 =	vld [tilespmem:s25+$0x10]  }
0x238: {  	v62 =	vbroadcast v14, $0x8;
	v63 =	vadd.s32 v6, v50;
	[tilespmem:v18+s17+$0x0] =	vst.idx.add.f32.msk $0xffff, v17  }
0x239: {  	v17 =	vbroadcast v10, $0x8;
	v18 =	vadd.s32 v7, v50;
	[tilespmem:v57+s17+$0x0] =	vst.idx.add.f32.msk $0xffff, v59  }
0x23a: {  	v30 =	vbroadcast v13, $0x8;
	v31 =	vadd.s32 v8, v50;
	[tilespmem:v58+s17+$0x0] =	vst.idx.add.f32.msk $0xffff, v62  }
0x23b: {  	v32 =	vbroadcast v11, $0x8;
	[tilespmem:v19+s17+$0x0] =	vst.idx.add.f32.msk $0xffff, v17  }
0x23c: {  	v17 =	vbroadcast v9, $0x8;
	[tilespmem:v60+s17+$0x0] =	vst.idx.add.f32.msk $0xffff, v30;
	v19 =	vadd.s32 v0, v61  }
0x23d: {  	v33 =	vbroadcast v12, $0x8;
	v34 =	vadd.s32 v2, v61;
	[tilespmem:v63+s17+$0x0] =	vst.idx.add.f32.msk $0xffff, v32  }
0x23e: {  	v35 =	vadd.s32 v3, v61;
	[tilespmem:v18+s17+$0x0] =	vst.idx.add.f32.msk $0xffff, v17  }
0x23f: {  	v17 =	vbroadcast v15, $0x9;
	v18 =	vadd.s32 v4, v61;
	[tilespmem:v31+s17+$0x0] =	vst.idx.add.f32.msk $0xffff, v33  }
0x240: {  	v36 =	vbroadcast v16, $0x9;
	v37 =	vadd.s32 v5, v61;
	v38 =	vld [tilespmem:s25+$0x20]  }
0x241: {  	v39 =	vbroadcast v14, $0x9;
	v40 =	vadd.s32 v6, v61;
	[tilespmem:v19+s17+$0x0] =	vst.idx.add.f32.msk $0xffff, v17  }
0x242: {  	v17 =	vbroadcast v10, $0x9;
	v19 =	vadd.s32 v7, v61;
	[tilespmem:v34+s17+$0x0] =	vst.idx.add.f32.msk $0xffff, v36  }
0x243: {  	v41 =	vbroadcast v13, $0x9;
	v42 =	vadd.s32 v8, v61;
	[tilespmem:v35+s17+$0x0] =	vst.idx.add.f32.msk $0xffff, v39  }
0x244: {  	v43 =	vbroadcast v11, $0x9;
	[tilespmem:v18+s17+$0x0] =	vst.idx.add.f32.msk $0xffff, v17  }
0x245: {  	v17 =	vbroadcast v9, $0x9;
	[tilespmem:v37+s17+$0x0] =	vst.idx.add.f32.msk $0xffff, v41;
	v18 =	vadd.s32 v0, v38  }
0x246: {  	v44 =	vbroadcast v12, $0x9;
	v45 =	vadd.s32 v2, v38;
	[tilespmem:v40+s17+$0x0] =	vst.idx.add.f32.msk $0xffff, v43  }
0x247: {  	v46 =	vadd.s32 v3, v38;
	[tilespmem:v19+s17+$0x0] =	vst.idx.add.f32.msk $0xffff, v17  }
0x248: {  	v17 =	vbroadcast v15, $0xA;
	v19 =	vadd.s32 v4, v38;
	[tilespmem:v42+s17+$0x0] =	vst.idx.add.f32.msk $0xffff, v44  }
0x249: {  	v47 =	vbroadcast v16, $0xA;
	v48 =	vadd.s32 v5, v38;
	v49 =	vld [tilespmem:s25+$0x30]  }
0x24a: {  	v50 =	vbroadcast v14, $0xA;
	v51 =	vadd.s32 v6, v38;
	[tilespmem:v18+s17+$0x0] =	vst.idx.add.f32.msk $0xffff, v17  }
0x24b: {  	v17 =	vbroadcast v10, $0xA;
	v18 =	vadd.s32 v7, v38;
	[tilespmem:v45+s17+$0x0] =	vst.idx.add.f32.msk $0xffff, v47  }
0x24c: {  	v52 =	vbroadcast v13, $0xA;
	v53 =	vadd.s32 v8, v38;
	[tilespmem:v46+s17+$0x0] =	vst.idx.add.f32.msk $0xffff, v50  }
0x24d: {  	v54 =	vbroadcast v11, $0xA;
	[tilespmem:v19+s17+$0x0] =	vst.idx.add.f32.msk $0xffff, v17  }
0x24e: {  	v17 =	vbroadcast v9, $0xA;
	[tilespmem:v48+s17+$0x0] =	vst.idx.add.f32.msk $0xffff, v52;
	v19 =	vadd.s32 v0, v49  }
0x24f: {  	v55 =	vbroadcast v12, $0xA;
	v56 =	vadd.s32 v2, v49;
	[tilespmem:v51+s17+$0x0] =	vst.idx.add.f32.msk $0xffff, v54  }
0x250: {  	v57 =	vadd.s32 v3, v49;
	[tilespmem:v18+s17+$0x0] =	vst.idx.add.f32.msk $0xffff, v17  }
0x251: {  	v17 =	vbroadcast v15, $0xB;
	v18 =	vadd.s32 v4, v49;
	[tilespmem:v53+s17+$0x0] =	vst.idx.add.f32.msk $0xffff, v55  }
0x252: {  	v58 =	vbroadcast v16, $0xB;
	v59 =	vadd.s32 v5, v49;
	v60 =	vld [tilespmem:s25+$0x40]  }
0x253: {  	v61 =	vbroadcast v14, $0xB;
	v62 =	vadd.s32 v6, v49;
	[tilespmem:v19+s17+$0x0] =	vst.idx.add.f32.msk $0xffff, v17  }
0x254: {  	v17 =	vbroadcast v10, $0xB;
	v19 =	vadd.s32 v7, v49;
	[tilespmem:v56+s17+$0x0] =	vst.idx.add.f32.msk $0xffff, v58  }
0x255: {  	v63 =	vbroadcast v13, $0xB;
	v24 =	vadd.s32 v8, v49;
	[tilespmem:v57+s17+$0x0] =	vst.idx.add.f32.msk $0xffff, v61  }
0x256: {  	v28 =	vbroadcast v11, $0xB;
	[tilespmem:v18+s17+$0x0] =	vst.idx.add.f32.msk $0xffff, v17  }
0x257: {  	v17 =	vbroadcast v9, $0xB;
	[tilespmem:v59+s17+$0x0] =	vst.idx.add.f32.msk $0xffff, v63;
	v18 =	vadd.s32 v0, v60  }
0x258: {  	v29 =	vbroadcast v12, $0xB;
	v30 =	vadd.s32 v2, v60;
	[tilespmem:v62+s17+$0x0] =	vst.idx.add.f32.msk $0xffff, v28  }
0x259: {  	v31 =	vadd.s32 v3, v60;
	[tilespmem:v19+s17+$0x0] =	vst.idx.add.f32.msk $0xffff, v17  }
0x25a: {  	v17 =	vbroadcast v15, $0xC;
	v19 =	vadd.s32 v4, v60;
	[tilespmem:v24+s17+$0x0] =	vst.idx.add.f32.msk $0xffff, v29  }
0x25b: {  	v32 =	vbroadcast v16, $0xC;
	v33 =	vadd.s32 v5, v60;
	v34 =	vld [tilespmem:s25+$0x50]  }
0x25c: {  	v35 =	vbroadcast v14, $0xC;
	v36 =	vadd.s32 v6, v60;
	[tilespmem:v18+s17+$0x0] =	vst.idx.add.f32.msk $0xffff, v17  }
0x25d: {  	v17 =	vbroadcast v10, $0xC;
	v18 =	vadd.s32 v7, v60;
	[tilespmem:v30+s17+$0x0] =	vst.idx.add.f32.msk $0xffff, v32  }
0x25e: {  	v37 =	vbroadcast v13, $0xC;
	v38 =	vadd.s32 v8, v60;
	[tilespmem:v31+s17+$0x0] =	vst.idx.add.f32.msk $0xffff, v35  }
0x25f: {  	v39 =	vbroadcast v11, $0xC;
	[tilespmem:v19+s17+$0x0] =	vst.idx.add.f32.msk $0xffff, v17  }
0x260: {  	v17 =	vbroadcast v9, $0xC;
	[tilespmem:v33+s17+$0x0] =	vst.idx.add.f32.msk $0xffff, v37;
	v19 =	vadd.s32 v0, v34  }
0x261: {  	v40 =	vbroadcast v12, $0xC;
	v41 =	vadd.s32 v2, v34;
	[tilespmem:v36+s17+$0x0] =	vst.idx.add.f32.msk $0xffff, v39  }
0x262: {  	v42 =	vadd.s32 v3, v34;
	[tilespmem:v18+s17+$0x0] =	vst.idx.add.f32.msk $0xffff, v17  }
0x263: {  	v17 =	vbroadcast v15, $0xD;
	v18 =	vadd.s32 v4, v34;
	[tilespmem:v38+s17+$0x0] =	vst.idx.add.f32.msk $0xffff, v40  }
0x264: {  	v43 =	vbroadcast v16, $0xD;
	v44 =	vadd.s32 v5, v34;
	v45 =	vld [tilespmem:s25+$0x60]  }
0x265: {  	v46 =	vbroadcast v14, $0xD;
	v47 =	vadd.s32 v6, v34;
	[tilespmem:v19+s17+$0x0] =	vst.idx.add.f32.msk $0xffff, v17  }
0x266: {  	v17 =	vbroadcast v10, $0xD;
	v19 =	vadd.s32 v7, v34;
	[tilespmem:v41+s17+$0x0] =	vst.idx.add.f32.msk $0xffff, v43  }
0x267: {  	v48 =	vbroadcast v13, $0xD;
	v49 =	vadd.s32 v8, v34;
	[tilespmem:v42+s17+$0x0] =	vst.idx.add.f32.msk $0xffff, v46  }
0x268: {  	v50 =	vbroadcast v11, $0xD;
	[tilespmem:v18+s17+$0x0] =	vst.idx.add.f32.msk $0xffff, v17  }
0x269: {  	v17 =	vbroadcast v9, $0xD;
	[tilespmem:v44+s17+$0x0] =	vst.idx.add.f32.msk $0xffff, v48  }
0x26a: {  	v18 =	vbroadcast v12, $0xD;
	v51 =	vadd.s32 v0, v45;
	[tilespmem:v47+s17+$0x0] =	vst.idx.add.f32.msk $0xffff, v50  }
0x26b: {  	v52 =	vadd.s32 v2, v45;
	[tilespmem:v19+s17+$0x0] =	vst.idx.add.f32.msk $0xffff, v17  }
0x26c: {  	v17 =	vadd.s32 v3, v45;
	[tilespmem:v49+s17+$0x0] =	vst.idx.add.f32.msk $0xffff, v18  }
0x26d: {  	v19 =	vadd.s32 v4, v45;
	v18 =	vbroadcast v15, $0xE;
	v22 =	vld [tilespmem:s25+$0x70]  }
0x26e: {  	v53 =	vbroadcast v16, $0xE;
	v54 =	vadd.s32 v5, v45  }
0x26f: {  	v55 =	vbroadcast v14, $0xE;
	[tilespmem:v51+s17+$0x0] =	vst.idx.add.f32.msk $0xffff, v18;
	v18 =	vadd.s32 v6, v45  }
0x270: {  	v56 =	vbroadcast v10, $0xE;
	v57 =	vadd.s32 v7, v45;
	[tilespmem:v52+s17+$0x0] =	vst.idx.add.f32.msk $0xffff, v53  }
0x271: {  	v58 =	vbroadcast v13, $0xE;
	[tilespmem:v17+s17+$0x0] =	vst.idx.add.f32.msk $0xffff, v55;
	v17 =	vadd.s32 v8, v45  }
0x272: {  	v59 =	vbroadcast v11, $0xE;
	[tilespmem:v19+s17+$0x0] =	vst.idx.add.f32.msk $0xffff, v56;
	v19 =	vadd.s32 v0, v22  }
0x273: {  	v60 =	vbroadcast v9, $0xE;
	[tilespmem:v54+s17+$0x0] =	vst.idx.add.f32.msk $0xffff, v58;
	v61 =	vadd.s32 v2, v22  }
0x274: {  	v62 =	vbroadcast v12, $0xE;
	[tilespmem:v18+s17+$0x0] =	vst.idx.add.f32.msk $0xffff, v59;
	v18 =	vadd.s32 v3, v22  }
0x275: {  	v15 =	vbroadcast v15, $0xF;
	v63 =	vadd.s32 v4, v22;
	[tilespmem:v57+s17+$0x0] =	vst.idx.add.f32.msk $0xffff, v60  }
0x276: {  	v16 =	vbroadcast v16, $0xF;
	[tilespmem:v17+s17+$0x0] =	vst.idx.add.f32.msk $0xffff, v62  }
0x277: {  	v14 =	vbroadcast v14, $0xF;
	v17 =	vadd.s32 v5, v22;
	[tilespmem:v19+s17+$0x0] =	vst.idx.add.f32.msk $0xffff, v15  }
0x278: {  	v10 =	vbroadcast v10, $0xF;
	v15 =	vadd.s32 v6, v22;
	[tilespmem:v61+s17+$0x0] =	vst.idx.add.f32.msk $0xffff, v16  }
0x279: {  	[tilespmem:v18+s17+$0x0] =	vst.idx.add.f32.msk $0xffff, v14;
	v14 =	vadd.s32 v7, v22  }
0x27a: {  	v13 =	vbroadcast v13, $0xF;
	[tilespmem:v63+s17+$0x0] =	vst.idx.add.f32.msk $0xffff, v10;
	v10 =	vadd.s32 v8, v22  }
0x27b: {  	v11 =	vbroadcast v11, $0xF  }
0x27c: {  	s30 =	simm.s32 $0x10;
	v16 =	vbroadcast v9, $0xF;
	v9 =	vbroadcast v12, $0xF;
	[tilespmem:v17+s17+$0x0] =	vst.idx.add.f32.msk $0xffff, v13  }
.LBB2_7:
0x27d: {  	p0 =	sne.s32 s30, $0x1F0;
	[tilespmem:v15+s17+$0x0] =	vst.idx.add.f32.msk $0xffff, v11;
	s29 =	sadd.s32 $0x10, s29;
	s25 =	sadd.s32 $0x100, s25  }
0x27e: {  	s31 =	smov.u32 s30;
	s30 =	sadd.s32 $0x10, s30;
	[tilespmem:v14+s17+$0x0] =	vst.idx.add.f32.msk $0xffff, v16  }
0x27f: {  	[tilespmem:v10+s17+$0x0] =	vst.idx.add.f32.msk $0xffff, v9  }
0x280: {  	v17 =	vld [tilespmem:s25+$0xFFFFFF80]  }
0x281: {  	s31 =	sand.u32 $0x1F0, s31;
	v15 =	vld [tilespmem:s29+$0x0]  }
0x282: {  	v9 =	vld [tilespmem:s31+$0x5600]  }
0x283: {  	v14 =	vld [tilespmem:s31+$0x5400]  }
0x284: {  	v16 =	vld [tilespmem:s31+$0x5200]  }
0x285: {  	v10 =	vld [tilespmem:s31+$0x5800];
	v18 =	vadd.s32 v0, v17;
	v19 =	vadd.s32 v2, v17  }
0x286: {  	v20 =	vadd.s32 v3, v17;
	v11 =	vld [tilespmem:s31+$0x5A00]  }
0x287: {  	v22 =	vadd.s32 v4, v17;
	v21 =	vbroadcast v15, $0x0;
	v12 =	vld [tilespmem:s31+$0x5C00]  }
0x288: {  	v23 =	vadd.s32 v5, v17;
	v13 =	vld [tilespmem:s31+$0x5E00]  }
0x289: {  	v27 =	vadd.s32 v6, v17;
	v26 =	vbroadcast v14, $0x0;
	v24 =	vld [tilespmem:s25+$0xFFFFFF90];
	v25 =	vbroadcast v16, $0x0  }
0x28a: {  	v28 =	vbroadcast v9, $0x0;
	[tilespmem:v18+s17+$0x0] =	vst.idx.add.f32.msk $0xffff, v21;
	v18 =	vadd.s32 v7, v17  }
0x28b: {  	v21 =	vbroadcast v10, $0x0;
	v17 =	vadd.s32 v8, v17;
	[tilespmem:v19+s17+$0x0] =	vst.idx.add.f32.msk $0xffff, v25  }
0x28c: {  	v19 =	vbroadcast v11, $0x0;
	[tilespmem:v20+s17+$0x0] =	vst.idx.add.f32.msk $0xffff, v26  }
0x28d: {  	v20 =	vbroadcast v12, $0x0;
	[tilespmem:v22+s17+$0x0] =	vst.idx.add.f32.msk $0xffff, v28  }
0x28e: {  	v22 =	vbroadcast v13, $0x0;
	[tilespmem:v23+s17+$0x0] =	vst.idx.add.f32.msk $0xffff, v21;
	v21 =	vadd.s32 v0, v24;
	v23 =	vadd.s32 v2, v24  }
0x28f: {  	[tilespmem:v27+s17+$0x0] =	vst.idx.add.f32.msk $0xffff, v19;
	v19 =	vadd.s32 v3, v24  }
0x290: {  	[tilespmem:v18+s17+$0x0] =	vst.idx.add.f32.msk $0xffff, v20;
	v18 =	vbroadcast v15, $0x1;
	v20 =	vadd.s32 v4, v24  }
0x291: {  	[tilespmem:v17+s17+$0x0] =	vst.idx.add.f32.msk $0xffff, v22;
	v17 =	vbroadcast v16, $0x1;
	v22 =	vadd.s32 v5, v24  }
0x292: {  	v26 =	vbroadcast v14, $0x1;
	v27 =	vadd.s32 v6, v24;
	v25 =	vld [tilespmem:s25+$0xFFFFFFA0]  }
0x293: {  	v28 =	vbroadcast v9, $0x1;
	[tilespmem:v21+s17+$0x0] =	vst.idx.add.f32.msk $0xffff, v18;
	v18 =	vadd.s32 v7, v24  }
0x294: {  	v21 =	vbroadcast v10, $0x1;
	[tilespmem:v23+s17+$0x0] =	vst.idx.add.f32.msk $0xffff, v17;
	v17 =	vadd.s32 v8, v24  }
0x295: {  	v23 =	vbroadcast v11, $0x1;
	[tilespmem:v19+s17+$0x0] =	vst.idx.add.f32.msk $0xffff, v26  }
0x296: {  	v19 =	vbroadcast v12, $0x1;
	[tilespmem:v20+s17+$0x0] =	vst.idx.add.f32.msk $0xffff, v28  }
0x297: {  	v20 =	vbroadcast v13, $0x1;
	[tilespmem:v22+s17+$0x0] =	vst.idx.add.f32.msk $0xffff, v21;
	v21 =	vadd.s32 v0, v25;
	v22 =	vadd.s32 v2, v25  }
0x298: {  	[tilespmem:v27+s17+$0x0] =	vst.idx.add.f32.msk $0xffff, v23;
	v23 =	vadd.s32 v3, v25  }
0x299: {  	[tilespmem:v18+s17+$0x0] =	vst.idx.add.f32.msk $0xffff, v19;
	v18 =	vbroadcast v15, $0x2;
	v19 =	vadd.s32 v4, v25  }
0x29a: {  	[tilespmem:v17+s17+$0x0] =	vst.idx.add.f32.msk $0xffff, v20;
	v17 =	vbroadcast v16, $0x2;
	v20 =	vadd.s32 v5, v25  }
0x29b: {  	v26 =	vbroadcast v14, $0x2;
	v27 =	vadd.s32 v6, v25;
	v24 =	vld [tilespmem:s25+$0xFFFFFFB0]  }
0x29c: {  	v28 =	vbroadcast v9, $0x2;
	[tilespmem:v21+s17+$0x0] =	vst.idx.add.f32.msk $0xffff, v18;
	v18 =	vadd.s32 v7, v25  }
0x29d: {  	v21 =	vbroadcast v10, $0x2;
	[tilespmem:v22+s17+$0x0] =	vst.idx.add.f32.msk $0xffff, v17;
	v17 =	vadd.s32 v8, v25  }
0x29e: {  	v22 =	vbroadcast v11, $0x2;
	[tilespmem:v23+s17+$0x0] =	vst.idx.add.f32.msk $0xffff, v26  }
0x29f: {  	v23 =	vbroadcast v12, $0x2;
	[tilespmem:v19+s17+$0x0] =	vst.idx.add.f32.msk $0xffff, v28  }
0x2a0: {  	v19 =	vbroadcast v13, $0x2;
	[tilespmem:v20+s17+$0x0] =	vst.idx.add.f32.msk $0xffff, v21;
	v20 =	vadd.s32 v0, v24;
	v21 =	vadd.s32 v2, v24  }
0x2a1: {  	[tilespmem:v27+s17+$0x0] =	vst.idx.add.f32.msk $0xffff, v22;
	v22 =	vadd.s32 v3, v24  }
0x2a2: {  	[tilespmem:v18+s17+$0x0] =	vst.idx.add.f32.msk $0xffff, v23;
	v18 =	vbroadcast v15, $0x3;
	v23 =	vadd.s32 v4, v24  }
0x2a3: {  	[tilespmem:v17+s17+$0x0] =	vst.idx.add.f32.msk $0xffff, v19;
	v17 =	vbroadcast v16, $0x3;
	v19 =	vadd.s32 v5, v24  }
0x2a4: {  	v26 =	vbroadcast v14, $0x3;
	v27 =	vadd.s32 v6, v24;
	v25 =	vld [tilespmem:s25+$0xFFFFFFC0]  }
0x2a5: {  	v28 =	vbroadcast v9, $0x3;
	[tilespmem:v20+s17+$0x0] =	vst.idx.add.f32.msk $0xffff, v18;
	v18 =	vadd.s32 v7, v24  }
0x2a6: {  	v20 =	vbroadcast v10, $0x3;
	[tilespmem:v21+s17+$0x0] =	vst.idx.add.f32.msk $0xffff, v17;
	v17 =	vadd.s32 v8, v24  }
0x2a7: {  	v21 =	vbroadcast v11, $0x3;
	[tilespmem:v22+s17+$0x0] =	vst.idx.add.f32.msk $0xffff, v26  }
0x2a8: {  	v22 =	vbroadcast v12, $0x3;
	[tilespmem:v23+s17+$0x0] =	vst.idx.add.f32.msk $0xffff, v28  }
0x2a9: {  	v23 =	vbroadcast v13, $0x3;
	[tilespmem:v19+s17+$0x0] =	vst.idx.add.f32.msk $0xffff, v20;
	v19 =	vadd.s32 v0, v25;
	v20 =	vadd.s32 v2, v25  }
0x2aa: {  	[tilespmem:v27+s17+$0x0] =	vst.idx.add.f32.msk $0xffff, v21;
	v21 =	vadd.s32 v3, v25  }
0x2ab: {  	[tilespmem:v18+s17+$0x0] =	vst.idx.add.f32.msk $0xffff, v22;
	v18 =	vbroadcast v15, $0x4;
	v22 =	vadd.s32 v4, v25  }
0x2ac: {  	[tilespmem:v17+s17+$0x0] =	vst.idx.add.f32.msk $0xffff, v23;
	v17 =	vbroadcast v16, $0x4;
	v23 =	vadd.s32 v5, v25  }
0x2ad: {  	v26 =	vbroadcast v14, $0x4;
	v27 =	vadd.s32 v6, v25;
	v24 =	vld [tilespmem:s25+$0xFFFFFFD0]  }
0x2ae: {  	v28 =	vbroadcast v9, $0x4;
	[tilespmem:v19+s17+$0x0] =	vst.idx.add.f32.msk $0xffff, v18;
	v18 =	vadd.s32 v7, v25  }
0x2af: {  	v19 =	vbroadcast v10, $0x4;
	[tilespmem:v20+s17+$0x0] =	vst.idx.add.f32.msk $0xffff, v17;
	v17 =	vadd.s32 v8, v25  }
0x2b0: {  	v20 =	vbroadcast v11, $0x4;
	[tilespmem:v21+s17+$0x0] =	vst.idx.add.f32.msk $0xffff, v26  }
0x2b1: {  	v21 =	vbroadcast v12, $0x4;
	[tilespmem:v22+s17+$0x0] =	vst.idx.add.f32.msk $0xffff, v28  }
0x2b2: {  	v22 =	vbroadcast v13, $0x4;
	[tilespmem:v23+s17+$0x0] =	vst.idx.add.f32.msk $0xffff, v19;
	v19 =	vadd.s32 v0, v24;
	v23 =	vadd.s32 v2, v24  }
0x2b3: {  	[tilespmem:v27+s17+$0x0] =	vst.idx.add.f32.msk $0xffff, v20;
	v20 =	vadd.s32 v3, v24  }
0x2b4: {  	[tilespmem:v18+s17+$0x0] =	vst.idx.add.f32.msk $0xffff, v21;
	v18 =	vbroadcast v15, $0x5;
	v21 =	vadd.s32 v4, v24  }
0x2b5: {  	[tilespmem:v17+s17+$0x0] =	vst.idx.add.f32.msk $0xffff, v22;
	v17 =	vbroadcast v16, $0x5;
	v22 =	vadd.s32 v5, v24  }
0x2b6: {  	v26 =	vbroadcast v14, $0x5;
	v27 =	vadd.s32 v6, v24;
	v25 =	vld [tilespmem:s25+$0xFFFFFFE0]  }
0x2b7: {  	v28 =	vbroadcast v9, $0x5;
	[tilespmem:v19+s17+$0x0] =	vst.idx.add.f32.msk $0xffff, v18;
	v18 =	vadd.s32 v7, v24  }
0x2b8: {  	v19 =	vbroadcast v10, $0x5;
	[tilespmem:v23+s17+$0x0] =	vst.idx.add.f32.msk $0xffff, v17;
	v17 =	vadd.s32 v8, v24  }
0x2b9: {  	v23 =	vbroadcast v11, $0x5;
	[tilespmem:v20+s17+$0x0] =	vst.idx.add.f32.msk $0xffff, v26  }
0x2ba: {  	v20 =	vbroadcast v12, $0x5;
	[tilespmem:v21+s17+$0x0] =	vst.idx.add.f32.msk $0xffff, v28  }
0x2bb: {  	v21 =	vbroadcast v13, $0x5;
	[tilespmem:v22+s17+$0x0] =	vst.idx.add.f32.msk $0xffff, v19;
	v19 =	vadd.s32 v0, v25;
	v22 =	vadd.s32 v2, v25  }
0x2bc: {  	[tilespmem:v27+s17+$0x0] =	vst.idx.add.f32.msk $0xffff, v23;
	v23 =	vadd.s32 v3, v25  }
0x2bd: {  	[tilespmem:v18+s17+$0x0] =	vst.idx.add.f32.msk $0xffff, v20;
	v18 =	vbroadcast v15, $0x6;
	v20 =	vadd.s32 v4, v25  }
0x2be: {  	[tilespmem:v17+s17+$0x0] =	vst.idx.add.f32.msk $0xffff, v21;
	v17 =	vbroadcast v16, $0x6;
	v21 =	vadd.s32 v5, v25  }
0x2bf: {  	v26 =	vbroadcast v14, $0x6;
	v27 =	vadd.s32 v6, v25;
	v24 =	vld [tilespmem:s25+$0xFFFFFFF0]  }
0x2c0: {  	v28 =	vbroadcast v9, $0x6;
	[tilespmem:v19+s17+$0x0] =	vst.idx.add.f32.msk $0xffff, v18;
	v18 =	vadd.s32 v7, v25  }
0x2c1: {  	v19 =	vbroadcast v10, $0x6;
	[tilespmem:v22+s17+$0x0] =	vst.idx.add.f32.msk $0xffff, v17;
	v17 =	vadd.s32 v8, v25  }
0x2c2: {  	v22 =	vbroadcast v11, $0x6;
	[tilespmem:v23+s17+$0x0] =	vst.idx.add.f32.msk $0xffff, v26  }
0x2c3: {  	v23 =	vbroadcast v12, $0x6;
	[tilespmem:v20+s17+$0x0] =	vst.idx.add.f32.msk $0xffff, v28  }
0x2c4: {  	v20 =	vbroadcast v13, $0x6;
	[tilespmem:v21+s17+$0x0] =	vst.idx.add.f32.msk $0xffff, v19;
	v19 =	vadd.s32 v0, v24;
	v21 =	vadd.s32 v2, v24  }
0x2c5: {  	[tilespmem:v27+s17+$0x0] =	vst.idx.add.f32.msk $0xffff, v22;
	v22 =	vadd.s32 v3, v24  }
0x2c6: {  	[tilespmem:v18+s17+$0x0] =	vst.idx.add.f32.msk $0xffff, v23;
	v18 =	vbroadcast v15, $0x7;
	v23 =	vadd.s32 v4, v24  }
0x2c7: {  	[tilespmem:v17+s17+$0x0] =	vst.idx.add.f32.msk $0xffff, v20;
	v17 =	vbroadcast v16, $0x7;
	v20 =	vadd.s32 v5, v24  }
0x2c8: {  	v26 =	vbroadcast v14, $0x7;
	v27 =	vadd.s32 v6, v24;
	v25 =	vld [tilespmem:s25+$0x0]  }
0x2c9: {  	v28 =	vbroadcast v9, $0x7;
	[tilespmem:v19+s17+$0x0] =	vst.idx.add.f32.msk $0xffff, v18;
	v18 =	vadd.s32 v7, v24  }
0x2ca: {  	v19 =	vbroadcast v10, $0x7;
	[tilespmem:v21+s17+$0x0] =	vst.idx.add.f32.msk $0xffff, v17;
	v17 =	vadd.s32 v8, v24  }
0x2cb: {  	v21 =	vbroadcast v11, $0x7;
	[tilespmem:v22+s17+$0x0] =	vst.idx.add.f32.msk $0xffff, v26  }
0x2cc: {  	v22 =	vbroadcast v12, $0x7;
	[tilespmem:v23+s17+$0x0] =	vst.idx.add.f32.msk $0xffff, v28  }
0x2cd: {  	v23 =	vbroadcast v13, $0x7;
	[tilespmem:v20+s17+$0x0] =	vst.idx.add.f32.msk $0xffff, v19;
	v19 =	vadd.s32 v0, v25;
	v20 =	vadd.s32 v2, v25  }
0x2ce: {  	[tilespmem:v27+s17+$0x0] =	vst.idx.add.f32.msk $0xffff, v21;
	v21 =	vadd.s32 v3, v25  }
0x2cf: {  	[tilespmem:v18+s17+$0x0] =	vst.idx.add.f32.msk $0xffff, v22;
	v18 =	vbroadcast v15, $0x8;
	v22 =	vadd.s32 v4, v25  }
0x2d0: {  	[tilespmem:v17+s17+$0x0] =	vst.idx.add.f32.msk $0xffff, v23;
	v17 =	vbroadcast v16, $0x8;
	v23 =	vadd.s32 v5, v25  }
0x2d1: {  	v26 =	vbroadcast v14, $0x8;
	v27 =	vadd.s32 v6, v25;
	v24 =	vld [tilespmem:s25+$0x10]  }
0x2d2: {  	v28 =	vbroadcast v9, $0x8;
	[tilespmem:v19+s17+$0x0] =	vst.idx.add.f32.msk $0xffff, v18;
	v18 =	vadd.s32 v7, v25  }
0x2d3: {  	v19 =	vbroadcast v10, $0x8;
	[tilespmem:v20+s17+$0x0] =	vst.idx.add.f32.msk $0xffff, v17;
	v17 =	vadd.s32 v8, v25  }
0x2d4: {  	v20 =	vbroadcast v11, $0x8;
	[tilespmem:v21+s17+$0x0] =	vst.idx.add.f32.msk $0xffff, v26  }
0x2d5: {  	v21 =	vbroadcast v12, $0x8;
	[tilespmem:v22+s17+$0x0] =	vst.idx.add.f32.msk $0xffff, v28  }
0x2d6: {  	v22 =	vbroadcast v13, $0x8;
	[tilespmem:v23+s17+$0x0] =	vst.idx.add.f32.msk $0xffff, v19;
	v19 =	vadd.s32 v0, v24;
	v23 =	vadd.s32 v2, v24  }
0x2d7: {  	[tilespmem:v27+s17+$0x0] =	vst.idx.add.f32.msk $0xffff, v20;
	v20 =	vadd.s32 v3, v24  }
0x2d8: {  	[tilespmem:v18+s17+$0x0] =	vst.idx.add.f32.msk $0xffff, v21;
	v18 =	vbroadcast v15, $0x9;
	v21 =	vadd.s32 v4, v24  }
0x2d9: {  	[tilespmem:v17+s17+$0x0] =	vst.idx.add.f32.msk $0xffff, v22;
	v17 =	vbroadcast v16, $0x9;
	v22 =	vadd.s32 v5, v24  }
0x2da: {  	v26 =	vbroadcast v14, $0x9;
	v27 =	vadd.s32 v6, v24;
	v25 =	vld [tilespmem:s25+$0x20]  }
0x2db: {  	v28 =	vbroadcast v9, $0x9;
	[tilespmem:v19+s17+$0x0] =	vst.idx.add.f32.msk $0xffff, v18;
	v18 =	vadd.s32 v7, v24  }
0x2dc: {  	v19 =	vbroadcast v10, $0x9;
	[tilespmem:v23+s17+$0x0] =	vst.idx.add.f32.msk $0xffff, v17;
	v17 =	vadd.s32 v8, v24  }
0x2dd: {  	v23 =	vbroadcast v11, $0x9;
	[tilespmem:v20+s17+$0x0] =	vst.idx.add.f32.msk $0xffff, v26  }
0x2de: {  	v20 =	vbroadcast v12, $0x9;
	[tilespmem:v21+s17+$0x0] =	vst.idx.add.f32.msk $0xffff, v28  }
0x2df: {  	v21 =	vbroadcast v13, $0x9;
	[tilespmem:v22+s17+$0x0] =	vst.idx.add.f32.msk $0xffff, v19;
	v19 =	vadd.s32 v0, v25;
	v22 =	vadd.s32 v2, v25  }
0x2e0: {  	[tilespmem:v27+s17+$0x0] =	vst.idx.add.f32.msk $0xffff, v23;
	v23 =	vadd.s32 v3, v25  }
0x2e1: {  	[tilespmem:v18+s17+$0x0] =	vst.idx.add.f32.msk $0xffff, v20;
	v18 =	vbroadcast v15, $0xA;
	v20 =	vadd.s32 v4, v25  }
0x2e2: {  	[tilespmem:v17+s17+$0x0] =	vst.idx.add.f32.msk $0xffff, v21;
	v17 =	vbroadcast v16, $0xA;
	v21 =	vadd.s32 v5, v25  }
0x2e3: {  	v26 =	vbroadcast v14, $0xA;
	v27 =	vadd.s32 v6, v25;
	v24 =	vld [tilespmem:s25+$0x30]  }
0x2e4: {  	v28 =	vbroadcast v9, $0xA;
	[tilespmem:v19+s17+$0x0] =	vst.idx.add.f32.msk $0xffff, v18;
	v18 =	vadd.s32 v7, v25  }
0x2e5: {  	v19 =	vbroadcast v10, $0xA;
	[tilespmem:v22+s17+$0x0] =	vst.idx.add.f32.msk $0xffff, v17;
	v17 =	vadd.s32 v8, v25  }
0x2e6: {  	v22 =	vbroadcast v11, $0xA;
	[tilespmem:v23+s17+$0x0] =	vst.idx.add.f32.msk $0xffff, v26  }
0x2e7: {  	v23 =	vbroadcast v12, $0xA;
	[tilespmem:v20+s17+$0x0] =	vst.idx.add.f32.msk $0xffff, v28  }
0x2e8: {  	v20 =	vbroadcast v13, $0xA;
	[tilespmem:v21+s17+$0x0] =	vst.idx.add.f32.msk $0xffff, v19;
	v19 =	vadd.s32 v0, v24;
	v21 =	vadd.s32 v2, v24  }
0x2e9: {  	[tilespmem:v27+s17+$0x0] =	vst.idx.add.f32.msk $0xffff, v22;
	v22 =	vadd.s32 v3, v24  }
0x2ea: {  	[tilespmem:v18+s17+$0x0] =	vst.idx.add.f32.msk $0xffff, v23;
	v18 =	vbroadcast v15, $0xB;
	v23 =	vadd.s32 v4, v24  }
0x2eb: {  	[tilespmem:v17+s17+$0x0] =	vst.idx.add.f32.msk $0xffff, v20;
	v17 =	vbroadcast v16, $0xB;
	v20 =	vadd.s32 v5, v24  }
0x2ec: {  	v26 =	vbroadcast v14, $0xB;
	v27 =	vadd.s32 v6, v24;
	v25 =	vld [tilespmem:s25+$0x40]  }
0x2ed: {  	v28 =	vbroadcast v9, $0xB;
	[tilespmem:v19+s17+$0x0] =	vst.idx.add.f32.msk $0xffff, v18;
	v18 =	vadd.s32 v7, v24  }
0x2ee: {  	v19 =	vbroadcast v10, $0xB;
	[tilespmem:v21+s17+$0x0] =	vst.idx.add.f32.msk $0xffff, v17;
	v17 =	vadd.s32 v8, v24  }
0x2ef: {  	v21 =	vbroadcast v11, $0xB;
	[tilespmem:v22+s17+$0x0] =	vst.idx.add.f32.msk $0xffff, v26  }
0x2f0: {  	v22 =	vbroadcast v12, $0xB;
	[tilespmem:v23+s17+$0x0] =	vst.idx.add.f32.msk $0xffff, v28  }
0x2f1: {  	v23 =	vbroadcast v13, $0xB;
	[tilespmem:v20+s17+$0x0] =	vst.idx.add.f32.msk $0xffff, v19;
	v19 =	vadd.s32 v0, v25;
	v20 =	vadd.s32 v2, v25  }
0x2f2: {  	[tilespmem:v27+s17+$0x0] =	vst.idx.add.f32.msk $0xffff, v21;
	v21 =	vadd.s32 v3, v25  }
0x2f3: {  	[tilespmem:v18+s17+$0x0] =	vst.idx.add.f32.msk $0xffff, v22;
	v18 =	vbroadcast v15, $0xC;
	v22 =	vadd.s32 v4, v25  }
0x2f4: {  	[tilespmem:v17+s17+$0x0] =	vst.idx.add.f32.msk $0xffff, v23;
	v17 =	vbroadcast v16, $0xC;
	v23 =	vadd.s32 v5, v25  }
0x2f5: {  	v26 =	vbroadcast v14, $0xC;
	v27 =	vadd.s32 v6, v25;
	v24 =	vld [tilespmem:s25+$0x50]  }
0x2f6: {  	v28 =	vbroadcast v9, $0xC;
	[tilespmem:v19+s17+$0x0] =	vst.idx.add.f32.msk $0xffff, v18;
	v18 =	vadd.s32 v7, v25  }
0x2f7: {  	v19 =	vbroadcast v10, $0xC;
	[tilespmem:v20+s17+$0x0] =	vst.idx.add.f32.msk $0xffff, v17;
	v17 =	vadd.s32 v8, v25  }
0x2f8: {  	v20 =	vbroadcast v11, $0xC;
	[tilespmem:v21+s17+$0x0] =	vst.idx.add.f32.msk $0xffff, v26  }
0x2f9: {  	v21 =	vbroadcast v12, $0xC;
	[tilespmem:v22+s17+$0x0] =	vst.idx.add.f32.msk $0xffff, v28  }
0x2fa: {  	v22 =	vbroadcast v13, $0xC;
	[tilespmem:v23+s17+$0x0] =	vst.idx.add.f32.msk $0xffff, v19;
	v19 =	vadd.s32 v0, v24;
	v23 =	vadd.s32 v2, v24  }
0x2fb: {  	[tilespmem:v27+s17+$0x0] =	vst.idx.add.f32.msk $0xffff, v20;
	v20 =	vadd.s32 v3, v24  }
0x2fc: {  	[tilespmem:v18+s17+$0x0] =	vst.idx.add.f32.msk $0xffff, v21;
	v18 =	vbroadcast v15, $0xD;
	v21 =	vadd.s32 v4, v24  }
0x2fd: {  	[tilespmem:v17+s17+$0x0] =	vst.idx.add.f32.msk $0xffff, v22;
	v17 =	vbroadcast v16, $0xD;
	v22 =	vadd.s32 v5, v24  }
0x2fe: {  	v26 =	vbroadcast v14, $0xD;
	v27 =	vadd.s32 v6, v24;
	v25 =	vld [tilespmem:s25+$0x60]  }
0x2ff: {  	v28 =	vbroadcast v9, $0xD;
	[tilespmem:v19+s17+$0x0] =	vst.idx.add.f32.msk $0xffff, v18;
	v18 =	vadd.s32 v7, v24  }
0x300: {  	v19 =	vbroadcast v10, $0xD;
	[tilespmem:v23+s17+$0x0] =	vst.idx.add.f32.msk $0xffff, v17;
	v17 =	vadd.s32 v8, v24  }
0x301: {  	v23 =	vbroadcast v11, $0xD;
	[tilespmem:v20+s17+$0x0] =	vst.idx.add.f32.msk $0xffff, v26  }
0x302: {  	v20 =	vbroadcast v12, $0xD;
	[tilespmem:v21+s17+$0x0] =	vst.idx.add.f32.msk $0xffff, v28  }
0x303: {  	v21 =	vbroadcast v13, $0xD;
	[tilespmem:v22+s17+$0x0] =	vst.idx.add.f32.msk $0xffff, v19;
	v19 =	vadd.s32 v0, v25  }
0x304: {  	v22 =	vadd.s32 v2, v25;
	[tilespmem:v27+s17+$0x0] =	vst.idx.add.f32.msk $0xffff, v23  }
0x305: {  	[tilespmem:v18+s17+$0x0] =	vst.idx.add.f32.msk $0xffff, v20;
	v18 =	vadd.s32 v3, v25  }
0x306: {  	v20 =	vadd.s32 v4, v25;
	[tilespmem:v17+s17+$0x0] =	vst.idx.add.f32.msk $0xffff, v21;
	v17 =	vbroadcast v15, $0xE  }
0x307: {  	v24 =	vadd.s32 v5, v25;
	v23 =	vbroadcast v16, $0xE;
	v21 =	vld [tilespmem:s25+$0x70]  }
0x308: {  	v26 =	vbroadcast v14, $0xE;
	[tilespmem:v19+s17+$0x0] =	vst.idx.add.f32.msk $0xffff, v17;
	v17 =	vadd.s32 v6, v25  }
0x309: {  	v19 =	vbroadcast v9, $0xE;
	[tilespmem:v22+s17+$0x0] =	vst.idx.add.f32.msk $0xffff, v23;
	v22 =	vadd.s32 v7, v25  }
0x30a: {  	v23 =	vbroadcast v10, $0xE;
	[tilespmem:v18+s17+$0x0] =	vst.idx.add.f32.msk $0xffff, v26;
	v18 =	vadd.s32 v8, v25  }
0x30b: {  	v25 =	vbroadcast v11, $0xE;
	[tilespmem:v20+s17+$0x0] =	vst.idx.add.f32.msk $0xffff, v19  }
0x30c: {  	v19 =	vbroadcast v12, $0xE;
	[tilespmem:v24+s17+$0x0] =	vst.idx.add.f32.msk $0xffff, v23;
	v20 =	vadd.s32 v0, v21;
	v23 =	vadd.s32 v2, v21  }
0x30d: {  	v24 =	vbroadcast v13, $0xE;
	[tilespmem:v17+s17+$0x0] =	vst.idx.add.f32.msk $0xffff, v25;
	v17 =	vadd.s32 v3, v21  }
0x30e: {  	[tilespmem:v22+s17+$0x0] =	vst.idx.add.f32.msk $0xffff, v19;
	v19 =	vbroadcast v15, $0xF;
	v22 =	vadd.s32 v4, v21  }
0x30f: {  	v16 =	vbroadcast v16, $0xF;
	[tilespmem:v18+s17+$0x0] =	vst.idx.add.f32.msk $0xffff, v24;
	v18 =	vadd.s32 v5, v21  }
0x310: {  	v15 =	vadd.s32 v6, v21;
	v24 =	vbroadcast v14, $0xF  }
.Ltmp2:
0x311: {  	v9 =	vbroadcast v9, $0xF;
	v14 =	vadd.s32 v7, v21;
	[tilespmem:v20+s17+$0x0] =	vst.idx.add.f32.msk $0xffff, v19;
	(pc) =	sbr.rel @p0 .LBB2_7-.Ltmp2, $4  }
0x312: {  	v19 =	vbroadcast v10, $0xF;
	v10 =	vadd.s32 v8, v21;
	[tilespmem:v23+s17+$0x0] =	vst.idx.add.f32.msk $0xffff, v16  }
0x313: {  	v11 =	vbroadcast v11, $0xF;
	[tilespmem:v17+s17+$0x0] =	vst.idx.add.f32.msk $0xffff, v24  }
0x314: {  	v16 =	vbroadcast v12, $0xF;
	[tilespmem:v22+s17+$0x0] =	vst.idx.add.f32.msk $0xffff, v9  }
0x315: {  	v9 =	vbroadcast v13, $0xF;
	[tilespmem:v18+s17+$0x0] =	vst.idx.add.f32.msk $0xffff, v19  }
0x316: {  	_ =	sdelay $0x2  }
0x317: {  	s24 =	sadd.s32 s24, s15  }
0x318: {  	[tilespmem:v15+s17+$0x0] =	vst.idx.add.f32.msk $0xffff, v11;
	s24 =	sand.u32 $0x1F, s24  }
0x319: {  	[tilespmem:v14+s17+$0x0] =	vst.idx.add.f32.msk $0xffff, v16;
	s25 =	sshll.u32 s24, $0xA;
	s24 =	sshll.u32 s24, $0x9  }
0x31a: {  	s29 =	simm.s32 $0x2000;
	[tilespmem:v10+s17+$0x0] =	vst.idx.add.f32.msk $0xffff, v9;
	s25 =	sadd.s32 s4, s25;
	s31 =	sor.u32 s6, s24  }
0x31b: {  	[tilespmem:s29], [sflag:$0x2] =	stream.linear.gather [hbm4b:s25+s3], $0x2000, $0x38;
	[tilespmem:$0xBC00] =	vst v63  }
0x31c: {  	s25 =	sshrl.u32 s31, $0x3  }
0x31d: {  	s29 =	sor.u32 s7, s24;
	s25 =	sadd.s32 s1, s25  }
0x31e: {  	[tilespmem:s0], [sflag:$0x2] =	stream.linear.gather [hbm4b:s25+s3], $0x200, $0x38;
	[tilespmem:$0xBC00] =	vst v63  }
0x31f: {  	s25 =	sshrl.u32 s29, $0x3  }
0x320: {  	s30 =	sor.u32 s8, s24;
	s25 =	sadd.s32 s1, s25  }
0x321: {  	[tilespmem:s2], [sflag:$0x2] =	stream.linear.gather [hbm4b:s25+s3], $0x200, $0x38;
	[tilespmem:$0xBC00] =	vst v63  }
0x322: {  	s25 =	sshrl.u32 s30, $0x3  }
0x323: {  	s31 =	sor.u32 s20, s24;
	s25 =	sadd.s32 s1, s25  }
0x324: {  	[tilespmem:s5], [sflag:$0x2] =	stream.linear.gather [hbm4b:s25+s3], $0x200, $0x38;
	[tilespmem:$0xBC00] =	vst v63  }
0x325: {  	s25 =	sshrl.u32 s31, $0x3  }
0x326: {  	s29 =	sor.u32 s21, s24;
	s25 =	sadd.s32 s1, s25  }
0x327: {  	[tilespmem:s9], [sflag:$0x2] =	stream.linear.gather [hbm4b:s25+s3], $0x200, $0x38;
	[tilespmem:$0xBC00] =	vst v63  }
0x328: {  	s25 =	sshrl.u32 s29, $0x3  }
0x329: {  	s30 =	sor.u32 s22, s24;
	s25 =	sadd.s32 s1, s25  }
0x32a: {  	[tilespmem:s10], [sflag:$0x2] =	stream.linear.gather [hbm4b:s25+s3], $0x200, $0x38;
	[tilespmem:$0xBC00] =	vst v63  }
0x32b: {  	s23 =	sadd.s32 $0x1, s23;
	s25 =	sshrl.u32 s30, $0x3  }
0x32c: {  	p0 =	sne.s32 s23, $0x10;
	s31 =	sor.u32 s26, s24;
	s25 =	sadd.s32 s1, s25  }
0x32d: {  	[tilespmem:s11], [sflag:$0x2] =	stream.linear.gather [hbm4b:s25+s3], $0x200, $0x38;
	[tilespmem:$0xBC00] =	vst v63  }
.Ltmp3:
0x32e: {  	s24 =	sor.u32 s28, s24;
	s25 =	sshrl.u32 s31, $0x3;
	(pc) =	sbr.rel @p0 .LBB2_4-.Ltmp3, $4  }
0x32f: {  	s24 =	sshrl.u32 s24, $0x3;
	s25 =	sadd.s32 s1, s25  }
0x330: {  	[tilespmem:s12], [sflag:$0x2] =	stream.linear.gather [hbm4b:s25+s3], $0x200, $0x38;
	[tilespmem:$0xBC00] =	vst v63  }
0x331: {  	s24 =	sadd.s32 s1, s24  }
0x332: {  	[tilespmem:s13], [sflag:$0x2] =	stream.linear.gather [hbm4b:s24+s3], $0x200, $0x38;
	[tilespmem:$0xBC00] =	vst v63  }
0x333: {  	_ =	swait.ge [sflag:s16], $0x2000  }
0x334: {  	[sflag:s16] =	ssyncset.done $0x0  }
0x335: {  	[sflag:s16] =	ssyncadd.s32 $0xFFFFE000  }
0x336: {  	_ =	swait.ge [sflag:s16], $0x200  }
0x337: {  	[sflag:s16] =	ssyncset.done $0x0  }
0x338: {  	[sflag:s16] =	ssyncadd.s32 $0xFFFFFE00  }
0x339: {  	_ =	swait.ge [sflag:s16], $0x200  }
0x33a: {  	[sflag:s16] =	ssyncset.done $0x0  }
0x33b: {  	[sflag:s16] =	ssyncadd.s32 $0xFFFFFE00  }
0x33c: {  	_ =	swait.ge [sflag:s16], $0x200  }
0x33d: {  	[sflag:s16] =	ssyncset.done $0x0  }
0x33e: {  	[sflag:s16] =	ssyncadd.s32 $0xFFFFFE00  }
0x33f: {  	_ =	swait.ge [sflag:s16], $0x200  }
0x340: {  	[sflag:s16] =	ssyncset.done $0x0  }
0x341: {  	[sflag:s16] =	ssyncadd.s32 $0xFFFFFE00  }
0x342: {  	_ =	swait.ge [sflag:s16], $0x200  }
0x343: {  	[sflag:s16] =	ssyncset.done $0x0  }
0x344: {  	[sflag:s16] =	ssyncadd.s32 $0xFFFFFE00  }
0x345: {  	_ =	swait.ge [sflag:s16], $0x200  }
0x346: {  	[sflag:s16] =	ssyncset.done $0x0  }
0x347: {  	[sflag:s16] =	ssyncadd.s32 $0xFFFFFE00  }
0x348: {  	_ =	swait.ge [sflag:s16], $0x200  }
0x349: {  	[sflag:s16] =	ssyncset.done $0x0  }
0x34a: {  	[sflag:s16] =	ssyncadd.s32 $0xFFFFFE00  }
0x34b: {  	_ =	swait.ge [sflag:s16], $0x200  }
0x34c: {  	[sflag:s16] =	ssyncset.done $0x0  }
0x34d: {  	[sflag:s16] =	ssyncadd.s32 $0xFFFFFE00  }
0x34e: {  	_ =	swait.ge [sflag:s18], $0x2000  }
0x34f: {  	[sflag:s18] =	ssyncset.done $0x0  }
0x350: {  	[sflag:s18] =	ssyncadd.s32 $0xFFFFE000  }
0x351: {  	_ =	swait.ge [sflag:s18], $0x200  }
0x352: {  	[sflag:s18] =	ssyncset.done $0x0  }
0x353: {  	[sflag:s18] =	ssyncadd.s32 $0xFFFFFE00  }
0x354: {  	_ =	swait.ge [sflag:s18], $0x200  }
0x355: {  	[sflag:s18] =	ssyncset.done $0x0  }
0x356: {  	[sflag:s18] =	ssyncadd.s32 $0xFFFFFE00  }
0x357: {  	_ =	swait.ge [sflag:s18], $0x200  }
0x358: {  	[sflag:s18] =	ssyncset.done $0x0  }
0x359: {  	[sflag:s18] =	ssyncadd.s32 $0xFFFFFE00  }
0x35a: {  	_ =	swait.ge [sflag:s18], $0x200  }
0x35b: {  	[sflag:s18] =	ssyncset.done $0x0  }
0x35c: {  	[sflag:s18] =	ssyncadd.s32 $0xFFFFFE00  }
0x35d: {  	_ =	swait.ge [sflag:s18], $0x200  }
0x35e: {  	[sflag:s18] =	ssyncset.done $0x0  }
0x35f: {  	[sflag:s18] =	ssyncadd.s32 $0xFFFFFE00  }
0x360: {  	_ =	swait.ge [sflag:s18], $0x200  }
0x361: {  	[sflag:s18] =	ssyncset.done $0x0  }
0x362: {  	[sflag:s18] =	ssyncadd.s32 $0xFFFFFE00  }
0x363: {  	_ =	swait.ge [sflag:s18], $0x200  }
0x364: {  	[sflag:s18] =	ssyncset.done $0x0  }
0x365: {  	[sflag:s18] =	ssyncadd.s32 $0xFFFFFE00  }
0x366: {  	_ =	swait.ge [sflag:s18], $0x200  }
0x367: {  	[sflag:s18] =	ssyncset.done $0x0  }
0x368: {  	s23 =	simm.s32 $0x3;
	s19 =	rddreg [dreg:$0x4];
	[sflag:s18] =	ssyncadd.s32 $0xFFFFFE00  }
0x369: {  	[hbm4b:s19+s3] =	stream.linear.scatter [tilespmem:s17], [sflag:$0x3], $0xB80, $0x38;
	[tilespmem:$0xBC00] =	vst v63  }
0x36a: {  	_ =	swait.ge [sflag:s23], $0xB80  }
0x36b: {  	[sflag:s23] =	ssyncset.done $0x0  }
0x36c: {  	s24 =	simm.s32 $0x6B80;
	s29 =	rddreg [dreg:$0x5];
	[sflag:s23] =	ssyncadd.s32 $0xFFFFF480  }
0x36d: {  	[hbm4b:s29+s3] =	stream.linear.scatter [tilespmem:s24], [sflag:$0x3], $0xB80, $0x38;
	[tilespmem:$0xBC00] =	vst v63  }
0x36e: {  	_ =	swait.ge [sflag:s23], $0xB80  }
0x36f: {  	[sflag:s23] =	ssyncset.done $0x0  }
0x370: {  	s31 =	simm.s32 $0x7700;
	s30 =	rddreg [dreg:$0x6];
	[sflag:s23] =	ssyncadd.s32 $0xFFFFF480  }
0x371: {  	[hbm4b:s30+s3] =	stream.linear.scatter [tilespmem:s31], [sflag:$0x3], $0xB80, $0x38;
	[tilespmem:$0xBC00] =	vst v63  }
0x372: {  	_ =	swait.ge [sflag:s23], $0xB80  }
0x373: {  	[sflag:s23] =	ssyncset.done $0x0  }
0x374: {  	s29 =	simm.s32 $0x8280;
	s25 =	rddreg [dreg:$0x7];
	[sflag:s23] =	ssyncadd.s32 $0xFFFFF480  }
0x375: {  	[hbm4b:s25+s3] =	stream.linear.scatter [tilespmem:s29], [sflag:$0x3], $0xB80, $0x38;
	[tilespmem:$0xBC00] =	vst v63  }
0x376: {  	_ =	swait.ge [sflag:s23], $0xB80  }
0x377: {  	[sflag:s23] =	ssyncset.done $0x0  }
0x378: {  	s31 =	simm.s32 $0x8E00;
	s30 =	rddreg [dreg:$0x8];
	[sflag:s23] =	ssyncadd.s32 $0xFFFFF480  }
0x379: {  	[hbm4b:s30+s3] =	stream.linear.scatter [tilespmem:s31], [sflag:$0x3], $0xB80, $0x38;
	[tilespmem:$0xBC00] =	vst v63  }
0x37a: {  	_ =	swait.ge [sflag:s23], $0xB80  }
0x37b: {  	[sflag:s23] =	ssyncset.done $0x0  }
0x37c: {  	s29 =	simm.s32 $0x9980;
	s25 =	rddreg [dreg:$0x9];
	[sflag:s23] =	ssyncadd.s32 $0xFFFFF480  }
0x37d: {  	[hbm4b:s25+s3] =	stream.linear.scatter [tilespmem:s29], [sflag:$0x3], $0xB80, $0x38;
	[tilespmem:$0xBC00] =	vst v63  }
0x37e: {  	_ =	swait.ge [sflag:s23], $0xB80  }
0x37f: {  	[sflag:s23] =	ssyncset.done $0x0  }
0x380: {  	s31 =	simm.s32 $0xA500;
	s30 =	rddreg [dreg:$0xa];
	[sflag:s23] =	ssyncadd.s32 $0xFFFFF480  }
0x381: {  	[hbm4b:s30+s3] =	stream.linear.scatter [tilespmem:s31], [sflag:$0x3], $0xB80, $0x38;
	[tilespmem:$0xBC00] =	vst v63  }
0x382: {  	_ =	swait.ge [sflag:s23], $0xB80  }
0x383: {  	[sflag:s23] =	ssyncset.done $0x0  }
0x384: {  	s29 =	simm.s32 $0xB080;
	s25 =	rddreg [dreg:$0xb];
	[sflag:s23] =	ssyncadd.s32 $0xFFFFF480  }
0x385: {  	[hbm4b:s25+s3] =	stream.linear.scatter [tilespmem:s29], [sflag:$0x3], $0xB80, $0x38;
	[tilespmem:$0xBC00] =	vst v63  }
0x386: {  	_ =	swait.ge [sflag:s23], $0xB80  }
0x387: {  	s30 =	rddreg [dreg:$0x1e]  }
0x388: {  	s31 =	rddreg [dreg:$0x1d];
	s24 =	sadd.s32 $0x1, s30  }
0x389: {  	p0 =	sne.s32 s24, s31  }
.Ltmp4:
0x38a: {  	_ = 	snop;
	(pc) =	sbr.rel @p0 .LBB2_1-.Ltmp4, $3  }
0x38b: {  	_ =	sdelay $0x1  }
0x38c: {  	[sflag:s23] =	ssyncset.done $0x0  }
0x38d: {  	[sflag:s23] =	ssyncadd.s32 $0xFFFFF480  }
0x38e: {  	_ =	sfence.sel $0x180000  }
0x38f: {  	[bflag:$0x0] =	sbarrier.arrive $0xFFFF  }
0x390: {  	_ =	strace $0x90000047  }
0x391: {  	s0 =	stileid.u32;
	[bflag:$0x2] =	sbarrier.arrive $0xFFFF  }
0x392: {  	p0 =	sne.s32 s0, $0x0;
	s0 =	rddreg [dreg:$0x2]  }
0x393: {  	s0 =	sadd.s32 @!p0 $0x100000, s0  }
0x394: {  	[sflag:s0] =	ssyncadd.tile.s32 @!p0 $0x1;
	_ =	shalt  }
.Lfunc_end2:
_tile_overlayer_lowered:
.L_overlay_start_2:
0x395: {  	(tag) =	ssettag $0x2  }
0x396: {  	s0 =	rddreg [dreg:$0x0];
	s2 =	stileid.u32  }
0x397: {  	s1 =	rddreg [dreg:$0x1];
	p0 =	sne.s32 s2, $0x0  }
0x398: {  	s3 =	rddreg [dreg:$0x2];
	[bflag:$0x3] =	sbarrier.arrive $0xFFFF;
	s2 =	simm.s32 @!p0 $0x1C03  }
0x399: {  	[timem:s3], [sflag:s2] =	dma.local @!p0 [hbm:s0], s1  }
0x39a: {  	s0 =	simm.s32 @!p0 $0x3  }
0x39b: {  	_ =	swait.ge @!p0 [sflag:s0], s1  }
0x39c: {  	s1 =	ssub.s32 @!p0 $0x0, s1;
	[sflag:s0] =	ssyncset.done @!p0 $0x0  }
0x39d: {  	[sflag:s0] =	ssyncadd.s32 @!p0 s1  }
0x39e: {  	[bflag:$0x3] =	sbarrier.arrive $0xFFFF  }
0x39f: {  	_ =	shalt  }

</sc_bundles>
